<compile_context>
chip_gen: v7x
topology: tpu7x:2x2x1
jax: 0.10.2.dev20260603
libtpu: 0.0.44.dev20260713+nightly
codegen_flags: <defaults>
</compile_context>

<pallas_src>
import jax
import jax.numpy as jnp
from jax import lax
from jax.experimental import pallas as pl
from jax.experimental.pallas import tpu as pltpu
from jax.experimental.pallas import tpu_sc as plsc

NC = 2
NS = 16
L = 16
CHUNK = 128
CB = 32


def _sc_pass(x_rows, src_p, dst_p, att_p):
  n = x_rows.shape[0]
  C = src_p.shape[1]
  half = n // NC
  rpt = ((-(-half // NS)) + 7) // 8 * 8

  out_type = (jax.ShapeDtypeStruct((n, 128), jnp.float32),
              jax.ShapeDtypeStruct((n, 16), jnp.float32))

  scratch = dict(
      src_v=pltpu.VMEM((CB, CHUNK), jnp.int32),
      dst_v=pltpu.VMEM((CB, CHUNK), jnp.int32),
      att_v=pltpu.VMEM((CB, CHUNK), jnp.float32),
      dstloc0=pltpu.VMEM((1, CHUNK), jnp.int32),
      dstloc1=pltpu.VMEM((1, CHUNK), jnp.int32),
      rows0=pltpu.VMEM((CHUNK, 128), jnp.float32),
      rows1=pltpu.VMEM((CHUNK, 128), jnp.float32),
      attrow0=pltpu.VMEM((CHUNK, 16), jnp.float32),
      attrow1=pltpu.VMEM((CHUNK, 16), jnp.float32),
      s_sh=pltpu.VMEM_SHARED((half, 128), jnp.float32),
      den_sh=pltpu.VMEM_SHARED((half, 16), jnp.float32),
  )

  mesh = plsc.VectorSubcoreMesh(core_axis_name="c", subcore_axis_name="s",
                                num_cores=NC, num_subcores=NS)

  def body(x_hbm, src_hbm, dst_hbm, att_hbm, s_out, den_out, *, src_v,
           dst_v, att_v, dstloc0, dstloc1, rows0, rows1, attrow0, attrow1,
           s_sh, den_sh):
    cid = lax.axis_index("c")
    sid = lax.axis_index("s")
    base = cid * half

    rows = (rows0, rows1)
    attrow = (attrow0, attrow1)
    dstloc = (dstloc0, dstloc1)

    zv = jnp.zeros((L,), jnp.float32)
    zi = jnp.zeros((L,), jnp.int32)

    def zero_rows(i, _):
      for p in range(2):
        for v in range(128 // L):
          rows[p][i, pl.ds(v * L, L)] = zv
        attrow[p][i, :] = zv
      return 0

    lax.fori_loop(0, CHUNK, zero_rows, 0)
    for p in range(2):
      for v in range(CHUNK // L):
        dstloc[p][0, pl.ds(v * L, L)] = zi

    off = pl.multiple_of(jnp.minimum(sid * rpt, half - rpt), 8)
    nblk = rpt // CHUNK
    rem = rpt - nblk * CHUNK
    for b in range(nblk):
      pltpu.sync_copy(rows0, s_sh.at[pl.ds(off + b * CHUNK, CHUNK)])
      pltpu.sync_copy(attrow0, den_sh.at[pl.ds(off + b * CHUNK, CHUNK)])
    if rem:
      pltpu.sync_copy(rows0.at[pl.ds(0, rem)],
                      s_sh.at[pl.ds(off + nblk * CHUNK, rem)])
      pltpu.sync_copy(attrow0.at[pl.ds(0, rem)],
                      den_sh.at[pl.ds(off + nblk * CHUNK, rem)])

    plsc.subcore_barrier()

    def scale_chunk(c, p):
      def group(j8, _):
        sl = pl.ds(j8 * L, L)
        a = att_v[c, sl]
        s = src_v[c, sl]
        d = dst_v[c, sl]
        dl = d - base
        inr = (dl >= 0) & (dl < half)
        wv = jnp.where(inr & (s != d), jnp.exp(a), 0.0)
        am = jnp.where(inr, a, 0.0)
        dstloc[p][0, sl] = jnp.where(inr, dl, 0)
        for l in range(L):
          row = j8 * L + l
          attrow[p][row, :] = jnp.full((L,), am[l], jnp.float32)
          wb = jnp.full((L,), wv[l], jnp.float32)
          for v in range(128 // L):
            slv = pl.ds(v * L, L)
            rows[p][row, slv] = rows[p][row, slv] * wb
        return 0

      lax.fori_loop(0, CHUNK // L, group, 0)

    def block_body(nb, _):
      boff = pl.multiple_of(nb * CB, 8)
      pltpu.sync_copy(src_hbm.at[sid, pl.ds(boff, CB)], src_v)
      pltpu.sync_copy(dst_hbm.at[sid, pl.ds(boff, CB)], dst_v)
      pltpu.sync_copy(att_hbm.at[sid, pl.ds(boff, CB)], att_v)

      def chunk_body(i, _):
        pltpu.sync_copy(x_hbm.at[src_v.at[i]], rows[0])
        scale_chunk(i, 0)
        pltpu.sync_copy(rows[0], s_sh.at[dstloc[0].at[0]], add=True)
        pltpu.sync_copy(attrow[0], den_sh.at[dstloc[0].at[0]], add=True)
        return 0

      lax.fori_loop(0, CB, chunk_body, 0)
      return 0

    lax.fori_loop(0, C // CB, block_body, 0)

    plsc.subcore_barrier()

    goff = pl.multiple_of(base + off, 8)
    pltpu.sync_copy(s_sh.at[pl.ds(off, rpt)], s_out.at[pl.ds(goff, rpt)])
    pltpu.sync_copy(den_sh.at[pl.ds(off, rpt)], den_out.at[pl.ds(goff, rpt)])

  fn = pl.kernel(body, out_type=out_type, mesh=mesh, scratch_types=scratch)
  return fn(x_rows, src_p, dst_p, att_p)


def _tc_mid(s1, x, denom, W1, b1, W2):
  n = x.shape[0]
  B = 1000
  grid = (n // B,)

  def body(s1_ref, x_ref, den_ref, w1_ref, b1_ref, w2_ref, out_ref):
    r = jnp.exp(-den_ref[...])
    z1 = (s1_ref[...] + x_ref[...]) * r
    g = jnp.maximum(
        jnp.dot(z1, w1_ref[...], preferred_element_type=jnp.float32)
        + b1_ref[...], 0.0)
    out_ref[...] = jnp.dot(g, w2_ref[...], preferred_element_type=jnp.float32)

  return pl.pallas_call(
      body,
      grid=grid,
      in_specs=[
          pl.BlockSpec((B, 128), lambda i: (i, 0)),
          pl.BlockSpec((B, 128), lambda i: (i, 0)),
          pl.BlockSpec((B, 1), lambda i: (i, 0)),
          pl.BlockSpec((128, 256), lambda i: (0, 0)),
          pl.BlockSpec((1, 256), lambda i: (0, 0)),
          pl.BlockSpec((256, 128), lambda i: (0, 0)),
      ],
      out_specs=pl.BlockSpec((B, 128), lambda i: (i, 0)),
      out_shape=jax.ShapeDtypeStruct((n, 128), jnp.float32),
  )(s1, x, denom, W1, b1, W2)


def _tc_final(s2, h2, denom, b2):
  n = h2.shape[0]
  B = 1000
  grid = (n // B,)

  def body(s2_ref, h2_ref, den_ref, b2_ref, out_ref):
    r = jnp.exp(-den_ref[...])
    out_ref[...] = (s2_ref[...] + h2_ref[...]) * r + b2_ref[...]

  return pl.pallas_call(
      body,
      grid=grid,
      in_specs=[
          pl.BlockSpec((B, 128), lambda i: (i, 0)),
          pl.BlockSpec((B, 128), lambda i: (i, 0)),
          pl.BlockSpec((B, 1), lambda i: (i, 0)),
          pl.BlockSpec((1, 128), lambda i: (0, 0)),
      ],
      out_specs=pl.BlockSpec((B, 128), lambda i: (i, 0)),
      out_shape=jax.ShapeDtypeStruct((n, 128), jnp.float32),
  )(s2, h2, denom, b2)


def kernel(x, edge_index, edge_att, W1, b1, W2, b2):
  n = x.shape[0]
  e = edge_index.shape[1]
  src = edge_index[0]
  dst = edge_index[1]

  ew = -(-e // NS)
  C = -(-(-(-ew // CHUNK)) // CB) * CB
  ep = C * CHUNK
  pad_tail = NS * ew - e

  def part(a, fill):
    a = jnp.pad(a, (0, pad_tail), constant_values=fill).reshape(NS, ew)
    a = jnp.pad(a, ((0, 0), (0, ep - ew)), constant_values=fill)
    return a.reshape(NS, C, CHUNK)

  src_p = part(src, 0)
  dst_p = part(dst, 0)
  att_p = part(edge_att, 0.0)

  s1, den = _sc_pass(x, src_p, dst_p, att_p)
  denom = den[:, 0].reshape(n, 1)

  h2 = _tc_mid(s1, x, denom, W1, b1.reshape(1, -1), W2)

  s2, _ = _sc_pass(h2, src_p, dst_p, att_p)

  return _tc_final(s2, h2, denom, b2.reshape(1, -1))

# --- scband reference (transcript-rebuilt; emitter-appended) ---
"""Pipeline reference for scband-custom-encoder-35923106464234 (READ-ONLY COPY).

The authoritative reference and input builder live on the scoring server;
editing this copy changes nothing except your own understanding.
"""

import jax, jax.numpy as jnp
import numpy as np

N = 10000
E = 320000
D_IN = 128
D_OUT = 128


def _glorot(key, shape):
    s = float(np.sqrt(6.0 / (shape[0] + shape[1])))
    return jax.random.uniform(key, shape, minval=-s, maxval=s, dtype=jnp.float32)


def _conv(x, W, b, src, dst, edge_att):
    # faithful translation of CustomConv.forward/message/update:
    #   remove_self_loops -> zero out messages on existing self-loop edges
    #   add_self_loops    -> append one (i, i) edge per node with att weight 0
    #   denom = att.sum(axis=0)  -> per-dst-node sum of incoming edge att weights
    #   alpha = exp(att[j, i]) / exp(denom[i])
    #   aggr = add; update adds bias
    n = x.shape[0]
    h = x @ W
    denom = jax.ops.segment_sum(edge_att, dst, num_segments=n)
    loop = jnp.arange(n, dtype=src.dtype)
    not_self = (src != dst).astype(h.dtype)
    alpha_e = jnp.exp(edge_att) / jnp.exp(denom[dst]) * not_self
    alpha_l = 1.0 / jnp.exp(denom)  # self-loop att weight is 0 -> exp(0)=1
    src_f = jnp.concatenate([src, loop])
    dst_f = jnp.concatenate([dst, loop])
    alpha = jnp.concatenate([alpha_e, alpha_l])
    msgs = h[src_f] * alpha[:, None]
    out = jax.ops.segment_sum(msgs, dst_f, num_segments=n)
    return out + b


def setup_inputs(seed: int = 0):
    key = jax.random.key(seed)
    k = jax.random.split(key, 6)
    x = jax.random.normal(k[0], (N, D_IN), dtype=jnp.float32)
    edge_index = jax.random.randint(k[1], (2, E), 0, N, dtype=jnp.int32)
    # sparse representation of the constant adjacency attention matrix adj_mat:
    # edge_att[e] = att[src[e], dst[e]] (constant, non-learned, like the numpy adj_mat)
    edge_att = jax.random.uniform(k[2], (E,), dtype=jnp.float32)
    W1 = _glorot(k[3], (D_IN, 2 * D_OUT))
    b1 = jnp.zeros((2 * D_OUT,), dtype=jnp.float32)
    W2 = _glorot(k[4], (2 * D_OUT, D_OUT))
    b2 = jnp.zeros((D_OUT,), dtype=jnp.float32)
    return {"x": x, "edge_index": edge_index, "edge_att": edge_att, "W1": W1, "b1": b1, "W2": W2, "b2": b2}


def reference(x, edge_index, edge_att, W1, b1, W2, b2):
    src = edge_index[0]
    dst = edge_index[1]
    h = jax.nn.relu(_conv(x, W1, b1, src, dst, edge_att))
    return _conv(h, W2, b2, src, dst, edge_att)

if __name__ == "__main__":
    import jax
    _d = setup_inputs()
    print(jax.jit(kernel)(*tuple(_d.values())))

</pallas_src>

<mosaic_0001>
#map = affine_map<(d0, d1) -> (0, 0)>
#map1 = affine_map<(d0, d1) -> (0, 0, 0)>
module attributes {stable_mosaic.version = 14 : i64} {
  func.func @body(%arg0: i32, %arg1: i32, %arg2: memref<10000x128xf32, #tpu.memory_space<hbm>>, %arg3: memref<16x160x128xi32, #tpu.memory_space<hbm>>, %arg4: memref<16x160x128xi32, #tpu.memory_space<hbm>>, %arg5: memref<16x160x128xf32, #tpu.memory_space<hbm>>, %arg6: memref<10000x128xf32, #tpu.memory_space<hbm>>, %arg7: memref<10000x16xf32, #tpu.memory_space<hbm>>, %arg8: memref<32x128xf32, #tpu.memory_space<vmem>>, %arg9: memref<128x16xf32, #tpu.memory_space<vmem>>, %arg10: memref<128x16xf32, #tpu.memory_space<vmem>>, %arg11: memref<5000x16xf32, #tpu.memory_space<vmem_shared>>, %arg12: memref<32x128xi32, #tpu.memory_space<vmem>>, %arg13: memref<1x128xi32, #tpu.memory_space<vmem>>, %arg14: memref<1x128xi32, #tpu.memory_space<vmem>>, %arg15: memref<128x128xf32, #tpu.memory_space<vmem>>, %arg16: memref<128x128xf32, #tpu.memory_space<vmem>>, %arg17: memref<5000x128xf32, #tpu.memory_space<vmem_shared>>, %arg18: memref<32x128xi32, #tpu.memory_space<vmem>>) attributes {dimension_semantics = [#tpu.dimension_semantics<core_parallel>, #tpu.dimension_semantics<subcore_parallel>], iteration_bounds = array<i64: 2, 16>, scalar_prefetch = 0 : i64, scratch_operands = 11 : i64, tpu.core_type = #tpu.core_type<sc_vector_subcore>, window_params = [{transform_indices = #map}, {transform_indices = #map1}, {transform_indices = #map1}, {transform_indices = #map1}, {transform_indices = #map}, {transform_indices = #map}]} {
    %mul3A = arith.constant 5000 : i32
    %mul3A_0 = arith.muli %arg0, %mul3A : i32
    %broadcast_in_dim3A = arith.constant 0.000000e+00 : f32
    %broadcast_in_dim3A_1 = vector.broadcast %broadcast_in_dim3A : f32 to vector<16xf32>
    %broadcast_in_dim3A_2 = arith.constant 0 : i32
    %broadcast_in_dim3A_3 = vector.broadcast %broadcast_in_dim3A_2 : i32 to vector<16xi32>
    %scan3A = arith.constant 0 : i32
    %scan3A_4 = arith.constant 0 : i32
    %scan3A_5 = arith.constant 128 : i32
    %scan3A_6 = arith.addi %scan3A_4, %scan3A_5 : i32
    %scan3A_7 = arith.constant 1 : i32
    %scan3A_8 = scf.for %scan3A_129 = %scan3A_4 to %scan3A_6 step %scan3A_7 iter_args(%scan3A_130 = %scan3A) -> (i32)  : i32 {
      %swap3A_131 = arith.index_cast %scan3A_129 : i32 to index
      %swap3A_132 = arith.constant 0 : index
      %swap3A_133 = tpu.vector_load %arg15[%swap3A_131, %swap3A_132] {strides = array<i32>} : memref<128x128xf32, #tpu.memory_space<vmem>>, vector<1x16xf32>,
      %swap3A_134 = vector.shape_cast %swap3A_133 : vector<1x16xf32> to vector<16xf32>
      %swap3A_135 = vector.shape_cast %broadcast_in_dim3A_1 : vector<16xf32> to vector<1x16xf32>
      tpu.vector_store %arg15[%swap3A_131, %swap3A_132], %swap3A_135 {strides = array<i32>} : memref<128x128xf32, #tpu.memory_space<vmem>>, vector<1x16xf32>,
      %swap3A_136 = arith.index_cast %scan3A_129 : i32 to index
      %swap3A_137 = arith.constant 16 : index
      %swap3A_138 = tpu.vector_load %arg15[%swap3A_136, %swap3A_137] {strides = array<i32>} : memref<128x128xf32, #tpu.memory_space<vmem>>, vector<1x16xf32>,
      %swap3A_139 = vector.shape_cast %swap3A_138 : vector<1x16xf32> to vector<16xf32>
      %swap3A_140 = vector.shape_cast %broadcast_in_dim3A_1 : vector<16xf32> to vector<1x16xf32>
      tpu.vector_store %arg15[%swap3A_136, %swap3A_137], %swap3A_140 {strides = array<i32>} : memref<128x128xf32, #tpu.memory_space<vmem>>, vector<1x16xf32>,
      %swap3A_141 = arith.index_cast %scan3A_129 : i32 to index
      %swap3A_142 = arith.constant 32 : index
      %swap3A_143 = tpu.vector_load %arg15[%swap3A_141, %swap3A_142] {strides = array<i32>} : memref<128x128xf32, #tpu.memory_space<vmem>>, vector<1x16xf32>,
      %swap3A_144 = vector.shape_cast %swap3A_143 : vector<1x16xf32> to vector<16xf32>
      %swap3A_145 = vector.shape_cast %broadcast_in_dim3A_1 : vector<16xf32> to vector<1x16xf32>
      tpu.vector_store %arg15[%swap3A_141, %swap3A_142], %swap3A_145 {strides = array<i32>} : memref<128x128xf32, #tpu.memory_space<vmem>>, vector<1x16xf32>,
      %swap3A_146 = arith.index_cast %scan3A_129 : i32 to index
      %swap3A_147 = arith.constant 48 : index
      %swap3A_148 = tpu.vector_load %arg15[%swap3A_146, %swap3A_147] {strides = array<i32>} : memref<128x128xf32, #tpu.memory_space<vmem>>, vector<1x16xf32>,
      %swap3A_149 = vector.shape_cast %swap3A_148 : vector<1x16xf32> to vector<16xf32>
      %swap3A_150 = vector.shape_cast %broadcast_in_dim3A_1 : vector<16xf32> to vector<1x16xf32>
      tpu.vector_store %arg15[%swap3A_146, %swap3A_147], %swap3A_150 {strides = array<i32>} : memref<128x128xf32, #tpu.memory_space<vmem>>, vector<1x16xf32>,
      %swap3A_151 = arith.index_cast %scan3A_129 : i32 to index
      %swap3A_152 = arith.constant 64 : index
      %swap3A_153 = tpu.vector_load %arg15[%swap3A_151, %swap3A_152] {strides = array<i32>} : memref<128x128xf32, #tpu.memory_space<vmem>>, vector<1x16xf32>,
      %swap3A_154 = vector.shape_cast %swap3A_153 : vector<1x16xf32> to vector<16xf32>
      %swap3A_155 = vector.shape_cast %broadcast_in_dim3A_1 : vector<16xf32> to vector<1x16xf32>
      tpu.vector_store %arg15[%swap3A_151, %swap3A_152], %swap3A_155 {strides = array<i32>} : memref<128x128xf32, #tpu.memory_space<vmem>>, vector<1x16xf32>,
      %swap3A_156 = arith.index_cast %scan3A_129 : i32 to index
      %swap3A_157 = arith.constant 80 : index
      %swap3A_158 = tpu.vector_load %arg15[%swap3A_156, %swap3A_157] {strides = array<i32>} : memref<128x128xf32, #tpu.memory_space<vmem>>, vector<1x16xf32>,
      %swap3A_159 = vector.shape_cast %swap3A_158 : vector<1x16xf32> to vector<16xf32>
      %swap3A_160 = vector.shape_cast %broadcast_in_dim3A_1 : vector<16xf32> to vector<1x16xf32>
      tpu.vector_store %arg15[%swap3A_156, %swap3A_157], %swap3A_160 {strides = array<i32>} : memref<128x128xf32, #tpu.memory_space<vmem>>, vector<1x16xf32>,
      %swap3A_161 = arith.index_cast %scan3A_129 : i32 to index
      %swap3A_162 = arith.constant 96 : index
      %swap3A_163 = tpu.vector_load %arg15[%swap3A_161, %swap3A_162] {strides = array<i32>} : memref<128x128xf32, #tpu.memory_space<vmem>>, vector<1x16xf32>,
      %swap3A_164 = vector.shape_cast %swap3A_163 : vector<1x16xf32> to vector<16xf32>
      %swap3A_165 = vector.shape_cast %broadcast_in_dim3A_1 : vector<16xf32> to vector<1x16xf32>
      tpu.vector_store %arg15[%swap3A_161, %swap3A_162], %swap3A_165 {strides = array<i32>} : memref<128x128xf32, #tpu.memory_space<vmem>>, vector<1x16xf32>,
      %swap3A_166 = arith.index_cast %scan3A_129 : i32 to index
      %swap3A_167 = arith.constant 112 : index
      %swap3A_168 = tpu.vector_load %arg15[%swap3A_166, %swap3A_167] {strides = array<i32>} : memref<128x128xf32, #tpu.memory_space<vmem>>, vector<1x16xf32>,
      %swap3A_169 = vector.shape_cast %swap3A_168 : vector<1x16xf32> to vector<16xf32>
      %swap3A_170 = vector.shape_cast %broadcast_in_dim3A_1 : vector<16xf32> to vector<1x16xf32>
      tpu.vector_store %arg15[%swap3A_166, %swap3A_167], %swap3A_170 {strides = array<i32>} : memref<128x128xf32, #tpu.memory_space<vmem>>, vector<1x16xf32>,
      %swap3A_171 = arith.index_cast %scan3A_129 : i32 to index
      %swap3A_172 = arith.constant 0 : index
      %swap3A_173 = tpu.vector_load %arg9[%swap3A_171, %swap3A_172] {strides = array<i32>} : memref<128x16xf32, #tpu.memory_space<vmem>>, vector<1x16xf32>,
      %swap3A_174 = vector.shape_cast %swap3A_173 : vector<1x16xf32> to vector<16xf32>
      %swap3A_175 = vector.shape_cast %broadcast_in_dim3A_1 : vector<16xf32> to vector<1x16xf32>
      tpu.vector_store %arg9[%swap3A_171, %swap3A_172], %swap3A_175 {strides = array<i32>} : memref<128x16xf32, #tpu.memory_space<vmem>>, vector<1x16xf32>,
      %swap3A_176 = arith.index_cast %scan3A_129 : i32 to index
      %swap3A_177 = arith.constant 0 : index
      %swap3A_178 = tpu.vector_load %arg16[%swap3A_176, %swap3A_177] {strides = array<i32>} : memref<128x128xf32, #tpu.memory_space<vmem>>, vector<1x16xf32>,
      %swap3A_179 = vector.shape_cast %swap3A_178 : vector<1x16xf32> to vector<16xf32>
      %swap3A_180 = vector.shape_cast %broadcast_in_dim3A_1 : vector<16xf32> to vector<1x16xf32>
      tpu.vector_store %arg16[%swap3A_176, %swap3A_177], %swap3A_180 {strides = array<i32>} : memref<128x128xf32, #tpu.memory_space<vmem>>, vector<1x16xf32>,
      %swap3A_181 = arith.index_cast %scan3A_129 : i32 to index
      %swap3A_182 = arith.constant 16 : index
      %swap3A_183 = tpu.vector_load %arg16[%swap3A_181, %swap3A_182] {strides = array<i32>} : memref<128x128xf32, #tpu.memory_space<vmem>>, vector<1x16xf32>,
      %swap3A_184 = vector.shape_cast %swap3A_183 : vector<1x16xf32> to vector<16xf32>
      %swap3A_185 = vector.shape_cast %broadcast_in_dim3A_1 : vector<16xf32> to vector<1x16xf32>
      tpu.vector_store %arg16[%swap3A_181, %swap3A_182], %swap3A_185 {strides = array<i32>} : memref<128x128xf32, #tpu.memory_space<vmem>>, vector<1x16xf32>,
      %swap3A_186 = arith.index_cast %scan3A_129 : i32 to index
      %swap3A_187 = arith.constant 32 : index
      %swap3A_188 = tpu.vector_load %arg16[%swap3A_186, %swap3A_187] {strides = array<i32>} : memref<128x128xf32, #tpu.memory_space<vmem>>, vector<1x16xf32>,
      %swap3A_189 = vector.shape_cast %swap3A_188 : vector<1x16xf32> to vector<16xf32>
      %swap3A_190 = vector.shape_cast %broadcast_in_dim3A_1 : vector<16xf32> to vector<1x16xf32>
      tpu.vector_store %arg16[%swap3A_186, %swap3A_187], %swap3A_190 {strides = array<i32>} : memref<128x128xf32, #tpu.memory_space<vmem>>, vector<1x16xf32>,
      %swap3A_191 = arith.index_cast %scan3A_129 : i32 to index
      %swap3A_192 = arith.constant 48 : index
      %swap3A_193 = tpu.vector_load %arg16[%swap3A_191, %swap3A_192] {strides = array<i32>} : memref<128x128xf32, #tpu.memory_space<vmem>>, vector<1x16xf32>,
      %swap3A_194 = vector.shape_cast %swap3A_193 : vector<1x16xf32> to vector<16xf32>
      %swap3A_195 = vector.shape_cast %broadcast_in_dim3A_1 : vector<16xf32> to vector<1x16xf32>
      tpu.vector_store %arg16[%swap3A_191, %swap3A_192], %swap3A_195 {strides = array<i32>} : memref<128x128xf32, #tpu.memory_space<vmem>>, vector<1x16xf32>,
      %swap3A_196 = arith.index_cast %scan3A_129 : i32 to index
      %swap3A_197 = arith.constant 64 : index
      %swap3A_198 = tpu.vector_load %arg16[%swap3A_196, %swap3A_197] {strides = array<i32>} : memref<128x128xf32, #tpu.memory_space<vmem>>, vector<1x16xf32>,
      %swap3A_199 = vector.shape_cast %swap3A_198 : vector<1x16xf32> to vector<16xf32>
      %swap3A_200 = vector.shape_cast %broadcast_in_dim3A_1 : vector<16xf32> to vector<1x16xf32>
      tpu.vector_store %arg16[%swap3A_196, %swap3A_197], %swap3A_200 {strides = array<i32>} : memref<128x128xf32, #tpu.memory_space<vmem>>, vector<1x16xf32>,
      %swap3A_201 = arith.index_cast %scan3A_129 : i32 to index
      %swap3A_202 = arith.constant 80 : index
      %swap3A_203 = tpu.vector_load %arg16[%swap3A_201, %swap3A_202] {strides = array<i32>} : memref<128x128xf32, #tpu.memory_space<vmem>>, vector<1x16xf32>,
      %swap3A_204 = vector.shape_cast %swap3A_203 : vector<1x16xf32> to vector<16xf32>
      %swap3A_205 = vector.shape_cast %broadcast_in_dim3A_1 : vector<16xf32> to vector<1x16xf32>
      tpu.vector_store %arg16[%swap3A_201, %swap3A_202], %swap3A_205 {strides = array<i32>} : memref<128x128xf32, #tpu.memory_space<vmem>>, vector<1x16xf32>,
      %swap3A_206 = arith.index_cast %scan3A_129 : i32 to index
      %swap3A_207 = arith.constant 96 : index
      %swap3A_208 = tpu.vector_load %arg16[%swap3A_206, %swap3A_207] {strides = array<i32>} : memref<128x128xf32, #tpu.memory_space<vmem>>, vector<1x16xf32>,
      %swap3A_209 = vector.shape_cast %swap3A_208 : vector<1x16xf32> to vector<16xf32>
      %swap3A_210 = vector.shape_cast %broadcast_in_dim3A_1 : vector<16xf32> to vector<1x16xf32>
      tpu.vector_store %arg16[%swap3A_206, %swap3A_207], %swap3A_210 {strides = array<i32>} : memref<128x128xf32, #tpu.memory_space<vmem>>, vector<1x16xf32>,
      %swap3A_211 = arith.index_cast %scan3A_129 : i32 to index
      %swap3A_212 = arith.constant 112 : index
      %swap3A_213 = tpu.vector_load %arg16[%swap3A_211, %swap3A_212] {strides = array<i32>} : memref<128x128xf32, #tpu.memory_space<vmem>>, vector<1x16xf32>,
      %swap3A_214 = vector.shape_cast %swap3A_213 : vector<1x16xf32> to vector<16xf32>
      %swap3A_215 = vector.shape_cast %broadcast_in_dim3A_1 : vector<16xf32> to vector<1x16xf32>
      tpu.vector_store %arg16[%swap3A_211, %swap3A_212], %swap3A_215 {strides = array<i32>} : memref<128x128xf32, #tpu.memory_space<vmem>>, vector<1x16xf32>,
      %swap3A_216 = arith.index_cast %scan3A_129 : i32 to index
      %swap3A_217 = arith.constant 0 : index
      %swap3A_218 = tpu.vector_load %arg10[%swap3A_216, %swap3A_217] {strides = array<i32>} : memref<128x16xf32, #tpu.memory_space<vmem>>, vector<1x16xf32>,
      %swap3A_219 = vector.shape_cast %swap3A_218 : vector<1x16xf32> to vector<16xf32>
      %swap3A_220 = vector.shape_cast %broadcast_in_dim3A_1 : vector<16xf32> to vector<1x16xf32>
      tpu.vector_store %arg10[%swap3A_216, %swap3A_217], %swap3A_220 {strides = array<i32>} : memref<128x16xf32, #tpu.memory_space<vmem>>, vector<1x16xf32>,
      %scan3A_221 = arith.constant 0 : i32
      scf.yield %scan3A_221 : i32
    }
    %scan3A_9 = arith.constant 128 : i32
    %swap3A = arith.constant 0 : i32
    %swap3A_10 = arith.index_cast %swap3A : i32 to index
    %swap3A_11 = arith.constant 0 : index
    %swap3A_12 = tpu.vector_load %arg13[%swap3A_10, %swap3A_11] {strides = array<i32>} : memref<1x128xi32, #tpu.memory_space<vmem>>, vector<1x16xi32>,
    %swap3A_13 = vector.shape_cast %swap3A_12 : vector<1x16xi32> to vector<16xi32>
    %swap3A_14 = vector.shape_cast %broadcast_in_dim3A_3 : vector<16xi32> to vector<1x16xi32>
    tpu.vector_store %arg13[%swap3A_10, %swap3A_11], %swap3A_14 {strides = array<i32>} : memref<1x128xi32, #tpu.memory_space<vmem>>, vector<1x16xi32>,
    %swap3A_15 = arith.constant 0 : i32
    %swap3A_16 = arith.index_cast %swap3A_15 : i32 to index
    %swap3A_17 = arith.constant 16 : index
    %swap3A_18 = tpu.vector_load %arg13[%swap3A_16, %swap3A_17] {strides = array<i32>} : memref<1x128xi32, #tpu.memory_space<vmem>>, vector<1x16xi32>,
    %swap3A_19 = vector.shape_cast %swap3A_18 : vector<1x16xi32> to vector<16xi32>
    %swap3A_20 = vector.shape_cast %broadcast_in_dim3A_3 : vector<16xi32> to vector<1x16xi32>
    tpu.vector_store %arg13[%swap3A_16, %swap3A_17], %swap3A_20 {strides = array<i32>} : memref<1x128xi32, #tpu.memory_space<vmem>>, vector<1x16xi32>,
    %swap3A_21 = arith.constant 0 : i32
    %swap3A_22 = arith.index_cast %swap3A_21 : i32 to index
    %swap3A_23 = arith.constant 32 : index
    %swap3A_24 = tpu.vector_load %arg13[%swap3A_22, %swap3A_23] {strides = array<i32>} : memref<1x128xi32, #tpu.memory_space<vmem>>, vector<1x16xi32>,
    %swap3A_25 = vector.shape_cast %swap3A_24 : vector<1x16xi32> to vector<16xi32>
    %swap3A_26 = vector.shape_cast %broadcast_in_dim3A_3 : vector<16xi32> to vector<1x16xi32>
    tpu.vector_store %arg13[%swap3A_22, %swap3A_23], %swap3A_26 {strides = array<i32>} : memref<1x128xi32, #tpu.memory_space<vmem>>, vector<1x16xi32>,
    %swap3A_27 = arith.constant 0 : i32
    %swap3A_28 = arith.index_cast %swap3A_27 : i32 to index
    %swap3A_29 = arith.constant 48 : index
    %swap3A_30 = tpu.vector_load %arg13[%swap3A_28, %swap3A_29] {strides = array<i32>} : memref<1x128xi32, #tpu.memory_space<vmem>>, vector<1x16xi32>,
    %swap3A_31 = vector.shape_cast %swap3A_30 : vector<1x16xi32> to vector<16xi32>
    %swap3A_32 = vector.shape_cast %broadcast_in_dim3A_3 : vector<16xi32> to vector<1x16xi32>
    tpu.vector_store %arg13[%swap3A_28, %swap3A_29], %swap3A_32 {strides = array<i32>} : memref<1x128xi32, #tpu.memory_space<vmem>>, vector<1x16xi32>,
    %swap3A_33 = arith.constant 0 : i32
    %swap3A_34 = arith.index_cast %swap3A_33 : i32 to index
    %swap3A_35 = arith.constant 64 : index
    %swap3A_36 = tpu.vector_load %arg13[%swap3A_34, %swap3A_35] {strides = array<i32>} : memref<1x128xi32, #tpu.memory_space<vmem>>, vector<1x16xi32>,
    %swap3A_37 = vector.shape_cast %swap3A_36 : vector<1x16xi32> to vector<16xi32>
    %swap3A_38 = vector.shape_cast %broadcast_in_dim3A_3 : vector<16xi32> to vector<1x16xi32>
    tpu.vector_store %arg13[%swap3A_34, %swap3A_35], %swap3A_38 {strides = array<i32>} : memref<1x128xi32, #tpu.memory_space<vmem>>, vector<1x16xi32>,
    %swap3A_39 = arith.constant 0 : i32
    %swap3A_40 = arith.index_cast %swap3A_39 : i32 to index
    %swap3A_41 = arith.constant 80 : index
    %swap3A_42 = tpu.vector_load %arg13[%swap3A_40, %swap3A_41] {strides = array<i32>} : memref<1x128xi32, #tpu.memory_space<vmem>>, vector<1x16xi32>,
    %swap3A_43 = vector.shape_cast %swap3A_42 : vector<1x16xi32> to vector<16xi32>
    %swap3A_44 = vector.shape_cast %broadcast_in_dim3A_3 : vector<16xi32> to vector<1x16xi32>
    tpu.vector_store %arg13[%swap3A_40, %swap3A_41], %swap3A_44 {strides = array<i32>} : memref<1x128xi32, #tpu.memory_space<vmem>>, vector<1x16xi32>,
    %swap3A_45 = arith.constant 0 : i32
    %swap3A_46 = arith.index_cast %swap3A_45 : i32 to index
    %swap3A_47 = arith.constant 96 : index
    %swap3A_48 = tpu.vector_load %arg13[%swap3A_46, %swap3A_47] {strides = array<i32>} : memref<1x128xi32, #tpu.memory_space<vmem>>, vector<1x16xi32>,
    %swap3A_49 = vector.shape_cast %swap3A_48 : vector<1x16xi32> to vector<16xi32>
    %swap3A_50 = vector.shape_cast %broadcast_in_dim3A_3 : vector<16xi32> to vector<1x16xi32>
    tpu.vector_store %arg13[%swap3A_46, %swap3A_47], %swap3A_50 {strides = array<i32>} : memref<1x128xi32, #tpu.memory_space<vmem>>, vector<1x16xi32>,
    %swap3A_51 = arith.constant 0 : i32
    %swap3A_52 = arith.index_cast %swap3A_51 : i32 to index
    %swap3A_53 = arith.constant 112 : index
    %swap3A_54 = tpu.vector_load %arg13[%swap3A_52, %swap3A_53] {strides = array<i32>} : memref<1x128xi32, #tpu.memory_space<vmem>>, vector<1x16xi32>,
    %swap3A_55 = vector.shape_cast %swap3A_54 : vector<1x16xi32> to vector<16xi32>
    %swap3A_56 = vector.shape_cast %broadcast_in_dim3A_3 : vector<16xi32> to vector<1x16xi32>
    tpu.vector_store %arg13[%swap3A_52, %swap3A_53], %swap3A_56 {strides = array<i32>} : memref<1x128xi32, #tpu.memory_space<vmem>>, vector<1x16xi32>,
    %swap3A_57 = arith.constant 0 : i32
    %swap3A_58 = arith.index_cast %swap3A_57 : i32 to index
    %swap3A_59 = arith.constant 0 : index
    %swap3A_60 = tpu.vector_load %arg14[%swap3A_58, %swap3A_59] {strides = array<i32>} : memref<1x128xi32, #tpu.memory_space<vmem>>, vector<1x16xi32>,
    %swap3A_61 = vector.shape_cast %swap3A_60 : vector<1x16xi32> to vector<16xi32>
    %swap3A_62 = vector.shape_cast %broadcast_in_dim3A_3 : vector<16xi32> to vector<1x16xi32>
    tpu.vector_store %arg14[%swap3A_58, %swap3A_59], %swap3A_62 {strides = array<i32>} : memref<1x128xi32, #tpu.memory_space<vmem>>, vector<1x16xi32>,
    %swap3A_63 = arith.constant 0 : i32
    %swap3A_64 = arith.index_cast %swap3A_63 : i32 to index
    %swap3A_65 = arith.constant 16 : index
    %swap3A_66 = tpu.vector_load %arg14[%swap3A_64, %swap3A_65] {strides = array<i32>} : memref<1x128xi32, #tpu.memory_space<vmem>>, vector<1x16xi32>,
    %swap3A_67 = vector.shape_cast %swap3A_66 : vector<1x16xi32> to vector<16xi32>
    %swap3A_68 = vector.shape_cast %broadcast_in_dim3A_3 : vector<16xi32> to vector<1x16xi32>
    tpu.vector_store %arg14[%swap3A_64, %swap3A_65], %swap3A_68 {strides = array<i32>} : memref<1x128xi32, #tpu.memory_space<vmem>>, vector<1x16xi32>,
    %swap3A_69 = arith.constant 0 : i32
    %swap3A_70 = arith.index_cast %swap3A_69 : i32 to index
    %swap3A_71 = arith.constant 32 : index
    %swap3A_72 = tpu.vector_load %arg14[%swap3A_70, %swap3A_71] {strides = array<i32>} : memref<1x128xi32, #tpu.memory_space<vmem>>, vector<1x16xi32>,
    %swap3A_73 = vector.shape_cast %swap3A_72 : vector<1x16xi32> to vector<16xi32>
    %swap3A_74 = vector.shape_cast %broadcast_in_dim3A_3 : vector<16xi32> to vector<1x16xi32>
    tpu.vector_store %arg14[%swap3A_70, %swap3A_71], %swap3A_74 {strides = array<i32>} : memref<1x128xi32, #tpu.memory_space<vmem>>, vector<1x16xi32>,
    %swap3A_75 = arith.constant 0 : i32
    %swap3A_76 = arith.index_cast %swap3A_75 : i32 to index
    %swap3A_77 = arith.constant 48 : index
    %swap3A_78 = tpu.vector_load %arg14[%swap3A_76, %swap3A_77] {strides = array<i32>} : memref<1x128xi32, #tpu.memory_space<vmem>>, vector<1x16xi32>,
    %swap3A_79 = vector.shape_cast %swap3A_78 : vector<1x16xi32> to vector<16xi32>
    %swap3A_80 = vector.shape_cast %broadcast_in_dim3A_3 : vector<16xi32> to vector<1x16xi32>
    tpu.vector_store %arg14[%swap3A_76, %swap3A_77], %swap3A_80 {strides = array<i32>} : memref<1x128xi32, #tpu.memory_space<vmem>>, vector<1x16xi32>,
    %swap3A_81 = arith.constant 0 : i32
    %swap3A_82 = arith.index_cast %swap3A_81 : i32 to index
    %swap3A_83 = arith.constant 64 : index
    %swap3A_84 = tpu.vector_load %arg14[%swap3A_82, %swap3A_83] {strides = array<i32>} : memref<1x128xi32, #tpu.memory_space<vmem>>, vector<1x16xi32>,
    %swap3A_85 = vector.shape_cast %swap3A_84 : vector<1x16xi32> to vector<16xi32>
    %swap3A_86 = vector.shape_cast %broadcast_in_dim3A_3 : vector<16xi32> to vector<1x16xi32>
    tpu.vector_store %arg14[%swap3A_82, %swap3A_83], %swap3A_86 {strides = array<i32>} : memref<1x128xi32, #tpu.memory_space<vmem>>, vector<1x16xi32>,
    %swap3A_87 = arith.constant 0 : i32
    %swap3A_88 = arith.index_cast %swap3A_87 : i32 to index
    %swap3A_89 = arith.constant 80 : index
    %swap3A_90 = tpu.vector_load %arg14[%swap3A_88, %swap3A_89] {strides = array<i32>} : memref<1x128xi32, #tpu.memory_space<vmem>>, vector<1x16xi32>,
    %swap3A_91 = vector.shape_cast %swap3A_90 : vector<1x16xi32> to vector<16xi32>
    %swap3A_92 = vector.shape_cast %broadcast_in_dim3A_3 : vector<16xi32> to vector<1x16xi32>
    tpu.vector_store %arg14[%swap3A_88, %swap3A_89], %swap3A_92 {strides = array<i32>} : memref<1x128xi32, #tpu.memory_space<vmem>>, vector<1x16xi32>,
    %swap3A_93 = arith.constant 0 : i32
    %swap3A_94 = arith.index_cast %swap3A_93 : i32 to index
    %swap3A_95 = arith.constant 96 : index
    %swap3A_96 = tpu.vector_load %arg14[%swap3A_94, %swap3A_95] {strides = array<i32>} : memref<1x128xi32, #tpu.memory_space<vmem>>, vector<1x16xi32>,
    %swap3A_97 = vector.shape_cast %swap3A_96 : vector<1x16xi32> to vector<16xi32>
    %swap3A_98 = vector.shape_cast %broadcast_in_dim3A_3 : vector<16xi32> to vector<1x16xi32>
    tpu.vector_store %arg14[%swap3A_94, %swap3A_95], %swap3A_98 {strides = array<i32>} : memref<1x128xi32, #tpu.memory_space<vmem>>, vector<1x16xi32>,
    %swap3A_99 = arith.constant 0 : i32
    %swap3A_100 = arith.index_cast %swap3A_99 : i32 to index
    %swap3A_101 = arith.constant 112 : index
    %swap3A_102 = tpu.vector_load %arg14[%swap3A_100, %swap3A_101] {strides = array<i32>} : memref<1x128xi32, #tpu.memory_space<vmem>>, vector<1x16xi32>,
    %swap3A_103 = vector.shape_cast %swap3A_102 : vector<1x16xi32> to vector<16xi32>
    %swap3A_104 = vector.shape_cast %broadcast_in_dim3A_3 : vector<16xi32> to vector<1x16xi32>
    tpu.vector_store %arg14[%swap3A_100, %swap3A_101], %swap3A_104 {strides = array<i32>} : memref<1x128xi32, #tpu.memory_space<vmem>>, vector<1x16xi32>,
    %mul3A_105 = arith.constant 320 : i32
    %mul3A_106 = arith.muli %arg1, %mul3A_105 : i32
    %min3A = arith.constant 4680 : i32
    %min3A_107 = arith.minsi %mul3A_106, %min3A : i32
    %multiple_of3A = tpu.assume_multiple %min3A_107, 8 : i32
    %add3A = arith.constant 0 : i32
    %add3A_108 = arith.addi %multiple_of3A, %add3A : i32
    "tpu.region"() ({
      %run_scoped3A = tpu.sem_alloc : memref<!tpu.dma_semaphore, #tpu.memory_space<semaphore_mem>>
      %dma_start3A = arith.constant 0 : i32
      %dma_start3A_129 = tpu.memref_slice %arg17[%add3A_108, %dma_start3A] : memref<5000x128xf32, #tpu.memory_space<vmem_shared>> -> memref<128x128xf32, #tpu.memory_space<vmem_shared>>
      %dma_start3A_130 = arith.constant 0 : i32
      %dma_start3A_131 = tpu.memref_slice %arg17[%add3A_108, %dma_start3A_130] : memref<5000x128xf32, #tpu.memory_space<vmem_shared>> -> memref<128x128xf32, #tpu.memory_space<vmem_shared>>
      tpu.enqueue_dma source(%arg15 : memref<128x128xf32, #tpu.memory_space<vmem>>) target(%dma_start3A_131 : memref<128x128xf32, #tpu.memory_space<vmem_shared>>) target_semaphore(%run_scoped3A : memref<!tpu.dma_semaphore, #tpu.memory_space<semaphore_mem>>)
      %dma_wait3A = arith.constant 0 : i32
      %dma_wait3A_132 = tpu.memref_slice %arg17[%add3A_108, %dma_wait3A] : memref<5000x128xf32, #tpu.memory_space<vmem_shared>> -> memref<128x128xf32, #tpu.memory_space<vmem_shared>>
      %dma_wait3A_133 = arith.constant 0 : i32
      %dma_wait3A_134 = tpu.memref_slice %arg17[%add3A_108, %dma_wait3A_133] : memref<5000x128xf32, #tpu.memory_space<vmem_shared>> -> memref<128x128xf32, #tpu.memory_space<vmem_shared>>
      tpu.wait_dma2 semaphore(%run_scoped3A : memref<!tpu.dma_semaphore, #tpu.memory_space<semaphore_mem>>) src(%arg15 : memref<128x128xf32, #tpu.memory_space<vmem>>) dst(%dma_wait3A_134 : memref<128x128xf32, #tpu.memory_space<vmem_shared>>)
      tpu.yield
    }) : () -> ()
    %add3A_109 = arith.constant 0 : i32
    %add3A_110 = arith.addi %multiple_of3A, %add3A_109 : i32
    "tpu.region"() ({
      %run_scoped3A = tpu.sem_alloc : memref<!tpu.dma_semaphore, #tpu.memory_space<semaphore_mem>>
      %dma_start3A = arith.constant 0 : i32
      %dma_start3A_129 = tpu.memref_slice %arg11[%add3A_110, %dma_start3A] : memref<5000x16xf32, #tpu.memory_space<vmem_shared>> -> memref<128x16xf32, #tpu.memory_space<vmem_shared>>
      %dma_start3A_130 = arith.constant 0 : i32
      %dma_start3A_131 = tpu.memref_slice %arg11[%add3A_110, %dma_start3A_130] : memref<5000x16xf32, #tpu.memory_space<vmem_shared>> -> memref<128x16xf32, #tpu.memory_space<vmem_shared>>
      tpu.enqueue_dma source(%arg9 : memref<128x16xf32, #tpu.memory_space<vmem>>) target(%dma_start3A_131 : memref<128x16xf32, #tpu.memory_space<vmem_shared>>) target_semaphore(%run_scoped3A : memref<!tpu.dma_semaphore, #tpu.memory_space<semaphore_mem>>)
      %dma_wait3A = arith.constant 0 : i32
      %dma_wait3A_132 = tpu.memref_slice %arg11[%add3A_110, %dma_wait3A] : memref<5000x16xf32, #tpu.memory_space<vmem_shared>> -> memref<128x16xf32, #tpu.memory_space<vmem_shared>>
      %dma_wait3A_133 = arith.constant 0 : i32
      %dma_wait3A_134 = tpu.memref_slice %arg11[%add3A_110, %dma_wait3A_133] : memref<5000x16xf32, #tpu.memory_space<vmem_shared>> -> memref<128x16xf32, #tpu.memory_space<vmem_shared>>
      tpu.wait_dma2 semaphore(%run_scoped3A : memref<!tpu.dma_semaphore, #tpu.memory_space<semaphore_mem>>) src(%arg9 : memref<128x16xf32, #tpu.memory_space<vmem>>) dst(%dma_wait3A_134 : memref<128x16xf32, #tpu.memory_space<vmem_shared>>)
      tpu.yield
    }) : () -> ()
    %add3A_111 = arith.constant 128 : i32
    %add3A_112 = arith.addi %multiple_of3A, %add3A_111 : i32
    "tpu.region"() ({
      %run_scoped3A = tpu.sem_alloc : memref<!tpu.dma_semaphore, #tpu.memory_space<semaphore_mem>>
      %dma_start3A = arith.constant 0 : i32
      %dma_start3A_129 = tpu.memref_slice %arg17[%add3A_112, %dma_start3A] : memref<5000x128xf32, #tpu.memory_space<vmem_shared>> -> memref<128x128xf32, #tpu.memory_space<vmem_shared>>
      %dma_start3A_130 = arith.constant 0 : i32
      %dma_start3A_131 = tpu.memref_slice %arg17[%add3A_112, %dma_start3A_130] : memref<5000x128xf32, #tpu.memory_space<vmem_shared>> -> memref<128x128xf32, #tpu.memory_space<vmem_shared>>
      tpu.enqueue_dma source(%arg15 : memref<128x128xf32, #tpu.memory_space<vmem>>) target(%dma_start3A_131 : memref<128x128xf32, #tpu.memory_space<vmem_shared>>) target_semaphore(%run_scoped3A : memref<!tpu.dma_semaphore, #tpu.memory_space<semaphore_mem>>)
      %dma_wait3A = arith.constant 0 : i32
      %dma_wait3A_132 = tpu.memref_slice %arg17[%add3A_112, %dma_wait3A] : memref<5000x128xf32, #tpu.memory_space<vmem_shared>> -> memref<128x128xf32, #tpu.memory_space<vmem_shared>>
      %dma_wait3A_133 = arith.constant 0 : i32
      %dma_wait3A_134 = tpu.memref_slice %arg17[%add3A_112, %dma_wait3A_133] : memref<5000x128xf32, #tpu.memory_space<vmem_shared>> -> memref<128x128xf32, #tpu.memory_space<vmem_shared>>
      tpu.wait_dma2 semaphore(%run_scoped3A : memref<!tpu.dma_semaphore, #tpu.memory_space<semaphore_mem>>) src(%arg15 : memref<128x128xf32, #tpu.memory_space<vmem>>) dst(%dma_wait3A_134 : memref<128x128xf32, #tpu.memory_space<vmem_shared>>)
      tpu.yield
    }) : () -> ()
    %add3A_113 = arith.constant 128 : i32
    %add3A_114 = arith.addi %multiple_of3A, %add3A_113 : i32
    "tpu.region"() ({
      %run_scoped3A = tpu.sem_alloc : memref<!tpu.dma_semaphore, #tpu.memory_space<semaphore_mem>>
      %dma_start3A = arith.constant 0 : i32
      %dma_start3A_129 = tpu.memref_slice %arg11[%add3A_114, %dma_start3A] : memref<5000x16xf32, #tpu.memory_space<vmem_shared>> -> memref<128x16xf32, #tpu.memory_space<vmem_shared>>
      %dma_start3A_130 = arith.constant 0 : i32
      %dma_start3A_131 = tpu.memref_slice %arg11[%add3A_114, %dma_start3A_130] : memref<5000x16xf32, #tpu.memory_space<vmem_shared>> -> memref<128x16xf32, #tpu.memory_space<vmem_shared>>
      tpu.enqueue_dma source(%arg9 : memref<128x16xf32, #tpu.memory_space<vmem>>) target(%dma_start3A_131 : memref<128x16xf32, #tpu.memory_space<vmem_shared>>) target_semaphore(%run_scoped3A : memref<!tpu.dma_semaphore, #tpu.memory_space<semaphore_mem>>)
      %dma_wait3A = arith.constant 0 : i32
      %dma_wait3A_132 = tpu.memref_slice %arg11[%add3A_114, %dma_wait3A] : memref<5000x16xf32, #tpu.memory_space<vmem_shared>> -> memref<128x16xf32, #tpu.memory_space<vmem_shared>>
      %dma_wait3A_133 = arith.constant 0 : i32
      %dma_wait3A_134 = tpu.memref_slice %arg11[%add3A_114, %dma_wait3A_133] : memref<5000x16xf32, #tpu.memory_space<vmem_shared>> -> memref<128x16xf32, #tpu.memory_space<vmem_shared>>
      tpu.wait_dma2 semaphore(%run_scoped3A : memref<!tpu.dma_semaphore, #tpu.memory_space<semaphore_mem>>) src(%arg9 : memref<128x16xf32, #tpu.memory_space<vmem>>) dst(%dma_wait3A_134 : memref<128x16xf32, #tpu.memory_space<vmem_shared>>)
      tpu.yield
    }) : () -> ()
    %add3A_115 = arith.constant 256 : i32
    %add3A_116 = arith.addi %multiple_of3A, %add3A_115 : i32
    "tpu.region"() ({
      %run_scoped3A = tpu.sem_alloc : memref<!tpu.dma_semaphore, #tpu.memory_space<semaphore_mem>>
      %dma_start3A = arith.constant 0 : i32
      %dma_start3A_129 = arith.constant 0 : i32
      %dma_start3A_130 = tpu.memref_slice %arg15[%dma_start3A, %dma_start3A_129] : memref<128x128xf32, #tpu.memory_space<vmem>> -> memref<64x128xf32, #tpu.memory_space<vmem>>
      %dma_start3A_131 = arith.constant 0 : i32
      %dma_start3A_132 = tpu.memref_slice %arg17[%add3A_116, %dma_start3A_131] : memref<5000x128xf32, #tpu.memory_space<vmem_shared>> -> memref<64x128xf32, #tpu.memory_space<vmem_shared>>
      %dma_start3A_133 = arith.constant 0 : i32
      %dma_start3A_134 = tpu.memref_slice %arg17[%add3A_116, %dma_start3A_133] : memref<5000x128xf32, #tpu.memory_space<vmem_shared>> -> memref<64x128xf32, #tpu.memory_space<vmem_shared>>
      %dma_start3A_135 = arith.constant 0 : i32
      %dma_start3A_136 = arith.constant 0 : i32
      %dma_start3A_137 = tpu.memref_slice %arg15[%dma_start3A_135, %dma_start3A_136] : memref<128x128xf32, #tpu.memory_space<vmem>> -> memref<64x128xf32, #tpu.memory_space<vmem>>
      tpu.enqueue_dma source(%dma_start3A_137 : memref<64x128xf32, #tpu.memory_space<vmem>>) target(%dma_start3A_134 : memref<64x128xf32, #tpu.memory_space<vmem_shared>>) target_semaphore(%run_scoped3A : memref<!tpu.dma_semaphore, #tpu.memory_space<semaphore_mem>>)
      %dma_wait3A = arith.constant 0 : i32
      %dma_wait3A_138 = arith.constant 0 : i32
      %dma_wait3A_139 = tpu.memref_slice %arg15[%dma_wait3A, %dma_wait3A_138] : memref<128x128xf32, #tpu.memory_space<vmem>> -> memref<64x128xf32, #tpu.memory_space<vmem>>
      %dma_wait3A_140 = arith.constant 0 : i32
      %dma_wait3A_141 = tpu.memref_slice %arg17[%add3A_116, %dma_wait3A_140] : memref<5000x128xf32, #tpu.memory_space<vmem_shared>> -> memref<64x128xf32, #tpu.memory_space<vmem_shared>>
      %dma_wait3A_142 = arith.constant 0 : i32
      %dma_wait3A_143 = tpu.memref_slice %arg17[%add3A_116, %dma_wait3A_142] : memref<5000x128xf32, #tpu.memory_space<vmem_shared>> -> memref<64x128xf32, #tpu.memory_space<vmem_shared>>
      %dma_wait3A_144 = arith.constant 0 : i32
      %dma_wait3A_145 = arith.constant 0 : i32
      %dma_wait3A_146 = tpu.memref_slice %arg15[%dma_wait3A_144, %dma_wait3A_145] : memref<128x128xf32, #tpu.memory_space<vmem>> -> memref<64x128xf32, #tpu.memory_space<vmem>>
      tpu.wait_dma2 semaphore(%run_scoped3A : memref<!tpu.dma_semaphore, #tpu.memory_space<semaphore_mem>>) src(%dma_wait3A_146 : memref<64x128xf32, #tpu.memory_space<vmem>>) dst(%dma_wait3A_143 : memref<64x128xf32, #tpu.memory_space<vmem_shared>>)
      tpu.yield
    }) : () -> ()
    %add3A_117 = arith.constant 256 : i32
    %add3A_118 = arith.addi %multiple_of3A, %add3A_117 : i32
    "tpu.region"() ({
      %run_scoped3A = tpu.sem_alloc : memref<!tpu.dma_semaphore, #tpu.memory_space<semaphore_mem>>
      %dma_start3A = arith.constant 0 : i32
      %dma_start3A_129 = arith.constant 0 : i32
      %dma_start3A_130 = tpu.memref_slice %arg9[%dma_start3A, %dma_start3A_129] : memref<128x16xf32, #tpu.memory_space<vmem>> -> memref<64x16xf32, #tpu.memory_space<vmem>>
      %dma_start3A_131 = arith.constant 0 : i32
      %dma_start3A_132 = tpu.memref_slice %arg11[%add3A_118, %dma_start3A_131] : memref<5000x16xf32, #tpu.memory_space<vmem_shared>> -> memref<64x16xf32, #tpu.memory_space<vmem_shared>>
      %dma_start3A_133 = arith.constant 0 : i32
      %dma_start3A_134 = tpu.memref_slice %arg11[%add3A_118, %dma_start3A_133] : memref<5000x16xf32, #tpu.memory_space<vmem_shared>> -> memref<64x16xf32, #tpu.memory_space<vmem_shared>>
      %dma_start3A_135 = arith.constant 0 : i32
      %dma_start3A_136 = arith.constant 0 : i32
      %dma_start3A_137 = tpu.memref_slice %arg9[%dma_start3A_135, %dma_start3A_136] : memref<128x16xf32, #tpu.memory_space<vmem>> -> memref<64x16xf32, #tpu.memory_space<vmem>>
      tpu.enqueue_dma source(%dma_start3A_137 : memref<64x16xf32, #tpu.memory_space<vmem>>) target(%dma_start3A_134 : memref<64x16xf32, #tpu.memory_space<vmem_shared>>) target_semaphore(%run_scoped3A : memref<!tpu.dma_semaphore, #tpu.memory_space<semaphore_mem>>)
      %dma_wait3A = arith.constant 0 : i32
      %dma_wait3A_138 = arith.constant 0 : i32
      %dma_wait3A_139 = tpu.memref_slice %arg9[%dma_wait3A, %dma_wait3A_138] : memref<128x16xf32, #tpu.memory_space<vmem>> -> memref<64x16xf32, #tpu.memory_space<vmem>>
      %dma_wait3A_140 = arith.constant 0 : i32
      %dma_wait3A_141 = tpu.memref_slice %arg11[%add3A_118, %dma_wait3A_140] : memref<5000x16xf32, #tpu.memory_space<vmem_shared>> -> memref<64x16xf32, #tpu.memory_space<vmem_shared>>
      %dma_wait3A_142 = arith.constant 0 : i32
      %dma_wait3A_143 = tpu.memref_slice %arg11[%add3A_118, %dma_wait3A_142] : memref<5000x16xf32, #tpu.memory_space<vmem_shared>> -> memref<64x16xf32, #tpu.memory_space<vmem_shared>>
      %dma_wait3A_144 = arith.constant 0 : i32
      %dma_wait3A_145 = arith.constant 0 : i32
      %dma_wait3A_146 = tpu.memref_slice %arg9[%dma_wait3A_144, %dma_wait3A_145] : memref<128x16xf32, #tpu.memory_space<vmem>> -> memref<64x16xf32, #tpu.memory_space<vmem>>
      tpu.wait_dma2 semaphore(%run_scoped3A : memref<!tpu.dma_semaphore, #tpu.memory_space<semaphore_mem>>) src(%dma_wait3A_146 : memref<64x16xf32, #tpu.memory_space<vmem>>) dst(%dma_wait3A_143 : memref<64x16xf32, #tpu.memory_space<vmem_shared>>)
      tpu.yield
    }) : () -> ()
    %barrier3A = arith.constant 0 : index
    tpu.barrier barrier_id(%barrier3A)
    %scan3A_119 = arith.constant 0 : i32
    %scan3A_120 = arith.constant 0 : i32
    %scan3A_121 = arith.constant 5 : i32
    %scan3A_122 = arith.addi %scan3A_120, %scan3A_121 : i32
    %scan3A_123 = arith.constant 1 : i32
    %scan3A_124 = scf.for %scan3A_129 = %scan3A_120 to %scan3A_122 step %scan3A_123 iter_args(%scan3A_130 = %scan3A_119) -> (i32)  : i32 {
      %mul3A_131 = arith.constant 32 : i32
      %mul3A_132 = arith.muli %scan3A_129, %mul3A_131 : i32
      %multiple_of3A_133 = tpu.assume_multiple %mul3A_132, 8 : i32
      "tpu.region"() ({
        %run_scoped3A = tpu.sem_alloc : memref<!tpu.dma_semaphore, #tpu.memory_space<semaphore_mem>>
        %dma_start3A = arith.constant 0 : i32
        %dma_start3A_142 = tpu.memref_slice %arg3[%arg1, %multiple_of3A_133, %dma_start3A] : memref<16x160x128xi32, #tpu.memory_space<hbm>> -> memref<1x32x128xi32, #tpu.memory_space<hbm>>
        %dma_start3A_143 = tpu.memref_squeeze %dma_start3A_142 : memref<1x32x128xi32, #tpu.memory_space<hbm>> -> memref<32x128xi32, #tpu.memory_space<hbm>>
        %dma_start3A_144 = arith.constant 0 : i32
        %dma_start3A_145 = tpu.memref_slice %arg3[%arg1, %multiple_of3A_133, %dma_start3A_144] : memref<16x160x128xi32, #tpu.memory_space<hbm>> -> memref<1x32x128xi32, #tpu.memory_space<hbm>>
        %dma_start3A_146 = tpu.memref_squeeze %dma_start3A_145 : memref<1x32x128xi32, #tpu.memory_space<hbm>> -> memref<32x128xi32, #tpu.memory_space<hbm>>
        tpu.enqueue_dma source(%dma_start3A_146 : memref<32x128xi32, #tpu.memory_space<hbm>>) target(%arg18 : memref<32x128xi32, #tpu.memory_space<vmem>>) target_semaphore(%run_scoped3A : memref<!tpu.dma_semaphore, #tpu.memory_space<semaphore_mem>>)
        %dma_wait3A = arith.constant 0 : i32
        %dma_wait3A_147 = tpu.memref_slice %arg3[%arg1, %multiple_of3A_133, %dma_wait3A] : memref<16x160x128xi32, #tpu.memory_space<hbm>> -> memref<1x32x128xi32, #tpu.memory_space<hbm>>
        %dma_wait3A_148 = tpu.memref_squeeze %dma_wait3A_147 : memref<1x32x128xi32, #tpu.memory_space<hbm>> -> memref<32x128xi32, #tpu.memory_space<hbm>>
        %dma_wait3A_149 = arith.constant 0 : i32
        %dma_wait3A_150 = tpu.memref_slice %arg3[%arg1, %multiple_of3A_133, %dma_wait3A_149] : memref<16x160x128xi32, #tpu.memory_space<hbm>> -> memref<1x32x128xi32, #tpu.memory_space<hbm>>
        %dma_wait3A_151 = tpu.memref_squeeze %dma_wait3A_150 : memref<1x32x128xi32, #tpu.memory_space<hbm>> -> memref<32x128xi32, #tpu.memory_space<hbm>>
        tpu.wait_dma2 semaphore(%run_scoped3A : memref<!tpu.dma_semaphore, #tpu.memory_space<semaphore_mem>>) src(%dma_wait3A_151 : memref<32x128xi32, #tpu.memory_space<hbm>>) dst(%arg18 : memref<32x128xi32, #tpu.memory_space<vmem>>)
        tpu.yield
      }) : () -> ()
      "tpu.region"() ({
        %run_scoped3A = tpu.sem_alloc : memref<!tpu.dma_semaphore, #tpu.memory_space<semaphore_mem>>
        %dma_start3A = arith.constant 0 : i32
        %dma_start3A_142 = tpu.memref_slice %arg4[%arg1, %multiple_of3A_133, %dma_start3A] : memref<16x160x128xi32, #tpu.memory_space<hbm>> -> memref<1x32x128xi32, #tpu.memory_space<hbm>>
        %dma_start3A_143 = tpu.memref_squeeze %dma_start3A_142 : memref<1x32x128xi32, #tpu.memory_space<hbm>> -> memref<32x128xi32, #tpu.memory_space<hbm>>
        %dma_start3A_144 = arith.constant 0 : i32
        %dma_start3A_145 = tpu.memref_slice %arg4[%arg1, %multiple_of3A_133, %dma_start3A_144] : memref<16x160x128xi32, #tpu.memory_space<hbm>> -> memref<1x32x128xi32, #tpu.memory_space<hbm>>
        %dma_start3A_146 = tpu.memref_squeeze %dma_start3A_145 : memref<1x32x128xi32, #tpu.memory_space<hbm>> -> memref<32x128xi32, #tpu.memory_space<hbm>>
        tpu.enqueue_dma source(%dma_start3A_146 : memref<32x128xi32, #tpu.memory_space<hbm>>) target(%arg12 : memref<32x128xi32, #tpu.memory_space<vmem>>) target_semaphore(%run_scoped3A : memref<!tpu.dma_semaphore, #tpu.memory_space<semaphore_mem>>)
        %dma_wait3A = arith.constant 0 : i32
        %dma_wait3A_147 = tpu.memref_slice %arg4[%arg1, %multiple_of3A_133, %dma_wait3A] : memref<16x160x128xi32, #tpu.memory_space<hbm>> -> memref<1x32x128xi32, #tpu.memory_space<hbm>>
        %dma_wait3A_148 = tpu.memref_squeeze %dma_wait3A_147 : memref<1x32x128xi32, #tpu.memory_space<hbm>> -> memref<32x128xi32, #tpu.memory_space<hbm>>
        %dma_wait3A_149 = arith.constant 0 : i32
        %dma_wait3A_150 = tpu.memref_slice %arg4[%arg1, %multiple_of3A_133, %dma_wait3A_149] : memref<16x160x128xi32, #tpu.memory_space<hbm>> -> memref<1x32x128xi32, #tpu.memory_space<hbm>>
        %dma_wait3A_151 = tpu.memref_squeeze %dma_wait3A_150 : memref<1x32x128xi32, #tpu.memory_space<hbm>> -> memref<32x128xi32, #tpu.memory_space<hbm>>
        tpu.wait_dma2 semaphore(%run_scoped3A : memref<!tpu.dma_semaphore, #tpu.memory_space<semaphore_mem>>) src(%dma_wait3A_151 : memref<32x128xi32, #tpu.memory_space<hbm>>) dst(%arg12 : memref<32x128xi32, #tpu.memory_space<vmem>>)
        tpu.yield
      }) : () -> ()
      "tpu.region"() ({
        %run_scoped3A = tpu.sem_alloc : memref<!tpu.dma_semaphore, #tpu.memory_space<semaphore_mem>>
        %dma_start3A = arith.constant 0 : i32
        %dma_start3A_142 = tpu.memref_slice %arg5[%arg1, %multiple_of3A_133, %dma_start3A] : memref<16x160x128xf32, #tpu.memory_space<hbm>> -> memref<1x32x128xf32, #tpu.memory_space<hbm>>
        %dma_start3A_143 = tpu.memref_squeeze %dma_start3A_142 : memref<1x32x128xf32, #tpu.memory_space<hbm>> -> memref<32x128xf32, #tpu.memory_space<hbm>>
        %dma_start3A_144 = arith.constant 0 : i32
        %dma_start3A_145 = tpu.memref_slice %arg5[%arg1, %multiple_of3A_133, %dma_start3A_144] : memref<16x160x128xf32, #tpu.memory_space<hbm>> -> memref<1x32x128xf32, #tpu.memory_space<hbm>>
        %dma_start3A_146 = tpu.memref_squeeze %dma_start3A_145 : memref<1x32x128xf32, #tpu.memory_space<hbm>> -> memref<32x128xf32, #tpu.memory_space<hbm>>
        tpu.enqueue_dma source(%dma_start3A_146 : memref<32x128xf32, #tpu.memory_space<hbm>>) target(%arg8 : memref<32x128xf32, #tpu.memory_space<vmem>>) target_semaphore(%run_scoped3A : memref<!tpu.dma_semaphore, #tpu.memory_space<semaphore_mem>>)
        %dma_wait3A = arith.constant 0 : i32
        %dma_wait3A_147 = tpu.memref_slice %arg5[%arg1, %multiple_of3A_133, %dma_wait3A] : memref<16x160x128xf32, #tpu.memory_space<hbm>> -> memref<1x32x128xf32, #tpu.memory_space<hbm>>
        %dma_wait3A_148 = tpu.memref_squeeze %dma_wait3A_147 : memref<1x32x128xf32, #tpu.memory_space<hbm>> -> memref<32x128xf32, #tpu.memory_space<hbm>>
        %dma_wait3A_149 = arith.constant 0 : i32
        %dma_wait3A_150 = tpu.memref_slice %arg5[%arg1, %multiple_of3A_133, %dma_wait3A_149] : memref<16x160x128xf32, #tpu.memory_space<hbm>> -> memref<1x32x128xf32, #tpu.memory_space<hbm>>
        %dma_wait3A_151 = tpu.memref_squeeze %dma_wait3A_150 : memref<1x32x128xf32, #tpu.memory_space<hbm>> -> memref<32x128xf32, #tpu.memory_space<hbm>>
        tpu.wait_dma2 semaphore(%run_scoped3A : memref<!tpu.dma_semaphore, #tpu.memory_space<semaphore_mem>>) src(%dma_wait3A_151 : memref<32x128xf32, #tpu.memory_space<hbm>>) dst(%arg8 : memref<32x128xf32, #tpu.memory_space<vmem>>)
        tpu.yield
      }) : () -> ()
      %scan3A_134 = arith.constant 0 : i32
      %scan3A_135 = arith.constant 0 : i32
      %scan3A_136 = arith.constant 32 : i32
      %scan3A_137 = arith.addi %scan3A_135, %scan3A_136 : i32
      %scan3A_138 = arith.constant 1 : i32
      %scan3A_139 = scf.for %scan3A_142 = %scan3A_135 to %scan3A_137 step %scan3A_138 iter_args(%scan3A_143 = %scan3A_134) -> (i32)  : i32 {
        "tpu.region"() ({
          %run_scoped3A_153 = tpu.sem_alloc : memref<!tpu.dma_semaphore, #tpu.memory_space<semaphore_mem>>
          %dma_start3A = arith.constant 0 : i32
          %dma_start3A_154 = tpu.memref_slice %arg18[%scan3A_142, %dma_start3A] : memref<32x128xi32, #tpu.memory_space<vmem>> -> memref<1x128xi32, #tpu.memory_space<vmem>>
          %dma_start3A_155 = tpu.memref_squeeze %dma_start3A_154 : memref<1x128xi32, #tpu.memory_space<vmem>> -> memref<128xi32, #tpu.memory_space<vmem>>
          %dma_start3A_156 = arith.constant 0 : i32
          %dma_start3A_157 = arith.constant 0 : i32
          %dma_start3A_158 = tpu.memref_slice %arg2[%dma_start3A_156, %dma_start3A_157] : memref<10000x128xf32, #tpu.memory_space<hbm>> -> memref<10000x128xf32, #tpu.memory_space<hbm>>
          tpu.enqueue_indirect_dma source(%dma_start3A_158 : memref<10000x128xf32, #tpu.memory_space<hbm>>) target(%arg15 : memref<128x128xf32, #tpu.memory_space<vmem>>) offsets(%dma_start3A_155 : memref<128xi32, #tpu.memory_space<vmem>>) semaphore(%run_scoped3A_153 : memref<!tpu.dma_semaphore, #tpu.memory_space<semaphore_mem>>)
          %dma_wait3A = arith.constant 0 : i32
          %dma_wait3A_159 = tpu.memref_slice %arg18[%scan3A_142, %dma_wait3A] : memref<32x128xi32, #tpu.memory_space<vmem>> -> memref<1x128xi32, #tpu.memory_space<vmem>>
          %dma_wait3A_160 = tpu.memref_squeeze %dma_wait3A_159 : memref<1x128xi32, #tpu.memory_space<vmem>> -> memref<128xi32, #tpu.memory_space<vmem>>
          %dma_wait3A_161 = arith.constant 0 : i32
          %dma_wait3A_162 = arith.constant 0 : i32
          %dma_wait3A_163 = tpu.memref_slice %arg2[%dma_wait3A_161, %dma_wait3A_162] : memref<10000x128xf32, #tpu.memory_space<hbm>> -> memref<10000x128xf32, #tpu.memory_space<hbm>>
          tpu.wait_indirect_dma semaphore(%run_scoped3A_153 : memref<!tpu.dma_semaphore, #tpu.memory_space<semaphore_mem>>) src(%dma_wait3A_163 : memref<10000x128xf32, #tpu.memory_space<hbm>>) dst(%arg15 : memref<128x128xf32, #tpu.memory_space<vmem>>)
          tpu.yield
        }) : () -> ()
        %scan3A_144 = arith.constant 0 : i32
        %scan3A_145 = arith.constant 0 : i32
        %scan3A_146 = arith.constant 8 : i32
        %scan3A_147 = arith.addi %scan3A_145, %scan3A_146 : i32
        %scan3A_148 = arith.constant 1 : i32
        %scan3A_149 = scf.for %scan3A_153 = %scan3A_145 to %scan3A_147 step %scan3A_148 iter_args(%scan3A_154 = %scan3A_144) -> (i32)  : i32 {
          %mul3A_155 = arith.constant 16 : i32
          %mul3A_156 = arith.muli %scan3A_153, %mul3A_155 : i32
          %get3A = arith.index_cast %scan3A_142 : i32 to index
          %get3A_157 = arith.index_cast %mul3A_156 : i32 to index
          %get3A_158 = tpu.vector_load %arg8[%get3A, %get3A_157] {strides = array<i32>} : memref<32x128xf32, #tpu.memory_space<vmem>>, vector<1x16xf32>,
          %get3A_159 = vector.shape_cast %get3A_158 : vector<1x16xf32> to vector<16xf32>
          %get3A_160 = arith.index_cast %scan3A_142 : i32 to index
          %get3A_161 = arith.index_cast %mul3A_156 : i32 to index
          %get3A_162 = tpu.vector_load %arg18[%get3A_160, %get3A_161] {strides = array<i32>} : memref<32x128xi32, #tpu.memory_space<vmem>>, vector<1x16xi32>,
          %get3A_163 = vector.shape_cast %get3A_162 : vector<1x16xi32> to vector<16xi32>
          %get3A_164 = arith.index_cast %scan3A_142 : i32 to index
          %get3A_165 = arith.index_cast %mul3A_156 : i32 to index
          %get3A_166 = tpu.vector_load %arg12[%get3A_164, %get3A_165] {strides = array<i32>} : memref<32x128xi32, #tpu.memory_space<vmem>>, vector<1x16xi32>,
          %get3A_167 = vector.shape_cast %get3A_166 : vector<1x16xi32> to vector<16xi32>
          %sub3A = vector.broadcast %mul3A_0 : i32 to vector<16xi32>
          %sub3A_168 = arith.subi %get3A_167, %sub3A : vector<16xi32>
          %ge3A = arith.constant 0 : i32
          %ge3A_169 = vector.broadcast %ge3A : i32 to vector<16xi32>
          %ge3A_170 = arith.cmpi sge, %sub3A_168, %ge3A_169 : vector<16xi32>
          %lt3A = arith.constant 5000 : i32
          %lt3A_171 = vector.broadcast %lt3A : i32 to vector<16xi32>
          %lt3A_172 = arith.cmpi slt, %sub3A_168, %lt3A_171 : vector<16xi32>
          %and3A = arith.andi %ge3A_170, %lt3A_172 : vector<16xi1>
          %ne3A = arith.cmpi ne, %get3A_163, %get3A_167 : vector<16xi32>
          %and3A_173 = arith.andi %and3A, %ne3A : vector<16xi1>
          %exp3A = math.exp %get3A_159 : vector<16xf32>
          %jit3A = arith.constant 0.000000e+00 : f32
          %broadcast_in_dim3A_174 = vector.broadcast %jit3A : f32 to vector<16xf32>
          %select_n3A = arith.select %and3A_173, %exp3A, %broadcast_in_dim3A_174 : vector<16xi1>, vector<16xf32>
          %jit3A_175 = arith.constant 0.000000e+00 : f32
          %broadcast_in_dim3A_176 = vector.broadcast %jit3A_175 : f32 to vector<16xf32>
          %select_n3A_177 = arith.select %and3A, %get3A_159, %broadcast_in_dim3A_176 : vector<16xi1>, vector<16xf32>
          %jit3A_178 = arith.constant 0 : i32
          %broadcast_in_dim3A_179 = vector.broadcast %jit3A_178 : i32 to vector<16xi32>
          %select_n3A_180 = arith.select %and3A, %sub3A_168, %broadcast_in_dim3A_179 : vector<16xi1>, vector<16xi32>
          %swap3A_181 = arith.constant 0 : i32
          %swap3A_182 = arith.index_cast %swap3A_181 : i32 to index
          %swap3A_183 = arith.index_cast %mul3A_156 : i32 to index
          %swap3A_184 = tpu.vector_load %arg13[%swap3A_182, %swap3A_183] {strides = array<i32>} : memref<1x128xi32, #tpu.memory_space<vmem>>, vector<1x16xi32>,
          %swap3A_185 = vector.shape_cast %swap3A_184 : vector<1x16xi32> to vector<16xi32>
          %swap3A_186 = vector.shape_cast %select_n3A_180 : vector<16xi32> to vector<1x16xi32>
          tpu.vector_store %arg13[%swap3A_182, %swap3A_183], %swap3A_186 {strides = array<i32>} : memref<1x128xi32, #tpu.memory_space<vmem>>, vector<1x16xi32>,
          %mul3A_187 = arith.constant 16 : i32
          %mul3A_188 = arith.muli %scan3A_153, %mul3A_187 : i32
          %add3A_189 = arith.constant 0 : i32
          %add3A_190 = arith.addi %mul3A_188, %add3A_189 : i32
          %slice3A = vector.extract_strided_slice %select_n3A_177 {offsets = [0], sizes = [1], strides = [1]} : vector<16xf32> to vector<1xf32>
          %squeeze3A = vector.extract %slice3A[0] : f32 from vector<1xf32>
          %broadcast_in_dim3A_191 = vector.broadcast %squeeze3A : f32 to vector<16xf32>
          %swap3A_192 = arith.index_cast %add3A_190 : i32 to index
          %swap3A_193 = arith.constant 0 : index
          %swap3A_194 = tpu.vector_load %arg9[%swap3A_192, %swap3A_193] {strides = array<i32>} : memref<128x16xf32, #tpu.memory_space<vmem>>, vector<1x16xf32>,
          %swap3A_195 = vector.shape_cast %swap3A_194 : vector<1x16xf32> to vector<16xf32>
          %swap3A_196 = vector.shape_cast %broadcast_in_dim3A_191 : vector<16xf32> to vector<1x16xf32>
          tpu.vector_store %arg9[%swap3A_192, %swap3A_193], %swap3A_196 {strides = array<i32>} : memref<128x16xf32, #tpu.memory_space<vmem>>, vector<1x16xf32>,
          %slice3A_197 = vector.extract_strided_slice %select_n3A {offsets = [0], sizes = [1], strides = [1]} : vector<16xf32> to vector<1xf32>
          %squeeze3A_198 = vector.extract %slice3A_197[0] : f32 from vector<1xf32>
          %broadcast_in_dim3A_199 = vector.broadcast %squeeze3A_198 : f32 to vector<16xf32>
          %get3A_200 = arith.index_cast %add3A_190 : i32 to index
          %get3A_201 = arith.constant 0 : index
          %get3A_202 = tpu.vector_load %arg15[%get3A_200, %get3A_201] {strides = array<i32>} : memref<128x128xf32, #tpu.memory_space<vmem>>, vector<1x16xf32>,
          %get3A_203 = vector.shape_cast %get3A_202 : vector<1x16xf32> to vector<16xf32>
          %mul3A_204 = arith.mulf %get3A_203, %broadcast_in_dim3A_199 : vector<16xf32>
          %swap3A_205 = arith.index_cast %add3A_190 : i32 to index
          %swap3A_206 = arith.constant 0 : index
          %swap3A_207 = tpu.vector_load %arg15[%swap3A_205, %swap3A_206] {strides = array<i32>} : memref<128x128xf32, #tpu.memory_space<vmem>>, vector<1x16xf32>,
          %swap3A_208 = vector.shape_cast %swap3A_207 : vector<1x16xf32> to vector<16xf32>
          %swap3A_209 = vector.shape_cast %mul3A_204 : vector<16xf32> to vector<1x16xf32>
          tpu.vector_store %arg15[%swap3A_205, %swap3A_206], %swap3A_209 {strides = array<i32>} : memref<128x128xf32, #tpu.memory_space<vmem>>, vector<1x16xf32>,
          %get3A_210 = arith.index_cast %add3A_190 : i32 to index
          %get3A_211 = arith.constant 16 : index
          %get3A_212 = tpu.vector_load %arg15[%get3A_210, %get3A_211] {strides = array<i32>} : memref<128x128xf32, #tpu.memory_space<vmem>>, vector<1x16xf32>,
          %get3A_213 = vector.shape_cast %get3A_212 : vector<1x16xf32> to vector<16xf32>
          %mul3A_214 = arith.mulf %get3A_213, %broadcast_in_dim3A_199 : vector<16xf32>
          %swap3A_215 = arith.index_cast %add3A_190 : i32 to index
          %swap3A_216 = arith.constant 16 : index
          %swap3A_217 = tpu.vector_load %arg15[%swap3A_215, %swap3A_216] {strides = array<i32>} : memref<128x128xf32, #tpu.memory_space<vmem>>, vector<1x16xf32>,
          %swap3A_218 = vector.shape_cast %swap3A_217 : vector<1x16xf32> to vector<16xf32>
          %swap3A_219 = vector.shape_cast %mul3A_214 : vector<16xf32> to vector<1x16xf32>
          tpu.vector_store %arg15[%swap3A_215, %swap3A_216], %swap3A_219 {strides = array<i32>} : memref<128x128xf32, #tpu.memory_space<vmem>>, vector<1x16xf32>,
          %get3A_220 = arith.index_cast %add3A_190 : i32 to index
          %get3A_221 = arith.constant 32 : index
          %get3A_222 = tpu.vector_load %arg15[%get3A_220, %get3A_221] {strides = array<i32>} : memref<128x128xf32, #tpu.memory_space<vmem>>, vector<1x16xf32>,
          %get3A_223 = vector.shape_cast %get3A_222 : vector<1x16xf32> to vector<16xf32>
          %mul3A_224 = arith.mulf %get3A_223, %broadcast_in_dim3A_199 : vector<16xf32>
          %swap3A_225 = arith.index_cast %add3A_190 : i32 to index
          %swap3A_226 = arith.constant 32 : index
          %swap3A_227 = tpu.vector_load %arg15[%swap3A_225, %swap3A_226] {strides = array<i32>} : memref<128x128xf32, #tpu.memory_space<vmem>>, vector<1x16xf32>,
          %swap3A_228 = vector.shape_cast %swap3A_227 : vector<1x16xf32> to vector<16xf32>
          %swap3A_229 = vector.shape_cast %mul3A_224 : vector<16xf32> to vector<1x16xf32>
          tpu.vector_store %arg15[%swap3A_225, %swap3A_226], %swap3A_229 {strides = array<i32>} : memref<128x128xf32, #tpu.memory_space<vmem>>, vector<1x16xf32>,
          %get3A_230 = arith.index_cast %add3A_190 : i32 to index
          %get3A_231 = arith.constant 48 : index
          %get3A_232 = tpu.vector_load %arg15[%get3A_230, %get3A_231] {strides = array<i32>} : memref<128x128xf32, #tpu.memory_space<vmem>>, vector<1x16xf32>,
          %get3A_233 = vector.shape_cast %get3A_232 : vector<1x16xf32> to vector<16xf32>
          %mul3A_234 = arith.mulf %get3A_233, %broadcast_in_dim3A_199 : vector<16xf32>
          %swap3A_235 = arith.index_cast %add3A_190 : i32 to index
          %swap3A_236 = arith.constant 48 : index
          %swap3A_237 = tpu.vector_load %arg15[%swap3A_235, %swap3A_236] {strides = array<i32>} : memref<128x128xf32, #tpu.memory_space<vmem>>, vector<1x16xf32>,
          %swap3A_238 = vector.shape_cast %swap3A_237 : vector<1x16xf32> to vector<16xf32>
          %swap3A_239 = vector.shape_cast %mul3A_234 : vector<16xf32> to vector<1x16xf32>
          tpu.vector_store %arg15[%swap3A_235, %swap3A_236], %swap3A_239 {strides = array<i32>} : memref<128x128xf32, #tpu.memory_space<vmem>>, vector<1x16xf32>,
          %get3A_240 = arith.index_cast %add3A_190 : i32 to index
          %get3A_241 = arith.constant 64 : index
          %get3A_242 = tpu.vector_load %arg15[%get3A_240, %get3A_241] {strides = array<i32>} : memref<128x128xf32, #tpu.memory_space<vmem>>, vector<1x16xf32>,
          %get3A_243 = vector.shape_cast %get3A_242 : vector<1x16xf32> to vector<16xf32>
          %mul3A_244 = arith.mulf %get3A_243, %broadcast_in_dim3A_199 : vector<16xf32>
          %swap3A_245 = arith.index_cast %add3A_190 : i32 to index
          %swap3A_246 = arith.constant 64 : index
          %swap3A_247 = tpu.vector_load %arg15[%swap3A_245, %swap3A_246] {strides = array<i32>} : memref<128x128xf32, #tpu.memory_space<vmem>>, vector<1x16xf32>,
          %swap3A_248 = vector.shape_cast %swap3A_247 : vector<1x16xf32> to vector<16xf32>
          %swap3A_249 = vector.shape_cast %mul3A_244 : vector<16xf32> to vector<1x16xf32>
          tpu.vector_store %arg15[%swap3A_245, %swap3A_246], %swap3A_249 {strides = array<i32>} : memref<128x128xf32, #tpu.memory_space<vmem>>, vector<1x16xf32>,
          %get3A_250 = arith.index_cast %add3A_190 : i32 to index
          %get3A_251 = arith.constant 80 : index
          %get3A_252 = tpu.vector_load %arg15[%get3A_250, %get3A_251] {strides = array<i32>} : memref<128x128xf32, #tpu.memory_space<vmem>>, vector<1x16xf32>,
          %get3A_253 = vector.shape_cast %get3A_252 : vector<1x16xf32> to vector<16xf32>
          %mul3A_254 = arith.mulf %get3A_253, %broadcast_in_dim3A_199 : vector<16xf32>
          %swap3A_255 = arith.index_cast %add3A_190 : i32 to index
          %swap3A_256 = arith.constant 80 : index
          %swap3A_257 = tpu.vector_load %arg15[%swap3A_255, %swap3A_256] {strides = array<i32>} : memref<128x128xf32, #tpu.memory_space<vmem>>, vector<1x16xf32>,
          %swap3A_258 = vector.shape_cast %swap3A_257 : vector<1x16xf32> to vector<16xf32>
          %swap3A_259 = vector.shape_cast %mul3A_254 : vector<16xf32> to vector<1x16xf32>
          tpu.vector_store %arg15[%swap3A_255, %swap3A_256], %swap3A_259 {strides = array<i32>} : memref<128x128xf32, #tpu.memory_space<vmem>>, vector<1x16xf32>,
          %get3A_260 = arith.index_cast %add3A_190 : i32 to index
          %get3A_261 = arith.constant 96 : index
          %get3A_262 = tpu.vector_load %arg15[%get3A_260, %get3A_261] {strides = array<i32>} : memref<128x128xf32, #tpu.memory_space<vmem>>, vector<1x16xf32>,
          %get3A_263 = vector.shape_cast %get3A_262 : vector<1x16xf32> to vector<16xf32>
          %mul3A_264 = arith.mulf %get3A_263, %broadcast_in_dim3A_199 : vector<16xf32>
          %swap3A_265 = arith.index_cast %add3A_190 : i32 to index
          %swap3A_266 = arith.constant 96 : index
          %swap3A_267 = tpu.vector_load %arg15[%swap3A_265, %swap3A_266] {strides = array<i32>} : memref<128x128xf32, #tpu.memory_space<vmem>>, vector<1x16xf32>,
          %swap3A_268 = vector.shape_cast %swap3A_267 : vector<1x16xf32> to vector<16xf32>
          %swap3A_269 = vector.shape_cast %mul3A_264 : vector<16xf32> to vector<1x16xf32>
          tpu.vector_store %arg15[%swap3A_265, %swap3A_266], %swap3A_269 {strides = array<i32>} : memref<128x128xf32, #tpu.memory_space<vmem>>, vector<1x16xf32>,
          %get3A_270 = arith.index_cast %add3A_190 : i32 to index
          %get3A_271 = arith.constant 112 : index
          %get3A_272 = tpu.vector_load %arg15[%get3A_270, %get3A_271] {strides = array<i32>} : memref<128x128xf32, #tpu.memory_space<vmem>>, vector<1x16xf32>,
          %get3A_273 = vector.shape_cast %get3A_272 : vector<1x16xf32> to vector<16xf32>
          %mul3A_274 = arith.mulf %get3A_273, %broadcast_in_dim3A_199 : vector<16xf32>
          %swap3A_275 = arith.index_cast %add3A_190 : i32 to index
          %swap3A_276 = arith.constant 112 : index
          %swap3A_277 = tpu.vector_load %arg15[%swap3A_275, %swap3A_276] {strides = array<i32>} : memref<128x128xf32, #tpu.memory_space<vmem>>, vector<1x16xf32>,
          %swap3A_278 = vector.shape_cast %swap3A_277 : vector<1x16xf32> to vector<16xf32>
          %swap3A_279 = vector.shape_cast %mul3A_274 : vector<16xf32> to vector<1x16xf32>
          tpu.vector_store %arg15[%swap3A_275, %swap3A_276], %swap3A_279 {strides = array<i32>} : memref<128x128xf32, #tpu.memory_space<vmem>>, vector<1x16xf32>,
          %mul3A_280 = arith.constant 16 : i32
          %mul3A_281 = arith.muli %scan3A_153, %mul3A_280 : i32
          %add3A_282 = arith.constant 1 : i32
          %add3A_283 = arith.addi %mul3A_281, %add3A_282 : i32
          %slice3A_284 = vector.extract_strided_slice %select_n3A_177 {offsets = [1], sizes = [1], strides = [1]} : vector<16xf32> to vector<1xf32>
          %squeeze3A_285 = vector.extract %slice3A_284[0] : f32 from vector<1xf32>
          %broadcast_in_dim3A_286 = vector.broadcast %squeeze3A_285 : f32 to vector<16xf32>
          %swap3A_287 = arith.index_cast %add3A_283 : i32 to index
          %swap3A_288 = arith.constant 0 : index
          %swap3A_289 = tpu.vector_load %arg9[%swap3A_287, %swap3A_288] {strides = array<i32>} : memref<128x16xf32, #tpu.memory_space<vmem>>, vector<1x16xf32>,
          %swap3A_290 = vector.shape_cast %swap3A_289 : vector<1x16xf32> to vector<16xf32>
          %swap3A_291 = vector.shape_cast %broadcast_in_dim3A_286 : vector<16xf32> to vector<1x16xf32>
          tpu.vector_store %arg9[%swap3A_287, %swap3A_288], %swap3A_291 {strides = array<i32>} : memref<128x16xf32, #tpu.memory_space<vmem>>, vector<1x16xf32>,
          %slice3A_292 = vector.extract_strided_slice %select_n3A {offsets = [1], sizes = [1], strides = [1]} : vector<16xf32> to vector<1xf32>
          %squeeze3A_293 = vector.extract %slice3A_292[0] : f32 from vector<1xf32>
          %broadcast_in_dim3A_294 = vector.broadcast %squeeze3A_293 : f32 to vector<16xf32>
          %get3A_295 = arith.index_cast %add3A_283 : i32 to index
          %get3A_296 = arith.constant 0 : index
          %get3A_297 = tpu.vector_load %arg15[%get3A_295, %get3A_296] {strides = array<i32>} : memref<128x128xf32, #tpu.memory_space<vmem>>, vector<1x16xf32>,
          %get3A_298 = vector.shape_cast %get3A_297 : vector<1x16xf32> to vector<16xf32>
          %mul3A_299 = arith.mulf %get3A_298, %broadcast_in_dim3A_294 : vector<16xf32>
          %swap3A_300 = arith.index_cast %add3A_283 : i32 to index
          %swap3A_301 = arith.constant 0 : index
          %swap3A_302 = tpu.vector_load %arg15[%swap3A_300, %swap3A_301] {strides = array<i32>} : memref<128x128xf32, #tpu.memory_space<vmem>>, vector<1x16xf32>,
          %swap3A_303 = vector.shape_cast %swap3A_302 : vector<1x16xf32> to vector<16xf32>
          %swap3A_304 = vector.shape_cast %mul3A_299 : vector<16xf32> to vector<1x16xf32>
          tpu.vector_store %arg15[%swap3A_300, %swap3A_301], %swap3A_304 {strides = array<i32>} : memref<128x128xf32, #tpu.memory_space<vmem>>, vector<1x16xf32>,
          %get3A_305 = arith.index_cast %add3A_283 : i32 to index
          %get3A_306 = arith.constant 16 : index
          %get3A_307 = tpu.vector_load %arg15[%get3A_305, %get3A_306] {strides = array<i32>} : memref<128x128xf32, #tpu.memory_space<vmem>>, vector<1x16xf32>,
          %get3A_308 = vector.shape_cast %get3A_307 : vector<1x16xf32> to vector<16xf32>
          %mul3A_309 = arith.mulf %get3A_308, %broadcast_in_dim3A_294 : vector<16xf32>
          %swap3A_310 = arith.index_cast %add3A_283 : i32 to index
          %swap3A_311 = arith.constant 16 : index
          %swap3A_312 = tpu.vector_load %arg15[%swap3A_310, %swap3A_311] {strides = array<i32>} : memref<128x128xf32, #tpu.memory_space<vmem>>, vector<1x16xf32>,
          %swap3A_313 = vector.shape_cast %swap3A_312 : vector<1x16xf32> to vector<16xf32>
          %swap3A_314 = vector.shape_cast %mul3A_309 : vector<16xf32> to vector<1x16xf32>
          tpu.vector_store %arg15[%swap3A_310, %swap3A_311], %swap3A_314 {strides = array<i32>} : memref<128x128xf32, #tpu.memory_space<vmem>>, vector<1x16xf32>,
          %get3A_315 = arith.index_cast %add3A_283 : i32 to index
          %get3A_316 = arith.constant 32 : index
          %get3A_317 = tpu.vector_load %arg15[%get3A_315, %get3A_316] {strides = array<i32>} : memref<128x128xf32, #tpu.memory_space<vmem>>, vector<1x16xf32>,
          %get3A_318 = vector.shape_cast %get3A_317 : vector<1x16xf32> to vector<16xf32>
          %mul3A_319 = arith.mulf %get3A_318, %broadcast_in_dim3A_294 : vector<16xf32>
          %swap3A_320 = arith.index_cast %add3A_283 : i32 to index
          %swap3A_321 = arith.constant 32 : index
          %swap3A_322 = tpu.vector_load %arg15[%swap3A_320, %swap3A_321] {strides = array<i32>} : memref<128x128xf32, #tpu.memory_space<vmem>>, vector<1x16xf32>,
          %swap3A_323 = vector.shape_cast %swap3A_322 : vector<1x16xf32> to vector<16xf32>
          %swap3A_324 = vector.shape_cast %mul3A_319 : vector<16xf32> to vector<1x16xf32>
          tpu.vector_store %arg15[%swap3A_320, %swap3A_321], %swap3A_324 {strides = array<i32>} : memref<128x128xf32, #tpu.memory_space<vmem>>, vector<1x16xf32>,
          %get3A_325 = arith.index_cast %add3A_283 : i32 to index
          %get3A_326 = arith.constant 48 : index
          %get3A_327 = tpu.vector_load %arg15[%get3A_325, %get3A_326] {strides = array<i32>} : memref<128x128xf32, #tpu.memory_space<vmem>>, vector<1x16xf32>,
          %get3A_328 = vector.shape_cast %get3A_327 : vector<1x16xf32> to vector<16xf32>
          %mul3A_329 = arith.mulf %get3A_328, %broadcast_in_dim3A_294 : vector<16xf32>
          %swap3A_330 = arith.index_cast %add3A_283 : i32 to index
          %swap3A_331 = arith.constant 48 : index
          %swap3A_332 = tpu.vector_load %arg15[%swap3A_330, %swap3A_331] {strides = array<i32>} : memref<128x128xf32, #tpu.memory_space<vmem>>, vector<1x16xf32>,
          %swap3A_333 = vector.shape_cast %swap3A_332 : vector<1x16xf32> to vector<16xf32>
          %swap3A_334 = vector.shape_cast %mul3A_329 : vector<16xf32> to vector<1x16xf32>
          tpu.vector_store %arg15[%swap3A_330, %swap3A_331], %swap3A_334 {strides = array<i32>} : memref<128x128xf32, #tpu.memory_space<vmem>>, vector<1x16xf32>,
          %get3A_335 = arith.index_cast %add3A_283 : i32 to index
          %get3A_336 = arith.constant 64 : index
          %get3A_337 = tpu.vector_load %arg15[%get3A_335, %get3A_336] {strides = array<i32>} : memref<128x128xf32, #tpu.memory_space<vmem>>, vector<1x16xf32>,
          %get3A_338 = vector.shape_cast %get3A_337 : vector<1x16xf32> to vector<16xf32>
          %mul3A_339 = arith.mulf %get3A_338, %broadcast_in_dim3A_294 : vector<16xf32>
          %swap3A_340 = arith.index_cast %add3A_283 : i32 to index
          %swap3A_341 = arith.constant 64 : index
          %swap3A_342 = tpu.vector_load %arg15[%swap3A_340, %swap3A_341] {strides = array<i32>} : memref<128x128xf32, #tpu.memory_space<vmem>>, vector<1x16xf32>,
          %swap3A_343 = vector.shape_cast %swap3A_342 : vector<1x16xf32> to vector<16xf32>
          %swap3A_344 = vector.shape_cast %mul3A_339 : vector<16xf32> to vector<1x16xf32>
          tpu.vector_store %arg15[%swap3A_340, %swap3A_341], %swap3A_344 {strides = array<i32>} : memref<128x128xf32, #tpu.memory_space<vmem>>, vector<1x16xf32>,
          %get3A_345 = arith.index_cast %add3A_283 : i32 to index
          %get3A_346 = arith.constant 80 : index
          %get3A_347 = tpu.vector_load %arg15[%get3A_345, %get3A_346] {strides = array<i32>} : memref<128x128xf32, #tpu.memory_space<vmem>>, vector<1x16xf32>,
          %get3A_348 = vector.shape_cast %get3A_347 : vector<1x16xf32> to vector<16xf32>
          %mul3A_349 = arith.mulf %get3A_348, %broadcast_in_dim3A_294 : vector<16xf32>
          %swap3A_350 = arith.index_cast %add3A_283 : i32 to index
          %swap3A_351 = arith.constant 80 : index
          %swap3A_352 = tpu.vector_load %arg15[%swap3A_350, %swap3A_351] {strides = array<i32>} : memref<128x128xf32, #tpu.memory_space<vmem>>, vector<1x16xf32>,
          %swap3A_353 = vector.shape_cast %swap3A_352 : vector<1x16xf32> to vector<16xf32>
          %swap3A_354 = vector.shape_cast %mul3A_349 : vector<16xf32> to vector<1x16xf32>
          tpu.vector_store %arg15[%swap3A_350, %swap3A_351], %swap3A_354 {strides = array<i32>} : memref<128x128xf32, #tpu.memory_space<vmem>>, vector<1x16xf32>,
          %get3A_355 = arith.index_cast %add3A_283 : i32 to index
          %get3A_356 = arith.constant 96 : index
          %get3A_357 = tpu.vector_load %arg15[%get3A_355, %get3A_356] {strides = array<i32>} : memref<128x128xf32, #tpu.memory_space<vmem>>, vector<1x16xf32>,
          %get3A_358 = vector.shape_cast %get3A_357 : vector<1x16xf32> to vector<16xf32>
          %mul3A_359 = arith.mulf %get3A_358, %broadcast_in_dim3A_294 : vector<16xf32>
          %swap3A_360 = arith.index_cast %add3A_283 : i32 to index
          %swap3A_361 = arith.constant 96 : index
          %swap3A_362 = tpu.vector_load %arg15[%swap3A_360, %swap3A_361] {strides = array<i32>} : memref<128x128xf32, #tpu.memory_space<vmem>>, vector<1x16xf32>,
          %swap3A_363 = vector.shape_cast %swap3A_362 : vector<1x16xf32> to vector<16xf32>
          %swap3A_364 = vector.shape_cast %mul3A_359 : vector<16xf32> to vector<1x16xf32>
          tpu.vector_store %arg15[%swap3A_360, %swap3A_361], %swap3A_364 {strides = array<i32>} : memref<128x128xf32, #tpu.memory_space<vmem>>, vector<1x16xf32>,
          %get3A_365 = arith.index_cast %add3A_283 : i32 to index
          %get3A_366 = arith.constant 112 : index
          %get3A_367 = tpu.vector_load %arg15[%get3A_365, %get3A_366] {strides = array<i32>} : memref<128x128xf32, #tpu.memory_space<vmem>>, vector<1x16xf32>,
          %get3A_368 = vector.shape_cast %get3A_367 : vector<1x16xf32> to vector<16xf32>
          %mul3A_369 = arith.mulf %get3A_368, %broadcast_in_dim3A_294 : vector<16xf32>
          %swap3A_370 = arith.index_cast %add3A_283 : i32 to index
          %swap3A_371 = arith.constant 112 : index
          %swap3A_372 = tpu.vector_load %arg15[%swap3A_370, %swap3A_371] {strides = array<i32>} : memref<128x128xf32, #tpu.memory_space<vmem>>, vector<1x16xf32>,
          %swap3A_373 = vector.shape_cast %swap3A_372 : vector<1x16xf32> to vector<16xf32>
          %swap3A_374 = vector.shape_cast %mul3A_369 : vector<16xf32> to vector<1x16xf32>
          tpu.vector_store %arg15[%swap3A_370, %swap3A_371], %swap3A_374 {strides = array<i32>} : memref<128x128xf32, #tpu.memory_space<vmem>>, vector<1x16xf32>,
          %mul3A_375 = arith.constant 16 : i32
          %mul3A_376 = arith.muli %scan3A_153, %mul3A_375 : i32
          %add3A_377 = arith.constant 2 : i32
          %add3A_378 = arith.addi %mul3A_376, %add3A_377 : i32
          %slice3A_379 = vector.extract_strided_slice %select_n3A_177 {offsets = [2], sizes = [1], strides = [1]} : vector<16xf32> to vector<1xf32>
          %squeeze3A_380 = vector.extract %slice3A_379[0] : f32 from vector<1xf32>
          %broadcast_in_dim3A_381 = vector.broadcast %squeeze3A_380 : f32 to vector<16xf32>
          %swap3A_382 = arith.index_cast %add3A_378 : i32 to index
          %swap3A_383 = arith.constant 0 : index
          %swap3A_384 = tpu.vector_load %arg9[%swap3A_382, %swap3A_383] {strides = array<i32>} : memref<128x16xf32, #tpu.memory_space<vmem>>, vector<1x16xf32>,
          %swap3A_385 = vector.shape_cast %swap3A_384 : vector<1x16xf32> to vector<16xf32>
          %swap3A_386 = vector.shape_cast %broadcast_in_dim3A_381 : vector<16xf32> to vector<1x16xf32>
          tpu.vector_store %arg9[%swap3A_382, %swap3A_383], %swap3A_386 {strides = array<i32>} : memref<128x16xf32, #tpu.memory_space<vmem>>, vector<1x16xf32>,
          %slice3A_387 = vector.extract_strided_slice %select_n3A {offsets = [2], sizes = [1], strides = [1]} : vector<16xf32> to vector<1xf32>
          %squeeze3A_388 = vector.extract %slice3A_387[0] : f32 from vector<1xf32>
          %broadcast_in_dim3A_389 = vector.broadcast %squeeze3A_388 : f32 to vector<16xf32>
          %get3A_390 = arith.index_cast %add3A_378 : i32 to index
          %get3A_391 = arith.constant 0 : index
          %get3A_392 = tpu.vector_load %arg15[%get3A_390, %get3A_391] {strides = array<i32>} : memref<128x128xf32, #tpu.memory_space<vmem>>, vector<1x16xf32>,
          %get3A_393 = vector.shape_cast %get3A_392 : vector<1x16xf32> to vector<16xf32>
          %mul3A_394 = arith.mulf %get3A_393, %broadcast_in_dim3A_389 : vector<16xf32>
          %swap3A_395 = arith.index_cast %add3A_378 : i32 to index
          %swap3A_396 = arith.constant 0 : index
          %swap3A_397 = tpu.vector_load %arg15[%swap3A_395, %swap3A_396] {strides = array<i32>} : memref<128x128xf32, #tpu.memory_space<vmem>>, vector<1x16xf32>,
          %swap3A_398 = vector.shape_cast %swap3A_397 : vector<1x16xf32> to vector<16xf32>
          %swap3A_399 = vector.shape_cast %mul3A_394 : vector<16xf32> to vector<1x16xf32>
          tpu.vector_store %arg15[%swap3A_395, %swap3A_396], %swap3A_399 {strides = array<i32>} : memref<128x128xf32, #tpu.memory_space<vmem>>, vector<1x16xf32>,
          %get3A_400 = arith.index_cast %add3A_378 : i32 to index
          %get3A_401 = arith.constant 16 : index
          %get3A_402 = tpu.vector_load %arg15[%get3A_400, %get3A_401] {strides = array<i32>} : memref<128x128xf32, #tpu.memory_space<vmem>>, vector<1x16xf32>,
          %get3A_403 = vector.shape_cast %get3A_402 : vector<1x16xf32> to vector<16xf32>
          %mul3A_404 = arith.mulf %get3A_403, %broadcast_in_dim3A_389 : vector<16xf32>
          %swap3A_405 = arith.index_cast %add3A_378 : i32 to index
          %swap3A_406 = arith.constant 16 : index
          %swap3A_407 = tpu.vector_load %arg15[%swap3A_405, %swap3A_406] {strides = array<i32>} : memref<128x128xf32, #tpu.memory_space<vmem>>, vector<1x16xf32>,
          %swap3A_408 = vector.shape_cast %swap3A_407 : vector<1x16xf32> to vector<16xf32>
          %swap3A_409 = vector.shape_cast %mul3A_404 : vector<16xf32> to vector<1x16xf32>
          tpu.vector_store %arg15[%swap3A_405, %swap3A_406], %swap3A_409 {strides = array<i32>} : memref<128x128xf32, #tpu.memory_space<vmem>>, vector<1x16xf32>,
          %get3A_410 = arith.index_cast %add3A_378 : i32 to index
          %get3A_411 = arith.constant 32 : index
          %get3A_412 = tpu.vector_load %arg15[%get3A_410, %get3A_411] {strides = array<i32>} : memref<128x128xf32, #tpu.memory_space<vmem>>, vector<1x16xf32>,
          %get3A_413 = vector.shape_cast %get3A_412 : vector<1x16xf32> to vector<16xf32>
          %mul3A_414 = arith.mulf %get3A_413, %broadcast_in_dim3A_389 : vector<16xf32>
          %swap3A_415 = arith.index_cast %add3A_378 : i32 to index
          %swap3A_416 = arith.constant 32 : index
          %swap3A_417 = tpu.vector_load %arg15[%swap3A_415, %swap3A_416] {strides = array<i32>} : memref<128x128xf32, #tpu.memory_space<vmem>>, vector<1x16xf32>,
          %swap3A_418 = vector.shape_cast %swap3A_417 : vector<1x16xf32> to vector<16xf32>
          %swap3A_419 = vector.shape_cast %mul3A_414 : vector<16xf32> to vector<1x16xf32>
          tpu.vector_store %arg15[%swap3A_415, %swap3A_416], %swap3A_419 {strides = array<i32>} : memref<128x128xf32, #tpu.memory_space<vmem>>, vector<1x16xf32>,
          %get3A_420 = arith.index_cast %add3A_378 : i32 to index
          %get3A_421 = arith.constant 48 : index
          %get3A_422 = tpu.vector_load %arg15[%get3A_420, %get3A_421] {strides = array<i32>} : memref<128x128xf32, #tpu.memory_space<vmem>>, vector<1x16xf32>,
          %get3A_423 = vector.shape_cast %get3A_422 : vector<1x16xf32> to vector<16xf32>
          %mul3A_424 = arith.mulf %get3A_423, %broadcast_in_dim3A_389 : vector<16xf32>
          %swap3A_425 = arith.index_cast %add3A_378 : i32 to index
          %swap3A_426 = arith.constant 48 : index
          %swap3A_427 = tpu.vector_load %arg15[%swap3A_425, %swap3A_426] {strides = array<i32>} : memref<128x128xf32, #tpu.memory_space<vmem>>, vector<1x16xf32>,
          %swap3A_428 = vector.shape_cast %swap3A_427 : vector<1x16xf32> to vector<16xf32>
          %swap3A_429 = vector.shape_cast %mul3A_424 : vector<16xf32> to vector<1x16xf32>
          tpu.vector_store %arg15[%swap3A_425, %swap3A_426], %swap3A_429 {strides = array<i32>} : memref<128x128xf32, #tpu.memory_space<vmem>>, vector<1x16xf32>,
          %get3A_430 = arith.index_cast %add3A_378 : i32 to index
          %get3A_431 = arith.constant 64 : index
          %get3A_432 = tpu.vector_load %arg15[%get3A_430, %get3A_431] {strides = array<i32>} : memref<128x128xf32, #tpu.memory_space<vmem>>, vector<1x16xf32>,
          %get3A_433 = vector.shape_cast %get3A_432 : vector<1x16xf32> to vector<16xf32>
          %mul3A_434 = arith.mulf %get3A_433, %broadcast_in_dim3A_389 : vector<16xf32>
          %swap3A_435 = arith.index_cast %add3A_378 : i32 to index
          %swap3A_436 = arith.constant 64 : index
          %swap3A_437 = tpu.vector_load %arg15[%swap3A_435, %swap3A_436] {strides = array<i32>} : memref<128x128xf32, #tpu.memory_space<vmem>>, vector<1x16xf32>,
          %swap3A_438 = vector.shape_cast %swap3A_437 : vector<1x16xf32> to vector<16xf32>
          %swap3A_439 = vector.shape_cast %mul3A_434 : vector<16xf32> to vector<1x16xf32>
          tpu.vector_store %arg15[%swap3A_435, %swap3A_436], %swap3A_439 {strides = array<i32>} : memref<128x128xf32, #tpu.memory_space<vmem>>, vector<1x16xf32>,
          %get3A_440 = arith.index_cast %add3A_378 : i32 to index
          %get3A_441 = arith.constant 80 : index
          %get3A_442 = tpu.vector_load %arg15[%get3A_440, %get3A_441] {strides = array<i32>} : memref<128x128xf32, #tpu.memory_space<vmem>>, vector<1x16xf32>,
          %get3A_443 = vector.shape_cast %get3A_442 : vector<1x16xf32> to vector<16xf32>
          %mul3A_444 = arith.mulf %get3A_443, %broadcast_in_dim3A_389 : vector<16xf32>
          %swap3A_445 = arith.index_cast %add3A_378 : i32 to index
          %swap3A_446 = arith.constant 80 : index
          %swap3A_447 = tpu.vector_load %arg15[%swap3A_445, %swap3A_446] {strides = array<i32>} : memref<128x128xf32, #tpu.memory_space<vmem>>, vector<1x16xf32>,
          %swap3A_448 = vector.shape_cast %swap3A_447 : vector<1x16xf32> to vector<16xf32>
          %swap3A_449 = vector.shape_cast %mul3A_444 : vector<16xf32> to vector<1x16xf32>
          tpu.vector_store %arg15[%swap3A_445, %swap3A_446], %swap3A_449 {strides = array<i32>} : memref<128x128xf32, #tpu.memory_space<vmem>>, vector<1x16xf32>,
          %get3A_450 = arith.index_cast %add3A_378 : i32 to index
          %get3A_451 = arith.constant 96 : index
          %get3A_452 = tpu.vector_load %arg15[%get3A_450, %get3A_451] {strides = array<i32>} : memref<128x128xf32, #tpu.memory_space<vmem>>, vector<1x16xf32>,
          %get3A_453 = vector.shape_cast %get3A_452 : vector<1x16xf32> to vector<16xf32>
          %mul3A_454 = arith.mulf %get3A_453, %broadcast_in_dim3A_389 : vector<16xf32>
          %swap3A_455 = arith.index_cast %add3A_378 : i32 to index
          %swap3A_456 = arith.constant 96 : index
          %swap3A_457 = tpu.vector_load %arg15[%swap3A_455, %swap3A_456] {strides = array<i32>} : memref<128x128xf32, #tpu.memory_space<vmem>>, vector<1x16xf32>,
          %swap3A_458 = vector.shape_cast %swap3A_457 : vector<1x16xf32> to vector<16xf32>
          %swap3A_459 = vector.shape_cast %mul3A_454 : vector<16xf32> to vector<1x16xf32>
          tpu.vector_store %arg15[%swap3A_455, %swap3A_456], %swap3A_459 {strides = array<i32>} : memref<128x128xf32, #tpu.memory_space<vmem>>, vector<1x16xf32>,
          %get3A_460 = arith.index_cast %add3A_378 : i32 to index
          %get3A_461 = arith.constant 112 : index
          %get3A_462 = tpu.vector_load %arg15[%get3A_460, %get3A_461] {strides = array<i32>} : memref<128x128xf32, #tpu.memory_space<vmem>>, vector<1x16xf32>,
          %get3A_463 = vector.shape_cast %get3A_462 : vector<1x16xf32> to vector<16xf32>
          %mul3A_464 = arith.mulf %get3A_463, %broadcast_in_dim3A_389 : vector<16xf32>
          %swap3A_465 = arith.index_cast %add3A_378 : i32 to index
          %swap3A_466 = arith.constant 112 : index
          %swap3A_467 = tpu.vector_load %arg15[%swap3A_465, %swap3A_466] {strides = array<i32>} : memref<128x128xf32, #tpu.memory_space<vmem>>, vector<1x16xf32>,
          %swap3A_468 = vector.shape_cast %swap3A_467 : vector<1x16xf32> to vector<16xf32>
          %swap3A_469 = vector.shape_cast %mul3A_464 : vector<16xf32> to vector<1x16xf32>
          tpu.vector_store %arg15[%swap3A_465, %swap3A_466], %swap3A_469 {strides = array<i32>} : memref<128x128xf32, #tpu.memory_space<vmem>>, vector<1x16xf32>,
          %mul3A_470 = arith.constant 16 : i32
          %mul3A_471 = arith.muli %scan3A_153, %mul3A_470 : i32
          %add3A_472 = arith.constant 3 : i32
          %add3A_473 = arith.addi %mul3A_471, %add3A_472 : i32
          %slice3A_474 = vector.extract_strided_slice %select_n3A_177 {offsets = [3], sizes = [1], strides = [1]} : vector<16xf32> to vector<1xf32>
          %squeeze3A_475 = vector.extract %slice3A_474[0] : f32 from vector<1xf32>
          %broadcast_in_dim3A_476 = vector.broadcast %squeeze3A_475 : f32 to vector<16xf32>
          %swap3A_477 = arith.index_cast %add3A_473 : i32 to index
          %swap3A_478 = arith.constant 0 : index
          %swap3A_479 = tpu.vector_load %arg9[%swap3A_477, %swap3A_478] {strides = array<i32>} : memref<128x16xf32, #tpu.memory_space<vmem>>, vector<1x16xf32>,
          %swap3A_480 = vector.shape_cast %swap3A_479 : vector<1x16xf32> to vector<16xf32>
          %swap3A_481 = vector.shape_cast %broadcast_in_dim3A_476 : vector<16xf32> to vector<1x16xf32>
          tpu.vector_store %arg9[%swap3A_477, %swap3A_478], %swap3A_481 {strides = array<i32>} : memref<128x16xf32, #tpu.memory_space<vmem>>, vector<1x16xf32>,
          %slice3A_482 = vector.extract_strided_slice %select_n3A {offsets = [3], sizes = [1], strides = [1]} : vector<16xf32> to vector<1xf32>
          %squeeze3A_483 = vector.extract %slice3A_482[0] : f32 from vector<1xf32>
          %broadcast_in_dim3A_484 = vector.broadcast %squeeze3A_483 : f32 to vector<16xf32>
          %get3A_485 = arith.index_cast %add3A_473 : i32 to index
          %get3A_486 = arith.constant 0 : index
          %get3A_487 = tpu.vector_load %arg15[%get3A_485, %get3A_486] {strides = array<i32>} : memref<128x128xf32, #tpu.memory_space<vmem>>, vector<1x16xf32>,
          %get3A_488 = vector.shape_cast %get3A_487 : vector<1x16xf32> to vector<16xf32>
          %mul3A_489 = arith.mulf %get3A_488, %broadcast_in_dim3A_484 : vector<16xf32>
          %swap3A_490 = arith.index_cast %add3A_473 : i32 to index
          %swap3A_491 = arith.constant 0 : index
          %swap3A_492 = tpu.vector_load %arg15[%swap3A_490, %swap3A_491] {strides = array<i32>} : memref<128x128xf32, #tpu.memory_space<vmem>>, vector<1x16xf32>,
          %swap3A_493 = vector.shape_cast %swap3A_492 : vector<1x16xf32> to vector<16xf32>
          %swap3A_494 = vector.shape_cast %mul3A_489 : vector<16xf32> to vector<1x16xf32>
          tpu.vector_store %arg15[%swap3A_490, %swap3A_491], %swap3A_494 {strides = array<i32>} : memref<128x128xf32, #tpu.memory_space<vmem>>, vector<1x16xf32>,
          %get3A_495 = arith.index_cast %add3A_473 : i32 to index
          %get3A_496 = arith.constant 16 : index
          %get3A_497 = tpu.vector_load %arg15[%get3A_495, %get3A_496] {strides = array<i32>} : memref<128x128xf32, #tpu.memory_space<vmem>>, vector<1x16xf32>,
          %get3A_498 = vector.shape_cast %get3A_497 : vector<1x16xf32> to vector<16xf32>
          %mul3A_499 = arith.mulf %get3A_498, %broadcast_in_dim3A_484 : vector<16xf32>
          %swap3A_500 = arith.index_cast %add3A_473 : i32 to index
          %swap3A_501 = arith.constant 16 : index
          %swap3A_502 = tpu.vector_load %arg15[%swap3A_500, %swap3A_501] {strides = array<i32>} : memref<128x128xf32, #tpu.memory_space<vmem>>, vector<1x16xf32>,
          %swap3A_503 = vector.shape_cast %swap3A_502 : vector<1x16xf32> to vector<16xf32>
          %swap3A_504 = vector.shape_cast %mul3A_499 : vector<16xf32> to vector<1x16xf32>
          tpu.vector_store %arg15[%swap3A_500, %swap3A_501], %swap3A_504 {strides = array<i32>} : memref<128x128xf32, #tpu.memory_space<vmem>>, vector<1x16xf32>,
          %get3A_505 = arith.index_cast %add3A_473 : i32 to index
          %get3A_506 = arith.constant 32 : index
          %get3A_507 = tpu.vector_load %arg15[%get3A_505, %get3A_506] {strides = array<i32>} : memref<128x128xf32, #tpu.memory_space<vmem>>, vector<1x16xf32>,
          %get3A_508 = vector.shape_cast %get3A_507 : vector<1x16xf32> to vector<16xf32>
          %mul3A_509 = arith.mulf %get3A_508, %broadcast_in_dim3A_484 : vector<16xf32>
          %swap3A_510 = arith.index_cast %add3A_473 : i32 to index
          %swap3A_511 = arith.constant 32 : index
          %swap3A_512 = tpu.vector_load %arg15[%swap3A_510, %swap3A_511] {strides = array<i32>} : memref<128x128xf32, #tpu.memory_space<vmem>>, vector<1x16xf32>,
          %swap3A_513 = vector.shape_cast %swap3A_512 : vector<1x16xf32> to vector<16xf32>
          %swap3A_514 = vector.shape_cast %mul3A_509 : vector<16xf32> to vector<1x16xf32>
          tpu.vector_store %arg15[%swap3A_510, %swap3A_511], %swap3A_514 {strides = array<i32>} : memref<128x128xf32, #tpu.memory_space<vmem>>, vector<1x16xf32>,
          %get3A_515 = arith.index_cast %add3A_473 : i32 to index
          %get3A_516 = arith.constant 48 : index
          %get3A_517 = tpu.vector_load %arg15[%get3A_515, %get3A_516] {strides = array<i32>} : memref<128x128xf32, #tpu.memory_space<vmem>>, vector<1x16xf32>,
          %get3A_518 = vector.shape_cast %get3A_517 : vector<1x16xf32> to vector<16xf32>
          %mul3A_519 = arith.mulf %get3A_518, %broadcast_in_dim3A_484 : vector<16xf32>
          %swap3A_520 = arith.index_cast %add3A_473 : i32 to index
          %swap3A_521 = arith.constant 48 : index
          %swap3A_522 = tpu.vector_load %arg15[%swap3A_520, %swap3A_521] {strides = array<i32>} : memref<128x128xf32, #tpu.memory_space<vmem>>, vector<1x16xf32>,
          %swap3A_523 = vector.shape_cast %swap3A_522 : vector<1x16xf32> to vector<16xf32>
          %swap3A_524 = vector.shape_cast %mul3A_519 : vector<16xf32> to vector<1x16xf32>
          tpu.vector_store %arg15[%swap3A_520, %swap3A_521], %swap3A_524 {strides = array<i32>} : memref<128x128xf32, #tpu.memory_space<vmem>>, vector<1x16xf32>,
          %get3A_525 = arith.index_cast %add3A_473 : i32 to index
          %get3A_526 = arith.constant 64 : index
          %get3A_527 = tpu.vector_load %arg15[%get3A_525, %get3A_526] {strides = array<i32>} : memref<128x128xf32, #tpu.memory_space<vmem>>, vector<1x16xf32>,
          %get3A_528 = vector.shape_cast %get3A_527 : vector<1x16xf32> to vector<16xf32>
          %mul3A_529 = arith.mulf %get3A_528, %broadcast_in_dim3A_484 : vector<16xf32>
          %swap3A_530 = arith.index_cast %add3A_473 : i32 to index
          %swap3A_531 = arith.constant 64 : index
          %swap3A_532 = tpu.vector_load %arg15[%swap3A_530, %swap3A_531] {strides = array<i32>} : memref<128x128xf32, #tpu.memory_space<vmem>>, vector<1x16xf32>,
          %swap3A_533 = vector.shape_cast %swap3A_532 : vector<1x16xf32> to vector<16xf32>
          %swap3A_534 = vector.shape_cast %mul3A_529 : vector<16xf32> to vector<1x16xf32>
          tpu.vector_store %arg15[%swap3A_530, %swap3A_531], %swap3A_534 {strides = array<i32>} : memref<128x128xf32, #tpu.memory_space<vmem>>, vector<1x16xf32>,
          %get3A_535 = arith.index_cast %add3A_473 : i32 to index
          %get3A_536 = arith.constant 80 : index
          %get3A_537 = tpu.vector_load %arg15[%get3A_535, %get3A_536] {strides = array<i32>} : memref<128x128xf32, #tpu.memory_space<vmem>>, vector<1x16xf32>,
          %get3A_538 = vector.shape_cast %get3A_537 : vector<1x16xf32> to vector<16xf32>
          %mul3A_539 = arith.mulf %get3A_538, %broadcast_in_dim3A_484 : vector<16xf32>
          %swap3A_540 = arith.index_cast %add3A_473 : i32 to index
          %swap3A_541 = arith.constant 80 : index
          %swap3A_542 = tpu.vector_load %arg15[%swap3A_540, %swap3A_541] {strides = array<i32>} : memref<128x128xf32, #tpu.memory_space<vmem>>, vector<1x16xf32>,
          %swap3A_543 = vector.shape_cast %swap3A_542 : vector<1x16xf32> to vector<16xf32>
          %swap3A_544 = vector.shape_cast %mul3A_539 : vector<16xf32> to vector<1x16xf32>
          tpu.vector_store %arg15[%swap3A_540, %swap3A_541], %swap3A_544 {strides = array<i32>} : memref<128x128xf32, #tpu.memory_space<vmem>>, vector<1x16xf32>,
          %get3A_545 = arith.index_cast %add3A_473 : i32 to index
          %get3A_546 = arith.constant 96 : index
          %get3A_547 = tpu.vector_load %arg15[%get3A_545, %get3A_546] {strides = array<i32>} : memref<128x128xf32, #tpu.memory_space<vmem>>, vector<1x16xf32>,
          %get3A_548 = vector.shape_cast %get3A_547 : vector<1x16xf32> to vector<16xf32>
          %mul3A_549 = arith.mulf %get3A_548, %broadcast_in_dim3A_484 : vector<16xf32>
          %swap3A_550 = arith.index_cast %add3A_473 : i32 to index
          %swap3A_551 = arith.constant 96 : index
          %swap3A_552 = tpu.vector_load %arg15[%swap3A_550, %swap3A_551] {strides = array<i32>} : memref<128x128xf32, #tpu.memory_space<vmem>>, vector<1x16xf32>,
          %swap3A_553 = vector.shape_cast %swap3A_552 : vector<1x16xf32> to vector<16xf32>
          %swap3A_554 = vector.shape_cast %mul3A_549 : vector<16xf32> to vector<1x16xf32>
          tpu.vector_store %arg15[%swap3A_550, %swap3A_551], %swap3A_554 {strides = array<i32>} : memref<128x128xf32, #tpu.memory_space<vmem>>, vector<1x16xf32>,
          %get3A_555 = arith.index_cast %add3A_473 : i32 to index
          %get3A_556 = arith.constant 112 : index
          %get3A_557 = tpu.vector_load %arg15[%get3A_555, %get3A_556] {strides = array<i32>} : memref<128x128xf32, #tpu.memory_space<vmem>>, vector<1x16xf32>,
          %get3A_558 = vector.shape_cast %get3A_557 : vector<1x16xf32> to vector<16xf32>
          %mul3A_559 = arith.mulf %get3A_558, %broadcast_in_dim3A_484 : vector<16xf32>
          %swap3A_560 = arith.index_cast %add3A_473 : i32 to index
          %swap3A_561 = arith.constant 112 : index
          %swap3A_562 = tpu.vector_load %arg15[%swap3A_560, %swap3A_561] {strides = array<i32>} : memref<128x128xf32, #tpu.memory_space<vmem>>, vector<1x16xf32>,
          %swap3A_563 = vector.shape_cast %swap3A_562 : vector<1x16xf32> to vector<16xf32>
          %swap3A_564 = vector.shape_cast %mul3A_559 : vector<16xf32> to vector<1x16xf32>
          tpu.vector_store %arg15[%swap3A_560, %swap3A_561], %swap3A_564 {strides = array<i32>} : memref<128x128xf32, #tpu.memory_space<vmem>>, vector<1x16xf32>,
          %mul3A_565 = arith.constant 16 : i32
          %mul3A_566 = arith.muli %scan3A_153, %mul3A_565 : i32
          %add3A_567 = arith.constant 4 : i32
          %add3A_568 = arith.addi %mul3A_566, %add3A_567 : i32
          %slice3A_569 = vector.extract_strided_slice %select_n3A_177 {offsets = [4], sizes = [1], strides = [1]} : vector<16xf32> to vector<1xf32>
          %squeeze3A_570 = vector.extract %slice3A_569[0] : f32 from vector<1xf32>
          %broadcast_in_dim3A_571 = vector.broadcast %squeeze3A_570 : f32 to vector<16xf32>
          %swap3A_572 = arith.index_cast %add3A_568 : i32 to index
          %swap3A_573 = arith.constant 0 : index
          %swap3A_574 = tpu.vector_load %arg9[%swap3A_572, %swap3A_573] {strides = array<i32>} : memref<128x16xf32, #tpu.memory_space<vmem>>, vector<1x16xf32>,
          %swap3A_575 = vector.shape_cast %swap3A_574 : vector<1x16xf32> to vector<16xf32>
          %swap3A_576 = vector.shape_cast %broadcast_in_dim3A_571 : vector<16xf32> to vector<1x16xf32>
          tpu.vector_store %arg9[%swap3A_572, %swap3A_573], %swap3A_576 {strides = array<i32>} : memref<128x16xf32, #tpu.memory_space<vmem>>, vector<1x16xf32>,
          %slice3A_577 = vector.extract_strided_slice %select_n3A {offsets = [4], sizes = [1], strides = [1]} : vector<16xf32> to vector<1xf32>
          %squeeze3A_578 = vector.extract %slice3A_577[0] : f32 from vector<1xf32>
          %broadcast_in_dim3A_579 = vector.broadcast %squeeze3A_578 : f32 to vector<16xf32>
          %get3A_580 = arith.index_cast %add3A_568 : i32 to index
          %get3A_581 = arith.constant 0 : index
          %get3A_582 = tpu.vector_load %arg15[%get3A_580, %get3A_581] {strides = array<i32>} : memref<128x128xf32, #tpu.memory_space<vmem>>, vector<1x16xf32>,
          %get3A_583 = vector.shape_cast %get3A_582 : vector<1x16xf32> to vector<16xf32>
          %mul3A_584 = arith.mulf %get3A_583, %broadcast_in_dim3A_579 : vector<16xf32>
          %swap3A_585 = arith.index_cast %add3A_568 : i32 to index
          %swap3A_586 = arith.constant 0 : index
          %swap3A_587 = tpu.vector_load %arg15[%swap3A_585, %swap3A_586] {strides = array<i32>} : memref<128x128xf32, #tpu.memory_space<vmem>>, vector<1x16xf32>,
          %swap3A_588 = vector.shape_cast %swap3A_587 : vector<1x16xf32> to vector<16xf32>
          %swap3A_589 = vector.shape_cast %mul3A_584 : vector<16xf32> to vector<1x16xf32>
          tpu.vector_store %arg15[%swap3A_585, %swap3A_586], %swap3A_589 {strides = array<i32>} : memref<128x128xf32, #tpu.memory_space<vmem>>, vector<1x16xf32>,
          %get3A_590 = arith.index_cast %add3A_568 : i32 to index
          %get3A_591 = arith.constant 16 : index
          %get3A_592 = tpu.vector_load %arg15[%get3A_590, %get3A_591] {strides = array<i32>} : memref<128x128xf32, #tpu.memory_space<vmem>>, vector<1x16xf32>,
          %get3A_593 = vector.shape_cast %get3A_592 : vector<1x16xf32> to vector<16xf32>
          %mul3A_594 = arith.mulf %get3A_593, %broadcast_in_dim3A_579 : vector<16xf32>
          %swap3A_595 = arith.index_cast %add3A_568 : i32 to index
          %swap3A_596 = arith.constant 16 : index
          %swap3A_597 = tpu.vector_load %arg15[%swap3A_595, %swap3A_596] {strides = array<i32>} : memref<128x128xf32, #tpu.memory_space<vmem>>, vector<1x16xf32>,
          %swap3A_598 = vector.shape_cast %swap3A_597 : vector<1x16xf32> to vector<16xf32>
          %swap3A_599 = vector.shape_cast %mul3A_594 : vector<16xf32> to vector<1x16xf32>
          tpu.vector_store %arg15[%swap3A_595, %swap3A_596], %swap3A_599 {strides = array<i32>} : memref<128x128xf32, #tpu.memory_space<vmem>>, vector<1x16xf32>,
          %get3A_600 = arith.index_cast %add3A_568 : i32 to index
          %get3A_601 = arith.constant 32 : index
          %get3A_602 = tpu.vector_load %arg15[%get3A_600, %get3A_601] {strides = array<i32>} : memref<128x128xf32, #tpu.memory_space<vmem>>, vector<1x16xf32>,
          %get3A_603 = vector.shape_cast %get3A_602 : vector<1x16xf32> to vector<16xf32>
          %mul3A_604 = arith.mulf %get3A_603, %broadcast_in_dim3A_579 : vector<16xf32>
          %swap3A_605 = arith.index_cast %add3A_568 : i32 to index
          %swap3A_606 = arith.constant 32 : index
          %swap3A_607 = tpu.vector_load %arg15[%swap3A_605, %swap3A_606] {strides = array<i32>} : memref<128x128xf32, #tpu.memory_space<vmem>>, vector<1x16xf32>,
          %swap3A_608 = vector.shape_cast %swap3A_607 : vector<1x16xf32> to vector<16xf32>
          %swap3A_609 = vector.shape_cast %mul3A_604 : vector<16xf32> to vector<1x16xf32>
          tpu.vector_store %arg15[%swap3A_605, %swap3A_606], %swap3A_609 {strides = array<i32>} : memref<128x128xf32, #tpu.memory_space<vmem>>, vector<1x16xf32>,
          %get3A_610 = arith.index_cast %add3A_568 : i32 to index
          %get3A_611 = arith.constant 48 : index
          %get3A_612 = tpu.vector_load %arg15[%get3A_610, %get3A_611] {strides = array<i32>} : memref<128x128xf32, #tpu.memory_space<vmem>>, vector<1x16xf32>,
          %get3A_613 = vector.shape_cast %get3A_612 : vector<1x16xf32> to vector<16xf32>
          %mul3A_614 = arith.mulf %get3A_613, %broadcast_in_dim3A_579 : vector<16xf32>
          %swap3A_615 = arith.index_cast %add3A_568 : i32 to index
          %swap3A_616 = arith.constant 48 : index
          %swap3A_617 = tpu.vector_load %arg15[%swap3A_615, %swap3A_616] {strides = array<i32>} : memref<128x128xf32, #tpu.memory_space<vmem>>, vector<1x16xf32>,
          %swap3A_618 = vector.shape_cast %swap3A_617 : vector<1x16xf32> to vector<16xf32>
          %swap3A_619 = vector.shape_cast %mul3A_614 : vector<16xf32> to vector<1x16xf32>
          tpu.vector_store %arg15[%swap3A_615, %swap3A_616], %swap3A_619 {strides = array<i32>} : memref<128x128xf32, #tpu.memory_space<vmem>>, vector<1x16xf32>,
          %get3A_620 = arith.index_cast %add3A_568 : i32 to index
          %get3A_621 = arith.constant 64 : index
          %get3A_622 = tpu.vector_load %arg15[%get3A_620, %get3A_621] {strides = array<i32>} : memref<128x128xf32, #tpu.memory_space<vmem>>, vector<1x16xf32>,
          %get3A_623 = vector.shape_cast %get3A_622 : vector<1x16xf32> to vector<16xf32>
          %mul3A_624 = arith.mulf %get3A_623, %broadcast_in_dim3A_579 : vector<16xf32>
          %swap3A_625 = arith.index_cast %add3A_568 : i32 to index
          %swap3A_626 = arith.constant 64 : index
          %swap3A_627 = tpu.vector_load %arg15[%swap3A_625, %swap3A_626] {strides = array<i32>} : memref<128x128xf32, #tpu.memory_space<vmem>>, vector<1x16xf32>,
          %swap3A_628 = vector.shape_cast %swap3A_627 : vector<1x16xf32> to vector<16xf32>
          %swap3A_629 = vector.shape_cast %mul3A_624 : vector<16xf32> to vector<1x16xf32>
          tpu.vector_store %arg15[%swap3A_625, %swap3A_626], %swap3A_629 {strides = array<i32>} : memref<128x128xf32, #tpu.memory_space<vmem>>, vector<1x16xf32>,
          %get3A_630 = arith.index_cast %add3A_568 : i32 to index
          %get3A_631 = arith.constant 80 : index
          %get3A_632 = tpu.vector_load %arg15[%get3A_630, %get3A_631] {strides = array<i32>} : memref<128x128xf32, #tpu.memory_space<vmem>>, vector<1x16xf32>,
          %get3A_633 = vector.shape_cast %get3A_632 : vector<1x16xf32> to vector<16xf32>
          %mul3A_634 = arith.mulf %get3A_633, %broadcast_in_dim3A_579 : vector<16xf32>
          %swap3A_635 = arith.index_cast %add3A_568 : i32 to index
          %swap3A_636 = arith.constant 80 : index
          %swap3A_637 = tpu.vector_load %arg15[%swap3A_635, %swap3A_636] {strides = array<i32>} : memref<128x128xf32, #tpu.memory_space<vmem>>, vector<1x16xf32>,
          %swap3A_638 = vector.shape_cast %swap3A_637 : vector<1x16xf32> to vector<16xf32>
          %swap3A_639 = vector.shape_cast %mul3A_634 : vector<16xf32> to vector<1x16xf32>
          tpu.vector_store %arg15[%swap3A_635, %swap3A_636], %swap3A_639 {strides = array<i32>} : memref<128x128xf32, #tpu.memory_space<vmem>>, vector<1x16xf32>,
          %get3A_640 = arith.index_cast %add3A_568 : i32 to index
          %get3A_641 = arith.constant 96 : index
          %get3A_642 = tpu.vector_load %arg15[%get3A_640, %get3A_641] {strides = array<i32>} : memref<128x128xf32, #tpu.memory_space<vmem>>, vector<1x16xf32>,
          %get3A_643 = vector.shape_cast %get3A_642 : vector<1x16xf32> to vector<16xf32>
          %mul3A_644 = arith.mulf %get3A_643, %broadcast_in_dim3A_579 : vector<16xf32>
          %swap3A_645 = arith.index_cast %add3A_568 : i32 to index
          %swap3A_646 = arith.constant 96 : index
          %swap3A_647 = tpu.vector_load %arg15[%swap3A_645, %swap3A_646] {strides = array<i32>} : memref<128x128xf32, #tpu.memory_space<vmem>>, vector<1x16xf32>,
          %swap3A_648 = vector.shape_cast %swap3A_647 : vector<1x16xf32> to vector<16xf32>
          %swap3A_649 = vector.shape_cast %mul3A_644 : vector<16xf32> to vector<1x16xf32>
          tpu.vector_store %arg15[%swap3A_645, %swap3A_646], %swap3A_649 {strides = array<i32>} : memref<128x128xf32, #tpu.memory_space<vmem>>, vector<1x16xf32>,
          %get3A_650 = arith.index_cast %add3A_568 : i32 to index
          %get3A_651 = arith.constant 112 : index
          %get3A_652 = tpu.vector_load %arg15[%get3A_650, %get3A_651] {strides = array<i32>} : memref<128x128xf32, #tpu.memory_space<vmem>>, vector<1x16xf32>,
          %get3A_653 = vector.shape_cast %get3A_652 : vector<1x16xf32> to vector<16xf32>
          %mul3A_654 = arith.mulf %get3A_653, %broadcast_in_dim3A_579 : vector<16xf32>
          %swap3A_655 = arith.index_cast %add3A_568 : i32 to index
          %swap3A_656 = arith.constant 112 : index
          %swap3A_657 = tpu.vector_load %arg15[%swap3A_655, %swap3A_656] {strides = array<i32>} : memref<128x128xf32, #tpu.memory_space<vmem>>, vector<1x16xf32>,
          %swap3A_658 = vector.shape_cast %swap3A_657 : vector<1x16xf32> to vector<16xf32>
          %swap3A_659 = vector.shape_cast %mul3A_654 : vector<16xf32> to vector<1x16xf32>
          tpu.vector_store %arg15[%swap3A_655, %swap3A_656], %swap3A_659 {strides = array<i32>} : memref<128x128xf32, #tpu.memory_space<vmem>>, vector<1x16xf32>,
          %mul3A_660 = arith.constant 16 : i32
          %mul3A_661 = arith.muli %scan3A_153, %mul3A_660 : i32
          %add3A_662 = arith.constant 5 : i32
          %add3A_663 = arith.addi %mul3A_661, %add3A_662 : i32
          %slice3A_664 = vector.extract_strided_slice %select_n3A_177 {offsets = [5], sizes = [1], strides = [1]} : vector<16xf32> to vector<1xf32>
          %squeeze3A_665 = vector.extract %slice3A_664[0] : f32 from vector<1xf32>
          %broadcast_in_dim3A_666 = vector.broadcast %squeeze3A_665 : f32 to vector<16xf32>
          %swap3A_667 = arith.index_cast %add3A_663 : i32 to index
          %swap3A_668 = arith.constant 0 : index
          %swap3A_669 = tpu.vector_load %arg9[%swap3A_667, %swap3A_668] {strides = array<i32>} : memref<128x16xf32, #tpu.memory_space<vmem>>, vector<1x16xf32>,
          %swap3A_670 = vector.shape_cast %swap3A_669 : vector<1x16xf32> to vector<16xf32>
          %swap3A_671 = vector.shape_cast %broadcast_in_dim3A_666 : vector<16xf32> to vector<1x16xf32>
          tpu.vector_store %arg9[%swap3A_667, %swap3A_668], %swap3A_671 {strides = array<i32>} : memref<128x16xf32, #tpu.memory_space<vmem>>, vector<1x16xf32>,
          %slice3A_672 = vector.extract_strided_slice %select_n3A {offsets = [5], sizes = [1], strides = [1]} : vector<16xf32> to vector<1xf32>
          %squeeze3A_673 = vector.extract %slice3A_672[0] : f32 from vector<1xf32>
          %broadcast_in_dim3A_674 = vector.broadcast %squeeze3A_673 : f32 to vector<16xf32>
          %get3A_675 = arith.index_cast %add3A_663 : i32 to index
          %get3A_676 = arith.constant 0 : index
          %get3A_677 = tpu.vector_load %arg15[%get3A_675, %get3A_676] {strides = array<i32>} : memref<128x128xf32, #tpu.memory_space<vmem>>, vector<1x16xf32>,
          %get3A_678 = vector.shape_cast %get3A_677 : vector<1x16xf32> to vector<16xf32>
          %mul3A_679 = arith.mulf %get3A_678, %broadcast_in_dim3A_674 : vector<16xf32>
          %swap3A_680 = arith.index_cast %add3A_663 : i32 to index
          %swap3A_681 = arith.constant 0 : index
          %swap3A_682 = tpu.vector_load %arg15[%swap3A_680, %swap3A_681] {strides = array<i32>} : memref<128x128xf32, #tpu.memory_space<vmem>>, vector<1x16xf32>,
          %swap3A_683 = vector.shape_cast %swap3A_682 : vector<1x16xf32> to vector<16xf32>
          %swap3A_684 = vector.shape_cast %mul3A_679 : vector<16xf32> to vector<1x16xf32>
          tpu.vector_store %arg15[%swap3A_680, %swap3A_681], %swap3A_684 {strides = array<i32>} : memref<128x128xf32, #tpu.memory_space<vmem>>, vector<1x16xf32>,
          %get3A_685 = arith.index_cast %add3A_663 : i32 to index
          %get3A_686 = arith.constant 16 : index
          %get3A_687 = tpu.vector_load %arg15[%get3A_685, %get3A_686] {strides = array<i32>} : memref<128x128xf32, #tpu.memory_space<vmem>>, vector<1x16xf32>,
          %get3A_688 = vector.shape_cast %get3A_687 : vector<1x16xf32> to vector<16xf32>
          %mul3A_689 = arith.mulf %get3A_688, %broadcast_in_dim3A_674 : vector<16xf32>
          %swap3A_690 = arith.index_cast %add3A_663 : i32 to index
          %swap3A_691 = arith.constant 16 : index
          %swap3A_692 = tpu.vector_load %arg15[%swap3A_690, %swap3A_691] {strides = array<i32>} : memref<128x128xf32, #tpu.memory_space<vmem>>, vector<1x16xf32>,
          %swap3A_693 = vector.shape_cast %swap3A_692 : vector<1x16xf32> to vector<16xf32>
          %swap3A_694 = vector.shape_cast %mul3A_689 : vector<16xf32> to vector<1x16xf32>
          tpu.vector_store %arg15[%swap3A_690, %swap3A_691], %swap3A_694 {strides = array<i32>} : memref<128x128xf32, #tpu.memory_space<vmem>>, vector<1x16xf32>,
          %get3A_695 = arith.index_cast %add3A_663 : i32 to index
          %get3A_696 = arith.constant 32 : index
          %get3A_697 = tpu.vector_load %arg15[%get3A_695, %get3A_696] {strides = array<i32>} : memref<128x128xf32, #tpu.memory_space<vmem>>, vector<1x16xf32>,
          %get3A_698 = vector.shape_cast %get3A_697 : vector<1x16xf32> to vector<16xf32>
          %mul3A_699 = arith.mulf %get3A_698, %broadcast_in_dim3A_674 : vector<16xf32>
          %swap3A_700 = arith.index_cast %add3A_663 : i32 to index
          %swap3A_701 = arith.constant 32 : index
          %swap3A_702 = tpu.vector_load %arg15[%swap3A_700, %swap3A_701] {strides = array<i32>} : memref<128x128xf32, #tpu.memory_space<vmem>>, vector<1x16xf32>,
          %swap3A_703 = vector.shape_cast %swap3A_702 : vector<1x16xf32> to vector<16xf32>
          %swap3A_704 = vector.shape_cast %mul3A_699 : vector<16xf32> to vector<1x16xf32>
          tpu.vector_store %arg15[%swap3A_700, %swap3A_701], %swap3A_704 {strides = array<i32>} : memref<128x128xf32, #tpu.memory_space<vmem>>, vector<1x16xf32>,
          %get3A_705 = arith.index_cast %add3A_663 : i32 to index
          %get3A_706 = arith.constant 48 : index
          %get3A_707 = tpu.vector_load %arg15[%get3A_705, %get3A_706] {strides = array<i32>} : memref<128x128xf32, #tpu.memory_space<vmem>>, vector<1x16xf32>,
          %get3A_708 = vector.shape_cast %get3A_707 : vector<1x16xf32> to vector<16xf32>
          %mul3A_709 = arith.mulf %get3A_708, %broadcast_in_dim3A_674 : vector<16xf32>
          %swap3A_710 = arith.index_cast %add3A_663 : i32 to index
          %swap3A_711 = arith.constant 48 : index
          %swap3A_712 = tpu.vector_load %arg15[%swap3A_710, %swap3A_711] {strides = array<i32>} : memref<128x128xf32, #tpu.memory_space<vmem>>, vector<1x16xf32>,
          %swap3A_713 = vector.shape_cast %swap3A_712 : vector<1x16xf32> to vector<16xf32>
          %swap3A_714 = vector.shape_cast %mul3A_709 : vector<16xf32> to vector<1x16xf32>
          tpu.vector_store %arg15[%swap3A_710, %swap3A_711], %swap3A_714 {strides = array<i32>} : memref<128x128xf32, #tpu.memory_space<vmem>>, vector<1x16xf32>,
          %get3A_715 = arith.index_cast %add3A_663 : i32 to index
          %get3A_716 = arith.constant 64 : index
          %get3A_717 = tpu.vector_load %arg15[%get3A_715, %get3A_716] {strides = array<i32>} : memref<128x128xf32, #tpu.memory_space<vmem>>, vector<1x16xf32>,
          %get3A_718 = vector.shape_cast %get3A_717 : vector<1x16xf32> to vector<16xf32>
          %mul3A_719 = arith.mulf %get3A_718, %broadcast_in_dim3A_674 : vector<16xf32>
          %swap3A_720 = arith.index_cast %add3A_663 : i32 to index
          %swap3A_721 = arith.constant 64 : index
          %swap3A_722 = tpu.vector_load %arg15[%swap3A_720, %swap3A_721] {strides = array<i32>} : memref<128x128xf32, #tpu.memory_space<vmem>>, vector<1x16xf32>,
          %swap3A_723 = vector.shape_cast %swap3A_722 : vector<1x16xf32> to vector<16xf32>
          %swap3A_724 = vector.shape_cast %mul3A_719 : vector<16xf32> to vector<1x16xf32>
          tpu.vector_store %arg15[%swap3A_720, %swap3A_721], %swap3A_724 {strides = array<i32>} : memref<128x128xf32, #tpu.memory_space<vmem>>, vector<1x16xf32>,
          %get3A_725 = arith.index_cast %add3A_663 : i32 to index
          %get3A_726 = arith.constant 80 : index
          %get3A_727 = tpu.vector_load %arg15[%get3A_725, %get3A_726] {strides = array<i32>} : memref<128x128xf32, #tpu.memory_space<vmem>>, vector<1x16xf32>,
          %get3A_728 = vector.shape_cast %get3A_727 : vector<1x16xf32> to vector<16xf32>
          %mul3A_729 = arith.mulf %get3A_728, %broadcast_in_dim3A_674 : vector<16xf32>
          %swap3A_730 = arith.index_cast %add3A_663 : i32 to index
          %swap3A_731 = arith.constant 80 : index
          %swap3A_732 = tpu.vector_load %arg15[%swap3A_730, %swap3A_731] {strides = array<i32>} : memref<128x128xf32, #tpu.memory_space<vmem>>, vector<1x16xf32>,
          %swap3A_733 = vector.shape_cast %swap3A_732 : vector<1x16xf32> to vector<16xf32>
          %swap3A_734 = vector.shape_cast %mul3A_729 : vector<16xf32> to vector<1x16xf32>
          tpu.vector_store %arg15[%swap3A_730, %swap3A_731], %swap3A_734 {strides = array<i32>} : memref<128x128xf32, #tpu.memory_space<vmem>>, vector<1x16xf32>,
          %get3A_735 = arith.index_cast %add3A_663 : i32 to index
          %get3A_736 = arith.constant 96 : index
          %get3A_737 = tpu.vector_load %arg15[%get3A_735, %get3A_736] {strides = array<i32>} : memref<128x128xf32, #tpu.memory_space<vmem>>, vector<1x16xf32>,
          %get3A_738 = vector.shape_cast %get3A_737 : vector<1x16xf32> to vector<16xf32>
          %mul3A_739 = arith.mulf %get3A_738, %broadcast_in_dim3A_674 : vector<16xf32>
          %swap3A_740 = arith.index_cast %add3A_663 : i32 to index
          %swap3A_741 = arith.constant 96 : index
          %swap3A_742 = tpu.vector_load %arg15[%swap3A_740, %swap3A_741] {strides = array<i32>} : memref<128x128xf32, #tpu.memory_space<vmem>>, vector<1x16xf32>,
          %swap3A_743 = vector.shape_cast %swap3A_742 : vector<1x16xf32> to vector<16xf32>
          %swap3A_744 = vector.shape_cast %mul3A_739 : vector<16xf32> to vector<1x16xf32>
          tpu.vector_store %arg15[%swap3A_740, %swap3A_741], %swap3A_744 {strides = array<i32>} : memref<128x128xf32, #tpu.memory_space<vmem>>, vector<1x16xf32>,
          %get3A_745 = arith.index_cast %add3A_663 : i32 to index
          %get3A_746 = arith.constant 112 : index
          %get3A_747 = tpu.vector_load %arg15[%get3A_745, %get3A_746] {strides = array<i32>} : memref<128x128xf32, #tpu.memory_space<vmem>>, vector<1x16xf32>,
          %get3A_748 = vector.shape_cast %get3A_747 : vector<1x16xf32> to vector<16xf32>
          %mul3A_749 = arith.mulf %get3A_748, %broadcast_in_dim3A_674 : vector<16xf32>
          %swap3A_750 = arith.index_cast %add3A_663 : i32 to index
          %swap3A_751 = arith.constant 112 : index
          %swap3A_752 = tpu.vector_load %arg15[%swap3A_750, %swap3A_751] {strides = array<i32>} : memref<128x128xf32, #tpu.memory_space<vmem>>, vector<1x16xf32>,
          %swap3A_753 = vector.shape_cast %swap3A_752 : vector<1x16xf32> to vector<16xf32>
          %swap3A_754 = vector.shape_cast %mul3A_749 : vector<16xf32> to vector<1x16xf32>
          tpu.vector_store %arg15[%swap3A_750, %swap3A_751], %swap3A_754 {strides = array<i32>} : memref<128x128xf32, #tpu.memory_space<vmem>>, vector<1x16xf32>,
          %mul3A_755 = arith.constant 16 : i32
          %mul3A_756 = arith.muli %scan3A_153, %mul3A_755 : i32
          %add3A_757 = arith.constant 6 : i32
          %add3A_758 = arith.addi %mul3A_756, %add3A_757 : i32
          %slice3A_759 = vector.extract_strided_slice %select_n3A_177 {offsets = [6], sizes = [1], strides = [1]} : vector<16xf32> to vector<1xf32>
          %squeeze3A_760 = vector.extract %slice3A_759[0] : f32 from vector<1xf32>
          %broadcast_in_dim3A_761 = vector.broadcast %squeeze3A_760 : f32 to vector<16xf32>
          %swap3A_762 = arith.index_cast %add3A_758 : i32 to index
          %swap3A_763 = arith.constant 0 : index
          %swap3A_764 = tpu.vector_load %arg9[%swap3A_762, %swap3A_763] {strides = array<i32>} : memref<128x16xf32, #tpu.memory_space<vmem>>, vector<1x16xf32>,
          %swap3A_765 = vector.shape_cast %swap3A_764 : vector<1x16xf32> to vector<16xf32>
          %swap3A_766 = vector.shape_cast %broadcast_in_dim3A_761 : vector<16xf32> to vector<1x16xf32>
          tpu.vector_store %arg9[%swap3A_762, %swap3A_763], %swap3A_766 {strides = array<i32>} : memref<128x16xf32, #tpu.memory_space<vmem>>, vector<1x16xf32>,
          %slice3A_767 = vector.extract_strided_slice %select_n3A {offsets = [6], sizes = [1], strides = [1]} : vector<16xf32> to vector<1xf32>
          %squeeze3A_768 = vector.extract %slice3A_767[0] : f32 from vector<1xf32>
          %broadcast_in_dim3A_769 = vector.broadcast %squeeze3A_768 : f32 to vector<16xf32>
          %get3A_770 = arith.index_cast %add3A_758 : i32 to index
          %get3A_771 = arith.constant 0 : index
          %get3A_772 = tpu.vector_load %arg15[%get3A_770, %get3A_771] {strides = array<i32>} : memref<128x128xf32, #tpu.memory_space<vmem>>, vector<1x16xf32>,
          %get3A_773 = vector.shape_cast %get3A_772 : vector<1x16xf32> to vector<16xf32>
          %mul3A_774 = arith.mulf %get3A_773, %broadcast_in_dim3A_769 : vector<16xf32>
          %swap3A_775 = arith.index_cast %add3A_758 : i32 to index
          %swap3A_776 = arith.constant 0 : index
          %swap3A_777 = tpu.vector_load %arg15[%swap3A_775, %swap3A_776] {strides = array<i32>} : memref<128x128xf32, #tpu.memory_space<vmem>>, vector<1x16xf32>,
          %swap3A_778 = vector.shape_cast %swap3A_777 : vector<1x16xf32> to vector<16xf32>
          %swap3A_779 = vector.shape_cast %mul3A_774 : vector<16xf32> to vector<1x16xf32>
          tpu.vector_store %arg15[%swap3A_775, %swap3A_776], %swap3A_779 {strides = array<i32>} : memref<128x128xf32, #tpu.memory_space<vmem>>, vector<1x16xf32>,
          %get3A_780 = arith.index_cast %add3A_758 : i32 to index
          %get3A_781 = arith.constant 16 : index
          %get3A_782 = tpu.vector_load %arg15[%get3A_780, %get3A_781] {strides = array<i32>} : memref<128x128xf32, #tpu.memory_space<vmem>>, vector<1x16xf32>,
          %get3A_783 = vector.shape_cast %get3A_782 : vector<1x16xf32> to vector<16xf32>
          %mul3A_784 = arith.mulf %get3A_783, %broadcast_in_dim3A_769 : vector<16xf32>
          %swap3A_785 = arith.index_cast %add3A_758 : i32 to index
          %swap3A_786 = arith.constant 16 : index
          %swap3A_787 = tpu.vector_load %arg15[%swap3A_785, %swap3A_786] {strides = array<i32>} : memref<128x128xf32, #tpu.memory_space<vmem>>, vector<1x16xf32>,
          %swap3A_788 = vector.shape_cast %swap3A_787 : vector<1x16xf32> to vector<16xf32>
          %swap3A_789 = vector.shape_cast %mul3A_784 : vector<16xf32> to vector<1x16xf32>
          tpu.vector_store %arg15[%swap3A_785, %swap3A_786], %swap3A_789 {strides = array<i32>} : memref<128x128xf32, #tpu.memory_space<vmem>>, vector<1x16xf32>,
          %get3A_790 = arith.index_cast %add3A_758 : i32 to index
          %get3A_791 = arith.constant 32 : index
          %get3A_792 = tpu.vector_load %arg15[%get3A_790, %get3A_791] {strides = array<i32>} : memref<128x128xf32, #tpu.memory_space<vmem>>, vector<1x16xf32>,
          %get3A_793 = vector.shape_cast %get3A_792 : vector<1x16xf32> to vector<16xf32>
          %mul3A_794 = arith.mulf %get3A_793, %broadcast_in_dim3A_769 : vector<16xf32>
          %swap3A_795 = arith.index_cast %add3A_758 : i32 to index
          %swap3A_796 = arith.constant 32 : index
          %swap3A_797 = tpu.vector_load %arg15[%swap3A_795, %swap3A_796] {strides = array<i32>} : memref<128x128xf32, #tpu.memory_space<vmem>>, vector<1x16xf32>,
          %swap3A_798 = vector.shape_cast %swap3A_797 : vector<1x16xf32> to vector<16xf32>
          %swap3A_799 = vector.shape_cast %mul3A_794 : vector<16xf32> to vector<1x16xf32>
          tpu.vector_store %arg15[%swap3A_795, %swap3A_796], %swap3A_799 {strides = array<i32>} : memref<128x128xf32, #tpu.memory_space<vmem>>, vector<1x16xf32>,
          %get3A_800 = arith.index_cast %add3A_758 : i32 to index
          %get3A_801 = arith.constant 48 : index
          %get3A_802 = tpu.vector_load %arg15[%get3A_800, %get3A_801] {strides = array<i32>} : memref<128x128xf32, #tpu.memory_space<vmem>>, vector<1x16xf32>,
          %get3A_803 = vector.shape_cast %get3A_802 : vector<1x16xf32> to vector<16xf32>
          %mul3A_804 = arith.mulf %get3A_803, %broadcast_in_dim3A_769 : vector<16xf32>
          %swap3A_805 = arith.index_cast %add3A_758 : i32 to index
          %swap3A_806 = arith.constant 48 : index
          %swap3A_807 = tpu.vector_load %arg15[%swap3A_805, %swap3A_806] {strides = array<i32>} : memref<128x128xf32, #tpu.memory_space<vmem>>, vector<1x16xf32>,
          %swap3A_808 = vector.shape_cast %swap3A_807 : vector<1x16xf32> to vector<16xf32>
          %swap3A_809 = vector.shape_cast %mul3A_804 : vector<16xf32> to vector<1x16xf32>
          tpu.vector_store %arg15[%swap3A_805, %swap3A_806], %swap3A_809 {strides = array<i32>} : memref<128x128xf32, #tpu.memory_space<vmem>>, vector<1x16xf32>,
          %get3A_810 = arith.index_cast %add3A_758 : i32 to index
          %get3A_811 = arith.constant 64 : index
          %get3A_812 = tpu.vector_load %arg15[%get3A_810, %get3A_811] {strides = array<i32>} : memref<128x128xf32, #tpu.memory_space<vmem>>, vector<1x16xf32>,
          %get3A_813 = vector.shape_cast %get3A_812 : vector<1x16xf32> to vector<16xf32>
          %mul3A_814 = arith.mulf %get3A_813, %broadcast_in_dim3A_769 : vector<16xf32>
          %swap3A_815 = arith.index_cast %add3A_758 : i32 to index
          %swap3A_816 = arith.constant 64 : index
          %swap3A_817 = tpu.vector_load %arg15[%swap3A_815, %swap3A_816] {strides = array<i32>} : memref<128x128xf32, #tpu.memory_space<vmem>>, vector<1x16xf32>,
          %swap3A_818 = vector.shape_cast %swap3A_817 : vector<1x16xf32> to vector<16xf32>
          %swap3A_819 = vector.shape_cast %mul3A_814 : vector<16xf32> to vector<1x16xf32>
          tpu.vector_store %arg15[%swap3A_815, %swap3A_816], %swap3A_819 {strides = array<i32>} : memref<128x128xf32, #tpu.memory_space<vmem>>, vector<1x16xf32>,
          %get3A_820 = arith.index_cast %add3A_758 : i32 to index
          %get3A_821 = arith.constant 80 : index
          %get3A_822 = tpu.vector_load %arg15[%get3A_820, %get3A_821] {strides = array<i32>} : memref<128x128xf32, #tpu.memory_space<vmem>>, vector<1x16xf32>,
          %get3A_823 = vector.shape_cast %get3A_822 : vector<1x16xf32> to vector<16xf32>
          %mul3A_824 = arith.mulf %get3A_823, %broadcast_in_dim3A_769 : vector<16xf32>
          %swap3A_825 = arith.index_cast %add3A_758 : i32 to index
          %swap3A_826 = arith.constant 80 : index
          %swap3A_827 = tpu.vector_load %arg15[%swap3A_825, %swap3A_826] {strides = array<i32>} : memref<128x128xf32, #tpu.memory_space<vmem>>, vector<1x16xf32>,
          %swap3A_828 = vector.shape_cast %swap3A_827 : vector<1x16xf32> to vector<16xf32>
          %swap3A_829 = vector.shape_cast %mul3A_824 : vector<16xf32> to vector<1x16xf32>
          tpu.vector_store %arg15[%swap3A_825, %swap3A_826], %swap3A_829 {strides = array<i32>} : memref<128x128xf32, #tpu.memory_space<vmem>>, vector<1x16xf32>,
          %get3A_830 = arith.index_cast %add3A_758 : i32 to index
          %get3A_831 = arith.constant 96 : index
          %get3A_832 = tpu.vector_load %arg15[%get3A_830, %get3A_831] {strides = array<i32>} : memref<128x128xf32, #tpu.memory_space<vmem>>, vector<1x16xf32>,
          %get3A_833 = vector.shape_cast %get3A_832 : vector<1x16xf32> to vector<16xf32>
          %mul3A_834 = arith.mulf %get3A_833, %broadcast_in_dim3A_769 : vector<16xf32>
          %swap3A_835 = arith.index_cast %add3A_758 : i32 to index
          %swap3A_836 = arith.constant 96 : index
          %swap3A_837 = tpu.vector_load %arg15[%swap3A_835, %swap3A_836] {strides = array<i32>} : memref<128x128xf32, #tpu.memory_space<vmem>>, vector<1x16xf32>,
          %swap3A_838 = vector.shape_cast %swap3A_837 : vector<1x16xf32> to vector<16xf32>
          %swap3A_839 = vector.shape_cast %mul3A_834 : vector<16xf32> to vector<1x16xf32>
          tpu.vector_store %arg15[%swap3A_835, %swap3A_836], %swap3A_839 {strides = array<i32>} : memref<128x128xf32, #tpu.memory_space<vmem>>, vector<1x16xf32>,
          %get3A_840 = arith.index_cast %add3A_758 : i32 to index
          %get3A_841 = arith.constant 112 : index
          %get3A_842 = tpu.vector_load %arg15[%get3A_840, %get3A_841] {strides = array<i32>} : memref<128x128xf32, #tpu.memory_space<vmem>>, vector<1x16xf32>,
          %get3A_843 = vector.shape_cast %get3A_842 : vector<1x16xf32> to vector<16xf32>
          %mul3A_844 = arith.mulf %get3A_843, %broadcast_in_dim3A_769 : vector<16xf32>
          %swap3A_845 = arith.index_cast %add3A_758 : i32 to index
          %swap3A_846 = arith.constant 112 : index
          %swap3A_847 = tpu.vector_load %arg15[%swap3A_845, %swap3A_846] {strides = array<i32>} : memref<128x128xf32, #tpu.memory_space<vmem>>, vector<1x16xf32>,
          %swap3A_848 = vector.shape_cast %swap3A_847 : vector<1x16xf32> to vector<16xf32>
          %swap3A_849 = vector.shape_cast %mul3A_844 : vector<16xf32> to vector<1x16xf32>
          tpu.vector_store %arg15[%swap3A_845, %swap3A_846], %swap3A_849 {strides = array<i32>} : memref<128x128xf32, #tpu.memory_space<vmem>>, vector<1x16xf32>,
          %mul3A_850 = arith.constant 16 : i32
          %mul3A_851 = arith.muli %scan3A_153, %mul3A_850 : i32
          %add3A_852 = arith.constant 7 : i32
          %add3A_853 = arith.addi %mul3A_851, %add3A_852 : i32
          %slice3A_854 = vector.extract_strided_slice %select_n3A_177 {offsets = [7], sizes = [1], strides = [1]} : vector<16xf32> to vector<1xf32>
          %squeeze3A_855 = vector.extract %slice3A_854[0] : f32 from vector<1xf32>
          %broadcast_in_dim3A_856 = vector.broadcast %squeeze3A_855 : f32 to vector<16xf32>
          %swap3A_857 = arith.index_cast %add3A_853 : i32 to index
          %swap3A_858 = arith.constant 0 : index
          %swap3A_859 = tpu.vector_load %arg9[%swap3A_857, %swap3A_858] {strides = array<i32>} : memref<128x16xf32, #tpu.memory_space<vmem>>, vector<1x16xf32>,
          %swap3A_860 = vector.shape_cast %swap3A_859 : vector<1x16xf32> to vector<16xf32>
          %swap3A_861 = vector.shape_cast %broadcast_in_dim3A_856 : vector<16xf32> to vector<1x16xf32>
          tpu.vector_store %arg9[%swap3A_857, %swap3A_858], %swap3A_861 {strides = array<i32>} : memref<128x16xf32, #tpu.memory_space<vmem>>, vector<1x16xf32>,
          %slice3A_862 = vector.extract_strided_slice %select_n3A {offsets = [7], sizes = [1], strides = [1]} : vector<16xf32> to vector<1xf32>
          %squeeze3A_863 = vector.extract %slice3A_862[0] : f32 from vector<1xf32>
          %broadcast_in_dim3A_864 = vector.broadcast %squeeze3A_863 : f32 to vector<16xf32>
          %get3A_865 = arith.index_cast %add3A_853 : i32 to index
          %get3A_866 = arith.constant 0 : index
          %get3A_867 = tpu.vector_load %arg15[%get3A_865, %get3A_866] {strides = array<i32>} : memref<128x128xf32, #tpu.memory_space<vmem>>, vector<1x16xf32>,
          %get3A_868 = vector.shape_cast %get3A_867 : vector<1x16xf32> to vector<16xf32>
          %mul3A_869 = arith.mulf %get3A_868, %broadcast_in_dim3A_864 : vector<16xf32>
          %swap3A_870 = arith.index_cast %add3A_853 : i32 to index
          %swap3A_871 = arith.constant 0 : index
          %swap3A_872 = tpu.vector_load %arg15[%swap3A_870, %swap3A_871] {strides = array<i32>} : memref<128x128xf32, #tpu.memory_space<vmem>>, vector<1x16xf32>,
          %swap3A_873 = vector.shape_cast %swap3A_872 : vector<1x16xf32> to vector<16xf32>
          %swap3A_874 = vector.shape_cast %mul3A_869 : vector<16xf32> to vector<1x16xf32>
          tpu.vector_store %arg15[%swap3A_870, %swap3A_871], %swap3A_874 {strides = array<i32>} : memref<128x128xf32, #tpu.memory_space<vmem>>, vector<1x16xf32>,
          %get3A_875 = arith.index_cast %add3A_853 : i32 to index
          %get3A_876 = arith.constant 16 : index
          %get3A_877 = tpu.vector_load %arg15[%get3A_875, %get3A_876] {strides = array<i32>} : memref<128x128xf32, #tpu.memory_space<vmem>>, vector<1x16xf32>,
          %get3A_878 = vector.shape_cast %get3A_877 : vector<1x16xf32> to vector<16xf32>
          %mul3A_879 = arith.mulf %get3A_878, %broadcast_in_dim3A_864 : vector<16xf32>
          %swap3A_880 = arith.index_cast %add3A_853 : i32 to index
          %swap3A_881 = arith.constant 16 : index
          %swap3A_882 = tpu.vector_load %arg15[%swap3A_880, %swap3A_881] {strides = array<i32>} : memref<128x128xf32, #tpu.memory_space<vmem>>, vector<1x16xf32>,
          %swap3A_883 = vector.shape_cast %swap3A_882 : vector<1x16xf32> to vector<16xf32>
          %swap3A_884 = vector.shape_cast %mul3A_879 : vector<16xf32> to vector<1x16xf32>
          tpu.vector_store %arg15[%swap3A_880, %swap3A_881], %swap3A_884 {strides = array<i32>} : memref<128x128xf32, #tpu.memory_space<vmem>>, vector<1x16xf32>,
          %get3A_885 = arith.index_cast %add3A_853 : i32 to index
          %get3A_886 = arith.constant 32 : index
          %get3A_887 = tpu.vector_load %arg15[%get3A_885, %get3A_886] {strides = array<i32>} : memref<128x128xf32, #tpu.memory_space<vmem>>, vector<1x16xf32>,
          %get3A_888 = vector.shape_cast %get3A_887 : vector<1x16xf32> to vector<16xf32>
          %mul3A_889 = arith.mulf %get3A_888, %broadcast_in_dim3A_864 : vector<16xf32>
          %swap3A_890 = arith.index_cast %add3A_853 : i32 to index
          %swap3A_891 = arith.constant 32 : index
          %swap3A_892 = tpu.vector_load %arg15[%swap3A_890, %swap3A_891] {strides = array<i32>} : memref<128x128xf32, #tpu.memory_space<vmem>>, vector<1x16xf32>,
          %swap3A_893 = vector.shape_cast %swap3A_892 : vector<1x16xf32> to vector<16xf32>
          %swap3A_894 = vector.shape_cast %mul3A_889 : vector<16xf32> to vector<1x16xf32>
          tpu.vector_store %arg15[%swap3A_890, %swap3A_891], %swap3A_894 {strides = array<i32>} : memref<128x128xf32, #tpu.memory_space<vmem>>, vector<1x16xf32>,
          %get3A_895 = arith.index_cast %add3A_853 : i32 to index
          %get3A_896 = arith.constant 48 : index
          %get3A_897 = tpu.vector_load %arg15[%get3A_895, %get3A_896] {strides = array<i32>} : memref<128x128xf32, #tpu.memory_space<vmem>>, vector<1x16xf32>,
          %get3A_898 = vector.shape_cast %get3A_897 : vector<1x16xf32> to vector<16xf32>
          %mul3A_899 = arith.mulf %get3A_898, %broadcast_in_dim3A_864 : vector<16xf32>
          %swap3A_900 = arith.index_cast %add3A_853 : i32 to index
          %swap3A_901 = arith.constant 48 : index
          %swap3A_902 = tpu.vector_load %arg15[%swap3A_900, %swap3A_901] {strides = array<i32>} : memref<128x128xf32, #tpu.memory_space<vmem>>, vector<1x16xf32>,
          %swap3A_903 = vector.shape_cast %swap3A_902 : vector<1x16xf32> to vector<16xf32>
          %swap3A_904 = vector.shape_cast %mul3A_899 : vector<16xf32> to vector<1x16xf32>
          tpu.vector_store %arg15[%swap3A_900, %swap3A_901], %swap3A_904 {strides = array<i32>} : memref<128x128xf32, #tpu.memory_space<vmem>>, vector<1x16xf32>,
          %get3A_905 = arith.index_cast %add3A_853 : i32 to index
          %get3A_906 = arith.constant 64 : index
          %get3A_907 = tpu.vector_load %arg15[%get3A_905, %get3A_906] {strides = array<i32>} : memref<128x128xf32, #tpu.memory_space<vmem>>, vector<1x16xf32>,
          %get3A_908 = vector.shape_cast %get3A_907 : vector<1x16xf32> to vector<16xf32>
          %mul3A_909 = arith.mulf %get3A_908, %broadcast_in_dim3A_864 : vector<16xf32>
          %swap3A_910 = arith.index_cast %add3A_853 : i32 to index
          %swap3A_911 = arith.constant 64 : index
          %swap3A_912 = tpu.vector_load %arg15[%swap3A_910, %swap3A_911] {strides = array<i32>} : memref<128x128xf32, #tpu.memory_space<vmem>>, vector<1x16xf32>,
          %swap3A_913 = vector.shape_cast %swap3A_912 : vector<1x16xf32> to vector<16xf32>
          %swap3A_914 = vector.shape_cast %mul3A_909 : vector<16xf32> to vector<1x16xf32>
          tpu.vector_store %arg15[%swap3A_910, %swap3A_911], %swap3A_914 {strides = array<i32>} : memref<128x128xf32, #tpu.memory_space<vmem>>, vector<1x16xf32>,
          %get3A_915 = arith.index_cast %add3A_853 : i32 to index
          %get3A_916 = arith.constant 80 : index
          %get3A_917 = tpu.vector_load %arg15[%get3A_915, %get3A_916] {strides = array<i32>} : memref<128x128xf32, #tpu.memory_space<vmem>>, vector<1x16xf32>,
          %get3A_918 = vector.shape_cast %get3A_917 : vector<1x16xf32> to vector<16xf32>
          %mul3A_919 = arith.mulf %get3A_918, %broadcast_in_dim3A_864 : vector<16xf32>
          %swap3A_920 = arith.index_cast %add3A_853 : i32 to index
          %swap3A_921 = arith.constant 80 : index
          %swap3A_922 = tpu.vector_load %arg15[%swap3A_920, %swap3A_921] {strides = array<i32>} : memref<128x128xf32, #tpu.memory_space<vmem>>, vector<1x16xf32>,
          %swap3A_923 = vector.shape_cast %swap3A_922 : vector<1x16xf32> to vector<16xf32>
          %swap3A_924 = vector.shape_cast %mul3A_919 : vector<16xf32> to vector<1x16xf32>
          tpu.vector_store %arg15[%swap3A_920, %swap3A_921], %swap3A_924 {strides = array<i32>} : memref<128x128xf32, #tpu.memory_space<vmem>>, vector<1x16xf32>,
          %get3A_925 = arith.index_cast %add3A_853 : i32 to index
          %get3A_926 = arith.constant 96 : index
          %get3A_927 = tpu.vector_load %arg15[%get3A_925, %get3A_926] {strides = array<i32>} : memref<128x128xf32, #tpu.memory_space<vmem>>, vector<1x16xf32>,
          %get3A_928 = vector.shape_cast %get3A_927 : vector<1x16xf32> to vector<16xf32>
          %mul3A_929 = arith.mulf %get3A_928, %broadcast_in_dim3A_864 : vector<16xf32>
          %swap3A_930 = arith.index_cast %add3A_853 : i32 to index
          %swap3A_931 = arith.constant 96 : index
          %swap3A_932 = tpu.vector_load %arg15[%swap3A_930, %swap3A_931] {strides = array<i32>} : memref<128x128xf32, #tpu.memory_space<vmem>>, vector<1x16xf32>,
          %swap3A_933 = vector.shape_cast %swap3A_932 : vector<1x16xf32> to vector<16xf32>
          %swap3A_934 = vector.shape_cast %mul3A_929 : vector<16xf32> to vector<1x16xf32>
          tpu.vector_store %arg15[%swap3A_930, %swap3A_931], %swap3A_934 {strides = array<i32>} : memref<128x128xf32, #tpu.memory_space<vmem>>, vector<1x16xf32>,
          %get3A_935 = arith.index_cast %add3A_853 : i32 to index
          %get3A_936 = arith.constant 112 : index
          %get3A_937 = tpu.vector_load %arg15[%get3A_935, %get3A_936] {strides = array<i32>} : memref<128x128xf32, #tpu.memory_space<vmem>>, vector<1x16xf32>,
          %get3A_938 = vector.shape_cast %get3A_937 : vector<1x16xf32> to vector<16xf32>
          %mul3A_939 = arith.mulf %get3A_938, %broadcast_in_dim3A_864 : vector<16xf32>
          %swap3A_940 = arith.index_cast %add3A_853 : i32 to index
          %swap3A_941 = arith.constant 112 : index
          %swap3A_942 = tpu.vector_load %arg15[%swap3A_940, %swap3A_941] {strides = array<i32>} : memref<128x128xf32, #tpu.memory_space<vmem>>, vector<1x16xf32>,
          %swap3A_943 = vector.shape_cast %swap3A_942 : vector<1x16xf32> to vector<16xf32>
          %swap3A_944 = vector.shape_cast %mul3A_939 : vector<16xf32> to vector<1x16xf32>
          tpu.vector_store %arg15[%swap3A_940, %swap3A_941], %swap3A_944 {strides = array<i32>} : memref<128x128xf32, #tpu.memory_space<vmem>>, vector<1x16xf32>,
          %mul3A_945 = arith.constant 16 : i32
          %mul3A_946 = arith.muli %scan3A_153, %mul3A_945 : i32
          %add3A_947 = arith.constant 8 : i32
          %add3A_948 = arith.addi %mul3A_946, %add3A_947 : i32
          %slice3A_949 = vector.extract_strided_slice %select_n3A_177 {offsets = [8], sizes = [1], strides = [1]} : vector<16xf32> to vector<1xf32>
          %squeeze3A_950 = vector.extract %slice3A_949[0] : f32 from vector<1xf32>
          %broadcast_in_dim3A_951 = vector.broadcast %squeeze3A_950 : f32 to vector<16xf32>
          %swap3A_952 = arith.index_cast %add3A_948 : i32 to index
          %swap3A_953 = arith.constant 0 : index
          %swap3A_954 = tpu.vector_load %arg9[%swap3A_952, %swap3A_953] {strides = array<i32>} : memref<128x16xf32, #tpu.memory_space<vmem>>, vector<1x16xf32>,
          %swap3A_955 = vector.shape_cast %swap3A_954 : vector<1x16xf32> to vector<16xf32>
          %swap3A_956 = vector.shape_cast %broadcast_in_dim3A_951 : vector<16xf32> to vector<1x16xf32>
          tpu.vector_store %arg9[%swap3A_952, %swap3A_953], %swap3A_956 {strides = array<i32>} : memref<128x16xf32, #tpu.memory_space<vmem>>, vector<1x16xf32>,
          %slice3A_957 = vector.extract_strided_slice %select_n3A {offsets = [8], sizes = [1], strides = [1]} : vector<16xf32> to vector<1xf32>
          %squeeze3A_958 = vector.extract %slice3A_957[0] : f32 from vector<1xf32>
          %broadcast_in_dim3A_959 = vector.broadcast %squeeze3A_958 : f32 to vector<16xf32>
          %get3A_960 = arith.index_cast %add3A_948 : i32 to index
          %get3A_961 = arith.constant 0 : index
          %get3A_962 = tpu.vector_load %arg15[%get3A_960, %get3A_961] {strides = array<i32>} : memref<128x128xf32, #tpu.memory_space<vmem>>, vector<1x16xf32>,
          %get3A_963 = vector.shape_cast %get3A_962 : vector<1x16xf32> to vector<16xf32>
          %mul3A_964 = arith.mulf %get3A_963, %broadcast_in_dim3A_959 : vector<16xf32>
          %swap3A_965 = arith.index_cast %add3A_948 : i32 to index
          %swap3A_966 = arith.constant 0 : index
          %swap3A_967 = tpu.vector_load %arg15[%swap3A_965, %swap3A_966] {strides = array<i32>} : memref<128x128xf32, #tpu.memory_space<vmem>>, vector<1x16xf32>,
          %swap3A_968 = vector.shape_cast %swap3A_967 : vector<1x16xf32> to vector<16xf32>
          %swap3A_969 = vector.shape_cast %mul3A_964 : vector<16xf32> to vector<1x16xf32>
          tpu.vector_store %arg15[%swap3A_965, %swap3A_966], %swap3A_969 {strides = array<i32>} : memref<128x128xf32, #tpu.memory_space<vmem>>, vector<1x16xf32>,
          %get3A_970 = arith.index_cast %add3A_948 : i32 to index
          %get3A_971 = arith.constant 16 : index
          %get3A_972 = tpu.vector_load %arg15[%get3A_970, %get3A_971] {strides = array<i32>} : memref<128x128xf32, #tpu.memory_space<vmem>>, vector<1x16xf32>,
          %get3A_973 = vector.shape_cast %get3A_972 : vector<1x16xf32> to vector<16xf32>
          %mul3A_974 = arith.mulf %get3A_973, %broadcast_in_dim3A_959 : vector<16xf32>
          %swap3A_975 = arith.index_cast %add3A_948 : i32 to index
          %swap3A_976 = arith.constant 16 : index
          %swap3A_977 = tpu.vector_load %arg15[%swap3A_975, %swap3A_976] {strides = array<i32>} : memref<128x128xf32, #tpu.memory_space<vmem>>, vector<1x16xf32>,
          %swap3A_978 = vector.shape_cast %swap3A_977 : vector<1x16xf32> to vector<16xf32>
          %swap3A_979 = vector.shape_cast %mul3A_974 : vector<16xf32> to vector<1x16xf32>
          tpu.vector_store %arg15[%swap3A_975, %swap3A_976], %swap3A_979 {strides = array<i32>} : memref<128x128xf32, #tpu.memory_space<vmem>>, vector<1x16xf32>,
          %get3A_980 = arith.index_cast %add3A_948 : i32 to index
          %get3A_981 = arith.constant 32 : index
          %get3A_982 = tpu.vector_load %arg15[%get3A_980, %get3A_981] {strides = array<i32>} : memref<128x128xf32, #tpu.memory_space<vmem>>, vector<1x16xf32>,
          %get3A_983 = vector.shape_cast %get3A_982 : vector<1x16xf32> to vector<16xf32>
          %mul3A_984 = arith.mulf %get3A_983, %broadcast_in_dim3A_959 : vector<16xf32>
          %swap3A_985 = arith.index_cast %add3A_948 : i32 to index
          %swap3A_986 = arith.constant 32 : index
          %swap3A_987 = tpu.vector_load %arg15[%swap3A_985, %swap3A_986] {strides = array<i32>} : memref<128x128xf32, #tpu.memory_space<vmem>>, vector<1x16xf32>,
          %swap3A_988 = vector.shape_cast %swap3A_987 : vector<1x16xf32> to vector<16xf32>
          %swap3A_989 = vector.shape_cast %mul3A_984 : vector<16xf32> to vector<1x16xf32>
          tpu.vector_store %arg15[%swap3A_985, %swap3A_986], %swap3A_989 {strides = array<i32>} : memref<128x128xf32, #tpu.memory_space<vmem>>, vector<1x16xf32>,
          %get3A_990 = arith.index_cast %add3A_948 : i32 to index
          %get3A_991 = arith.constant 48 : index
          %get3A_992 = tpu.vector_load %arg15[%get3A_990, %get3A_991] {strides = array<i32>} : memref<128x128xf32, #tpu.memory_space<vmem>>, vector<1x16xf32>,
          %get3A_993 = vector.shape_cast %get3A_992 : vector<1x16xf32> to vector<16xf32>
          %mul3A_994 = arith.mulf %get3A_993, %broadcast_in_dim3A_959 : vector<16xf32>
          %swap3A_995 = arith.index_cast %add3A_948 : i32 to index
          %swap3A_996 = arith.constant 48 : index
          %swap3A_997 = tpu.vector_load %arg15[%swap3A_995, %swap3A_996] {strides = array<i32>} : memref<128x128xf32, #tpu.memory_space<vmem>>, vector<1x16xf32>,
          %swap3A_998 = vector.shape_cast %swap3A_997 : vector<1x16xf32> to vector<16xf32>
          %swap3A_999 = vector.shape_cast %mul3A_994 : vector<16xf32> to vector<1x16xf32>
          tpu.vector_store %arg15[%swap3A_995, %swap3A_996], %swap3A_999 {strides = array<i32>} : memref<128x128xf32, #tpu.memory_space<vmem>>, vector<1x16xf32>,
          %get3A_1000 = arith.index_cast %add3A_948 : i32 to index
          %get3A_1001 = arith.constant 64 : index
          %get3A_1002 = tpu.vector_load %arg15[%get3A_1000, %get3A_1001] {strides = array<i32>} : memref<128x128xf32, #tpu.memory_space<vmem>>, vector<1x16xf32>,
          %get3A_1003 = vector.shape_cast %get3A_1002 : vector<1x16xf32> to vector<16xf32>
          %mul3A_1004 = arith.mulf %get3A_1003, %broadcast_in_dim3A_959 : vector<16xf32>
          %swap3A_1005 = arith.index_cast %add3A_948 : i32 to index
          %swap3A_1006 = arith.constant 64 : index
          %swap3A_1007 = tpu.vector_load %arg15[%swap3A_1005, %swap3A_1006] {strides = array<i32>} : memref<128x128xf32, #tpu.memory_space<vmem>>, vector<1x16xf32>,
          %swap3A_1008 = vector.shape_cast %swap3A_1007 : vector<1x16xf32> to vector<16xf32>
          %swap3A_1009 = vector.shape_cast %mul3A_1004 : vector<16xf32> to vector<1x16xf32>
          tpu.vector_store %arg15[%swap3A_1005, %swap3A_1006], %swap3A_1009 {strides = array<i32>} : memref<128x128xf32, #tpu.memory_space<vmem>>, vector<1x16xf32>,
          %get3A_1010 = arith.index_cast %add3A_948 : i32 to index
          %get3A_1011 = arith.constant 80 : index
          %get3A_1012 = tpu.vector_load %arg15[%get3A_1010, %get3A_1011] {strides = array<i32>} : memref<128x128xf32, #tpu.memory_space<vmem>>, vector<1x16xf32>,
          %get3A_1013 = vector.shape_cast %get3A_1012 : vector<1x16xf32> to vector<16xf32>
          %mul3A_1014 = arith.mulf %get3A_1013, %broadcast_in_dim3A_959 : vector<16xf32>
          %swap3A_1015 = arith.index_cast %add3A_948 : i32 to index
          %swap3A_1016 = arith.constant 80 : index
          %swap3A_1017 = tpu.vector_load %arg15[%swap3A_1015, %swap3A_1016] {strides = array<i32>} : memref<128x128xf32, #tpu.memory_space<vmem>>, vector<1x16xf32>,
          %swap3A_1018 = vector.shape_cast %swap3A_1017 : vector<1x16xf32> to vector<16xf32>
          %swap3A_1019 = vector.shape_cast %mul3A_1014 : vector<16xf32> to vector<1x16xf32>
          tpu.vector_store %arg15[%swap3A_1015, %swap3A_1016], %swap3A_1019 {strides = array<i32>} : memref<128x128xf32, #tpu.memory_space<vmem>>, vector<1x16xf32>,
          %get3A_1020 = arith.index_cast %add3A_948 : i32 to index
          %get3A_1021 = arith.constant 96 : index
          %get3A_1022 = tpu.vector_load %arg15[%get3A_1020, %get3A_1021] {strides = array<i32>} : memref<128x128xf32, #tpu.memory_space<vmem>>, vector<1x16xf32>,
          %get3A_1023 = vector.shape_cast %get3A_1022 : vector<1x16xf32> to vector<16xf32>
          %mul3A_1024 = arith.mulf %get3A_1023, %broadcast_in_dim3A_959 : vector<16xf32>
          %swap3A_1025 = arith.index_cast %add3A_948 : i32 to index
          %swap3A_1026 = arith.constant 96 : index
          %swap3A_1027 = tpu.vector_load %arg15[%swap3A_1025, %swap3A_1026] {strides = array<i32>} : memref<128x128xf32, #tpu.memory_space<vmem>>, vector<1x16xf32>,
          %swap3A_1028 = vector.shape_cast %swap3A_1027 : vector<1x16xf32> to vector<16xf32>
          %swap3A_1029 = vector.shape_cast %mul3A_1024 : vector<16xf32> to vector<1x16xf32>
          tpu.vector_store %arg15[%swap3A_1025, %swap3A_1026], %swap3A_1029 {strides = array<i32>} : memref<128x128xf32, #tpu.memory_space<vmem>>, vector<1x16xf32>,
          %get3A_1030 = arith.index_cast %add3A_948 : i32 to index
          %get3A_1031 = arith.constant 112 : index
          %get3A_1032 = tpu.vector_load %arg15[%get3A_1030, %get3A_1031] {strides = array<i32>} : memref<128x128xf32, #tpu.memory_space<vmem>>, vector<1x16xf32>,
          %get3A_1033 = vector.shape_cast %get3A_1032 : vector<1x16xf32> to vector<16xf32>
          %mul3A_1034 = arith.mulf %get3A_1033, %broadcast_in_dim3A_959 : vector<16xf32>
          %swap3A_1035 = arith.index_cast %add3A_948 : i32 to index
          %swap3A_1036 = arith.constant 112 : index
          %swap3A_1037 = tpu.vector_load %arg15[%swap3A_1035, %swap3A_1036] {strides = array<i32>} : memref<128x128xf32, #tpu.memory_space<vmem>>, vector<1x16xf32>,
          %swap3A_1038 = vector.shape_cast %swap3A_1037 : vector<1x16xf32> to vector<16xf32>
          %swap3A_1039 = vector.shape_cast %mul3A_1034 : vector<16xf32> to vector<1x16xf32>
          tpu.vector_store %arg15[%swap3A_1035, %swap3A_1036], %swap3A_1039 {strides = array<i32>} : memref<128x128xf32, #tpu.memory_space<vmem>>, vector<1x16xf32>,
          %mul3A_1040 = arith.constant 16 : i32
          %mul3A_1041 = arith.muli %scan3A_153, %mul3A_1040 : i32
          %add3A_1042 = arith.constant 9 : i32
          %add3A_1043 = arith.addi %mul3A_1041, %add3A_1042 : i32
          %slice3A_1044 = vector.extract_strided_slice %select_n3A_177 {offsets = [9], sizes = [1], strides = [1]} : vector<16xf32> to vector<1xf32>
          %squeeze3A_1045 = vector.extract %slice3A_1044[0] : f32 from vector<1xf32>
          %broadcast_in_dim3A_1046 = vector.broadcast %squeeze3A_1045 : f32 to vector<16xf32>
          %swap3A_1047 = arith.index_cast %add3A_1043 : i32 to index
          %swap3A_1048 = arith.constant 0 : index
          %swap3A_1049 = tpu.vector_load %arg9[%swap3A_1047, %swap3A_1048] {strides = array<i32>} : memref<128x16xf32, #tpu.memory_space<vmem>>, vector<1x16xf32>,
          %swap3A_1050 = vector.shape_cast %swap3A_1049 : vector<1x16xf32> to vector<16xf32>
          %swap3A_1051 = vector.shape_cast %broadcast_in_dim3A_1046 : vector<16xf32> to vector<1x16xf32>
          tpu.vector_store %arg9[%swap3A_1047, %swap3A_1048], %swap3A_1051 {strides = array<i32>} : memref<128x16xf32, #tpu.memory_space<vmem>>, vector<1x16xf32>,
          %slice3A_1052 = vector.extract_strided_slice %select_n3A {offsets = [9], sizes = [1], strides = [1]} : vector<16xf32> to vector<1xf32>
          %squeeze3A_1053 = vector.extract %slice3A_1052[0] : f32 from vector<1xf32>
          %broadcast_in_dim3A_1054 = vector.broadcast %squeeze3A_1053 : f32 to vector<16xf32>
          %get3A_1055 = arith.index_cast %add3A_1043 : i32 to index
          %get3A_1056 = arith.constant 0 : index
          %get3A_1057 = tpu.vector_load %arg15[%get3A_1055, %get3A_1056] {strides = array<i32>} : memref<128x128xf32, #tpu.memory_space<vmem>>, vector<1x16xf32>,
          %get3A_1058 = vector.shape_cast %get3A_1057 : vector<1x16xf32> to vector<16xf32>
          %mul3A_1059 = arith.mulf %get3A_1058, %broadcast_in_dim3A_1054 : vector<16xf32>
          %swap3A_1060 = arith.index_cast %add3A_1043 : i32 to index
          %swap3A_1061 = arith.constant 0 : index
          %swap3A_1062 = tpu.vector_load %arg15[%swap3A_1060, %swap3A_1061] {strides = array<i32>} : memref<128x128xf32, #tpu.memory_space<vmem>>, vector<1x16xf32>,
          %swap3A_1063 = vector.shape_cast %swap3A_1062 : vector<1x16xf32> to vector<16xf32>
          %swap3A_1064 = vector.shape_cast %mul3A_1059 : vector<16xf32> to vector<1x16xf32>
          tpu.vector_store %arg15[%swap3A_1060, %swap3A_1061], %swap3A_1064 {strides = array<i32>} : memref<128x128xf32, #tpu.memory_space<vmem>>, vector<1x16xf32>,
          %get3A_1065 = arith.index_cast %add3A_1043 : i32 to index
          %get3A_1066 = arith.constant 16 : index
          %get3A_1067 = tpu.vector_load %arg15[%get3A_1065, %get3A_1066] {strides = array<i32>} : memref<128x128xf32, #tpu.memory_space<vmem>>, vector<1x16xf32>,
          %get3A_1068 = vector.shape_cast %get3A_1067 : vector<1x16xf32> to vector<16xf32>
          %mul3A_1069 = arith.mulf %get3A_1068, %broadcast_in_dim3A_1054 : vector<16xf32>
          %swap3A_1070 = arith.index_cast %add3A_1043 : i32 to index
          %swap3A_1071 = arith.constant 16 : index
          %swap3A_1072 = tpu.vector_load %arg15[%swap3A_1070, %swap3A_1071] {strides = array<i32>} : memref<128x128xf32, #tpu.memory_space<vmem>>, vector<1x16xf32>,
          %swap3A_1073 = vector.shape_cast %swap3A_1072 : vector<1x16xf32> to vector<16xf32>
          %swap3A_1074 = vector.shape_cast %mul3A_1069 : vector<16xf32> to vector<1x16xf32>
          tpu.vector_store %arg15[%swap3A_1070, %swap3A_1071], %swap3A_1074 {strides = array<i32>} : memref<128x128xf32, #tpu.memory_space<vmem>>, vector<1x16xf32>,
          %get3A_1075 = arith.index_cast %add3A_1043 : i32 to index
          %get3A_1076 = arith.constant 32 : index
          %get3A_1077 = tpu.vector_load %arg15[%get3A_1075, %get3A_1076] {strides = array<i32>} : memref<128x128xf32, #tpu.memory_space<vmem>>, vector<1x16xf32>,
          %get3A_1078 = vector.shape_cast %get3A_1077 : vector<1x16xf32> to vector<16xf32>
          %mul3A_1079 = arith.mulf %get3A_1078, %broadcast_in_dim3A_1054 : vector<16xf32>
          %swap3A_1080 = arith.index_cast %add3A_1043 : i32 to index
          %swap3A_1081 = arith.constant 32 : index
          %swap3A_1082 = tpu.vector_load %arg15[%swap3A_1080, %swap3A_1081] {strides = array<i32>} : memref<128x128xf32, #tpu.memory_space<vmem>>, vector<1x16xf32>,
          %swap3A_1083 = vector.shape_cast %swap3A_1082 : vector<1x16xf32> to vector<16xf32>
          %swap3A_1084 = vector.shape_cast %mul3A_1079 : vector<16xf32> to vector<1x16xf32>
          tpu.vector_store %arg15[%swap3A_1080, %swap3A_1081], %swap3A_1084 {strides = array<i32>} : memref<128x128xf32, #tpu.memory_space<vmem>>, vector<1x16xf32>,
          %get3A_1085 = arith.index_cast %add3A_1043 : i32 to index
          %get3A_1086 = arith.constant 48 : index
          %get3A_1087 = tpu.vector_load %arg15[%get3A_1085, %get3A_1086] {strides = array<i32>} : memref<128x128xf32, #tpu.memory_space<vmem>>, vector<1x16xf32>,
          %get3A_1088 = vector.shape_cast %get3A_1087 : vector<1x16xf32> to vector<16xf32>
          %mul3A_1089 = arith.mulf %get3A_1088, %broadcast_in_dim3A_1054 : vector<16xf32>
          %swap3A_1090 = arith.index_cast %add3A_1043 : i32 to index
          %swap3A_1091 = arith.constant 48 : index
          %swap3A_1092 = tpu.vector_load %arg15[%swap3A_1090, %swap3A_1091] {strides = array<i32>} : memref<128x128xf32, #tpu.memory_space<vmem>>, vector<1x16xf32>,
          %swap3A_1093 = vector.shape_cast %swap3A_1092 : vector<1x16xf32> to vector<16xf32>
          %swap3A_1094 = vector.shape_cast %mul3A_1089 : vector<16xf32> to vector<1x16xf32>
          tpu.vector_store %arg15[%swap3A_1090, %swap3A_1091], %swap3A_1094 {strides = array<i32>} : memref<128x128xf32, #tpu.memory_space<vmem>>, vector<1x16xf32>,
          %get3A_1095 = arith.index_cast %add3A_1043 : i32 to index
          %get3A_1096 = arith.constant 64 : index
          %get3A_1097 = tpu.vector_load %arg15[%get3A_1095, %get3A_1096] {strides = array<i32>} : memref<128x128xf32, #tpu.memory_space<vmem>>, vector<1x16xf32>,
          %get3A_1098 = vector.shape_cast %get3A_1097 : vector<1x16xf32> to vector<16xf32>
          %mul3A_1099 = arith.mulf %get3A_1098, %broadcast_in_dim3A_1054 : vector<16xf32>
          %swap3A_1100 = arith.index_cast %add3A_1043 : i32 to index
          %swap3A_1101 = arith.constant 64 : index
          %swap3A_1102 = tpu.vector_load %arg15[%swap3A_1100, %swap3A_1101] {strides = array<i32>} : memref<128x128xf32, #tpu.memory_space<vmem>>, vector<1x16xf32>,
          %swap3A_1103 = vector.shape_cast %swap3A_1102 : vector<1x16xf32> to vector<16xf32>
          %swap3A_1104 = vector.shape_cast %mul3A_1099 : vector<16xf32> to vector<1x16xf32>
          tpu.vector_store %arg15[%swap3A_1100, %swap3A_1101], %swap3A_1104 {strides = array<i32>} : memref<128x128xf32, #tpu.memory_space<vmem>>, vector<1x16xf32>,
          %get3A_1105 = arith.index_cast %add3A_1043 : i32 to index
          %get3A_1106 = arith.constant 80 : index
          %get3A_1107 = tpu.vector_load %arg15[%get3A_1105, %get3A_1106] {strides = array<i32>} : memref<128x128xf32, #tpu.memory_space<vmem>>, vector<1x16xf32>,
          %get3A_1108 = vector.shape_cast %get3A_1107 : vector<1x16xf32> to vector<16xf32>
          %mul3A_1109 = arith.mulf %get3A_1108, %broadcast_in_dim3A_1054 : vector<16xf32>
          %swap3A_1110 = arith.index_cast %add3A_1043 : i32 to index
          %swap3A_1111 = arith.constant 80 : index
          %swap3A_1112 = tpu.vector_load %arg15[%swap3A_1110, %swap3A_1111] {strides = array<i32>} : memref<128x128xf32, #tpu.memory_space<vmem>>, vector<1x16xf32>,
          %swap3A_1113 = vector.shape_cast %swap3A_1112 : vector<1x16xf32> to vector<16xf32>
          %swap3A_1114 = vector.shape_cast %mul3A_1109 : vector<16xf32> to vector<1x16xf32>
          tpu.vector_store %arg15[%swap3A_1110, %swap3A_1111], %swap3A_1114 {strides = array<i32>} : memref<128x128xf32, #tpu.memory_space<vmem>>, vector<1x16xf32>,
          %get3A_1115 = arith.index_cast %add3A_1043 : i32 to index
          %get3A_1116 = arith.constant 96 : index
          %get3A_1117 = tpu.vector_load %arg15[%get3A_1115, %get3A_1116] {strides = array<i32>} : memref<128x128xf32, #tpu.memory_space<vmem>>, vector<1x16xf32>,
          %get3A_1118 = vector.shape_cast %get3A_1117 : vector<1x16xf32> to vector<16xf32>
          %mul3A_1119 = arith.mulf %get3A_1118, %broadcast_in_dim3A_1054 : vector<16xf32>
          %swap3A_1120 = arith.index_cast %add3A_1043 : i32 to index
          %swap3A_1121 = arith.constant 96 : index
          %swap3A_1122 = tpu.vector_load %arg15[%swap3A_1120, %swap3A_1121] {strides = array<i32>} : memref<128x128xf32, #tpu.memory_space<vmem>>, vector<1x16xf32>,
          %swap3A_1123 = vector.shape_cast %swap3A_1122 : vector<1x16xf32> to vector<16xf32>
          %swap3A_1124 = vector.shape_cast %mul3A_1119 : vector<16xf32> to vector<1x16xf32>
          tpu.vector_store %arg15[%swap3A_1120, %swap3A_1121], %swap3A_1124 {strides = array<i32>} : memref<128x128xf32, #tpu.memory_space<vmem>>, vector<1x16xf32>,
          %get3A_1125 = arith.index_cast %add3A_1043 : i32 to index
          %get3A_1126 = arith.constant 112 : index
          %get3A_1127 = tpu.vector_load %arg15[%get3A_1125, %get3A_1126] {strides = array<i32>} : memref<128x128xf32, #tpu.memory_space<vmem>>, vector<1x16xf32>,
          %get3A_1128 = vector.shape_cast %get3A_1127 : vector<1x16xf32> to vector<16xf32>
          %mul3A_1129 = arith.mulf %get3A_1128, %broadcast_in_dim3A_1054 : vector<16xf32>
          %swap3A_1130 = arith.index_cast %add3A_1043 : i32 to index
          %swap3A_1131 = arith.constant 112 : index
          %swap3A_1132 = tpu.vector_load %arg15[%swap3A_1130, %swap3A_1131] {strides = array<i32>} : memref<128x128xf32, #tpu.memory_space<vmem>>, vector<1x16xf32>,
          %swap3A_1133 = vector.shape_cast %swap3A_1132 : vector<1x16xf32> to vector<16xf32>
          %swap3A_1134 = vector.shape_cast %mul3A_1129 : vector<16xf32> to vector<1x16xf32>
          tpu.vector_store %arg15[%swap3A_1130, %swap3A_1131], %swap3A_1134 {strides = array<i32>} : memref<128x128xf32, #tpu.memory_space<vmem>>, vector<1x16xf32>,
          %mul3A_1135 = arith.constant 16 : i32
          %mul3A_1136 = arith.muli %scan3A_153, %mul3A_1135 : i32
          %add3A_1137 = arith.constant 10 : i32
          %add3A_1138 = arith.addi %mul3A_1136, %add3A_1137 : i32
          %slice3A_1139 = vector.extract_strided_slice %select_n3A_177 {offsets = [10], sizes = [1], strides = [1]} : vector<16xf32> to vector<1xf32>
          %squeeze3A_1140 = vector.extract %slice3A_1139[0] : f32 from vector<1xf32>
          %broadcast_in_dim3A_1141 = vector.broadcast %squeeze3A_1140 : f32 to vector<16xf32>
          %swap3A_1142 = arith.index_cast %add3A_1138 : i32 to index
          %swap3A_1143 = arith.constant 0 : index
          %swap3A_1144 = tpu.vector_load %arg9[%swap3A_1142, %swap3A_1143] {strides = array<i32>} : memref<128x16xf32, #tpu.memory_space<vmem>>, vector<1x16xf32>,
          %swap3A_1145 = vector.shape_cast %swap3A_1144 : vector<1x16xf32> to vector<16xf32>
          %swap3A_1146 = vector.shape_cast %broadcast_in_dim3A_1141 : vector<16xf32> to vector<1x16xf32>
          tpu.vector_store %arg9[%swap3A_1142, %swap3A_1143], %swap3A_1146 {strides = array<i32>} : memref<128x16xf32, #tpu.memory_space<vmem>>, vector<1x16xf32>,
          %slice3A_1147 = vector.extract_strided_slice %select_n3A {offsets = [10], sizes = [1], strides = [1]} : vector<16xf32> to vector<1xf32>
          %squeeze3A_1148 = vector.extract %slice3A_1147[0] : f32 from vector<1xf32>
          %broadcast_in_dim3A_1149 = vector.broadcast %squeeze3A_1148 : f32 to vector<16xf32>
          %get3A_1150 = arith.index_cast %add3A_1138 : i32 to index
          %get3A_1151 = arith.constant 0 : index
          %get3A_1152 = tpu.vector_load %arg15[%get3A_1150, %get3A_1151] {strides = array<i32>} : memref<128x128xf32, #tpu.memory_space<vmem>>, vector<1x16xf32>,
          %get3A_1153 = vector.shape_cast %get3A_1152 : vector<1x16xf32> to vector<16xf32>
          %mul3A_1154 = arith.mulf %get3A_1153, %broadcast_in_dim3A_1149 : vector<16xf32>
          %swap3A_1155 = arith.index_cast %add3A_1138 : i32 to index
          %swap3A_1156 = arith.constant 0 : index
          %swap3A_1157 = tpu.vector_load %arg15[%swap3A_1155, %swap3A_1156] {strides = array<i32>} : memref<128x128xf32, #tpu.memory_space<vmem>>, vector<1x16xf32>,
          %swap3A_1158 = vector.shape_cast %swap3A_1157 : vector<1x16xf32> to vector<16xf32>
          %swap3A_1159 = vector.shape_cast %mul3A_1154 : vector<16xf32> to vector<1x16xf32>
          tpu.vector_store %arg15[%swap3A_1155, %swap3A_1156], %swap3A_1159 {strides = array<i32>} : memref<128x128xf32, #tpu.memory_space<vmem>>, vector<1x16xf32>,
          %get3A_1160 = arith.index_cast %add3A_1138 : i32 to index
          %get3A_1161 = arith.constant 16 : index
          %get3A_1162 = tpu.vector_load %arg15[%get3A_1160, %get3A_1161] {strides = array<i32>} : memref<128x128xf32, #tpu.memory_space<vmem>>, vector<1x16xf32>,
          %get3A_1163 = vector.shape_cast %get3A_1162 : vector<1x16xf32> to vector<16xf32>
          %mul3A_1164 = arith.mulf %get3A_1163, %broadcast_in_dim3A_1149 : vector<16xf32>
          %swap3A_1165 = arith.index_cast %add3A_1138 : i32 to index
          %swap3A_1166 = arith.constant 16 : index
          %swap3A_1167 = tpu.vector_load %arg15[%swap3A_1165, %swap3A_1166] {strides = array<i32>} : memref<128x128xf32, #tpu.memory_space<vmem>>, vector<1x16xf32>,
          %swap3A_1168 = vector.shape_cast %swap3A_1167 : vector<1x16xf32> to vector<16xf32>
          %swap3A_1169 = vector.shape_cast %mul3A_1164 : vector<16xf32> to vector<1x16xf32>
          tpu.vector_store %arg15[%swap3A_1165, %swap3A_1166], %swap3A_1169 {strides = array<i32>} : memref<128x128xf32, #tpu.memory_space<vmem>>, vector<1x16xf32>,
          %get3A_1170 = arith.index_cast %add3A_1138 : i32 to index
          %get3A_1171 = arith.constant 32 : index
          %get3A_1172 = tpu.vector_load %arg15[%get3A_1170, %get3A_1171] {strides = array<i32>} : memref<128x128xf32, #tpu.memory_space<vmem>>, vector<1x16xf32>,
          %get3A_1173 = vector.shape_cast %get3A_1172 : vector<1x16xf32> to vector<16xf32>
          %mul3A_1174 = arith.mulf %get3A_1173, %broadcast_in_dim3A_1149 : vector<16xf32>
          %swap3A_1175 = arith.index_cast %add3A_1138 : i32 to index
          %swap3A_1176 = arith.constant 32 : index
          %swap3A_1177 = tpu.vector_load %arg15[%swap3A_1175, %swap3A_1176] {strides = array<i32>} : memref<128x128xf32, #tpu.memory_space<vmem>>, vector<1x16xf32>,
          %swap3A_1178 = vector.shape_cast %swap3A_1177 : vector<1x16xf32> to vector<16xf32>
          %swap3A_1179 = vector.shape_cast %mul3A_1174 : vector<16xf32> to vector<1x16xf32>
          tpu.vector_store %arg15[%swap3A_1175, %swap3A_1176], %swap3A_1179 {strides = array<i32>} : memref<128x128xf32, #tpu.memory_space<vmem>>, vector<1x16xf32>,
          %get3A_1180 = arith.index_cast %add3A_1138 : i32 to index
          %get3A_1181 = arith.constant 48 : index
          %get3A_1182 = tpu.vector_load %arg15[%get3A_1180, %get3A_1181] {strides = array<i32>} : memref<128x128xf32, #tpu.memory_space<vmem>>, vector<1x16xf32>,
          %get3A_1183 = vector.shape_cast %get3A_1182 : vector<1x16xf32> to vector<16xf32>
          %mul3A_1184 = arith.mulf %get3A_1183, %broadcast_in_dim3A_1149 : vector<16xf32>
          %swap3A_1185 = arith.index_cast %add3A_1138 : i32 to index
          %swap3A_1186 = arith.constant 48 : index
          %swap3A_1187 = tpu.vector_load %arg15[%swap3A_1185, %swap3A_1186] {strides = array<i32>} : memref<128x128xf32, #tpu.memory_space<vmem>>, vector<1x16xf32>,
          %swap3A_1188 = vector.shape_cast %swap3A_1187 : vector<1x16xf32> to vector<16xf32>
          %swap3A_1189 = vector.shape_cast %mul3A_1184 : vector<16xf32> to vector<1x16xf32>
          tpu.vector_store %arg15[%swap3A_1185, %swap3A_1186], %swap3A_1189 {strides = array<i32>} : memref<128x128xf32, #tpu.memory_space<vmem>>, vector<1x16xf32>,
          %get3A_1190 = arith.index_cast %add3A_1138 : i32 to index
          %get3A_1191 = arith.constant 64 : index
          %get3A_1192 = tpu.vector_load %arg15[%get3A_1190, %get3A_1191] {strides = array<i32>} : memref<128x128xf32, #tpu.memory_space<vmem>>, vector<1x16xf32>,
          %get3A_1193 = vector.shape_cast %get3A_1192 : vector<1x16xf32> to vector<16xf32>
          %mul3A_1194 = arith.mulf %get3A_1193, %broadcast_in_dim3A_1149 : vector<16xf32>
          %swap3A_1195 = arith.index_cast %add3A_1138 : i32 to index
          %swap3A_1196 = arith.constant 64 : index
          %swap3A_1197 = tpu.vector_load %arg15[%swap3A_1195, %swap3A_1196] {strides = array<i32>} : memref<128x128xf32, #tpu.memory_space<vmem>>, vector<1x16xf32>,
          %swap3A_1198 = vector.shape_cast %swap3A_1197 : vector<1x16xf32> to vector<16xf32>
          %swap3A_1199 = vector.shape_cast %mul3A_1194 : vector<16xf32> to vector<1x16xf32>
          tpu.vector_store %arg15[%swap3A_1195, %swap3A_1196], %swap3A_1199 {strides = array<i32>} : memref<128x128xf32, #tpu.memory_space<vmem>>, vector<1x16xf32>,
          %get3A_1200 = arith.index_cast %add3A_1138 : i32 to index
          %get3A_1201 = arith.constant 80 : index
          %get3A_1202 = tpu.vector_load %arg15[%get3A_1200, %get3A_1201] {strides = array<i32>} : memref<128x128xf32, #tpu.memory_space<vmem>>, vector<1x16xf32>,
          %get3A_1203 = vector.shape_cast %get3A_1202 : vector<1x16xf32> to vector<16xf32>
          %mul3A_1204 = arith.mulf %get3A_1203, %broadcast_in_dim3A_1149 : vector<16xf32>
          %swap3A_1205 = arith.index_cast %add3A_1138 : i32 to index
          %swap3A_1206 = arith.constant 80 : index
          %swap3A_1207 = tpu.vector_load %arg15[%swap3A_1205, %swap3A_1206] {strides = array<i32>} : memref<128x128xf32, #tpu.memory_space<vmem>>, vector<1x16xf32>,
          %swap3A_1208 = vector.shape_cast %swap3A_1207 : vector<1x16xf32> to vector<16xf32>
          %swap3A_1209 = vector.shape_cast %mul3A_1204 : vector<16xf32> to vector<1x16xf32>
          tpu.vector_store %arg15[%swap3A_1205, %swap3A_1206], %swap3A_1209 {strides = array<i32>} : memref<128x128xf32, #tpu.memory_space<vmem>>, vector<1x16xf32>,
          %get3A_1210 = arith.index_cast %add3A_1138 : i32 to index
          %get3A_1211 = arith.constant 96 : index
          %get3A_1212 = tpu.vector_load %arg15[%get3A_1210, %get3A_1211] {strides = array<i32>} : memref<128x128xf32, #tpu.memory_space<vmem>>, vector<1x16xf32>,
          %get3A_1213 = vector.shape_cast %get3A_1212 : vector<1x16xf32> to vector<16xf32>
          %mul3A_1214 = arith.mulf %get3A_1213, %broadcast_in_dim3A_1149 : vector<16xf32>
          %swap3A_1215 = arith.index_cast %add3A_1138 : i32 to index
          %swap3A_1216 = arith.constant 96 : index
          %swap3A_1217 = tpu.vector_load %arg15[%swap3A_1215, %swap3A_1216] {strides = array<i32>} : memref<128x128xf32, #tpu.memory_space<vmem>>, vector<1x16xf32>,
          %swap3A_1218 = vector.shape_cast %swap3A_1217 : vector<1x16xf32> to vector<16xf32>
          %swap3A_1219 = vector.shape_cast %mul3A_1214 : vector<16xf32> to vector<1x16xf32>
          tpu.vector_store %arg15[%swap3A_1215, %swap3A_1216], %swap3A_1219 {strides = array<i32>} : memref<128x128xf32, #tpu.memory_space<vmem>>, vector<1x16xf32>,
          %get3A_1220 = arith.index_cast %add3A_1138 : i32 to index
          %get3A_1221 = arith.constant 112 : index
          %get3A_1222 = tpu.vector_load %arg15[%get3A_1220, %get3A_1221] {strides = array<i32>} : memref<128x128xf32, #tpu.memory_space<vmem>>, vector<1x16xf32>,
          %get3A_1223 = vector.shape_cast %get3A_1222 : vector<1x16xf32> to vector<16xf32>
          %mul3A_1224 = arith.mulf %get3A_1223, %broadcast_in_dim3A_1149 : vector<16xf32>
          %swap3A_1225 = arith.index_cast %add3A_1138 : i32 to index
          %swap3A_1226 = arith.constant 112 : index
          %swap3A_1227 = tpu.vector_load %arg15[%swap3A_1225, %swap3A_1226] {strides = array<i32>} : memref<128x128xf32, #tpu.memory_space<vmem>>, vector<1x16xf32>,
          %swap3A_1228 = vector.shape_cast %swap3A_1227 : vector<1x16xf32> to vector<16xf32>
          %swap3A_1229 = vector.shape_cast %mul3A_1224 : vector<16xf32> to vector<1x16xf32>
          tpu.vector_store %arg15[%swap3A_1225, %swap3A_1226], %swap3A_1229 {strides = array<i32>} : memref<128x128xf32, #tpu.memory_space<vmem>>, vector<1x16xf32>,
          %mul3A_1230 = arith.constant 16 : i32
          %mul3A_1231 = arith.muli %scan3A_153, %mul3A_1230 : i32
          %add3A_1232 = arith.constant 11 : i32
          %add3A_1233 = arith.addi %mul3A_1231, %add3A_1232 : i32
          %slice3A_1234 = vector.extract_strided_slice %select_n3A_177 {offsets = [11], sizes = [1], strides = [1]} : vector<16xf32> to vector<1xf32>
          %squeeze3A_1235 = vector.extract %slice3A_1234[0] : f32 from vector<1xf32>
          %broadcast_in_dim3A_1236 = vector.broadcast %squeeze3A_1235 : f32 to vector<16xf32>
          %swap3A_1237 = arith.index_cast %add3A_1233 : i32 to index
          %swap3A_1238 = arith.constant 0 : index
          %swap3A_1239 = tpu.vector_load %arg9[%swap3A_1237, %swap3A_1238] {strides = array<i32>} : memref<128x16xf32, #tpu.memory_space<vmem>>, vector<1x16xf32>,
          %swap3A_1240 = vector.shape_cast %swap3A_1239 : vector<1x16xf32> to vector<16xf32>
          %swap3A_1241 = vector.shape_cast %broadcast_in_dim3A_1236 : vector<16xf32> to vector<1x16xf32>
          tpu.vector_store %arg9[%swap3A_1237, %swap3A_1238], %swap3A_1241 {strides = array<i32>} : memref<128x16xf32, #tpu.memory_space<vmem>>, vector<1x16xf32>,
          %slice3A_1242 = vector.extract_strided_slice %select_n3A {offsets = [11], sizes = [1], strides = [1]} : vector<16xf32> to vector<1xf32>
          %squeeze3A_1243 = vector.extract %slice3A_1242[0] : f32 from vector<1xf32>
          %broadcast_in_dim3A_1244 = vector.broadcast %squeeze3A_1243 : f32 to vector<16xf32>
          %get3A_1245 = arith.index_cast %add3A_1233 : i32 to index
          %get3A_1246 = arith.constant 0 : index
          %get3A_1247 = tpu.vector_load %arg15[%get3A_1245, %get3A_1246] {strides = array<i32>} : memref<128x128xf32, #tpu.memory_space<vmem>>, vector<1x16xf32>,
          %get3A_1248 = vector.shape_cast %get3A_1247 : vector<1x16xf32> to vector<16xf32>
          %mul3A_1249 = arith.mulf %get3A_1248, %broadcast_in_dim3A_1244 : vector<16xf32>
          %swap3A_1250 = arith.index_cast %add3A_1233 : i32 to index
          %swap3A_1251 = arith.constant 0 : index
          %swap3A_1252 = tpu.vector_load %arg15[%swap3A_1250, %swap3A_1251] {strides = array<i32>} : memref<128x128xf32, #tpu.memory_space<vmem>>, vector<1x16xf32>,
          %swap3A_1253 = vector.shape_cast %swap3A_1252 : vector<1x16xf32> to vector<16xf32>
          %swap3A_1254 = vector.shape_cast %mul3A_1249 : vector<16xf32> to vector<1x16xf32>
          tpu.vector_store %arg15[%swap3A_1250, %swap3A_1251], %swap3A_1254 {strides = array<i32>} : memref<128x128xf32, #tpu.memory_space<vmem>>, vector<1x16xf32>,
          %get3A_1255 = arith.index_cast %add3A_1233 : i32 to index
          %get3A_1256 = arith.constant 16 : index
          %get3A_1257 = tpu.vector_load %arg15[%get3A_1255, %get3A_1256] {strides = array<i32>} : memref<128x128xf32, #tpu.memory_space<vmem>>, vector<1x16xf32>,
          %get3A_1258 = vector.shape_cast %get3A_1257 : vector<1x16xf32> to vector<16xf32>
          %mul3A_1259 = arith.mulf %get3A_1258, %broadcast_in_dim3A_1244 : vector<16xf32>
          %swap3A_1260 = arith.index_cast %add3A_1233 : i32 to index
          %swap3A_1261 = arith.constant 16 : index
          %swap3A_1262 = tpu.vector_load %arg15[%swap3A_1260, %swap3A_1261] {strides = array<i32>} : memref<128x128xf32, #tpu.memory_space<vmem>>, vector<1x16xf32>,
          %swap3A_1263 = vector.shape_cast %swap3A_1262 : vector<1x16xf32> to vector<16xf32>
          %swap3A_1264 = vector.shape_cast %mul3A_1259 : vector<16xf32> to vector<1x16xf32>
          tpu.vector_store %arg15[%swap3A_1260, %swap3A_1261], %swap3A_1264 {strides = array<i32>} : memref<128x128xf32, #tpu.memory_space<vmem>>, vector<1x16xf32>,
          %get3A_1265 = arith.index_cast %add3A_1233 : i32 to index
          %get3A_1266 = arith.constant 32 : index
          %get3A_1267 = tpu.vector_load %arg15[%get3A_1265, %get3A_1266] {strides = array<i32>} : memref<128x128xf32, #tpu.memory_space<vmem>>, vector<1x16xf32>,
          %get3A_1268 = vector.shape_cast %get3A_1267 : vector<1x16xf32> to vector<16xf32>
          %mul3A_1269 = arith.mulf %get3A_1268, %broadcast_in_dim3A_1244 : vector<16xf32>
          %swap3A_1270 = arith.index_cast %add3A_1233 : i32 to index
          %swap3A_1271 = arith.constant 32 : index
          %swap3A_1272 = tpu.vector_load %arg15[%swap3A_1270, %swap3A_1271] {strides = array<i32>} : memref<128x128xf32, #tpu.memory_space<vmem>>, vector<1x16xf32>,
          %swap3A_1273 = vector.shape_cast %swap3A_1272 : vector<1x16xf32> to vector<16xf32>
          %swap3A_1274 = vector.shape_cast %mul3A_1269 : vector<16xf32> to vector<1x16xf32>
          tpu.vector_store %arg15[%swap3A_1270, %swap3A_1271], %swap3A_1274 {strides = array<i32>} : memref<128x128xf32, #tpu.memory_space<vmem>>, vector<1x16xf32>,
          %get3A_1275 = arith.index_cast %add3A_1233 : i32 to index
          %get3A_1276 = arith.constant 48 : index
          %get3A_1277 = tpu.vector_load %arg15[%get3A_1275, %get3A_1276] {strides = array<i32>} : memref<128x128xf32, #tpu.memory_space<vmem>>, vector<1x16xf32>,
          %get3A_1278 = vector.shape_cast %get3A_1277 : vector<1x16xf32> to vector<16xf32>
          %mul3A_1279 = arith.mulf %get3A_1278, %broadcast_in_dim3A_1244 : vector<16xf32>
          %swap3A_1280 = arith.index_cast %add3A_1233 : i32 to index
          %swap3A_1281 = arith.constant 48 : index
          %swap3A_1282 = tpu.vector_load %arg15[%swap3A_1280, %swap3A_1281] {strides = array<i32>} : memref<128x128xf32, #tpu.memory_space<vmem>>, vector<1x16xf32>,
          %swap3A_1283 = vector.shape_cast %swap3A_1282 : vector<1x16xf32> to vector<16xf32>
          %swap3A_1284 = vector.shape_cast %mul3A_1279 : vector<16xf32> to vector<1x16xf32>
          tpu.vector_store %arg15[%swap3A_1280, %swap3A_1281], %swap3A_1284 {strides = array<i32>} : memref<128x128xf32, #tpu.memory_space<vmem>>, vector<1x16xf32>,
          %get3A_1285 = arith.index_cast %add3A_1233 : i32 to index
          %get3A_1286 = arith.constant 64 : index
          %get3A_1287 = tpu.vector_load %arg15[%get3A_1285, %get3A_1286] {strides = array<i32>} : memref<128x128xf32, #tpu.memory_space<vmem>>, vector<1x16xf32>,
          %get3A_1288 = vector.shape_cast %get3A_1287 : vector<1x16xf32> to vector<16xf32>
          %mul3A_1289 = arith.mulf %get3A_1288, %broadcast_in_dim3A_1244 : vector<16xf32>
          %swap3A_1290 = arith.index_cast %add3A_1233 : i32 to index
          %swap3A_1291 = arith.constant 64 : index
          %swap3A_1292 = tpu.vector_load %arg15[%swap3A_1290, %swap3A_1291] {strides = array<i32>} : memref<128x128xf32, #tpu.memory_space<vmem>>, vector<1x16xf32>,
          %swap3A_1293 = vector.shape_cast %swap3A_1292 : vector<1x16xf32> to vector<16xf32>
          %swap3A_1294 = vector.shape_cast %mul3A_1289 : vector<16xf32> to vector<1x16xf32>
          tpu.vector_store %arg15[%swap3A_1290, %swap3A_1291], %swap3A_1294 {strides = array<i32>} : memref<128x128xf32, #tpu.memory_space<vmem>>, vector<1x16xf32>,
          %get3A_1295 = arith.index_cast %add3A_1233 : i32 to index
          %get3A_1296 = arith.constant 80 : index
          %get3A_1297 = tpu.vector_load %arg15[%get3A_1295, %get3A_1296] {strides = array<i32>} : memref<128x128xf32, #tpu.memory_space<vmem>>, vector<1x16xf32>,
          %get3A_1298 = vector.shape_cast %get3A_1297 : vector<1x16xf32> to vector<16xf32>
          %mul3A_1299 = arith.mulf %get3A_1298, %broadcast_in_dim3A_1244 : vector<16xf32>
          %swap3A_1300 = arith.index_cast %add3A_1233 : i32 to index
          %swap3A_1301 = arith.constant 80 : index
          %swap3A_1302 = tpu.vector_load %arg15[%swap3A_1300, %swap3A_1301] {strides = array<i32>} : memref<128x128xf32, #tpu.memory_space<vmem>>, vector<1x16xf32>,
          %swap3A_1303 = vector.shape_cast %swap3A_1302 : vector<1x16xf32> to vector<16xf32>
          %swap3A_1304 = vector.shape_cast %mul3A_1299 : vector<16xf32> to vector<1x16xf32>
          tpu.vector_store %arg15[%swap3A_1300, %swap3A_1301], %swap3A_1304 {strides = array<i32>} : memref<128x128xf32, #tpu.memory_space<vmem>>, vector<1x16xf32>,
          %get3A_1305 = arith.index_cast %add3A_1233 : i32 to index
          %get3A_1306 = arith.constant 96 : index
          %get3A_1307 = tpu.vector_load %arg15[%get3A_1305, %get3A_1306] {strides = array<i32>} : memref<128x128xf32, #tpu.memory_space<vmem>>, vector<1x16xf32>,
          %get3A_1308 = vector.shape_cast %get3A_1307 : vector<1x16xf32> to vector<16xf32>
          %mul3A_1309 = arith.mulf %get3A_1308, %broadcast_in_dim3A_1244 : vector<16xf32>
          %swap3A_1310 = arith.index_cast %add3A_1233 : i32 to index
          %swap3A_1311 = arith.constant 96 : index
          %swap3A_1312 = tpu.vector_load %arg15[%swap3A_1310, %swap3A_1311] {strides = array<i32>} : memref<128x128xf32, #tpu.memory_space<vmem>>, vector<1x16xf32>,
          %swap3A_1313 = vector.shape_cast %swap3A_1312 : vector<1x16xf32> to vector<16xf32>
          %swap3A_1314 = vector.shape_cast %mul3A_1309 : vector<16xf32> to vector<1x16xf32>
          tpu.vector_store %arg15[%swap3A_1310, %swap3A_1311], %swap3A_1314 {strides = array<i32>} : memref<128x128xf32, #tpu.memory_space<vmem>>, vector<1x16xf32>,
          %get3A_1315 = arith.index_cast %add3A_1233 : i32 to index
          %get3A_1316 = arith.constant 112 : index
          %get3A_1317 = tpu.vector_load %arg15[%get3A_1315, %get3A_1316] {strides = array<i32>} : memref<128x128xf32, #tpu.memory_space<vmem>>, vector<1x16xf32>,
          %get3A_1318 = vector.shape_cast %get3A_1317 : vector<1x16xf32> to vector<16xf32>
          %mul3A_1319 = arith.mulf %get3A_1318, %broadcast_in_dim3A_1244 : vector<16xf32>
          %swap3A_1320 = arith.index_cast %add3A_1233 : i32 to index
          %swap3A_1321 = arith.constant 112 : index
          %swap3A_1322 = tpu.vector_load %arg15[%swap3A_1320, %swap3A_1321] {strides = array<i32>} : memref<128x128xf32, #tpu.memory_space<vmem>>, vector<1x16xf32>,
          %swap3A_1323 = vector.shape_cast %swap3A_1322 : vector<1x16xf32> to vector<16xf32>
          %swap3A_1324 = vector.shape_cast %mul3A_1319 : vector<16xf32> to vector<1x16xf32>
          tpu.vector_store %arg15[%swap3A_1320, %swap3A_1321], %swap3A_1324 {strides = array<i32>} : memref<128x128xf32, #tpu.memory_space<vmem>>, vector<1x16xf32>,
          %mul3A_1325 = arith.constant 16 : i32
          %mul3A_1326 = arith.muli %scan3A_153, %mul3A_1325 : i32
          %add3A_1327 = arith.constant 12 : i32
          %add3A_1328 = arith.addi %mul3A_1326, %add3A_1327 : i32
          %slice3A_1329 = vector.extract_strided_slice %select_n3A_177 {offsets = [12], sizes = [1], strides = [1]} : vector<16xf32> to vector<1xf32>
          %squeeze3A_1330 = vector.extract %slice3A_1329[0] : f32 from vector<1xf32>
          %broadcast_in_dim3A_1331 = vector.broadcast %squeeze3A_1330 : f32 to vector<16xf32>
          %swap3A_1332 = arith.index_cast %add3A_1328 : i32 to index
          %swap3A_1333 = arith.constant 0 : index
          %swap3A_1334 = tpu.vector_load %arg9[%swap3A_1332, %swap3A_1333] {strides = array<i32>} : memref<128x16xf32, #tpu.memory_space<vmem>>, vector<1x16xf32>,
          %swap3A_1335 = vector.shape_cast %swap3A_1334 : vector<1x16xf32> to vector<16xf32>
          %swap3A_1336 = vector.shape_cast %broadcast_in_dim3A_1331 : vector<16xf32> to vector<1x16xf32>
          tpu.vector_store %arg9[%swap3A_1332, %swap3A_1333], %swap3A_1336 {strides = array<i32>} : memref<128x16xf32, #tpu.memory_space<vmem>>, vector<1x16xf32>,
          %slice3A_1337 = vector.extract_strided_slice %select_n3A {offsets = [12], sizes = [1], strides = [1]} : vector<16xf32> to vector<1xf32>
          %squeeze3A_1338 = vector.extract %slice3A_1337[0] : f32 from vector<1xf32>
          %broadcast_in_dim3A_1339 = vector.broadcast %squeeze3A_1338 : f32 to vector<16xf32>
          %get3A_1340 = arith.index_cast %add3A_1328 : i32 to index
          %get3A_1341 = arith.constant 0 : index
          %get3A_1342 = tpu.vector_load %arg15[%get3A_1340, %get3A_1341] {strides = array<i32>} : memref<128x128xf32, #tpu.memory_space<vmem>>, vector<1x16xf32>,
          %get3A_1343 = vector.shape_cast %get3A_1342 : vector<1x16xf32> to vector<16xf32>
          %mul3A_1344 = arith.mulf %get3A_1343, %broadcast_in_dim3A_1339 : vector<16xf32>
          %swap3A_1345 = arith.index_cast %add3A_1328 : i32 to index
          %swap3A_1346 = arith.constant 0 : index
          %swap3A_1347 = tpu.vector_load %arg15[%swap3A_1345, %swap3A_1346] {strides = array<i32>} : memref<128x128xf32, #tpu.memory_space<vmem>>, vector<1x16xf32>,
          %swap3A_1348 = vector.shape_cast %swap3A_1347 : vector<1x16xf32> to vector<16xf32>
          %swap3A_1349 = vector.shape_cast %mul3A_1344 : vector<16xf32> to vector<1x16xf32>
          tpu.vector_store %arg15[%swap3A_1345, %swap3A_1346], %swap3A_1349 {strides = array<i32>} : memref<128x128xf32, #tpu.memory_space<vmem>>, vector<1x16xf32>,
          %get3A_1350 = arith.index_cast %add3A_1328 : i32 to index
          %get3A_1351 = arith.constant 16 : index
          %get3A_1352 = tpu.vector_load %arg15[%get3A_1350, %get3A_1351] {strides = array<i32>} : memref<128x128xf32, #tpu.memory_space<vmem>>, vector<1x16xf32>,
          %get3A_1353 = vector.shape_cast %get3A_1352 : vector<1x16xf32> to vector<16xf32>
          %mul3A_1354 = arith.mulf %get3A_1353, %broadcast_in_dim3A_1339 : vector<16xf32>
          %swap3A_1355 = arith.index_cast %add3A_1328 : i32 to index
          %swap3A_1356 = arith.constant 16 : index
          %swap3A_1357 = tpu.vector_load %arg15[%swap3A_1355, %swap3A_1356] {strides = array<i32>} : memref<128x128xf32, #tpu.memory_space<vmem>>, vector<1x16xf32>,
          %swap3A_1358 = vector.shape_cast %swap3A_1357 : vector<1x16xf32> to vector<16xf32>
          %swap3A_1359 = vector.shape_cast %mul3A_1354 : vector<16xf32> to vector<1x16xf32>
          tpu.vector_store %arg15[%swap3A_1355, %swap3A_1356], %swap3A_1359 {strides = array<i32>} : memref<128x128xf32, #tpu.memory_space<vmem>>, vector<1x16xf32>,
          %get3A_1360 = arith.index_cast %add3A_1328 : i32 to index
          %get3A_1361 = arith.constant 32 : index
          %get3A_1362 = tpu.vector_load %arg15[%get3A_1360, %get3A_1361] {strides = array<i32>} : memref<128x128xf32, #tpu.memory_space<vmem>>, vector<1x16xf32>,
          %get3A_1363 = vector.shape_cast %get3A_1362 : vector<1x16xf32> to vector<16xf32>
          %mul3A_1364 = arith.mulf %get3A_1363, %broadcast_in_dim3A_1339 : vector<16xf32>
          %swap3A_1365 = arith.index_cast %add3A_1328 : i32 to index
          %swap3A_1366 = arith.constant 32 : index
          %swap3A_1367 = tpu.vector_load %arg15[%swap3A_1365, %swap3A_1366] {strides = array<i32>} : memref<128x128xf32, #tpu.memory_space<vmem>>, vector<1x16xf32>,
          %swap3A_1368 = vector.shape_cast %swap3A_1367 : vector<1x16xf32> to vector<16xf32>
          %swap3A_1369 = vector.shape_cast %mul3A_1364 : vector<16xf32> to vector<1x16xf32>
          tpu.vector_store %arg15[%swap3A_1365, %swap3A_1366], %swap3A_1369 {strides = array<i32>} : memref<128x128xf32, #tpu.memory_space<vmem>>, vector<1x16xf32>,
          %get3A_1370 = arith.index_cast %add3A_1328 : i32 to index
          %get3A_1371 = arith.constant 48 : index
          %get3A_1372 = tpu.vector_load %arg15[%get3A_1370, %get3A_1371] {strides = array<i32>} : memref<128x128xf32, #tpu.memory_space<vmem>>, vector<1x16xf32>,
          %get3A_1373 = vector.shape_cast %get3A_1372 : vector<1x16xf32> to vector<16xf32>
          %mul3A_1374 = arith.mulf %get3A_1373, %broadcast_in_dim3A_1339 : vector<16xf32>
          %swap3A_1375 = arith.index_cast %add3A_1328 : i32 to index
          %swap3A_1376 = arith.constant 48 : index
          %swap3A_1377 = tpu.vector_load %arg15[%swap3A_1375, %swap3A_1376] {strides = array<i32>} : memref<128x128xf32, #tpu.memory_space<vmem>>, vector<1x16xf32>,
          %swap3A_1378 = vector.shape_cast %swap3A_1377 : vector<1x16xf32> to vector<16xf32>
          %swap3A_1379 = vector.shape_cast %mul3A_1374 : vector<16xf32> to vector<1x16xf32>
          tpu.vector_store %arg15[%swap3A_1375, %swap3A_1376], %swap3A_1379 {strides = array<i32>} : memref<128x128xf32, #tpu.memory_space<vmem>>, vector<1x16xf32>,
          %get3A_1380 = arith.index_cast %add3A_1328 : i32 to index
          %get3A_1381 = arith.constant 64 : index
          %get3A_1382 = tpu.vector_load %arg15[%get3A_1380, %get3A_1381] {strides = array<i32>} : memref<128x128xf32, #tpu.memory_space<vmem>>, vector<1x16xf32>,
          %get3A_1383 = vector.shape_cast %get3A_1382 : vector<1x16xf32> to vector<16xf32>
          %mul3A_1384 = arith.mulf %get3A_1383, %broadcast_in_dim3A_1339 : vector<16xf32>
          %swap3A_1385 = arith.index_cast %add3A_1328 : i32 to index
          %swap3A_1386 = arith.constant 64 : index
          %swap3A_1387 = tpu.vector_load %arg15[%swap3A_1385, %swap3A_1386] {strides = array<i32>} : memref<128x128xf32, #tpu.memory_space<vmem>>, vector<1x16xf32>,
          %swap3A_1388 = vector.shape_cast %swap3A_1387 : vector<1x16xf32> to vector<16xf32>
          %swap3A_1389 = vector.shape_cast %mul3A_1384 : vector<16xf32> to vector<1x16xf32>
          tpu.vector_store %arg15[%swap3A_1385, %swap3A_1386], %swap3A_1389 {strides = array<i32>} : memref<128x128xf32, #tpu.memory_space<vmem>>, vector<1x16xf32>,
          %get3A_1390 = arith.index_cast %add3A_1328 : i32 to index
          %get3A_1391 = arith.constant 80 : index
          %get3A_1392 = tpu.vector_load %arg15[%get3A_1390, %get3A_1391] {strides = array<i32>} : memref<128x128xf32, #tpu.memory_space<vmem>>, vector<1x16xf32>,
          %get3A_1393 = vector.shape_cast %get3A_1392 : vector<1x16xf32> to vector<16xf32>
          %mul3A_1394 = arith.mulf %get3A_1393, %broadcast_in_dim3A_1339 : vector<16xf32>
          %swap3A_1395 = arith.index_cast %add3A_1328 : i32 to index
          %swap3A_1396 = arith.constant 80 : index
          %swap3A_1397 = tpu.vector_load %arg15[%swap3A_1395, %swap3A_1396] {strides = array<i32>} : memref<128x128xf32, #tpu.memory_space<vmem>>, vector<1x16xf32>,
          %swap3A_1398 = vector.shape_cast %swap3A_1397 : vector<1x16xf32> to vector<16xf32>
          %swap3A_1399 = vector.shape_cast %mul3A_1394 : vector<16xf32> to vector<1x16xf32>
          tpu.vector_store %arg15[%swap3A_1395, %swap3A_1396], %swap3A_1399 {strides = array<i32>} : memref<128x128xf32, #tpu.memory_space<vmem>>, vector<1x16xf32>,
          %get3A_1400 = arith.index_cast %add3A_1328 : i32 to index
          %get3A_1401 = arith.constant 96 : index
          %get3A_1402 = tpu.vector_load %arg15[%get3A_1400, %get3A_1401] {strides = array<i32>} : memref<128x128xf32, #tpu.memory_space<vmem>>, vector<1x16xf32>,
          %get3A_1403 = vector.shape_cast %get3A_1402 : vector<1x16xf32> to vector<16xf32>
          %mul3A_1404 = arith.mulf %get3A_1403, %broadcast_in_dim3A_1339 : vector<16xf32>
          %swap3A_1405 = arith.index_cast %add3A_1328 : i32 to index
          %swap3A_1406 = arith.constant 96 : index
          %swap3A_1407 = tpu.vector_load %arg15[%swap3A_1405, %swap3A_1406] {strides = array<i32>} : memref<128x128xf32, #tpu.memory_space<vmem>>, vector<1x16xf32>,
          %swap3A_1408 = vector.shape_cast %swap3A_1407 : vector<1x16xf32> to vector<16xf32>
          %swap3A_1409 = vector.shape_cast %mul3A_1404 : vector<16xf32> to vector<1x16xf32>
          tpu.vector_store %arg15[%swap3A_1405, %swap3A_1406], %swap3A_1409 {strides = array<i32>} : memref<128x128xf32, #tpu.memory_space<vmem>>, vector<1x16xf32>,
          %get3A_1410 = arith.index_cast %add3A_1328 : i32 to index
          %get3A_1411 = arith.constant 112 : index
          %get3A_1412 = tpu.vector_load %arg15[%get3A_1410, %get3A_1411] {strides = array<i32>} : memref<128x128xf32, #tpu.memory_space<vmem>>, vector<1x16xf32>,
          %get3A_1413 = vector.shape_cast %get3A_1412 : vector<1x16xf32> to vector<16xf32>
          %mul3A_1414 = arith.mulf %get3A_1413, %broadcast_in_dim3A_1339 : vector<16xf32>
          %swap3A_1415 = arith.index_cast %add3A_1328 : i32 to index
          %swap3A_1416 = arith.constant 112 : index
          %swap3A_1417 = tpu.vector_load %arg15[%swap3A_1415, %swap3A_1416] {strides = array<i32>} : memref<128x128xf32, #tpu.memory_space<vmem>>, vector<1x16xf32>,
          %swap3A_1418 = vector.shape_cast %swap3A_1417 : vector<1x16xf32> to vector<16xf32>
          %swap3A_1419 = vector.shape_cast %mul3A_1414 : vector<16xf32> to vector<1x16xf32>
          tpu.vector_store %arg15[%swap3A_1415, %swap3A_1416], %swap3A_1419 {strides = array<i32>} : memref<128x128xf32, #tpu.memory_space<vmem>>, vector<1x16xf32>,
          %mul3A_1420 = arith.constant 16 : i32
          %mul3A_1421 = arith.muli %scan3A_153, %mul3A_1420 : i32
          %add3A_1422 = arith.constant 13 : i32
          %add3A_1423 = arith.addi %mul3A_1421, %add3A_1422 : i32
          %slice3A_1424 = vector.extract_strided_slice %select_n3A_177 {offsets = [13], sizes = [1], strides = [1]} : vector<16xf32> to vector<1xf32>
          %squeeze3A_1425 = vector.extract %slice3A_1424[0] : f32 from vector<1xf32>
          %broadcast_in_dim3A_1426 = vector.broadcast %squeeze3A_1425 : f32 to vector<16xf32>
          %swap3A_1427 = arith.index_cast %add3A_1423 : i32 to index
          %swap3A_1428 = arith.constant 0 : index
          %swap3A_1429 = tpu.vector_load %arg9[%swap3A_1427, %swap3A_1428] {strides = array<i32>} : memref<128x16xf32, #tpu.memory_space<vmem>>, vector<1x16xf32>,
          %swap3A_1430 = vector.shape_cast %swap3A_1429 : vector<1x16xf32> to vector<16xf32>
          %swap3A_1431 = vector.shape_cast %broadcast_in_dim3A_1426 : vector<16xf32> to vector<1x16xf32>
          tpu.vector_store %arg9[%swap3A_1427, %swap3A_1428], %swap3A_1431 {strides = array<i32>} : memref<128x16xf32, #tpu.memory_space<vmem>>, vector<1x16xf32>,
          %slice3A_1432 = vector.extract_strided_slice %select_n3A {offsets = [13], sizes = [1], strides = [1]} : vector<16xf32> to vector<1xf32>
          %squeeze3A_1433 = vector.extract %slice3A_1432[0] : f32 from vector<1xf32>
          %broadcast_in_dim3A_1434 = vector.broadcast %squeeze3A_1433 : f32 to vector<16xf32>
          %get3A_1435 = arith.index_cast %add3A_1423 : i32 to index
          %get3A_1436 = arith.constant 0 : index
          %get3A_1437 = tpu.vector_load %arg15[%get3A_1435, %get3A_1436] {strides = array<i32>} : memref<128x128xf32, #tpu.memory_space<vmem>>, vector<1x16xf32>,
          %get3A_1438 = vector.shape_cast %get3A_1437 : vector<1x16xf32> to vector<16xf32>
          %mul3A_1439 = arith.mulf %get3A_1438, %broadcast_in_dim3A_1434 : vector<16xf32>
          %swap3A_1440 = arith.index_cast %add3A_1423 : i32 to index
          %swap3A_1441 = arith.constant 0 : index
          %swap3A_1442 = tpu.vector_load %arg15[%swap3A_1440, %swap3A_1441] {strides = array<i32>} : memref<128x128xf32, #tpu.memory_space<vmem>>, vector<1x16xf32>,
          %swap3A_1443 = vector.shape_cast %swap3A_1442 : vector<1x16xf32> to vector<16xf32>
          %swap3A_1444 = vector.shape_cast %mul3A_1439 : vector<16xf32> to vector<1x16xf32>
          tpu.vector_store %arg15[%swap3A_1440, %swap3A_1441], %swap3A_1444 {strides = array<i32>} : memref<128x128xf32, #tpu.memory_space<vmem>>, vector<1x16xf32>,
          %get3A_1445 = arith.index_cast %add3A_1423 : i32 to index
          %get3A_1446 = arith.constant 16 : index
          %get3A_1447 = tpu.vector_load %arg15[%get3A_1445, %get3A_1446] {strides = array<i32>} : memref<128x128xf32, #tpu.memory_space<vmem>>, vector<1x16xf32>,
          %get3A_1448 = vector.shape_cast %get3A_1447 : vector<1x16xf32> to vector<16xf32>
          %mul3A_1449 = arith.mulf %get3A_1448, %broadcast_in_dim3A_1434 : vector<16xf32>
          %swap3A_1450 = arith.index_cast %add3A_1423 : i32 to index
          %swap3A_1451 = arith.constant 16 : index
          %swap3A_1452 = tpu.vector_load %arg15[%swap3A_1450, %swap3A_1451] {strides = array<i32>} : memref<128x128xf32, #tpu.memory_space<vmem>>, vector<1x16xf32>,
          %swap3A_1453 = vector.shape_cast %swap3A_1452 : vector<1x16xf32> to vector<16xf32>
          %swap3A_1454 = vector.shape_cast %mul3A_1449 : vector<16xf32> to vector<1x16xf32>
          tpu.vector_store %arg15[%swap3A_1450, %swap3A_1451], %swap3A_1454 {strides = array<i32>} : memref<128x128xf32, #tpu.memory_space<vmem>>, vector<1x16xf32>,
          %get3A_1455 = arith.index_cast %add3A_1423 : i32 to index
          %get3A_1456 = arith.constant 32 : index
          %get3A_1457 = tpu.vector_load %arg15[%get3A_1455, %get3A_1456] {strides = array<i32>} : memref<128x128xf32, #tpu.memory_space<vmem>>, vector<1x16xf32>,
          %get3A_1458 = vector.shape_cast %get3A_1457 : vector<1x16xf32> to vector<16xf32>
          %mul3A_1459 = arith.mulf %get3A_1458, %broadcast_in_dim3A_1434 : vector<16xf32>
          %swap3A_1460 = arith.index_cast %add3A_1423 : i32 to index
          %swap3A_1461 = arith.constant 32 : index
          %swap3A_1462 = tpu.vector_load %arg15[%swap3A_1460, %swap3A_1461] {strides = array<i32>} : memref<128x128xf32, #tpu.memory_space<vmem>>, vector<1x16xf32>,
          %swap3A_1463 = vector.shape_cast %swap3A_1462 : vector<1x16xf32> to vector<16xf32>
          %swap3A_1464 = vector.shape_cast %mul3A_1459 : vector<16xf32> to vector<1x16xf32>
          tpu.vector_store %arg15[%swap3A_1460, %swap3A_1461], %swap3A_1464 {strides = array<i32>} : memref<128x128xf32, #tpu.memory_space<vmem>>, vector<1x16xf32>,
          %get3A_1465 = arith.index_cast %add3A_1423 : i32 to index
          %get3A_1466 = arith.constant 48 : index
          %get3A_1467 = tpu.vector_load %arg15[%get3A_1465, %get3A_1466] {strides = array<i32>} : memref<128x128xf32, #tpu.memory_space<vmem>>, vector<1x16xf32>,
          %get3A_1468 = vector.shape_cast %get3A_1467 : vector<1x16xf32> to vector<16xf32>
          %mul3A_1469 = arith.mulf %get3A_1468, %broadcast_in_dim3A_1434 : vector<16xf32>
          %swap3A_1470 = arith.index_cast %add3A_1423 : i32 to index
          %swap3A_1471 = arith.constant 48 : index
          %swap3A_1472 = tpu.vector_load %arg15[%swap3A_1470, %swap3A_1471] {strides = array<i32>} : memref<128x128xf32, #tpu.memory_space<vmem>>, vector<1x16xf32>,
          %swap3A_1473 = vector.shape_cast %swap3A_1472 : vector<1x16xf32> to vector<16xf32>
          %swap3A_1474 = vector.shape_cast %mul3A_1469 : vector<16xf32> to vector<1x16xf32>
          tpu.vector_store %arg15[%swap3A_1470, %swap3A_1471], %swap3A_1474 {strides = array<i32>} : memref<128x128xf32, #tpu.memory_space<vmem>>, vector<1x16xf32>,
          %get3A_1475 = arith.index_cast %add3A_1423 : i32 to index
          %get3A_1476 = arith.constant 64 : index
          %get3A_1477 = tpu.vector_load %arg15[%get3A_1475, %get3A_1476] {strides = array<i32>} : memref<128x128xf32, #tpu.memory_space<vmem>>, vector<1x16xf32>,
          %get3A_1478 = vector.shape_cast %get3A_1477 : vector<1x16xf32> to vector<16xf32>
          %mul3A_1479 = arith.mulf %get3A_1478, %broadcast_in_dim3A_1434 : vector<16xf32>
          %swap3A_1480 = arith.index_cast %add3A_1423 : i32 to index
          %swap3A_1481 = arith.constant 64 : index
          %swap3A_1482 = tpu.vector_load %arg15[%swap3A_1480, %swap3A_1481] {strides = array<i32>} : memref<128x128xf32, #tpu.memory_space<vmem>>, vector<1x16xf32>,
          %swap3A_1483 = vector.shape_cast %swap3A_1482 : vector<1x16xf32> to vector<16xf32>
          %swap3A_1484 = vector.shape_cast %mul3A_1479 : vector<16xf32> to vector<1x16xf32>
          tpu.vector_store %arg15[%swap3A_1480, %swap3A_1481], %swap3A_1484 {strides = array<i32>} : memref<128x128xf32, #tpu.memory_space<vmem>>, vector<1x16xf32>,
          %get3A_1485 = arith.index_cast %add3A_1423 : i32 to index
          %get3A_1486 = arith.constant 80 : index
          %get3A_1487 = tpu.vector_load %arg15[%get3A_1485, %get3A_1486] {strides = array<i32>} : memref<128x128xf32, #tpu.memory_space<vmem>>, vector<1x16xf32>,
          %get3A_1488 = vector.shape_cast %get3A_1487 : vector<1x16xf32> to vector<16xf32>
          %mul3A_1489 = arith.mulf %get3A_1488, %broadcast_in_dim3A_1434 : vector<16xf32>
          %swap3A_1490 = arith.index_cast %add3A_1423 : i32 to index
          %swap3A_1491 = arith.constant 80 : index
          %swap3A_1492 = tpu.vector_load %arg15[%swap3A_1490, %swap3A_1491] {strides = array<i32>} : memref<128x128xf32, #tpu.memory_space<vmem>>, vector<1x16xf32>,
          %swap3A_1493 = vector.shape_cast %swap3A_1492 : vector<1x16xf32> to vector<16xf32>
          %swap3A_1494 = vector.shape_cast %mul3A_1489 : vector<16xf32> to vector<1x16xf32>
          tpu.vector_store %arg15[%swap3A_1490, %swap3A_1491], %swap3A_1494 {strides = array<i32>} : memref<128x128xf32, #tpu.memory_space<vmem>>, vector<1x16xf32>,
          %get3A_1495 = arith.index_cast %add3A_1423 : i32 to index
          %get3A_1496 = arith.constant 96 : index
          %get3A_1497 = tpu.vector_load %arg15[%get3A_1495, %get3A_1496] {strides = array<i32>} : memref<128x128xf32, #tpu.memory_space<vmem>>, vector<1x16xf32>,
          %get3A_1498 = vector.shape_cast %get3A_1497 : vector<1x16xf32> to vector<16xf32>
          %mul3A_1499 = arith.mulf %get3A_1498, %broadcast_in_dim3A_1434 : vector<16xf32>
          %swap3A_1500 = arith.index_cast %add3A_1423 : i32 to index
          %swap3A_1501 = arith.constant 96 : index
          %swap3A_1502 = tpu.vector_load %arg15[%swap3A_1500, %swap3A_1501] {strides = array<i32>} : memref<128x128xf32, #tpu.memory_space<vmem>>, vector<1x16xf32>,
          %swap3A_1503 = vector.shape_cast %swap3A_1502 : vector<1x16xf32> to vector<16xf32>
          %swap3A_1504 = vector.shape_cast %mul3A_1499 : vector<16xf32> to vector<1x16xf32>
          tpu.vector_store %arg15[%swap3A_1500, %swap3A_1501], %swap3A_1504 {strides = array<i32>} : memref<128x128xf32, #tpu.memory_space<vmem>>, vector<1x16xf32>,
          %get3A_1505 = arith.index_cast %add3A_1423 : i32 to index
          %get3A_1506 = arith.constant 112 : index
          %get3A_1507 = tpu.vector_load %arg15[%get3A_1505, %get3A_1506] {strides = array<i32>} : memref<128x128xf32, #tpu.memory_space<vmem>>, vector<1x16xf32>,
          %get3A_1508 = vector.shape_cast %get3A_1507 : vector<1x16xf32> to vector<16xf32>
          %mul3A_1509 = arith.mulf %get3A_1508, %broadcast_in_dim3A_1434 : vector<16xf32>
          %swap3A_1510 = arith.index_cast %add3A_1423 : i32 to index
          %swap3A_1511 = arith.constant 112 : index
          %swap3A_1512 = tpu.vector_load %arg15[%swap3A_1510, %swap3A_1511] {strides = array<i32>} : memref<128x128xf32, #tpu.memory_space<vmem>>, vector<1x16xf32>,
          %swap3A_1513 = vector.shape_cast %swap3A_1512 : vector<1x16xf32> to vector<16xf32>
          %swap3A_1514 = vector.shape_cast %mul3A_1509 : vector<16xf32> to vector<1x16xf32>
          tpu.vector_store %arg15[%swap3A_1510, %swap3A_1511], %swap3A_1514 {strides = array<i32>} : memref<128x128xf32, #tpu.memory_space<vmem>>, vector<1x16xf32>,
          %mul3A_1515 = arith.constant 16 : i32
          %mul3A_1516 = arith.muli %scan3A_153, %mul3A_1515 : i32
          %add3A_1517 = arith.constant 14 : i32
          %add3A_1518 = arith.addi %mul3A_1516, %add3A_1517 : i32
          %slice3A_1519 = vector.extract_strided_slice %select_n3A_177 {offsets = [14], sizes = [1], strides = [1]} : vector<16xf32> to vector<1xf32>
          %squeeze3A_1520 = vector.extract %slice3A_1519[0] : f32 from vector<1xf32>
          %broadcast_in_dim3A_1521 = vector.broadcast %squeeze3A_1520 : f32 to vector<16xf32>
          %swap3A_1522 = arith.index_cast %add3A_1518 : i32 to index
          %swap3A_1523 = arith.constant 0 : index
          %swap3A_1524 = tpu.vector_load %arg9[%swap3A_1522, %swap3A_1523] {strides = array<i32>} : memref<128x16xf32, #tpu.memory_space<vmem>>, vector<1x16xf32>,
          %swap3A_1525 = vector.shape_cast %swap3A_1524 : vector<1x16xf32> to vector<16xf32>
          %swap3A_1526 = vector.shape_cast %broadcast_in_dim3A_1521 : vector<16xf32> to vector<1x16xf32>
          tpu.vector_store %arg9[%swap3A_1522, %swap3A_1523], %swap3A_1526 {strides = array<i32>} : memref<128x16xf32, #tpu.memory_space<vmem>>, vector<1x16xf32>,
          %slice3A_1527 = vector.extract_strided_slice %select_n3A {offsets = [14], sizes = [1], strides = [1]} : vector<16xf32> to vector<1xf32>
          %squeeze3A_1528 = vector.extract %slice3A_1527[0] : f32 from vector<1xf32>
          %broadcast_in_dim3A_1529 = vector.broadcast %squeeze3A_1528 : f32 to vector<16xf32>
          %get3A_1530 = arith.index_cast %add3A_1518 : i32 to index
          %get3A_1531 = arith.constant 0 : index
          %get3A_1532 = tpu.vector_load %arg15[%get3A_1530, %get3A_1531] {strides = array<i32>} : memref<128x128xf32, #tpu.memory_space<vmem>>, vector<1x16xf32>,
          %get3A_1533 = vector.shape_cast %get3A_1532 : vector<1x16xf32> to vector<16xf32>
          %mul3A_1534 = arith.mulf %get3A_1533, %broadcast_in_dim3A_1529 : vector<16xf32>
          %swap3A_1535 = arith.index_cast %add3A_1518 : i32 to index
          %swap3A_1536 = arith.constant 0 : index
          %swap3A_1537 = tpu.vector_load %arg15[%swap3A_1535, %swap3A_1536] {strides = array<i32>} : memref<128x128xf32, #tpu.memory_space<vmem>>, vector<1x16xf32>,
          %swap3A_1538 = vector.shape_cast %swap3A_1537 : vector<1x16xf32> to vector<16xf32>
          %swap3A_1539 = vector.shape_cast %mul3A_1534 : vector<16xf32> to vector<1x16xf32>
          tpu.vector_store %arg15[%swap3A_1535, %swap3A_1536], %swap3A_1539 {strides = array<i32>} : memref<128x128xf32, #tpu.memory_space<vmem>>, vector<1x16xf32>,
          %get3A_1540 = arith.index_cast %add3A_1518 : i32 to index
          %get3A_1541 = arith.constant 16 : index
          %get3A_1542 = tpu.vector_load %arg15[%get3A_1540, %get3A_1541] {strides = array<i32>} : memref<128x128xf32, #tpu.memory_space<vmem>>, vector<1x16xf32>,
          %get3A_1543 = vector.shape_cast %get3A_1542 : vector<1x16xf32> to vector<16xf32>
          %mul3A_1544 = arith.mulf %get3A_1543, %broadcast_in_dim3A_1529 : vector<16xf32>
          %swap3A_1545 = arith.index_cast %add3A_1518 : i32 to index
          %swap3A_1546 = arith.constant 16 : index
          %swap3A_1547 = tpu.vector_load %arg15[%swap3A_1545, %swap3A_1546] {strides = array<i32>} : memref<128x128xf32, #tpu.memory_space<vmem>>, vector<1x16xf32>,
          %swap3A_1548 = vector.shape_cast %swap3A_1547 : vector<1x16xf32> to vector<16xf32>
          %swap3A_1549 = vector.shape_cast %mul3A_1544 : vector<16xf32> to vector<1x16xf32>
          tpu.vector_store %arg15[%swap3A_1545, %swap3A_1546], %swap3A_1549 {strides = array<i32>} : memref<128x128xf32, #tpu.memory_space<vmem>>, vector<1x16xf32>,
          %get3A_1550 = arith.index_cast %add3A_1518 : i32 to index
          %get3A_1551 = arith.constant 32 : index
          %get3A_1552 = tpu.vector_load %arg15[%get3A_1550, %get3A_1551] {strides = array<i32>} : memref<128x128xf32, #tpu.memory_space<vmem>>, vector<1x16xf32>,
          %get3A_1553 = vector.shape_cast %get3A_1552 : vector<1x16xf32> to vector<16xf32>
          %mul3A_1554 = arith.mulf %get3A_1553, %broadcast_in_dim3A_1529 : vector<16xf32>
          %swap3A_1555 = arith.index_cast %add3A_1518 : i32 to index
          %swap3A_1556 = arith.constant 32 : index
          %swap3A_1557 = tpu.vector_load %arg15[%swap3A_1555, %swap3A_1556] {strides = array<i32>} : memref<128x128xf32, #tpu.memory_space<vmem>>, vector<1x16xf32>,
          %swap3A_1558 = vector.shape_cast %swap3A_1557 : vector<1x16xf32> to vector<16xf32>
          %swap3A_1559 = vector.shape_cast %mul3A_1554 : vector<16xf32> to vector<1x16xf32>
          tpu.vector_store %arg15[%swap3A_1555, %swap3A_1556], %swap3A_1559 {strides = array<i32>} : memref<128x128xf32, #tpu.memory_space<vmem>>, vector<1x16xf32>,
          %get3A_1560 = arith.index_cast %add3A_1518 : i32 to index
          %get3A_1561 = arith.constant 48 : index
          %get3A_1562 = tpu.vector_load %arg15[%get3A_1560, %get3A_1561] {strides = array<i32>} : memref<128x128xf32, #tpu.memory_space<vmem>>, vector<1x16xf32>,
          %get3A_1563 = vector.shape_cast %get3A_1562 : vector<1x16xf32> to vector<16xf32>
          %mul3A_1564 = arith.mulf %get3A_1563, %broadcast_in_dim3A_1529 : vector<16xf32>
          %swap3A_1565 = arith.index_cast %add3A_1518 : i32 to index
          %swap3A_1566 = arith.constant 48 : index
          %swap3A_1567 = tpu.vector_load %arg15[%swap3A_1565, %swap3A_1566] {strides = array<i32>} : memref<128x128xf32, #tpu.memory_space<vmem>>, vector<1x16xf32>,
          %swap3A_1568 = vector.shape_cast %swap3A_1567 : vector<1x16xf32> to vector<16xf32>
          %swap3A_1569 = vector.shape_cast %mul3A_1564 : vector<16xf32> to vector<1x16xf32>
          tpu.vector_store %arg15[%swap3A_1565, %swap3A_1566], %swap3A_1569 {strides = array<i32>} : memref<128x128xf32, #tpu.memory_space<vmem>>, vector<1x16xf32>,
          %get3A_1570 = arith.index_cast %add3A_1518 : i32 to index
          %get3A_1571 = arith.constant 64 : index
          %get3A_1572 = tpu.vector_load %arg15[%get3A_1570, %get3A_1571] {strides = array<i32>} : memref<128x128xf32, #tpu.memory_space<vmem>>, vector<1x16xf32>,
          %get3A_1573 = vector.shape_cast %get3A_1572 : vector<1x16xf32> to vector<16xf32>
          %mul3A_1574 = arith.mulf %get3A_1573, %broadcast_in_dim3A_1529 : vector<16xf32>
          %swap3A_1575 = arith.index_cast %add3A_1518 : i32 to index
          %swap3A_1576 = arith.constant 64 : index
          %swap3A_1577 = tpu.vector_load %arg15[%swap3A_1575, %swap3A_1576] {strides = array<i32>} : memref<128x128xf32, #tpu.memory_space<vmem>>, vector<1x16xf32>,
          %swap3A_1578 = vector.shape_cast %swap3A_1577 : vector<1x16xf32> to vector<16xf32>
          %swap3A_1579 = vector.shape_cast %mul3A_1574 : vector<16xf32> to vector<1x16xf32>
          tpu.vector_store %arg15[%swap3A_1575, %swap3A_1576], %swap3A_1579 {strides = array<i32>} : memref<128x128xf32, #tpu.memory_space<vmem>>, vector<1x16xf32>,
          %get3A_1580 = arith.index_cast %add3A_1518 : i32 to index
          %get3A_1581 = arith.constant 80 : index
          %get3A_1582 = tpu.vector_load %arg15[%get3A_1580, %get3A_1581] {strides = array<i32>} : memref<128x128xf32, #tpu.memory_space<vmem>>, vector<1x16xf32>,
          %get3A_1583 = vector.shape_cast %get3A_1582 : vector<1x16xf32> to vector<16xf32>
          %mul3A_1584 = arith.mulf %get3A_1583, %broadcast_in_dim3A_1529 : vector<16xf32>
          %swap3A_1585 = arith.index_cast %add3A_1518 : i32 to index
          %swap3A_1586 = arith.constant 80 : index
          %swap3A_1587 = tpu.vector_load %arg15[%swap3A_1585, %swap3A_1586] {strides = array<i32>} : memref<128x128xf32, #tpu.memory_space<vmem>>, vector<1x16xf32>,
          %swap3A_1588 = vector.shape_cast %swap3A_1587 : vector<1x16xf32> to vector<16xf32>
          %swap3A_1589 = vector.shape_cast %mul3A_1584 : vector<16xf32> to vector<1x16xf32>
          tpu.vector_store %arg15[%swap3A_1585, %swap3A_1586], %swap3A_1589 {strides = array<i32>} : memref<128x128xf32, #tpu.memory_space<vmem>>, vector<1x16xf32>,
          %get3A_1590 = arith.index_cast %add3A_1518 : i32 to index
          %get3A_1591 = arith.constant 96 : index
          %get3A_1592 = tpu.vector_load %arg15[%get3A_1590, %get3A_1591] {strides = array<i32>} : memref<128x128xf32, #tpu.memory_space<vmem>>, vector<1x16xf32>,
          %get3A_1593 = vector.shape_cast %get3A_1592 : vector<1x16xf32> to vector<16xf32>
          %mul3A_1594 = arith.mulf %get3A_1593, %broadcast_in_dim3A_1529 : vector<16xf32>
          %swap3A_1595 = arith.index_cast %add3A_1518 : i32 to index
          %swap3A_1596 = arith.constant 96 : index
          %swap3A_1597 = tpu.vector_load %arg15[%swap3A_1595, %swap3A_1596] {strides = array<i32>} : memref<128x128xf32, #tpu.memory_space<vmem>>, vector<1x16xf32>,
          %swap3A_1598 = vector.shape_cast %swap3A_1597 : vector<1x16xf32> to vector<16xf32>
          %swap3A_1599 = vector.shape_cast %mul3A_1594 : vector<16xf32> to vector<1x16xf32>
          tpu.vector_store %arg15[%swap3A_1595, %swap3A_1596], %swap3A_1599 {strides = array<i32>} : memref<128x128xf32, #tpu.memory_space<vmem>>, vector<1x16xf32>,
          %get3A_1600 = arith.index_cast %add3A_1518 : i32 to index
          %get3A_1601 = arith.constant 112 : index
          %get3A_1602 = tpu.vector_load %arg15[%get3A_1600, %get3A_1601] {strides = array<i32>} : memref<128x128xf32, #tpu.memory_space<vmem>>, vector<1x16xf32>,
          %get3A_1603 = vector.shape_cast %get3A_1602 : vector<1x16xf32> to vector<16xf32>
          %mul3A_1604 = arith.mulf %get3A_1603, %broadcast_in_dim3A_1529 : vector<16xf32>
          %swap3A_1605 = arith.index_cast %add3A_1518 : i32 to index
          %swap3A_1606 = arith.constant 112 : index
          %swap3A_1607 = tpu.vector_load %arg15[%swap3A_1605, %swap3A_1606] {strides = array<i32>} : memref<128x128xf32, #tpu.memory_space<vmem>>, vector<1x16xf32>,
          %swap3A_1608 = vector.shape_cast %swap3A_1607 : vector<1x16xf32> to vector<16xf32>
          %swap3A_1609 = vector.shape_cast %mul3A_1604 : vector<16xf32> to vector<1x16xf32>
          tpu.vector_store %arg15[%swap3A_1605, %swap3A_1606], %swap3A_1609 {strides = array<i32>} : memref<128x128xf32, #tpu.memory_space<vmem>>, vector<1x16xf32>,
          %mul3A_1610 = arith.constant 16 : i32
          %mul3A_1611 = arith.muli %scan3A_153, %mul3A_1610 : i32
          %add3A_1612 = arith.constant 15 : i32
          %add3A_1613 = arith.addi %mul3A_1611, %add3A_1612 : i32
          %slice3A_1614 = vector.extract_strided_slice %select_n3A_177 {offsets = [15], sizes = [1], strides = [1]} : vector<16xf32> to vector<1xf32>
          %squeeze3A_1615 = vector.extract %slice3A_1614[0] : f32 from vector<1xf32>
          %broadcast_in_dim3A_1616 = vector.broadcast %squeeze3A_1615 : f32 to vector<16xf32>
          %swap3A_1617 = arith.index_cast %add3A_1613 : i32 to index
          %swap3A_1618 = arith.constant 0 : index
          %swap3A_1619 = tpu.vector_load %arg9[%swap3A_1617, %swap3A_1618] {strides = array<i32>} : memref<128x16xf32, #tpu.memory_space<vmem>>, vector<1x16xf32>,
          %swap3A_1620 = vector.shape_cast %swap3A_1619 : vector<1x16xf32> to vector<16xf32>
          %swap3A_1621 = vector.shape_cast %broadcast_in_dim3A_1616 : vector<16xf32> to vector<1x16xf32>
          tpu.vector_store %arg9[%swap3A_1617, %swap3A_1618], %swap3A_1621 {strides = array<i32>} : memref<128x16xf32, #tpu.memory_space<vmem>>, vector<1x16xf32>,
          %slice3A_1622 = vector.extract_strided_slice %select_n3A {offsets = [15], sizes = [1], strides = [1]} : vector<16xf32> to vector<1xf32>
          %squeeze3A_1623 = vector.extract %slice3A_1622[0] : f32 from vector<1xf32>
          %broadcast_in_dim3A_1624 = vector.broadcast %squeeze3A_1623 : f32 to vector<16xf32>
          %get3A_1625 = arith.index_cast %add3A_1613 : i32 to index
          %get3A_1626 = arith.constant 0 : index
          %get3A_1627 = tpu.vector_load %arg15[%get3A_1625, %get3A_1626] {strides = array<i32>} : memref<128x128xf32, #tpu.memory_space<vmem>>, vector<1x16xf32>,
          %get3A_1628 = vector.shape_cast %get3A_1627 : vector<1x16xf32> to vector<16xf32>
          %mul3A_1629 = arith.mulf %get3A_1628, %broadcast_in_dim3A_1624 : vector<16xf32>
          %swap3A_1630 = arith.index_cast %add3A_1613 : i32 to index
          %swap3A_1631 = arith.constant 0 : index
          %swap3A_1632 = tpu.vector_load %arg15[%swap3A_1630, %swap3A_1631] {strides = array<i32>} : memref<128x128xf32, #tpu.memory_space<vmem>>, vector<1x16xf32>,
          %swap3A_1633 = vector.shape_cast %swap3A_1632 : vector<1x16xf32> to vector<16xf32>
          %swap3A_1634 = vector.shape_cast %mul3A_1629 : vector<16xf32> to vector<1x16xf32>
          tpu.vector_store %arg15[%swap3A_1630, %swap3A_1631], %swap3A_1634 {strides = array<i32>} : memref<128x128xf32, #tpu.memory_space<vmem>>, vector<1x16xf32>,
          %get3A_1635 = arith.index_cast %add3A_1613 : i32 to index
          %get3A_1636 = arith.constant 16 : index
          %get3A_1637 = tpu.vector_load %arg15[%get3A_1635, %get3A_1636] {strides = array<i32>} : memref<128x128xf32, #tpu.memory_space<vmem>>, vector<1x16xf32>,
          %get3A_1638 = vector.shape_cast %get3A_1637 : vector<1x16xf32> to vector<16xf32>
          %mul3A_1639 = arith.mulf %get3A_1638, %broadcast_in_dim3A_1624 : vector<16xf32>
          %swap3A_1640 = arith.index_cast %add3A_1613 : i32 to index
          %swap3A_1641 = arith.constant 16 : index
          %swap3A_1642 = tpu.vector_load %arg15[%swap3A_1640, %swap3A_1641] {strides = array<i32>} : memref<128x128xf32, #tpu.memory_space<vmem>>, vector<1x16xf32>,
          %swap3A_1643 = vector.shape_cast %swap3A_1642 : vector<1x16xf32> to vector<16xf32>
          %swap3A_1644 = vector.shape_cast %mul3A_1639 : vector<16xf32> to vector<1x16xf32>
          tpu.vector_store %arg15[%swap3A_1640, %swap3A_1641], %swap3A_1644 {strides = array<i32>} : memref<128x128xf32, #tpu.memory_space<vmem>>, vector<1x16xf32>,
          %get3A_1645 = arith.index_cast %add3A_1613 : i32 to index
          %get3A_1646 = arith.constant 32 : index
          %get3A_1647 = tpu.vector_load %arg15[%get3A_1645, %get3A_1646] {strides = array<i32>} : memref<128x128xf32, #tpu.memory_space<vmem>>, vector<1x16xf32>,
          %get3A_1648 = vector.shape_cast %get3A_1647 : vector<1x16xf32> to vector<16xf32>
          %mul3A_1649 = arith.mulf %get3A_1648, %broadcast_in_dim3A_1624 : vector<16xf32>
          %swap3A_1650 = arith.index_cast %add3A_1613 : i32 to index
          %swap3A_1651 = arith.constant 32 : index
          %swap3A_1652 = tpu.vector_load %arg15[%swap3A_1650, %swap3A_1651] {strides = array<i32>} : memref<128x128xf32, #tpu.memory_space<vmem>>, vector<1x16xf32>,
          %swap3A_1653 = vector.shape_cast %swap3A_1652 : vector<1x16xf32> to vector<16xf32>
          %swap3A_1654 = vector.shape_cast %mul3A_1649 : vector<16xf32> to vector<1x16xf32>
          tpu.vector_store %arg15[%swap3A_1650, %swap3A_1651], %swap3A_1654 {strides = array<i32>} : memref<128x128xf32, #tpu.memory_space<vmem>>, vector<1x16xf32>,
          %get3A_1655 = arith.index_cast %add3A_1613 : i32 to index
          %get3A_1656 = arith.constant 48 : index
          %get3A_1657 = tpu.vector_load %arg15[%get3A_1655, %get3A_1656] {strides = array<i32>} : memref<128x128xf32, #tpu.memory_space<vmem>>, vector<1x16xf32>,
          %get3A_1658 = vector.shape_cast %get3A_1657 : vector<1x16xf32> to vector<16xf32>
          %mul3A_1659 = arith.mulf %get3A_1658, %broadcast_in_dim3A_1624 : vector<16xf32>
          %swap3A_1660 = arith.index_cast %add3A_1613 : i32 to index
          %swap3A_1661 = arith.constant 48 : index
          %swap3A_1662 = tpu.vector_load %arg15[%swap3A_1660, %swap3A_1661] {strides = array<i32>} : memref<128x128xf32, #tpu.memory_space<vmem>>, vector<1x16xf32>,
          %swap3A_1663 = vector.shape_cast %swap3A_1662 : vector<1x16xf32> to vector<16xf32>
          %swap3A_1664 = vector.shape_cast %mul3A_1659 : vector<16xf32> to vector<1x16xf32>
          tpu.vector_store %arg15[%swap3A_1660, %swap3A_1661], %swap3A_1664 {strides = array<i32>} : memref<128x128xf32, #tpu.memory_space<vmem>>, vector<1x16xf32>,
          %get3A_1665 = arith.index_cast %add3A_1613 : i32 to index
          %get3A_1666 = arith.constant 64 : index
          %get3A_1667 = tpu.vector_load %arg15[%get3A_1665, %get3A_1666] {strides = array<i32>} : memref<128x128xf32, #tpu.memory_space<vmem>>, vector<1x16xf32>,
          %get3A_1668 = vector.shape_cast %get3A_1667 : vector<1x16xf32> to vector<16xf32>
          %mul3A_1669 = arith.mulf %get3A_1668, %broadcast_in_dim3A_1624 : vector<16xf32>
          %swap3A_1670 = arith.index_cast %add3A_1613 : i32 to index
          %swap3A_1671 = arith.constant 64 : index
          %swap3A_1672 = tpu.vector_load %arg15[%swap3A_1670, %swap3A_1671] {strides = array<i32>} : memref<128x128xf32, #tpu.memory_space<vmem>>, vector<1x16xf32>,
          %swap3A_1673 = vector.shape_cast %swap3A_1672 : vector<1x16xf32> to vector<16xf32>
          %swap3A_1674 = vector.shape_cast %mul3A_1669 : vector<16xf32> to vector<1x16xf32>
          tpu.vector_store %arg15[%swap3A_1670, %swap3A_1671], %swap3A_1674 {strides = array<i32>} : memref<128x128xf32, #tpu.memory_space<vmem>>, vector<1x16xf32>,
          %get3A_1675 = arith.index_cast %add3A_1613 : i32 to index
          %get3A_1676 = arith.constant 80 : index
          %get3A_1677 = tpu.vector_load %arg15[%get3A_1675, %get3A_1676] {strides = array<i32>} : memref<128x128xf32, #tpu.memory_space<vmem>>, vector<1x16xf32>,
          %get3A_1678 = vector.shape_cast %get3A_1677 : vector<1x16xf32> to vector<16xf32>
          %mul3A_1679 = arith.mulf %get3A_1678, %broadcast_in_dim3A_1624 : vector<16xf32>
          %swap3A_1680 = arith.index_cast %add3A_1613 : i32 to index
          %swap3A_1681 = arith.constant 80 : index
          %swap3A_1682 = tpu.vector_load %arg15[%swap3A_1680, %swap3A_1681] {strides = array<i32>} : memref<128x128xf32, #tpu.memory_space<vmem>>, vector<1x16xf32>,
          %swap3A_1683 = vector.shape_cast %swap3A_1682 : vector<1x16xf32> to vector<16xf32>
          %swap3A_1684 = vector.shape_cast %mul3A_1679 : vector<16xf32> to vector<1x16xf32>
          tpu.vector_store %arg15[%swap3A_1680, %swap3A_1681], %swap3A_1684 {strides = array<i32>} : memref<128x128xf32, #tpu.memory_space<vmem>>, vector<1x16xf32>,
          %get3A_1685 = arith.index_cast %add3A_1613 : i32 to index
          %get3A_1686 = arith.constant 96 : index
          %get3A_1687 = tpu.vector_load %arg15[%get3A_1685, %get3A_1686] {strides = array<i32>} : memref<128x128xf32, #tpu.memory_space<vmem>>, vector<1x16xf32>,
          %get3A_1688 = vector.shape_cast %get3A_1687 : vector<1x16xf32> to vector<16xf32>
          %mul3A_1689 = arith.mulf %get3A_1688, %broadcast_in_dim3A_1624 : vector<16xf32>
          %swap3A_1690 = arith.index_cast %add3A_1613 : i32 to index
          %swap3A_1691 = arith.constant 96 : index
          %swap3A_1692 = tpu.vector_load %arg15[%swap3A_1690, %swap3A_1691] {strides = array<i32>} : memref<128x128xf32, #tpu.memory_space<vmem>>, vector<1x16xf32>,
          %swap3A_1693 = vector.shape_cast %swap3A_1692 : vector<1x16xf32> to vector<16xf32>
          %swap3A_1694 = vector.shape_cast %mul3A_1689 : vector<16xf32> to vector<1x16xf32>
          tpu.vector_store %arg15[%swap3A_1690, %swap3A_1691], %swap3A_1694 {strides = array<i32>} : memref<128x128xf32, #tpu.memory_space<vmem>>, vector<1x16xf32>,
          %get3A_1695 = arith.index_cast %add3A_1613 : i32 to index
          %get3A_1696 = arith.constant 112 : index
          %get3A_1697 = tpu.vector_load %arg15[%get3A_1695, %get3A_1696] {strides = array<i32>} : memref<128x128xf32, #tpu.memory_space<vmem>>, vector<1x16xf32>,
          %get3A_1698 = vector.shape_cast %get3A_1697 : vector<1x16xf32> to vector<16xf32>
          %mul3A_1699 = arith.mulf %get3A_1698, %broadcast_in_dim3A_1624 : vector<16xf32>
          %swap3A_1700 = arith.index_cast %add3A_1613 : i32 to index
          %swap3A_1701 = arith.constant 112 : index
          %swap3A_1702 = tpu.vector_load %arg15[%swap3A_1700, %swap3A_1701] {strides = array<i32>} : memref<128x128xf32, #tpu.memory_space<vmem>>, vector<1x16xf32>,
          %swap3A_1703 = vector.shape_cast %swap3A_1702 : vector<1x16xf32> to vector<16xf32>
          %swap3A_1704 = vector.shape_cast %mul3A_1699 : vector<16xf32> to vector<1x16xf32>
          tpu.vector_store %arg15[%swap3A_1700, %swap3A_1701], %swap3A_1704 {strides = array<i32>} : memref<128x128xf32, #tpu.memory_space<vmem>>, vector<1x16xf32>,
          %scan3A_1705 = arith.constant 0 : i32
          scf.yield %scan3A_1705 : i32
        }
        %scan3A_150 = arith.constant 8 : i32
        %run_scoped3A = arith.constant 0 : i32
        "tpu.region"() ({
          %run_scoped3A_153 = tpu.sem_alloc : memref<!tpu.dma_semaphore, #tpu.memory_space<semaphore_mem>>
          %dma_start3A = arith.constant 0 : i32
          %dma_start3A_154 = tpu.memref_slice %arg13[%run_scoped3A, %dma_start3A] : memref<1x128xi32, #tpu.memory_space<vmem>> -> memref<1x128xi32, #tpu.memory_space<vmem>>
          %dma_start3A_155 = tpu.memref_squeeze %dma_start3A_154 : memref<1x128xi32, #tpu.memory_space<vmem>> -> memref<128xi32, #tpu.memory_space<vmem>>
          %dma_start3A_156 = arith.constant 0 : i32
          %dma_start3A_157 = arith.constant 0 : i32
          %dma_start3A_158 = tpu.memref_slice %arg17[%dma_start3A_156, %dma_start3A_157] : memref<5000x128xf32, #tpu.memory_space<vmem_shared>> -> memref<5000x128xf32, #tpu.memory_space<vmem_shared>>
          tpu.enqueue_indirect_dma source(%arg15 : memref<128x128xf32, #tpu.memory_space<vmem>>) target(%dma_start3A_158 : memref<5000x128xf32, #tpu.memory_space<vmem_shared>>) offsets(%dma_start3A_155 : memref<128xi32, #tpu.memory_space<vmem>>) semaphore(%run_scoped3A_153 : memref<!tpu.dma_semaphore, #tpu.memory_space<semaphore_mem>>) {add = true}
          %dma_wait3A = arith.constant 0 : i32
          %dma_wait3A_159 = tpu.memref_slice %arg13[%run_scoped3A, %dma_wait3A] : memref<1x128xi32, #tpu.memory_space<vmem>> -> memref<1x128xi32, #tpu.memory_space<vmem>>
          %dma_wait3A_160 = tpu.memref_squeeze %dma_wait3A_159 : memref<1x128xi32, #tpu.memory_space<vmem>> -> memref<128xi32, #tpu.memory_space<vmem>>
          %dma_wait3A_161 = arith.constant 0 : i32
          %dma_wait3A_162 = arith.constant 0 : i32
          %dma_wait3A_163 = tpu.memref_slice %arg17[%dma_wait3A_161, %dma_wait3A_162] : memref<5000x128xf32, #tpu.memory_space<vmem_shared>> -> memref<5000x128xf32, #tpu.memory_space<vmem_shared>>
          tpu.wait_indirect_dma semaphore(%run_scoped3A_153 : memref<!tpu.dma_semaphore, #tpu.memory_space<semaphore_mem>>) src(%arg15 : memref<128x128xf32, #tpu.memory_space<vmem>>) dst(%dma_wait3A_163 : memref<5000x128xf32, #tpu.memory_space<vmem_shared>>)
          tpu.yield
        }) : () -> ()
        %run_scoped3A_151 = arith.constant 0 : i32
        "tpu.region"() ({
          %run_scoped3A_153 = tpu.sem_alloc : memref<!tpu.dma_semaphore, #tpu.memory_space<semaphore_mem>>
          %dma_start3A = arith.constant 0 : i32
          %dma_start3A_154 = tpu.memref_slice %arg13[%run_scoped3A_151, %dma_start3A] : memref<1x128xi32, #tpu.memory_space<vmem>> -> memref<1x128xi32, #tpu.memory_space<vmem>>
          %dma_start3A_155 = tpu.memref_squeeze %dma_start3A_154 : memref<1x128xi32, #tpu.memory_space<vmem>> -> memref<128xi32, #tpu.memory_space<vmem>>
          %dma_start3A_156 = arith.constant 0 : i32
          %dma_start3A_157 = arith.constant 0 : i32
          %dma_start3A_158 = tpu.memref_slice %arg11[%dma_start3A_156, %dma_start3A_157] : memref<5000x16xf32, #tpu.memory_space<vmem_shared>> -> memref<5000x16xf32, #tpu.memory_space<vmem_shared>>
          tpu.enqueue_indirect_dma source(%arg9 : memref<128x16xf32, #tpu.memory_space<vmem>>) target(%dma_start3A_158 : memref<5000x16xf32, #tpu.memory_space<vmem_shared>>) offsets(%dma_start3A_155 : memref<128xi32, #tpu.memory_space<vmem>>) semaphore(%run_scoped3A_153 : memref<!tpu.dma_semaphore, #tpu.memory_space<semaphore_mem>>) {add = true}
          %dma_wait3A = arith.constant 0 : i32
          %dma_wait3A_159 = tpu.memref_slice %arg13[%run_scoped3A_151, %dma_wait3A] : memref<1x128xi32, #tpu.memory_space<vmem>> -> memref<1x128xi32, #tpu.memory_space<vmem>>
          %dma_wait3A_160 = tpu.memref_squeeze %dma_wait3A_159 : memref<1x128xi32, #tpu.memory_space<vmem>> -> memref<128xi32, #tpu.memory_space<vmem>>
          %dma_wait3A_161 = arith.constant 0 : i32
          %dma_wait3A_162 = arith.constant 0 : i32
          %dma_wait3A_163 = tpu.memref_slice %arg11[%dma_wait3A_161, %dma_wait3A_162] : memref<5000x16xf32, #tpu.memory_space<vmem_shared>> -> memref<5000x16xf32, #tpu.memory_space<vmem_shared>>
          tpu.wait_indirect_dma semaphore(%run_scoped3A_153 : memref<!tpu.dma_semaphore, #tpu.memory_space<semaphore_mem>>) src(%arg9 : memref<128x16xf32, #tpu.memory_space<vmem>>) dst(%dma_wait3A_163 : memref<5000x16xf32, #tpu.memory_space<vmem_shared>>)
          tpu.yield
        }) : () -> ()
        %scan3A_152 = arith.constant 0 : i32
        scf.yield %scan3A_152 : i32
      }
      %scan3A_140 = arith.constant 32 : i32
      %scan3A_141 = arith.constant 0 : i32
      scf.yield %scan3A_141 : i32
    }
    %scan3A_125 = arith.constant 5 : i32
    %barrier3A_126 = arith.constant 0 : index
    tpu.barrier barrier_id(%barrier3A_126)
    %add3A_127 = arith.addi %mul3A_0, %multiple_of3A : i32
    %multiple_of3A_128 = tpu.assume_multiple %add3A_127, 8 : i32
    "tpu.region"() ({
      %run_scoped3A = tpu.sem_alloc : memref<!tpu.dma_semaphore, #tpu.memory_space<semaphore_mem>>
      %dma_start3A = arith.constant 0 : i32
      %dma_start3A_129 = tpu.memref_slice %arg6[%multiple_of3A_128, %dma_start3A] : memref<10000x128xf32, #tpu.memory_space<hbm>> -> memref<320x128xf32, #tpu.memory_space<hbm>>
      %dma_start3A_130 = arith.constant 0 : i32
      %dma_start3A_131 = tpu.memref_slice %arg17[%multiple_of3A, %dma_start3A_130] : memref<5000x128xf32, #tpu.memory_space<vmem_shared>> -> memref<320x128xf32, #tpu.memory_space<vmem_shared>>
      tpu.enqueue_dma source(%dma_start3A_131 : memref<320x128xf32, #tpu.memory_space<vmem_shared>>) target(%dma_start3A_129 : memref<320x128xf32, #tpu.memory_space<hbm>>) target_semaphore(%run_scoped3A : memref<!tpu.dma_semaphore, #tpu.memory_space<semaphore_mem>>)
      %dma_wait3A = arith.constant 0 : i32
      %dma_wait3A_132 = tpu.memref_slice %arg6[%multiple_of3A_128, %dma_wait3A] : memref<10000x128xf32, #tpu.memory_space<hbm>> -> memref<320x128xf32, #tpu.memory_space<hbm>>
      %dma_wait3A_133 = arith.constant 0 : i32
      %dma_wait3A_134 = tpu.memref_slice %arg17[%multiple_of3A, %dma_wait3A_133] : memref<5000x128xf32, #tpu.memory_space<vmem_shared>> -> memref<320x128xf32, #tpu.memory_space<vmem_shared>>
      tpu.wait_dma2 semaphore(%run_scoped3A : memref<!tpu.dma_semaphore, #tpu.memory_space<semaphore_mem>>) src(%dma_wait3A_134 : memref<320x128xf32, #tpu.memory_space<vmem_shared>>) dst(%dma_wait3A_132 : memref<320x128xf32, #tpu.memory_space<hbm>>)
      tpu.yield
    }) : () -> ()
    "tpu.region"() ({
      %run_scoped3A = tpu.sem_alloc : memref<!tpu.dma_semaphore, #tpu.memory_space<semaphore_mem>>
      %dma_start3A = arith.constant 0 : i32
      %dma_start3A_129 = tpu.memref_slice %arg7[%multiple_of3A_128, %dma_start3A] : memref<10000x16xf32, #tpu.memory_space<hbm>> -> memref<320x16xf32, #tpu.memory_space<hbm>>
      %dma_start3A_130 = arith.constant 0 : i32
      %dma_start3A_131 = tpu.memref_slice %arg11[%multiple_of3A, %dma_start3A_130] : memref<5000x16xf32, #tpu.memory_space<vmem_shared>> -> memref<320x16xf32, #tpu.memory_space<vmem_shared>>
      tpu.enqueue_dma source(%dma_start3A_131 : memref<320x16xf32, #tpu.memory_space<vmem_shared>>) target(%dma_start3A_129 : memref<320x16xf32, #tpu.memory_space<hbm>>) target_semaphore(%run_scoped3A : memref<!tpu.dma_semaphore, #tpu.memory_space<semaphore_mem>>)
      %dma_wait3A = arith.constant 0 : i32
      %dma_wait3A_132 = tpu.memref_slice %arg7[%multiple_of3A_128, %dma_wait3A] : memref<10000x16xf32, #tpu.memory_space<hbm>> -> memref<320x16xf32, #tpu.memory_space<hbm>>
      %dma_wait3A_133 = arith.constant 0 : i32
      %dma_wait3A_134 = tpu.memref_slice %arg11[%multiple_of3A, %dma_wait3A_133] : memref<5000x16xf32, #tpu.memory_space<vmem_shared>> -> memref<320x16xf32, #tpu.memory_space<vmem_shared>>
      tpu.wait_dma2 semaphore(%run_scoped3A : memref<!tpu.dma_semaphore, #tpu.memory_space<semaphore_mem>>) src(%dma_wait3A_134 : memref<320x16xf32, #tpu.memory_space<vmem_shared>>) dst(%dma_wait3A_132 : memref<320x16xf32, #tpu.memory_space<hbm>>)
      tpu.yield
    }) : () -> ()
    return
  }
}

#map = affine_map<(d0, d1) -> (0, 0)>
#map1 = affine_map<(d0, d1) -> (0, 0, 0)>
module attributes {stable_mosaic.version = 14 : i64} {
  func.func @body(%arg0: i32, %arg1: i32, %arg2: memref<10000x128xf32, #tpu.memory_space<hbm>>, %arg3: memref<16x160x128xi32, #tpu.memory_space<hbm>>, %arg4: memref<16x160x128xi32, #tpu.memory_space<hbm>>, %arg5: memref<16x160x128xf32, #tpu.memory_space<hbm>>, %arg6: memref<10000x128xf32, #tpu.memory_space<hbm>>, %arg7: memref<10000x16xf32, #tpu.memory_space<hbm>>, %arg8: memref<32x128xf32, #tpu.memory_space<vmem>>, %arg9: memref<128x16xf32, #tpu.memory_space<vmem>>, %arg10: memref<128x16xf32, #tpu.memory_space<vmem>>, %arg11: memref<5000x16xf32, #tpu.memory_space<vmem_shared>>, %arg12: memref<32x128xi32, #tpu.memory_space<vmem>>, %arg13: memref<1x128xi32, #tpu.memory_space<vmem>>, %arg14: memref<1x128xi32, #tpu.memory_space<vmem>>, %arg15: memref<128x128xf32, #tpu.memory_space<vmem>>, %arg16: memref<128x128xf32, #tpu.memory_space<vmem>>, %arg17: memref<5000x128xf32, #tpu.memory_space<vmem_shared>>, %arg18: memref<32x128xi32, #tpu.memory_space<vmem>>) attributes {dimension_semantics = [#tpu.dimension_semantics<core_parallel>, #tpu.dimension_semantics<subcore_parallel>], iteration_bounds = array<i64: 2, 16>, scalar_prefetch = 0 : i64, scratch_operands = 11 : i64, tpu.core_type = #tpu.core_type<sc_vector_subcore>, window_params = [{transform_indices = #map}, {transform_indices = #map1}, {transform_indices = #map1}, {transform_indices = #map1}, {transform_indices = #map}, {transform_indices = #map}]} {
    %mul3A = arith.constant 5000 : i32
    %mul3A_0 = arith.muli %arg0, %mul3A : i32
    %broadcast_in_dim3A = arith.constant 0.000000e+00 : f32
    %broadcast_in_dim3A_1 = vector.broadcast %broadcast_in_dim3A : f32 to vector<16xf32>
    %broadcast_in_dim3A_2 = arith.constant 0 : i32
    %broadcast_in_dim3A_3 = vector.broadcast %broadcast_in_dim3A_2 : i32 to vector<16xi32>
    %scan3A = arith.constant 0 : i32
    %scan3A_4 = arith.constant 0 : i32
    %scan3A_5 = arith.constant 128 : i32
    %scan3A_6 = arith.addi %scan3A_4, %scan3A_5 : i32
    %scan3A_7 = arith.constant 1 : i32
    %scan3A_8 = scf.for %scan3A_129 = %scan3A_4 to %scan3A_6 step %scan3A_7 iter_args(%scan3A_130 = %scan3A) -> (i32)  : i32 {
      %swap3A_131 = arith.index_cast %scan3A_129 : i32 to index
      %swap3A_132 = arith.constant 0 : index
      %swap3A_133 = tpu.vector_load %arg15[%swap3A_131, %swap3A_132] {strides = array<i32>} : memref<128x128xf32, #tpu.memory_space<vmem>>, vector<1x16xf32>,
      %swap3A_134 = vector.shape_cast %swap3A_133 : vector<1x16xf32> to vector<16xf32>
      %swap3A_135 = vector.shape_cast %broadcast_in_dim3A_1 : vector<16xf32> to vector<1x16xf32>
      tpu.vector_store %arg15[%swap3A_131, %swap3A_132], %swap3A_135 {strides = array<i32>} : memref<128x128xf32, #tpu.memory_space<vmem>>, vector<1x16xf32>,
      %swap3A_136 = arith.index_cast %scan3A_129 : i32 to index
      %swap3A_137 = arith.constant 16 : index
      %swap3A_138 = tpu.vector_load %arg15[%swap3A_136, %swap3A_137] {strides = array<i32>} : memref<128x128xf32, #tpu.memory_space<vmem>>, vector<1x16xf32>,
      %swap3A_139 = vector.shape_cast %swap3A_138 : vector<1x16xf32> to vector<16xf32>
      %swap3A_140 = vector.shape_cast %broadcast_in_dim3A_1 : vector<16xf32> to vector<1x16xf32>
      tpu.vector_store %arg15[%swap3A_136, %swap3A_137], %swap3A_140 {strides = array<i32>} : memref<128x128xf32, #tpu.memory_space<vmem>>, vector<1x16xf32>,
      %swap3A_141 = arith.index_cast %scan3A_129 : i32 to index
      %swap3A_142 = arith.constant 32 : index
      %swap3A_143 = tpu.vector_load %arg15[%swap3A_141, %swap3A_142] {strides = array<i32>} : memref<128x128xf32, #tpu.memory_space<vmem>>, vector<1x16xf32>,
      %swap3A_144 = vector.shape_cast %swap3A_143 : vector<1x16xf32> to vector<16xf32>
      %swap3A_145 = vector.shape_cast %broadcast_in_dim3A_1 : vector<16xf32> to vector<1x16xf32>
      tpu.vector_store %arg15[%swap3A_141, %swap3A_142], %swap3A_145 {strides = array<i32>} : memref<128x128xf32, #tpu.memory_space<vmem>>, vector<1x16xf32>,
      %swap3A_146 = arith.index_cast %scan3A_129 : i32 to index
      %swap3A_147 = arith.constant 48 : index
      %swap3A_148 = tpu.vector_load %arg15[%swap3A_146, %swap3A_147] {strides = array<i32>} : memref<128x128xf32, #tpu.memory_space<vmem>>, vector<1x16xf32>,
      %swap3A_149 = vector.shape_cast %swap3A_148 : vector<1x16xf32> to vector<16xf32>
      %swap3A_150 = vector.shape_cast %broadcast_in_dim3A_1 : vector<16xf32> to vector<1x16xf32>
      tpu.vector_store %arg15[%swap3A_146, %swap3A_147], %swap3A_150 {strides = array<i32>} : memref<128x128xf32, #tpu.memory_space<vmem>>, vector<1x16xf32>,
      %swap3A_151 = arith.index_cast %scan3A_129 : i32 to index
      %swap3A_152 = arith.constant 64 : index
      %swap3A_153 = tpu.vector_load %arg15[%swap3A_151, %swap3A_152] {strides = array<i32>} : memref<128x128xf32, #tpu.memory_space<vmem>>, vector<1x16xf32>,
      %swap3A_154 = vector.shape_cast %swap3A_153 : vector<1x16xf32> to vector<16xf32>
      %swap3A_155 = vector.shape_cast %broadcast_in_dim3A_1 : vector<16xf32> to vector<1x16xf32>
      tpu.vector_store %arg15[%swap3A_151, %swap3A_152], %swap3A_155 {strides = array<i32>} : memref<128x128xf32, #tpu.memory_space<vmem>>, vector<1x16xf32>,
      %swap3A_156 = arith.index_cast %scan3A_129 : i32 to index
      %swap3A_157 = arith.constant 80 : index
      %swap3A_158 = tpu.vector_load %arg15[%swap3A_156, %swap3A_157] {strides = array<i32>} : memref<128x128xf32, #tpu.memory_space<vmem>>, vector<1x16xf32>,
      %swap3A_159 = vector.shape_cast %swap3A_158 : vector<1x16xf32> to vector<16xf32>
      %swap3A_160 = vector.shape_cast %broadcast_in_dim3A_1 : vector<16xf32> to vector<1x16xf32>
      tpu.vector_store %arg15[%swap3A_156, %swap3A_157], %swap3A_160 {strides = array<i32>} : memref<128x128xf32, #tpu.memory_space<vmem>>, vector<1x16xf32>,
      %swap3A_161 = arith.index_cast %scan3A_129 : i32 to index
      %swap3A_162 = arith.constant 96 : index
      %swap3A_163 = tpu.vector_load %arg15[%swap3A_161, %swap3A_162] {strides = array<i32>} : memref<128x128xf32, #tpu.memory_space<vmem>>, vector<1x16xf32>,
      %swap3A_164 = vector.shape_cast %swap3A_163 : vector<1x16xf32> to vector<16xf32>
      %swap3A_165 = vector.shape_cast %broadcast_in_dim3A_1 : vector<16xf32> to vector<1x16xf32>
      tpu.vector_store %arg15[%swap3A_161, %swap3A_162], %swap3A_165 {strides = array<i32>} : memref<128x128xf32, #tpu.memory_space<vmem>>, vector<1x16xf32>,
      %swap3A_166 = arith.index_cast %scan3A_129 : i32 to index
      %swap3A_167 = arith.constant 112 : index
      %swap3A_168 = tpu.vector_load %arg15[%swap3A_166, %swap3A_167] {strides = array<i32>} : memref<128x128xf32, #tpu.memory_space<vmem>>, vector<1x16xf32>,
      %swap3A_169 = vector.shape_cast %swap3A_168 : vector<1x16xf32> to vector<16xf32>
      %swap3A_170 = vector.shape_cast %broadcast_in_dim3A_1 : vector<16xf32> to vector<1x16xf32>
      tpu.vector_store %arg15[%swap3A_166, %swap3A_167], %swap3A_170 {strides = array<i32>} : memref<128x128xf32, #tpu.memory_space<vmem>>, vector<1x16xf32>,
      %swap3A_171 = arith.index_cast %scan3A_129 : i32 to index
      %swap3A_172 = arith.constant 0 : index
      %swap3A_173 = tpu.vector_load %arg9[%swap3A_171, %swap3A_172] {strides = array<i32>} : memref<128x16xf32, #tpu.memory_space<vmem>>, vector<1x16xf32>,
      %swap3A_174 = vector.shape_cast %swap3A_173 : vector<1x16xf32> to vector<16xf32>
      %swap3A_175 = vector.shape_cast %broadcast_in_dim3A_1 : vector<16xf32> to vector<1x16xf32>
      tpu.vector_store %arg9[%swap3A_171, %swap3A_172], %swap3A_175 {strides = array<i32>} : memref<128x16xf32, #tpu.memory_space<vmem>>, vector<1x16xf32>,
      %swap3A_176 = arith.index_cast %scan3A_129 : i32 to index
      %swap3A_177 = arith.constant 0 : index
      %swap3A_178 = tpu.vector_load %arg16[%swap3A_176, %swap3A_177] {strides = array<i32>} : memref<128x128xf32, #tpu.memory_space<vmem>>, vector<1x16xf32>,
      %swap3A_179 = vector.shape_cast %swap3A_178 : vector<1x16xf32> to vector<16xf32>
      %swap3A_180 = vector.shape_cast %broadcast_in_dim3A_1 : vector<16xf32> to vector<1x16xf32>
      tpu.vector_store %arg16[%swap3A_176, %swap3A_177], %swap3A_180 {strides = array<i32>} : memref<128x128xf32, #tpu.memory_space<vmem>>, vector<1x16xf32>,
      %swap3A_181 = arith.index_cast %scan3A_129 : i32 to index
      %swap3A_182 = arith.constant 16 : index
      %swap3A_183 = tpu.vector_load %arg16[%swap3A_181, %swap3A_182] {strides = array<i32>} : memref<128x128xf32, #tpu.memory_space<vmem>>, vector<1x16xf32>,
      %swap3A_184 = vector.shape_cast %swap3A_183 : vector<1x16xf32> to vector<16xf32>
      %swap3A_185 = vector.shape_cast %broadcast_in_dim3A_1 : vector<16xf32> to vector<1x16xf32>
      tpu.vector_store %arg16[%swap3A_181, %swap3A_182], %swap3A_185 {strides = array<i32>} : memref<128x128xf32, #tpu.memory_space<vmem>>, vector<1x16xf32>,
      %swap3A_186 = arith.index_cast %scan3A_129 : i32 to index
      %swap3A_187 = arith.constant 32 : index
      %swap3A_188 = tpu.vector_load %arg16[%swap3A_186, %swap3A_187] {strides = array<i32>} : memref<128x128xf32, #tpu.memory_space<vmem>>, vector<1x16xf32>,
      %swap3A_189 = vector.shape_cast %swap3A_188 : vector<1x16xf32> to vector<16xf32>
      %swap3A_190 = vector.shape_cast %broadcast_in_dim3A_1 : vector<16xf32> to vector<1x16xf32>
      tpu.vector_store %arg16[%swap3A_186, %swap3A_187], %swap3A_190 {strides = array<i32>} : memref<128x128xf32, #tpu.memory_space<vmem>>, vector<1x16xf32>,
      %swap3A_191 = arith.index_cast %scan3A_129 : i32 to index
      %swap3A_192 = arith.constant 48 : index
      %swap3A_193 = tpu.vector_load %arg16[%swap3A_191, %swap3A_192] {strides = array<i32>} : memref<128x128xf32, #tpu.memory_space<vmem>>, vector<1x16xf32>,
      %swap3A_194 = vector.shape_cast %swap3A_193 : vector<1x16xf32> to vector<16xf32>
      %swap3A_195 = vector.shape_cast %broadcast_in_dim3A_1 : vector<16xf32> to vector<1x16xf32>
      tpu.vector_store %arg16[%swap3A_191, %swap3A_192], %swap3A_195 {strides = array<i32>} : memref<128x128xf32, #tpu.memory_space<vmem>>, vector<1x16xf32>,
      %swap3A_196 = arith.index_cast %scan3A_129 : i32 to index
      %swap3A_197 = arith.constant 64 : index
      %swap3A_198 = tpu.vector_load %arg16[%swap3A_196, %swap3A_197] {strides = array<i32>} : memref<128x128xf32, #tpu.memory_space<vmem>>, vector<1x16xf32>,
      %swap3A_199 = vector.shape_cast %swap3A_198 : vector<1x16xf32> to vector<16xf32>
      %swap3A_200 = vector.shape_cast %broadcast_in_dim3A_1 : vector<16xf32> to vector<1x16xf32>
      tpu.vector_store %arg16[%swap3A_196, %swap3A_197], %swap3A_200 {strides = array<i32>} : memref<128x128xf32, #tpu.memory_space<vmem>>, vector<1x16xf32>,
      %swap3A_201 = arith.index_cast %scan3A_129 : i32 to index
      %swap3A_202 = arith.constant 80 : index
      %swap3A_203 = tpu.vector_load %arg16[%swap3A_201, %swap3A_202] {strides = array<i32>} : memref<128x128xf32, #tpu.memory_space<vmem>>, vector<1x16xf32>,
      %swap3A_204 = vector.shape_cast %swap3A_203 : vector<1x16xf32> to vector<16xf32>
      %swap3A_205 = vector.shape_cast %broadcast_in_dim3A_1 : vector<16xf32> to vector<1x16xf32>
      tpu.vector_store %arg16[%swap3A_201, %swap3A_202], %swap3A_205 {strides = array<i32>} : memref<128x128xf32, #tpu.memory_space<vmem>>, vector<1x16xf32>,
      %swap3A_206 = arith.index_cast %scan3A_129 : i32 to index
      %swap3A_207 = arith.constant 96 : index
      %swap3A_208 = tpu.vector_load %arg16[%swap3A_206, %swap3A_207] {strides = array<i32>} : memref<128x128xf32, #tpu.memory_space<vmem>>, vector<1x16xf32>,
      %swap3A_209 = vector.shape_cast %swap3A_208 : vector<1x16xf32> to vector<16xf32>
      %swap3A_210 = vector.shape_cast %broadcast_in_dim3A_1 : vector<16xf32> to vector<1x16xf32>
      tpu.vector_store %arg16[%swap3A_206, %swap3A_207], %swap3A_210 {strides = array<i32>} : memref<128x128xf32, #tpu.memory_space<vmem>>, vector<1x16xf32>,
      %swap3A_211 = arith.index_cast %scan3A_129 : i32 to index
      %swap3A_212 = arith.constant 112 : index
      %swap3A_213 = tpu.vector_load %arg16[%swap3A_211, %swap3A_212] {strides = array<i32>} : memref<128x128xf32, #tpu.memory_space<vmem>>, vector<1x16xf32>,
      %swap3A_214 = vector.shape_cast %swap3A_213 : vector<1x16xf32> to vector<16xf32>
      %swap3A_215 = vector.shape_cast %broadcast_in_dim3A_1 : vector<16xf32> to vector<1x16xf32>
      tpu.vector_store %arg16[%swap3A_211, %swap3A_212], %swap3A_215 {strides = array<i32>} : memref<128x128xf32, #tpu.memory_space<vmem>>, vector<1x16xf32>,
      %swap3A_216 = arith.index_cast %scan3A_129 : i32 to index
      %swap3A_217 = arith.constant 0 : index
      %swap3A_218 = tpu.vector_load %arg10[%swap3A_216, %swap3A_217] {strides = array<i32>} : memref<128x16xf32, #tpu.memory_space<vmem>>, vector<1x16xf32>,
      %swap3A_219 = vector.shape_cast %swap3A_218 : vector<1x16xf32> to vector<16xf32>
      %swap3A_220 = vector.shape_cast %broadcast_in_dim3A_1 : vector<16xf32> to vector<1x16xf32>
      tpu.vector_store %arg10[%swap3A_216, %swap3A_217], %swap3A_220 {strides = array<i32>} : memref<128x16xf32, #tpu.memory_space<vmem>>, vector<1x16xf32>,
      %scan3A_221 = arith.constant 0 : i32
      scf.yield %scan3A_221 : i32
    }
    %scan3A_9 = arith.constant 128 : i32
    %swap3A = arith.constant 0 : i32
    %swap3A_10 = arith.index_cast %swap3A : i32 to index
    %swap3A_11 = arith.constant 0 : index
    %swap3A_12 = tpu.vector_load %arg13[%swap3A_10, %swap3A_11] {strides = array<i32>} : memref<1x128xi32, #tpu.memory_space<vmem>>, vector<1x16xi32>,
    %swap3A_13 = vector.shape_cast %swap3A_12 : vector<1x16xi32> to vector<16xi32>
    %swap3A_14 = vector.shape_cast %broadcast_in_dim3A_3 : vector<16xi32> to vector<1x16xi32>
    tpu.vector_store %arg13[%swap3A_10, %swap3A_11], %swap3A_14 {strides = array<i32>} : memref<1x128xi32, #tpu.memory_space<vmem>>, vector<1x16xi32>,
    %swap3A_15 = arith.constant 0 : i32
    %swap3A_16 = arith.index_cast %swap3A_15 : i32 to index
    %swap3A_17 = arith.constant 16 : index
    %swap3A_18 = tpu.vector_load %arg13[%swap3A_16, %swap3A_17] {strides = array<i32>} : memref<1x128xi32, #tpu.memory_space<vmem>>, vector<1x16xi32>,
    %swap3A_19 = vector.shape_cast %swap3A_18 : vector<1x16xi32> to vector<16xi32>
    %swap3A_20 = vector.shape_cast %broadcast_in_dim3A_3 : vector<16xi32> to vector<1x16xi32>
    tpu.vector_store %arg13[%swap3A_16, %swap3A_17], %swap3A_20 {strides = array<i32>} : memref<1x128xi32, #tpu.memory_space<vmem>>, vector<1x16xi32>,
    %swap3A_21 = arith.constant 0 : i32
    %swap3A_22 = arith.index_cast %swap3A_21 : i32 to index
    %swap3A_23 = arith.constant 32 : index
    %swap3A_24 = tpu.vector_load %arg13[%swap3A_22, %swap3A_23] {strides = array<i32>} : memref<1x128xi32, #tpu.memory_space<vmem>>, vector<1x16xi32>,
    %swap3A_25 = vector.shape_cast %swap3A_24 : vector<1x16xi32> to vector<16xi32>
    %swap3A_26 = vector.shape_cast %broadcast_in_dim3A_3 : vector<16xi32> to vector<1x16xi32>
    tpu.vector_store %arg13[%swap3A_22, %swap3A_23], %swap3A_26 {strides = array<i32>} : memref<1x128xi32, #tpu.memory_space<vmem>>, vector<1x16xi32>,
    %swap3A_27 = arith.constant 0 : i32
    %swap3A_28 = arith.index_cast %swap3A_27 : i32 to index
    %swap3A_29 = arith.constant 48 : index
    %swap3A_30 = tpu.vector_load %arg13[%swap3A_28, %swap3A_29] {strides = array<i32>} : memref<1x128xi32, #tpu.memory_space<vmem>>, vector<1x16xi32>,
    %swap3A_31 = vector.shape_cast %swap3A_30 : vector<1x16xi32> to vector<16xi32>
    %swap3A_32 = vector.shape_cast %broadcast_in_dim3A_3 : vector<16xi32> to vector<1x16xi32>
    tpu.vector_store %arg13[%swap3A_28, %swap3A_29], %swap3A_32 {strides = array<i32>} : memref<1x128xi32, #tpu.memory_space<vmem>>, vector<1x16xi32>,
    %swap3A_33 = arith.constant 0 : i32
    %swap3A_34 = arith.index_cast %swap3A_33 : i32 to index
    %swap3A_35 = arith.constant 64 : index
    %swap3A_36 = tpu.vector_load %arg13[%swap3A_34, %swap3A_35] {strides = array<i32>} : memref<1x128xi32, #tpu.memory_space<vmem>>, vector<1x16xi32>,
    %swap3A_37 = vector.shape_cast %swap3A_36 : vector<1x16xi32> to vector<16xi32>
    %swap3A_38 = vector.shape_cast %broadcast_in_dim3A_3 : vector<16xi32> to vector<1x16xi32>
    tpu.vector_store %arg13[%swap3A_34, %swap3A_35], %swap3A_38 {strides = array<i32>} : memref<1x128xi32, #tpu.memory_space<vmem>>, vector<1x16xi32>,
    %swap3A_39 = arith.constant 0 : i32
    %swap3A_40 = arith.index_cast %swap3A_39 : i32 to index
    %swap3A_41 = arith.constant 80 : index
    %swap3A_42 = tpu.vector_load %arg13[%swap3A_40, %swap3A_41] {strides = array<i32>} : memref<1x128xi32, #tpu.memory_space<vmem>>, vector<1x16xi32>,
    %swap3A_43 = vector.shape_cast %swap3A_42 : vector<1x16xi32> to vector<16xi32>
    %swap3A_44 = vector.shape_cast %broadcast_in_dim3A_3 : vector<16xi32> to vector<1x16xi32>
    tpu.vector_store %arg13[%swap3A_40, %swap3A_41], %swap3A_44 {strides = array<i32>} : memref<1x128xi32, #tpu.memory_space<vmem>>, vector<1x16xi32>,
    %swap3A_45 = arith.constant 0 : i32
    %swap3A_46 = arith.index_cast %swap3A_45 : i32 to index
    %swap3A_47 = arith.constant 96 : index
    %swap3A_48 = tpu.vector_load %arg13[%swap3A_46, %swap3A_47] {strides = array<i32>} : memref<1x128xi32, #tpu.memory_space<vmem>>, vector<1x16xi32>,
    %swap3A_49 = vector.shape_cast %swap3A_48 : vector<1x16xi32> to vector<16xi32>
    %swap3A_50 = vector.shape_cast %broadcast_in_dim3A_3 : vector<16xi32> to vector<1x16xi32>
    tpu.vector_store %arg13[%swap3A_46, %swap3A_47], %swap3A_50 {strides = array<i32>} : memref<1x128xi32, #tpu.memory_space<vmem>>, vector<1x16xi32>,
    %swap3A_51 = arith.constant 0 : i32
    %swap3A_52 = arith.index_cast %swap3A_51 : i32 to index
    %swap3A_53 = arith.constant 112 : index
    %swap3A_54 = tpu.vector_load %arg13[%swap3A_52, %swap3A_53] {strides = array<i32>} : memref<1x128xi32, #tpu.memory_space<vmem>>, vector<1x16xi32>,
    %swap3A_55 = vector.shape_cast %swap3A_54 : vector<1x16xi32> to vector<16xi32>
    %swap3A_56 = vector.shape_cast %broadcast_in_dim3A_3 : vector<16xi32> to vector<1x16xi32>
    tpu.vector_store %arg13[%swap3A_52, %swap3A_53], %swap3A_56 {strides = array<i32>} : memref<1x128xi32, #tpu.memory_space<vmem>>, vector<1x16xi32>,
    %swap3A_57 = arith.constant 0 : i32
    %swap3A_58 = arith.index_cast %swap3A_57 : i32 to index
    %swap3A_59 = arith.constant 0 : index
    %swap3A_60 = tpu.vector_load %arg14[%swap3A_58, %swap3A_59] {strides = array<i32>} : memref<1x128xi32, #tpu.memory_space<vmem>>, vector<1x16xi32>,
    %swap3A_61 = vector.shape_cast %swap3A_60 : vector<1x16xi32> to vector<16xi32>
    %swap3A_62 = vector.shape_cast %broadcast_in_dim3A_3 : vector<16xi32> to vector<1x16xi32>
    tpu.vector_store %arg14[%swap3A_58, %swap3A_59], %swap3A_62 {strides = array<i32>} : memref<1x128xi32, #tpu.memory_space<vmem>>, vector<1x16xi32>,
    %swap3A_63 = arith.constant 0 : i32
    %swap3A_64 = arith.index_cast %swap3A_63 : i32 to index
    %swap3A_65 = arith.constant 16 : index
    %swap3A_66 = tpu.vector_load %arg14[%swap3A_64, %swap3A_65] {strides = array<i32>} : memref<1x128xi32, #tpu.memory_space<vmem>>, vector<1x16xi32>,
    %swap3A_67 = vector.shape_cast %swap3A_66 : vector<1x16xi32> to vector<16xi32>
    %swap3A_68 = vector.shape_cast %broadcast_in_dim3A_3 : vector<16xi32> to vector<1x16xi32>
    tpu.vector_store %arg14[%swap3A_64, %swap3A_65], %swap3A_68 {strides = array<i32>} : memref<1x128xi32, #tpu.memory_space<vmem>>, vector<1x16xi32>,
    %swap3A_69 = arith.constant 0 : i32
    %swap3A_70 = arith.index_cast %swap3A_69 : i32 to index
    %swap3A_71 = arith.constant 32 : index
    %swap3A_72 = tpu.vector_load %arg14[%swap3A_70, %swap3A_71] {strides = array<i32>} : memref<1x128xi32, #tpu.memory_space<vmem>>, vector<1x16xi32>,
    %swap3A_73 = vector.shape_cast %swap3A_72 : vector<1x16xi32> to vector<16xi32>
    %swap3A_74 = vector.shape_cast %broadcast_in_dim3A_3 : vector<16xi32> to vector<1x16xi32>
    tpu.vector_store %arg14[%swap3A_70, %swap3A_71], %swap3A_74 {strides = array<i32>} : memref<1x128xi32, #tpu.memory_space<vmem>>, vector<1x16xi32>,
    %swap3A_75 = arith.constant 0 : i32
    %swap3A_76 = arith.index_cast %swap3A_75 : i32 to index
    %swap3A_77 = arith.constant 48 : index
    %swap3A_78 = tpu.vector_load %arg14[%swap3A_76, %swap3A_77] {strides = array<i32>} : memref<1x128xi32, #tpu.memory_space<vmem>>, vector<1x16xi32>,
    %swap3A_79 = vector.shape_cast %swap3A_78 : vector<1x16xi32> to vector<16xi32>
    %swap3A_80 = vector.shape_cast %broadcast_in_dim3A_3 : vector<16xi32> to vector<1x16xi32>
    tpu.vector_store %arg14[%swap3A_76, %swap3A_77], %swap3A_80 {strides = array<i32>} : memref<1x128xi32, #tpu.memory_space<vmem>>, vector<1x16xi32>,
    %swap3A_81 = arith.constant 0 : i32
    %swap3A_82 = arith.index_cast %swap3A_81 : i32 to index
    %swap3A_83 = arith.constant 64 : index
    %swap3A_84 = tpu.vector_load %arg14[%swap3A_82, %swap3A_83] {strides = array<i32>} : memref<1x128xi32, #tpu.memory_space<vmem>>, vector<1x16xi32>,
    %swap3A_85 = vector.shape_cast %swap3A_84 : vector<1x16xi32> to vector<16xi32>
    %swap3A_86 = vector.shape_cast %broadcast_in_dim3A_3 : vector<16xi32> to vector<1x16xi32>
    tpu.vector_store %arg14[%swap3A_82, %swap3A_83], %swap3A_86 {strides = array<i32>} : memref<1x128xi32, #tpu.memory_space<vmem>>, vector<1x16xi32>,
    %swap3A_87 = arith.constant 0 : i32
    %swap3A_88 = arith.index_cast %swap3A_87 : i32 to index
    %swap3A_89 = arith.constant 80 : index
    %swap3A_90 = tpu.vector_load %arg14[%swap3A_88, %swap3A_89] {strides = array<i32>} : memref<1x128xi32, #tpu.memory_space<vmem>>, vector<1x16xi32>,
    %swap3A_91 = vector.shape_cast %swap3A_90 : vector<1x16xi32> to vector<16xi32>
    %swap3A_92 = vector.shape_cast %broadcast_in_dim3A_3 : vector<16xi32> to vector<1x16xi32>
    tpu.vector_store %arg14[%swap3A_88, %swap3A_89], %swap3A_92 {strides = array<i32>} : memref<1x128xi32, #tpu.memory_space<vmem>>, vector<1x16xi32>,
    %swap3A_93 = arith.constant 0 : i32
    %swap3A_94 = arith.index_cast %swap3A_93 : i32 to index
    %swap3A_95 = arith.constant 96 : index
    %swap3A_96 = tpu.vector_load %arg14[%swap3A_94, %swap3A_95] {strides = array<i32>} : memref<1x128xi32, #tpu.memory_space<vmem>>, vector<1x16xi32>,
    %swap3A_97 = vector.shape_cast %swap3A_96 : vector<1x16xi32> to vector<16xi32>
    %swap3A_98 = vector.shape_cast %broadcast_in_dim3A_3 : vector<16xi32> to vector<1x16xi32>
    tpu.vector_store %arg14[%swap3A_94, %swap3A_95], %swap3A_98 {strides = array<i32>} : memref<1x128xi32, #tpu.memory_space<vmem>>, vector<1x16xi32>,
    %swap3A_99 = arith.constant 0 : i32
    %swap3A_100 = arith.index_cast %swap3A_99 : i32 to index
    %swap3A_101 = arith.constant 112 : index
    %swap3A_102 = tpu.vector_load %arg14[%swap3A_100, %swap3A_101] {strides = array<i32>} : memref<1x128xi32, #tpu.memory_space<vmem>>, vector<1x16xi32>,
    %swap3A_103 = vector.shape_cast %swap3A_102 : vector<1x16xi32> to vector<16xi32>
    %swap3A_104 = vector.shape_cast %broadcast_in_dim3A_3 : vector<16xi32> to vector<1x16xi32>
    tpu.vector_store %arg14[%swap3A_100, %swap3A_101], %swap3A_104 {strides = array<i32>} : memref<1x128xi32, #tpu.memory_space<vmem>>, vector<1x16xi32>,
    %mul3A_105 = arith.constant 320 : i32
    %mul3A_106 = arith.muli %arg1, %mul3A_105 : i32
    %min3A = arith.constant 4680 : i32
    %min3A_107 = arith.minsi %mul3A_106, %min3A : i32
    %multiple_of3A = tpu.assume_multiple %min3A_107, 8 : i32
    %add3A = arith.constant 0 : i32
    %add3A_108 = arith.addi %multiple_of3A, %add3A : i32
    "tpu.region"() ({
      %run_scoped3A = tpu.sem_alloc : memref<!tpu.dma_semaphore, #tpu.memory_space<semaphore_mem>>
      %dma_start3A = arith.constant 0 : i32
      %dma_start3A_129 = tpu.memref_slice %arg17[%add3A_108, %dma_start3A] : memref<5000x128xf32, #tpu.memory_space<vmem_shared>> -> memref<128x128xf32, #tpu.memory_space<vmem_shared>>
      %dma_start3A_130 = arith.constant 0 : i32
      %dma_start3A_131 = tpu.memref_slice %arg17[%add3A_108, %dma_start3A_130] : memref<5000x128xf32, #tpu.memory_space<vmem_shared>> -> memref<128x128xf32, #tpu.memory_space<vmem_shared>>
      tpu.enqueue_dma source(%arg15 : memref<128x128xf32, #tpu.memory_space<vmem>>) target(%dma_start3A_131 : memref<128x128xf32, #tpu.memory_space<vmem_shared>>) target_semaphore(%run_scoped3A : memref<!tpu.dma_semaphore, #tpu.memory_space<semaphore_mem>>)
      %dma_wait3A = arith.constant 0 : i32
      %dma_wait3A_132 = tpu.memref_slice %arg17[%add3A_108, %dma_wait3A] : memref<5000x128xf32, #tpu.memory_space<vmem_shared>> -> memref<128x128xf32, #tpu.memory_space<vmem_shared>>
      %dma_wait3A_133 = arith.constant 0 : i32
      %dma_wait3A_134 = tpu.memref_slice %arg17[%add3A_108, %dma_wait3A_133] : memref<5000x128xf32, #tpu.memory_space<vmem_shared>> -> memref<128x128xf32, #tpu.memory_space<vmem_shared>>
      tpu.wait_dma2 semaphore(%run_scoped3A : memref<!tpu.dma_semaphore, #tpu.memory_space<semaphore_mem>>) src(%arg15 : memref<128x128xf32, #tpu.memory_space<vmem>>) dst(%dma_wait3A_134 : memref<128x128xf32, #tpu.memory_space<vmem_shared>>)
      tpu.yield
    }) : () -> ()
    %add3A_109 = arith.constant 0 : i32
    %add3A_110 = arith.addi %multiple_of3A, %add3A_109 : i32
    "tpu.region"() ({
      %run_scoped3A = tpu.sem_alloc : memref<!tpu.dma_semaphore, #tpu.memory_space<semaphore_mem>>
      %dma_start3A = arith.constant 0 : i32
      %dma_start3A_129 = tpu.memref_slice %arg11[%add3A_110, %dma_start3A] : memref<5000x16xf32, #tpu.memory_space<vmem_shared>> -> memref<128x16xf32, #tpu.memory_space<vmem_shared>>
      %dma_start3A_130 = arith.constant 0 : i32
      %dma_start3A_131 = tpu.memref_slice %arg11[%add3A_110, %dma_start3A_130] : memref<5000x16xf32, #tpu.memory_space<vmem_shared>> -> memref<128x16xf32, #tpu.memory_space<vmem_shared>>
      tpu.enqueue_dma source(%arg9 : memref<128x16xf32, #tpu.memory_space<vmem>>) target(%dma_start3A_131 : memref<128x16xf32, #tpu.memory_space<vmem_shared>>) target_semaphore(%run_scoped3A : memref<!tpu.dma_semaphore, #tpu.memory_space<semaphore_mem>>)
      %dma_wait3A = arith.constant 0 : i32
      %dma_wait3A_132 = tpu.memref_slice %arg11[%add3A_110, %dma_wait3A] : memref<5000x16xf32, #tpu.memory_space<vmem_shared>> -> memref<128x16xf32, #tpu.memory_space<vmem_shared>>
      %dma_wait3A_133 = arith.constant 0 : i32
      %dma_wait3A_134 = tpu.memref_slice %arg11[%add3A_110, %dma_wait3A_133] : memref<5000x16xf32, #tpu.memory_space<vmem_shared>> -> memref<128x16xf32, #tpu.memory_space<vmem_shared>>
      tpu.wait_dma2 semaphore(%run_scoped3A : memref<!tpu.dma_semaphore, #tpu.memory_space<semaphore_mem>>) src(%arg9 : memref<128x16xf32, #tpu.memory_space<vmem>>) dst(%dma_wait3A_134 : memref<128x16xf32, #tpu.memory_space<vmem_shared>>)
      tpu.yield
    }) : () -> ()
    %add3A_111 = arith.constant 128 : i32
    %add3A_112 = arith.addi %multiple_of3A, %add3A_111 : i32
    "tpu.region"() ({
      %run_scoped3A = tpu.sem_alloc : memref<!tpu.dma_semaphore, #tpu.memory_space<semaphore_mem>>
      %dma_start3A = arith.constant 0 : i32
      %dma_start3A_129 = tpu.memref_slice %arg17[%add3A_112, %dma_start3A] : memref<5000x128xf32, #tpu.memory_space<vmem_shared>> -> memref<128x128xf32, #tpu.memory_space<vmem_shared>>
      %dma_start3A_130 = arith.constant 0 : i32
      %dma_start3A_131 = tpu.memref_slice %arg17[%add3A_112, %dma_start3A_130] : memref<5000x128xf32, #tpu.memory_space<vmem_shared>> -> memref<128x128xf32, #tpu.memory_space<vmem_shared>>
      tpu.enqueue_dma source(%arg15 : memref<128x128xf32, #tpu.memory_space<vmem>>) target(%dma_start3A_131 : memref<128x128xf32, #tpu.memory_space<vmem_shared>>) target_semaphore(%run_scoped3A : memref<!tpu.dma_semaphore, #tpu.memory_space<semaphore_mem>>)
      %dma_wait3A = arith.constant 0 : i32
      %dma_wait3A_132 = tpu.memref_slice %arg17[%add3A_112, %dma_wait3A] : memref<5000x128xf32, #tpu.memory_space<vmem_shared>> -> memref<128x128xf32, #tpu.memory_space<vmem_shared>>
      %dma_wait3A_133 = arith.constant 0 : i32
      %dma_wait3A_134 = tpu.memref_slice %arg17[%add3A_112, %dma_wait3A_133] : memref<5000x128xf32, #tpu.memory_space<vmem_shared>> -> memref<128x128xf32, #tpu.memory_space<vmem_shared>>
      tpu.wait_dma2 semaphore(%run_scoped3A : memref<!tpu.dma_semaphore, #tpu.memory_space<semaphore_mem>>) src(%arg15 : memref<128x128xf32, #tpu.memory_space<vmem>>) dst(%dma_wait3A_134 : memref<128x128xf32, #tpu.memory_space<vmem_shared>>)
      tpu.yield
    }) : () -> ()
    %add3A_113 = arith.constant 128 : i32
    %add3A_114 = arith.addi %multiple_of3A, %add3A_113 : i32
    "tpu.region"() ({
      %run_scoped3A = tpu.sem_alloc : memref<!tpu.dma_semaphore, #tpu.memory_space<semaphore_mem>>
      %dma_start3A = arith.constant 0 : i32
      %dma_start3A_129 = tpu.memref_slice %arg11[%add3A_114, %dma_start3A] : memref<5000x16xf32, #tpu.memory_space<vmem_shared>> -> memref<128x16xf32, #tpu.memory_space<vmem_shared>>
      %dma_start3A_130 = arith.constant 0 : i32
      %dma_start3A_131 = tpu.memref_slice %arg11[%add3A_114, %dma_start3A_130] : memref<5000x16xf32, #tpu.memory_space<vmem_shared>> -> memref<128x16xf32, #tpu.memory_space<vmem_shared>>
      tpu.enqueue_dma source(%arg9 : memref<128x16xf32, #tpu.memory_space<vmem>>) target(%dma_start3A_131 : memref<128x16xf32, #tpu.memory_space<vmem_shared>>) target_semaphore(%run_scoped3A : memref<!tpu.dma_semaphore, #tpu.memory_space<semaphore_mem>>)
      %dma_wait3A = arith.constant 0 : i32
      %dma_wait3A_132 = tpu.memref_slice %arg11[%add3A_114, %dma_wait3A] : memref<5000x16xf32, #tpu.memory_space<vmem_shared>> -> memref<128x16xf32, #tpu.memory_space<vmem_shared>>
      %dma_wait3A_133 = arith.constant 0 : i32
      %dma_wait3A_134 = tpu.memref_slice %arg11[%add3A_114, %dma_wait3A_133] : memref<5000x16xf32, #tpu.memory_space<vmem_shared>> -> memref<128x16xf32, #tpu.memory_space<vmem_shared>>
      tpu.wait_dma2 semaphore(%run_scoped3A : memref<!tpu.dma_semaphore, #tpu.memory_space<semaphore_mem>>) src(%arg9 : memref<128x16xf32, #tpu.memory_space<vmem>>) dst(%dma_wait3A_134 : memref<128x16xf32, #tpu.memory_space<vmem_shared>>)
      tpu.yield
    }) : () -> ()
    %add3A_115 = arith.constant 256 : i32
    %add3A_116 = arith.addi %multiple_of3A, %add3A_115 : i32
    "tpu.region"() ({
      %run_scoped3A = tpu.sem_alloc : memref<!tpu.dma_semaphore, #tpu.memory_space<semaphore_mem>>
      %dma_start3A = arith.constant 0 : i32
      %dma_start3A_129 = arith.constant 0 : i32
      %dma_start3A_130 = tpu.memref_slice %arg15[%dma_start3A, %dma_start3A_129] : memref<128x128xf32, #tpu.memory_space<vmem>> -> memref<64x128xf32, #tpu.memory_space<vmem>>
      %dma_start3A_131 = arith.constant 0 : i32
      %dma_start3A_132 = tpu.memref_slice %arg17[%add3A_116, %dma_start3A_131] : memref<5000x128xf32, #tpu.memory_space<vmem_shared>> -> memref<64x128xf32, #tpu.memory_space<vmem_shared>>
      %dma_start3A_133 = arith.constant 0 : i32
      %dma_start3A_134 = tpu.memref_slice %arg17[%add3A_116, %dma_start3A_133] : memref<5000x128xf32, #tpu.memory_space<vmem_shared>> -> memref<64x128xf32, #tpu.memory_space<vmem_shared>>
      %dma_start3A_135 = arith.constant 0 : i32
      %dma_start3A_136 = arith.constant 0 : i32
      %dma_start3A_137 = tpu.memref_slice %arg15[%dma_start3A_135, %dma_start3A_136] : memref<128x128xf32, #tpu.memory_space<vmem>> -> memref<64x128xf32, #tpu.memory_space<vmem>>
      tpu.enqueue_dma source(%dma_start3A_137 : memref<64x128xf32, #tpu.memory_space<vmem>>) target(%dma_start3A_134 : memref<64x128xf32, #tpu.memory_space<vmem_shared>>) target_semaphore(%run_scoped3A : memref<!tpu.dma_semaphore, #tpu.memory_space<semaphore_mem>>)
      %dma_wait3A = arith.constant 0 : i32
      %dma_wait3A_138 = arith.constant 0 : i32
      %dma_wait3A_139 = tpu.memref_slice %arg15[%dma_wait3A, %dma_wait3A_138] : memref<128x128xf32, #tpu.memory_space<vmem>> -> memref<64x128xf32, #tpu.memory_space<vmem>>
      %dma_wait3A_140 = arith.constant 0 : i32
      %dma_wait3A_141 = tpu.memref_slice %arg17[%add3A_116, %dma_wait3A_140] : memref<5000x128xf32, #tpu.memory_space<vmem_shared>> -> memref<64x128xf32, #tpu.memory_space<vmem_shared>>
      %dma_wait3A_142 = arith.constant 0 : i32
      %dma_wait3A_143 = tpu.memref_slice %arg17[%add3A_116, %dma_wait3A_142] : memref<5000x128xf32, #tpu.memory_space<vmem_shared>> -> memref<64x128xf32, #tpu.memory_space<vmem_shared>>
      %dma_wait3A_144 = arith.constant 0 : i32
      %dma_wait3A_145 = arith.constant 0 : i32
      %dma_wait3A_146 = tpu.memref_slice %arg15[%dma_wait3A_144, %dma_wait3A_145] : memref<128x128xf32, #tpu.memory_space<vmem>> -> memref<64x128xf32, #tpu.memory_space<vmem>>
      tpu.wait_dma2 semaphore(%run_scoped3A : memref<!tpu.dma_semaphore, #tpu.memory_space<semaphore_mem>>) src(%dma_wait3A_146 : memref<64x128xf32, #tpu.memory_space<vmem>>) dst(%dma_wait3A_143 : memref<64x128xf32, #tpu.memory_space<vmem_shared>>)
      tpu.yield
    }) : () -> ()
    %add3A_117 = arith.constant 256 : i32
    %add3A_118 = arith.addi %multiple_of3A, %add3A_117 : i32
    "tpu.region"() ({
      %run_scoped3A = tpu.sem_alloc : memref<!tpu.dma_semaphore, #tpu.memory_space<semaphore_mem>>
      %dma_start3A = arith.constant 0 : i32
      %dma_start3A_129 = arith.constant 0 : i32
      %dma_start3A_130 = tpu.memref_slice %arg9[%dma_start3A, %dma_start3A_129] : memref<128x16xf32, #tpu.memory_space<vmem>> -> memref<64x16xf32, #tpu.memory_space<vmem>>
      %dma_start3A_131 = arith.constant 0 : i32
      %dma_start3A_132 = tpu.memref_slice %arg11[%add3A_118, %dma_start3A_131] : memref<5000x16xf32, #tpu.memory_space<vmem_shared>> -> memref<64x16xf32, #tpu.memory_space<vmem_shared>>
      %dma_start3A_133 = arith.constant 0 : i32
      %dma_start3A_134 = tpu.memref_slice %arg11[%add3A_118, %dma_start3A_133] : memref<5000x16xf32, #tpu.memory_space<vmem_shared>> -> memref<64x16xf32, #tpu.memory_space<vmem_shared>>
      %dma_start3A_135 = arith.constant 0 : i32
      %dma_start3A_136 = arith.constant 0 : i32
      %dma_start3A_137 = tpu.memref_slice %arg9[%dma_start3A_135, %dma_start3A_136] : memref<128x16xf32, #tpu.memory_space<vmem>> -> memref<64x16xf32, #tpu.memory_space<vmem>>
      tpu.enqueue_dma source(%dma_start3A_137 : memref<64x16xf32, #tpu.memory_space<vmem>>) target(%dma_start3A_134 : memref<64x16xf32, #tpu.memory_space<vmem_shared>>) target_semaphore(%run_scoped3A : memref<!tpu.dma_semaphore, #tpu.memory_space<semaphore_mem>>)
      %dma_wait3A = arith.constant 0 : i32
      %dma_wait3A_138 = arith.constant 0 : i32
      %dma_wait3A_139 = tpu.memref_slice %arg9[%dma_wait3A, %dma_wait3A_138] : memref<128x16xf32, #tpu.memory_space<vmem>> -> memref<64x16xf32, #tpu.memory_space<vmem>>
      %dma_wait3A_140 = arith.constant 0 : i32
      %dma_wait3A_141 = tpu.memref_slice %arg11[%add3A_118, %dma_wait3A_140] : memref<5000x16xf32, #tpu.memory_space<vmem_shared>> -> memref<64x16xf32, #tpu.memory_space<vmem_shared>>
      %dma_wait3A_142 = arith.constant 0 : i32
      %dma_wait3A_143 = tpu.memref_slice %arg11[%add3A_118, %dma_wait3A_142] : memref<5000x16xf32, #tpu.memory_space<vmem_shared>> -> memref<64x16xf32, #tpu.memory_space<vmem_shared>>
      %dma_wait3A_144 = arith.constant 0 : i32
      %dma_wait3A_145 = arith.constant 0 : i32
      %dma_wait3A_146 = tpu.memref_slice %arg9[%dma_wait3A_144, %dma_wait3A_145] : memref<128x16xf32, #tpu.memory_space<vmem>> -> memref<64x16xf32, #tpu.memory_space<vmem>>
      tpu.wait_dma2 semaphore(%run_scoped3A : memref<!tpu.dma_semaphore, #tpu.memory_space<semaphore_mem>>) src(%dma_wait3A_146 : memref<64x16xf32, #tpu.memory_space<vmem>>) dst(%dma_wait3A_143 : memref<64x16xf32, #tpu.memory_space<vmem_shared>>)
      tpu.yield
    }) : () -> ()
    %barrier3A = arith.constant 0 : index
    tpu.barrier barrier_id(%barrier3A)
    %scan3A_119 = arith.constant 0 : i32
    %scan3A_120 = arith.constant 0 : i32
    %scan3A_121 = arith.constant 5 : i32
    %scan3A_122 = arith.addi %scan3A_120, %scan3A_121 : i32
    %scan3A_123 = arith.constant 1 : i32
    %scan3A_124 = scf.for %scan3A_129 = %scan3A_120 to %scan3A_122 step %scan3A_123 iter_args(%scan3A_130 = %scan3A_119) -> (i32)  : i32 {
      %mul3A_131 = arith.constant 32 : i32
      %mul3A_132 = arith.muli %scan3A_129, %mul3A_131 : i32
      %multiple_of3A_133 = tpu.assume_multiple %mul3A_132, 8 : i32
      "tpu.region"() ({
        %run_scoped3A = tpu.sem_alloc : memref<!tpu.dma_semaphore, #tpu.memory_space<semaphore_mem>>
        %dma_start3A = arith.constant 0 : i32
        %dma_start3A_142 = tpu.memref_slice %arg3[%arg1, %multiple_of3A_133, %dma_start3A] : memref<16x160x128xi32, #tpu.memory_space<hbm>> -> memref<1x32x128xi32, #tpu.memory_space<hbm>>
        %dma_start3A_143 = tpu.memref_squeeze %dma_start3A_142 : memref<1x32x128xi32, #tpu.memory_space<hbm>> -> memref<32x128xi32, #tpu.memory_space<hbm>>
        %dma_start3A_144 = arith.constant 0 : i32
        %dma_start3A_145 = tpu.memref_slice %arg3[%arg1, %multiple_of3A_133, %dma_start3A_144] : memref<16x160x128xi32, #tpu.memory_space<hbm>> -> memref<1x32x128xi32, #tpu.memory_space<hbm>>
        %dma_start3A_146 = tpu.memref_squeeze %dma_start3A_145 : memref<1x32x128xi32, #tpu.memory_space<hbm>> -> memref<32x128xi32, #tpu.memory_space<hbm>>
        tpu.enqueue_dma source(%dma_start3A_146 : memref<32x128xi32, #tpu.memory_space<hbm>>) target(%arg18 : memref<32x128xi32, #tpu.memory_space<vmem>>) target_semaphore(%run_scoped3A : memref<!tpu.dma_semaphore, #tpu.memory_space<semaphore_mem>>)
        %dma_wait3A = arith.constant 0 : i32
        %dma_wait3A_147 = tpu.memref_slice %arg3[%arg1, %multiple_of3A_133, %dma_wait3A] : memref<16x160x128xi32, #tpu.memory_space<hbm>> -> memref<1x32x128xi32, #tpu.memory_space<hbm>>
        %dma_wait3A_148 = tpu.memref_squeeze %dma_wait3A_147 : memref<1x32x128xi32, #tpu.memory_space<hbm>> -> memref<32x128xi32, #tpu.memory_space<hbm>>
        %dma_wait3A_149 = arith.constant 0 : i32
        %dma_wait3A_150 = tpu.memref_slice %arg3[%arg1, %multiple_of3A_133, %dma_wait3A_149] : memref<16x160x128xi32, #tpu.memory_space<hbm>> -> memref<1x32x128xi32, #tpu.memory_space<hbm>>
        %dma_wait3A_151 = tpu.memref_squeeze %dma_wait3A_150 : memref<1x32x128xi32, #tpu.memory_space<hbm>> -> memref<32x128xi32, #tpu.memory_space<hbm>>
        tpu.wait_dma2 semaphore(%run_scoped3A : memref<!tpu.dma_semaphore, #tpu.memory_space<semaphore_mem>>) src(%dma_wait3A_151 : memref<32x128xi32, #tpu.memory_space<hbm>>) dst(%arg18 : memref<32x128xi32, #tpu.memory_space<vmem>>)
        tpu.yield
      }) : () -> ()
      "tpu.region"() ({
        %run_scoped3A = tpu.sem_alloc : memref<!tpu.dma_semaphore, #tpu.memory_space<semaphore_mem>>
        %dma_start3A = arith.constant 0 : i32
        %dma_start3A_142 = tpu.memref_slice %arg4[%arg1, %multiple_of3A_133, %dma_start3A] : memref<16x160x128xi32, #tpu.memory_space<hbm>> -> memref<1x32x128xi32, #tpu.memory_space<hbm>>
        %dma_start3A_143 = tpu.memref_squeeze %dma_start3A_142 : memref<1x32x128xi32, #tpu.memory_space<hbm>> -> memref<32x128xi32, #tpu.memory_space<hbm>>
        %dma_start3A_144 = arith.constant 0 : i32
        %dma_start3A_145 = tpu.memref_slice %arg4[%arg1, %multiple_of3A_133, %dma_start3A_144] : memref<16x160x128xi32, #tpu.memory_space<hbm>> -> memref<1x32x128xi32, #tpu.memory_space<hbm>>
        %dma_start3A_146 = tpu.memref_squeeze %dma_start3A_145 : memref<1x32x128xi32, #tpu.memory_space<hbm>> -> memref<32x128xi32, #tpu.memory_space<hbm>>
        tpu.enqueue_dma source(%dma_start3A_146 : memref<32x128xi32, #tpu.memory_space<hbm>>) target(%arg12 : memref<32x128xi32, #tpu.memory_space<vmem>>) target_semaphore(%run_scoped3A : memref<!tpu.dma_semaphore, #tpu.memory_space<semaphore_mem>>)
        %dma_wait3A = arith.constant 0 : i32
        %dma_wait3A_147 = tpu.memref_slice %arg4[%arg1, %multiple_of3A_133, %dma_wait3A] : memref<16x160x128xi32, #tpu.memory_space<hbm>> -> memref<1x32x128xi32, #tpu.memory_space<hbm>>
        %dma_wait3A_148 = tpu.memref_squeeze %dma_wait3A_147 : memref<1x32x128xi32, #tpu.memory_space<hbm>> -> memref<32x128xi32, #tpu.memory_space<hbm>>
        %dma_wait3A_149 = arith.constant 0 : i32
        %dma_wait3A_150 = tpu.memref_slice %arg4[%arg1, %multiple_of3A_133, %dma_wait3A_149] : memref<16x160x128xi32, #tpu.memory_space<hbm>> -> memref<1x32x128xi32, #tpu.memory_space<hbm>>
        %dma_wait3A_151 = tpu.memref_squeeze %dma_wait3A_150 : memref<1x32x128xi32, #tpu.memory_space<hbm>> -> memref<32x128xi32, #tpu.memory_space<hbm>>
        tpu.wait_dma2 semaphore(%run_scoped3A : memref<!tpu.dma_semaphore, #tpu.memory_space<semaphore_mem>>) src(%dma_wait3A_151 : memref<32x128xi32, #tpu.memory_space<hbm>>) dst(%arg12 : memref<32x128xi32, #tpu.memory_space<vmem>>)
        tpu.yield
      }) : () -> ()
      "tpu.region"() ({
        %run_scoped3A = tpu.sem_alloc : memref<!tpu.dma_semaphore, #tpu.memory_space<semaphore_mem>>
        %dma_start3A = arith.constant 0 : i32
        %dma_start3A_142 = tpu.memref_slice %arg5[%arg1, %multiple_of3A_133, %dma_start3A] : memref<16x160x128xf32, #tpu.memory_space<hbm>> -> memref<1x32x128xf32, #tpu.memory_space<hbm>>
        %dma_start3A_143 = tpu.memref_squeeze %dma_start3A_142 : memref<1x32x128xf32, #tpu.memory_space<hbm>> -> memref<32x128xf32, #tpu.memory_space<hbm>>
        %dma_start3A_144 = arith.constant 0 : i32
        %dma_start3A_145 = tpu.memref_slice %arg5[%arg1, %multiple_of3A_133, %dma_start3A_144] : memref<16x160x128xf32, #tpu.memory_space<hbm>> -> memref<1x32x128xf32, #tpu.memory_space<hbm>>
        %dma_start3A_146 = tpu.memref_squeeze %dma_start3A_145 : memref<1x32x128xf32, #tpu.memory_space<hbm>> -> memref<32x128xf32, #tpu.memory_space<hbm>>
        tpu.enqueue_dma source(%dma_start3A_146 : memref<32x128xf32, #tpu.memory_space<hbm>>) target(%arg8 : memref<32x128xf32, #tpu.memory_space<vmem>>) target_semaphore(%run_scoped3A : memref<!tpu.dma_semaphore, #tpu.memory_space<semaphore_mem>>)
        %dma_wait3A = arith.constant 0 : i32
        %dma_wait3A_147 = tpu.memref_slice %arg5[%arg1, %multiple_of3A_133, %dma_wait3A] : memref<16x160x128xf32, #tpu.memory_space<hbm>> -> memref<1x32x128xf32, #tpu.memory_space<hbm>>
        %dma_wait3A_148 = tpu.memref_squeeze %dma_wait3A_147 : memref<1x32x128xf32, #tpu.memory_space<hbm>> -> memref<32x128xf32, #tpu.memory_space<hbm>>
        %dma_wait3A_149 = arith.constant 0 : i32
        %dma_wait3A_150 = tpu.memref_slice %arg5[%arg1, %multiple_of3A_133, %dma_wait3A_149] : memref<16x160x128xf32, #tpu.memory_space<hbm>> -> memref<1x32x128xf32, #tpu.memory_space<hbm>>
        %dma_wait3A_151 = tpu.memref_squeeze %dma_wait3A_150 : memref<1x32x128xf32, #tpu.memory_space<hbm>> -> memref<32x128xf32, #tpu.memory_space<hbm>>
        tpu.wait_dma2 semaphore(%run_scoped3A : memref<!tpu.dma_semaphore, #tpu.memory_space<semaphore_mem>>) src(%dma_wait3A_151 : memref<32x128xf32, #tpu.memory_space<hbm>>) dst(%arg8 : memref<32x128xf32, #tpu.memory_space<vmem>>)
        tpu.yield
      }) : () -> ()
      %scan3A_134 = arith.constant 0 : i32
      %scan3A_135 = arith.constant 0 : i32
      %scan3A_136 = arith.constant 32 : i32
      %scan3A_137 = arith.addi %scan3A_135, %scan3A_136 : i32
      %scan3A_138 = arith.constant 1 : i32
      %scan3A_139 = scf.for %scan3A_142 = %scan3A_135 to %scan3A_137 step %scan3A_138 iter_args(%scan3A_143 = %scan3A_134) -> (i32)  : i32 {
        "tpu.region"() ({
          %run_scoped3A_153 = tpu.sem_alloc : memref<!tpu.dma_semaphore, #tpu.memory_space<semaphore_mem>>
          %dma_start3A = arith.constant 0 : i32
          %dma_start3A_154 = tpu.memref_slice %arg18[%scan3A_142, %dma_start3A] : memref<32x128xi32, #tpu.memory_space<vmem>> -> memref<1x128xi32, #tpu.memory_space<vmem>>
          %dma_start3A_155 = tpu.memref_squeeze %dma_start3A_154 : memref<1x128xi32, #tpu.memory_space<vmem>> -> memref<128xi32, #tpu.memory_space<vmem>>
          %dma_start3A_156 = arith.constant 0 : i32
          %dma_start3A_157 = arith.constant 0 : i32
          %dma_start3A_158 = tpu.memref_slice %arg2[%dma_start3A_156, %dma_start3A_157] : memref<10000x128xf32, #tpu.memory_space<hbm>> -> memref<10000x128xf32, #tpu.memory_space<hbm>>
          tpu.enqueue_indirect_dma source(%dma_start3A_158 : memref<10000x128xf32, #tpu.memory_space<hbm>>) target(%arg15 : memref<128x128xf32, #tpu.memory_space<vmem>>) offsets(%dma_start3A_155 : memref<128xi32, #tpu.memory_space<vmem>>) semaphore(%run_scoped3A_153 : memref<!tpu.dma_semaphore, #tpu.memory_space<semaphore_mem>>)
          %dma_wait3A = arith.constant 0 : i32
          %dma_wait3A_159 = tpu.memref_slice %arg18[%scan3A_142, %dma_wait3A] : memref<32x128xi32, #tpu.memory_space<vmem>> -> memref<1x128xi32, #tpu.memory_space<vmem>>
          %dma_wait3A_160 = tpu.memref_squeeze %dma_wait3A_159 : memref<1x128xi32, #tpu.memory_space<vmem>> -> memref<128xi32, #tpu.memory_space<vmem>>
          %dma_wait3A_161 = arith.constant 0 : i32
          %dma_wait3A_162 = arith.constant 0 : i32
          %dma_wait3A_163 = tpu.memref_slice %arg2[%dma_wait3A_161, %dma_wait3A_162] : memref<10000x128xf32, #tpu.memory_space<hbm>> -> memref<10000x128xf32, #tpu.memory_space<hbm>>
          tpu.wait_indirect_dma semaphore(%run_scoped3A_153 : memref<!tpu.dma_semaphore, #tpu.memory_space<semaphore_mem>>) src(%dma_wait3A_163 : memref<10000x128xf32, #tpu.memory_space<hbm>>) dst(%arg15 : memref<128x128xf32, #tpu.memory_space<vmem>>)
          tpu.yield
        }) : () -> ()
        %scan3A_144 = arith.constant 0 : i32
        %scan3A_145 = arith.constant 0 : i32
        %scan3A_146 = arith.constant 8 : i32
        %scan3A_147 = arith.addi %scan3A_145, %scan3A_146 : i32
        %scan3A_148 = arith.constant 1 : i32
        %scan3A_149 = scf.for %scan3A_153 = %scan3A_145 to %scan3A_147 step %scan3A_148 iter_args(%scan3A_154 = %scan3A_144) -> (i32)  : i32 {
          %mul3A_155 = arith.constant 16 : i32
          %mul3A_156 = arith.muli %scan3A_153, %mul3A_155 : i32
          %get3A = arith.index_cast %scan3A_142 : i32 to index
          %get3A_157 = arith.index_cast %mul3A_156 : i32 to index
          %get3A_158 = tpu.vector_load %arg8[%get3A, %get3A_157] {strides = array<i32>} : memref<32x128xf32, #tpu.memory_space<vmem>>, vector<1x16xf32>,
          %get3A_159 = vector.shape_cast %get3A_158 : vector<1x16xf32> to vector<16xf32>
          %get3A_160 = arith.index_cast %scan3A_142 : i32 to index
          %get3A_161 = arith.index_cast %mul3A_156 : i32 to index
          %get3A_162 = tpu.vector_load %arg18[%get3A_160, %get3A_161] {strides = array<i32>} : memref<32x128xi32, #tpu.memory_space<vmem>>, vector<1x16xi32>,
          %get3A_163 = vector.shape_cast %get3A_162 : vector<1x16xi32> to vector<16xi32>
          %get3A_164 = arith.index_cast %scan3A_142 : i32 to index
          %get3A_165 = arith.index_cast %mul3A_156 : i32 to index
          %get3A_166 = tpu.vector_load %arg12[%get3A_164, %get3A_165] {strides = array<i32>} : memref<32x128xi32, #tpu.memory_space<vmem>>, vector<1x16xi32>,
          %get3A_167 = vector.shape_cast %get3A_166 : vector<1x16xi32> to vector<16xi32>
          %sub3A = vector.broadcast %mul3A_0 : i32 to vector<16xi32>
          %sub3A_168 = arith.subi %get3A_167, %sub3A : vector<16xi32>
          %ge3A = arith.constant 0 : i32
          %ge3A_169 = vector.broadcast %ge3A : i32 to vector<16xi32>
          %ge3A_170 = arith.cmpi sge, %sub3A_168, %ge3A_169 : vector<16xi32>
          %lt3A = arith.constant 5000 : i32
          %lt3A_171 = vector.broadcast %lt3A : i32 to vector<16xi32>
          %lt3A_172 = arith.cmpi slt, %sub3A_168, %lt3A_171 : vector<16xi32>
          %and3A = arith.andi %ge3A_170, %lt3A_172 : vector<16xi1>
          %ne3A = arith.cmpi ne, %get3A_163, %get3A_167 : vector<16xi32>
          %and3A_173 = arith.andi %and3A, %ne3A : vector<16xi1>
          %exp3A = math.exp %get3A_159 : vector<16xf32>
          %jit3A = arith.constant 0.000000e+00 : f32
          %broadcast_in_dim3A_174 = vector.broadcast %jit3A : f32 to vector<16xf32>
          %select_n3A = arith.select %and3A_173, %exp3A, %broadcast_in_dim3A_174 : vector<16xi1>, vector<16xf32>
          %jit3A_175 = arith.constant 0.000000e+00 : f32
          %broadcast_in_dim3A_176 = vector.broadcast %jit3A_175 : f32 to vector<16xf32>
          %select_n3A_177 = arith.select %and3A, %get3A_159, %broadcast_in_dim3A_176 : vector<16xi1>, vector<16xf32>
          %jit3A_178 = arith.constant 0 : i32
          %broadcast_in_dim3A_179 = vector.broadcast %jit3A_178 : i32 to vector<16xi32>
          %select_n3A_180 = arith.select %and3A, %sub3A_168, %broadcast_in_dim3A_179 : vector<16xi1>, vector<16xi32>
          %swap3A_181 = arith.constant 0 : i32
          %swap3A_182 = arith.index_cast %swap3A_181 : i32 to index
          %swap3A_183 = arith.index_cast %mul3A_156 : i32 to index
          %swap3A_184 = tpu.vector_load %arg13[%swap3A_182, %swap3A_183] {strides = array<i32>} : memref<1x128xi32, #tpu.memory_space<vmem>>, vector<1x16xi32>,
          %swap3A_185 = vector.shape_cast %swap3A_184 : vector<1x16xi32> to vector<16xi32>
          %swap3A_186 = vector.shape_cast %select_n3A_180 : vector<16xi32> to vector<1x16xi32>
          tpu.vector_store %arg13[%swap3A_182, %swap3A_183], %swap3A_186 {strides = array<i32>} : memref<1x128xi32, #tpu.memory_space<vmem>>, vector<1x16xi32>,
          %mul3A_187 = arith.constant 16 : i32
          %mul3A_188 = arith.muli %scan3A_153, %mul3A_187 : i32
          %add3A_189 = arith.constant 0 : i32
          %add3A_190 = arith.addi %mul3A_188, %add3A_189 : i32
          %slice3A = vector.extract_strided_slice %select_n3A_177 {offsets = [0], sizes = [1], strides = [1]} : vector<16xf32> to vector<1xf32>
          %squeeze3A = vector.extract %slice3A[0] : f32 from vector<1xf32>
          %broadcast_in_dim3A_191 = vector.broadcast %squeeze3A : f32 to vector<16xf32>
          %swap3A_192 = arith.index_cast %add3A_190 : i32 to index
          %swap3A_193 = arith.constant 0 : index
          %swap3A_194 = tpu.vector_load %arg9[%swap3A_192, %swap3A_193] {strides = array<i32>} : memref<128x16xf32, #tpu.memory_space<vmem>>, vector<1x16xf32>,
          %swap3A_195 = vector.shape_cast %swap3A_194 : vector<1x16xf32> to vector<16xf32>
          %swap3A_196 = vector.shape_cast %broadcast_in_dim3A_191 : vector<16xf32> to vector<1x16xf32>
          tpu.vector_store %arg9[%swap3A_192, %swap3A_193], %swap3A_196 {strides = array<i32>} : memref<128x16xf32, #tpu.memory_space<vmem>>, vector<1x16xf32>,
          %slice3A_197 = vector.extract_strided_slice %select_n3A {offsets = [0], sizes = [1], strides = [1]} : vector<16xf32> to vector<1xf32>
          %squeeze3A_198 = vector.extract %slice3A_197[0] : f32 from vector<1xf32>
          %broadcast_in_dim3A_199 = vector.broadcast %squeeze3A_198 : f32 to vector<16xf32>
          %get3A_200 = arith.index_cast %add3A_190 : i32 to index
          %get3A_201 = arith.constant 0 : index
          %get3A_202 = tpu.vector_load %arg15[%get3A_200, %get3A_201] {strides = array<i32>} : memref<128x128xf32, #tpu.memory_space<vmem>>, vector<1x16xf32>,
          %get3A_203 = vector.shape_cast %get3A_202 : vector<1x16xf32> to vector<16xf32>
          %mul3A_204 = arith.mulf %get3A_203, %broadcast_in_dim3A_199 : vector<16xf32>
          %swap3A_205 = arith.index_cast %add3A_190 : i32 to index
          %swap3A_206 = arith.constant 0 : index
          %swap3A_207 = tpu.vector_load %arg15[%swap3A_205, %swap3A_206] {strides = array<i32>} : memref<128x128xf32, #tpu.memory_space<vmem>>, vector<1x16xf32>,
          %swap3A_208 = vector.shape_cast %swap3A_207 : vector<1x16xf32> to vector<16xf32>
          %swap3A_209 = vector.shape_cast %mul3A_204 : vector<16xf32> to vector<1x16xf32>
          tpu.vector_store %arg15[%swap3A_205, %swap3A_206], %swap3A_209 {strides = array<i32>} : memref<128x128xf32, #tpu.memory_space<vmem>>, vector<1x16xf32>,
          %get3A_210 = arith.index_cast %add3A_190 : i32 to index
          %get3A_211 = arith.constant 16 : index
          %get3A_212 = tpu.vector_load %arg15[%get3A_210, %get3A_211] {strides = array<i32>} : memref<128x128xf32, #tpu.memory_space<vmem>>, vector<1x16xf32>,
          %get3A_213 = vector.shape_cast %get3A_212 : vector<1x16xf32> to vector<16xf32>
          %mul3A_214 = arith.mulf %get3A_213, %broadcast_in_dim3A_199 : vector<16xf32>
          %swap3A_215 = arith.index_cast %add3A_190 : i32 to index
          %swap3A_216 = arith.constant 16 : index
          %swap3A_217 = tpu.vector_load %arg15[%swap3A_215, %swap3A_216] {strides = array<i32>} : memref<128x128xf32, #tpu.memory_space<vmem>>, vector<1x16xf32>,
          %swap3A_218 = vector.shape_cast %swap3A_217 : vector<1x16xf32> to vector<16xf32>
          %swap3A_219 = vector.shape_cast %mul3A_214 : vector<16xf32> to vector<1x16xf32>
          tpu.vector_store %arg15[%swap3A_215, %swap3A_216], %swap3A_219 {strides = array<i32>} : memref<128x128xf32, #tpu.memory_space<vmem>>, vector<1x16xf32>,
          %get3A_220 = arith.index_cast %add3A_190 : i32 to index
          %get3A_221 = arith.constant 32 : index
          %get3A_222 = tpu.vector_load %arg15[%get3A_220, %get3A_221] {strides = array<i32>} : memref<128x128xf32, #tpu.memory_space<vmem>>, vector<1x16xf32>,
          %get3A_223 = vector.shape_cast %get3A_222 : vector<1x16xf32> to vector<16xf32>
          %mul3A_224 = arith.mulf %get3A_223, %broadcast_in_dim3A_199 : vector<16xf32>
          %swap3A_225 = arith.index_cast %add3A_190 : i32 to index
          %swap3A_226 = arith.constant 32 : index
          %swap3A_227 = tpu.vector_load %arg15[%swap3A_225, %swap3A_226] {strides = array<i32>} : memref<128x128xf32, #tpu.memory_space<vmem>>, vector<1x16xf32>,
          %swap3A_228 = vector.shape_cast %swap3A_227 : vector<1x16xf32> to vector<16xf32>
          %swap3A_229 = vector.shape_cast %mul3A_224 : vector<16xf32> to vector<1x16xf32>
          tpu.vector_store %arg15[%swap3A_225, %swap3A_226], %swap3A_229 {strides = array<i32>} : memref<128x128xf32, #tpu.memory_space<vmem>>, vector<1x16xf32>,
          %get3A_230 = arith.index_cast %add3A_190 : i32 to index
          %get3A_231 = arith.constant 48 : index
          %get3A_232 = tpu.vector_load %arg15[%get3A_230, %get3A_231] {strides = array<i32>} : memref<128x128xf32, #tpu.memory_space<vmem>>, vector<1x16xf32>,
          %get3A_233 = vector.shape_cast %get3A_232 : vector<1x16xf32> to vector<16xf32>
          %mul3A_234 = arith.mulf %get3A_233, %broadcast_in_dim3A_199 : vector<16xf32>
          %swap3A_235 = arith.index_cast %add3A_190 : i32 to index
          %swap3A_236 = arith.constant 48 : index
          %swap3A_237 = tpu.vector_load %arg15[%swap3A_235, %swap3A_236] {strides = array<i32>} : memref<128x128xf32, #tpu.memory_space<vmem>>, vector<1x16xf32>,
          %swap3A_238 = vector.shape_cast %swap3A_237 : vector<1x16xf32> to vector<16xf32>
          %swap3A_239 = vector.shape_cast %mul3A_234 : vector<16xf32> to vector<1x16xf32>
          tpu.vector_store %arg15[%swap3A_235, %swap3A_236], %swap3A_239 {strides = array<i32>} : memref<128x128xf32, #tpu.memory_space<vmem>>, vector<1x16xf32>,
          %get3A_240 = arith.index_cast %add3A_190 : i32 to index
          %get3A_241 = arith.constant 64 : index
          %get3A_242 = tpu.vector_load %arg15[%get3A_240, %get3A_241] {strides = array<i32>} : memref<128x128xf32, #tpu.memory_space<vmem>>, vector<1x16xf32>,
          %get3A_243 = vector.shape_cast %get3A_242 : vector<1x16xf32> to vector<16xf32>
          %mul3A_244 = arith.mulf %get3A_243, %broadcast_in_dim3A_199 : vector<16xf32>
          %swap3A_245 = arith.index_cast %add3A_190 : i32 to index
          %swap3A_246 = arith.constant 64 : index
          %swap3A_247 = tpu.vector_load %arg15[%swap3A_245, %swap3A_246] {strides = array<i32>} : memref<128x128xf32, #tpu.memory_space<vmem>>, vector<1x16xf32>,
          %swap3A_248 = vector.shape_cast %swap3A_247 : vector<1x16xf32> to vector<16xf32>
          %swap3A_249 = vector.shape_cast %mul3A_244 : vector<16xf32> to vector<1x16xf32>
          tpu.vector_store %arg15[%swap3A_245, %swap3A_246], %swap3A_249 {strides = array<i32>} : memref<128x128xf32, #tpu.memory_space<vmem>>, vector<1x16xf32>,
          %get3A_250 = arith.index_cast %add3A_190 : i32 to index
          %get3A_251 = arith.constant 80 : index
          %get3A_252 = tpu.vector_load %arg15[%get3A_250, %get3A_251] {strides = array<i32>} : memref<128x128xf32, #tpu.memory_space<vmem>>, vector<1x16xf32>,
          %get3A_253 = vector.shape_cast %get3A_252 : vector<1x16xf32> to vector<16xf32>
          %mul3A_254 = arith.mulf %get3A_253, %broadcast_in_dim3A_199 : vector<16xf32>
          %swap3A_255 = arith.index_cast %add3A_190 : i32 to index
          %swap3A_256 = arith.constant 80 : index
          %swap3A_257 = tpu.vector_load %arg15[%swap3A_255, %swap3A_256] {strides = array<i32>} : memref<128x128xf32, #tpu.memory_space<vmem>>, vector<1x16xf32>,
          %swap3A_258 = vector.shape_cast %swap3A_257 : vector<1x16xf32> to vector<16xf32>
          %swap3A_259 = vector.shape_cast %mul3A_254 : vector<16xf32> to vector<1x16xf32>
          tpu.vector_store %arg15[%swap3A_255, %swap3A_256], %swap3A_259 {strides = array<i32>} : memref<128x128xf32, #tpu.memory_space<vmem>>, vector<1x16xf32>,
          %get3A_260 = arith.index_cast %add3A_190 : i32 to index
          %get3A_261 = arith.constant 96 : index
          %get3A_262 = tpu.vector_load %arg15[%get3A_260, %get3A_261] {strides = array<i32>} : memref<128x128xf32, #tpu.memory_space<vmem>>, vector<1x16xf32>,
          %get3A_263 = vector.shape_cast %get3A_262 : vector<1x16xf32> to vector<16xf32>
          %mul3A_264 = arith.mulf %get3A_263, %broadcast_in_dim3A_199 : vector<16xf32>
          %swap3A_265 = arith.index_cast %add3A_190 : i32 to index
          %swap3A_266 = arith.constant 96 : index
          %swap3A_267 = tpu.vector_load %arg15[%swap3A_265, %swap3A_266] {strides = array<i32>} : memref<128x128xf32, #tpu.memory_space<vmem>>, vector<1x16xf32>,
          %swap3A_268 = vector.shape_cast %swap3A_267 : vector<1x16xf32> to vector<16xf32>
          %swap3A_269 = vector.shape_cast %mul3A_264 : vector<16xf32> to vector<1x16xf32>
          tpu.vector_store %arg15[%swap3A_265, %swap3A_266], %swap3A_269 {strides = array<i32>} : memref<128x128xf32, #tpu.memory_space<vmem>>, vector<1x16xf32>,
          %get3A_270 = arith.index_cast %add3A_190 : i32 to index
          %get3A_271 = arith.constant 112 : index
          %get3A_272 = tpu.vector_load %arg15[%get3A_270, %get3A_271] {strides = array<i32>} : memref<128x128xf32, #tpu.memory_space<vmem>>, vector<1x16xf32>,
          %get3A_273 = vector.shape_cast %get3A_272 : vector<1x16xf32> to vector<16xf32>
          %mul3A_274 = arith.mulf %get3A_273, %broadcast_in_dim3A_199 : vector<16xf32>
          %swap3A_275 = arith.index_cast %add3A_190 : i32 to index
          %swap3A_276 = arith.constant 112 : index
          %swap3A_277 = tpu.vector_load %arg15[%swap3A_275, %swap3A_276] {strides = array<i32>} : memref<128x128xf32, #tpu.memory_space<vmem>>, vector<1x16xf32>,
          %swap3A_278 = vector.shape_cast %swap3A_277 : vector<1x16xf32> to vector<16xf32>
          %swap3A_279 = vector.shape_cast %mul3A_274 : vector<16xf32> to vector<1x16xf32>
          tpu.vector_store %arg15[%swap3A_275, %swap3A_276], %swap3A_279 {strides = array<i32>} : memref<128x128xf32, #tpu.memory_space<vmem>>, vector<1x16xf32>,
          %mul3A_280 = arith.constant 16 : i32
          %mul3A_281 = arith.muli %scan3A_153, %mul3A_280 : i32
          %add3A_282 = arith.constant 1 : i32
          %add3A_283 = arith.addi %mul3A_281, %add3A_282 : i32
          %slice3A_284 = vector.extract_strided_slice %select_n3A_177 {offsets = [1], sizes = [1], strides = [1]} : vector<16xf32> to vector<1xf32>
          %squeeze3A_285 = vector.extract %slice3A_284[0] : f32 from vector<1xf32>
          %broadcast_in_dim3A_286 = vector.broadcast %squeeze3A_285 : f32 to vector<16xf32>
          %swap3A_287 = arith.index_cast %add3A_283 : i32 to index
          %swap3A_288 = arith.constant 0 : index
          %swap3A_289 = tpu.vector_load %arg9[%swap3A_287, %swap3A_288] {strides = array<i32>} : memref<128x16xf32, #tpu.memory_space<vmem>>, vector<1x16xf32>,
          %swap3A_290 = vector.shape_cast %swap3A_289 : vector<1x16xf32> to vector<16xf32>
          %swap3A_291 = vector.shape_cast %broadcast_in_dim3A_286 : vector<16xf32> to vector<1x16xf32>
          tpu.vector_store %arg9[%swap3A_287, %swap3A_288], %swap3A_291 {strides = array<i32>} : memref<128x16xf32, #tpu.memory_space<vmem>>, vector<1x16xf32>,
          %slice3A_292 = vector.extract_strided_slice %select_n3A {offsets = [1], sizes = [1], strides = [1]} : vector<16xf32> to vector<1xf32>
          %squeeze3A_293 = vector.extract %slice3A_292[0] : f32 from vector<1xf32>
          %broadcast_in_dim3A_294 = vector.broadcast %squeeze3A_293 : f32 to vector<16xf32>
          %get3A_295 = arith.index_cast %add3A_283 : i32 to index
          %get3A_296 = arith.constant 0 : index
          %get3A_297 = tpu.vector_load %arg15[%get3A_295, %get3A_296] {strides = array<i32>} : memref<128x128xf32, #tpu.memory_space<vmem>>, vector<1x16xf32>,
          %get3A_298 = vector.shape_cast %get3A_297 : vector<1x16xf32> to vector<16xf32>
          %mul3A_299 = arith.mulf %get3A_298, %broadcast_in_dim3A_294 : vector<16xf32>
          %swap3A_300 = arith.index_cast %add3A_283 : i32 to index
          %swap3A_301 = arith.constant 0 : index
          %swap3A_302 = tpu.vector_load %arg15[%swap3A_300, %swap3A_301] {strides = array<i32>} : memref<128x128xf32, #tpu.memory_space<vmem>>, vector<1x16xf32>,
          %swap3A_303 = vector.shape_cast %swap3A_302 : vector<1x16xf32> to vector<16xf32>
          %swap3A_304 = vector.shape_cast %mul3A_299 : vector<16xf32> to vector<1x16xf32>
          tpu.vector_store %arg15[%swap3A_300, %swap3A_301], %swap3A_304 {strides = array<i32>} : memref<128x128xf32, #tpu.memory_space<vmem>>, vector<1x16xf32>,
          %get3A_305 = arith.index_cast %add3A_283 : i32 to index
          %get3A_306 = arith.constant 16 : index
          %get3A_307 = tpu.vector_load %arg15[%get3A_305, %get3A_306] {strides = array<i32>} : memref<128x128xf32, #tpu.memory_space<vmem>>, vector<1x16xf32>,
          %get3A_308 = vector.shape_cast %get3A_307 : vector<1x16xf32> to vector<16xf32>
          %mul3A_309 = arith.mulf %get3A_308, %broadcast_in_dim3A_294 : vector<16xf32>
          %swap3A_310 = arith.index_cast %add3A_283 : i32 to index
          %swap3A_311 = arith.constant 16 : index
          %swap3A_312 = tpu.vector_load %arg15[%swap3A_310, %swap3A_311] {strides = array<i32>} : memref<128x128xf32, #tpu.memory_space<vmem>>, vector<1x16xf32>,
          %swap3A_313 = vector.shape_cast %swap3A_312 : vector<1x16xf32> to vector<16xf32>
          %swap3A_314 = vector.shape_cast %mul3A_309 : vector<16xf32> to vector<1x16xf32>
          tpu.vector_store %arg15[%swap3A_310, %swap3A_311], %swap3A_314 {strides = array<i32>} : memref<128x128xf32, #tpu.memory_space<vmem>>, vector<1x16xf32>,
          %get3A_315 = arith.index_cast %add3A_283 : i32 to index
          %get3A_316 = arith.constant 32 : index
          %get3A_317 = tpu.vector_load %arg15[%get3A_315, %get3A_316] {strides = array<i32>} : memref<128x128xf32, #tpu.memory_space<vmem>>, vector<1x16xf32>,
          %get3A_318 = vector.shape_cast %get3A_317 : vector<1x16xf32> to vector<16xf32>
          %mul3A_319 = arith.mulf %get3A_318, %broadcast_in_dim3A_294 : vector<16xf32>
          %swap3A_320 = arith.index_cast %add3A_283 : i32 to index
          %swap3A_321 = arith.constant 32 : index
          %swap3A_322 = tpu.vector_load %arg15[%swap3A_320, %swap3A_321] {strides = array<i32>} : memref<128x128xf32, #tpu.memory_space<vmem>>, vector<1x16xf32>,
          %swap3A_323 = vector.shape_cast %swap3A_322 : vector<1x16xf32> to vector<16xf32>
          %swap3A_324 = vector.shape_cast %mul3A_319 : vector<16xf32> to vector<1x16xf32>
          tpu.vector_store %arg15[%swap3A_320, %swap3A_321], %swap3A_324 {strides = array<i32>} : memref<128x128xf32, #tpu.memory_space<vmem>>, vector<1x16xf32>,
          %get3A_325 = arith.index_cast %add3A_283 : i32 to index
          %get3A_326 = arith.constant 48 : index
          %get3A_327 = tpu.vector_load %arg15[%get3A_325, %get3A_326] {strides = array<i32>} : memref<128x128xf32, #tpu.memory_space<vmem>>, vector<1x16xf32>,
          %get3A_328 = vector.shape_cast %get3A_327 : vector<1x16xf32> to vector<16xf32>
          %mul3A_329 = arith.mulf %get3A_328, %broadcast_in_dim3A_294 : vector<16xf32>
          %swap3A_330 = arith.index_cast %add3A_283 : i32 to index
          %swap3A_331 = arith.constant 48 : index
          %swap3A_332 = tpu.vector_load %arg15[%swap3A_330, %swap3A_331] {strides = array<i32>} : memref<128x128xf32, #tpu.memory_space<vmem>>, vector<1x16xf32>,
          %swap3A_333 = vector.shape_cast %swap3A_332 : vector<1x16xf32> to vector<16xf32>
          %swap3A_334 = vector.shape_cast %mul3A_329 : vector<16xf32> to vector<1x16xf32>
          tpu.vector_store %arg15[%swap3A_330, %swap3A_331], %swap3A_334 {strides = array<i32>} : memref<128x128xf32, #tpu.memory_space<vmem>>, vector<1x16xf32>,
          %get3A_335 = arith.index_cast %add3A_283 : i32 to index
          %get3A_336 = arith.constant 64 : index
          %get3A_337 = tpu.vector_load %arg15[%get3A_335, %get3A_336] {strides = array<i32>} : memref<128x128xf32, #tpu.memory_space<vmem>>, vector<1x16xf32>,
          %get3A_338 = vector.shape_cast %get3A_337 : vector<1x16xf32> to vector<16xf32>
          %mul3A_339 = arith.mulf %get3A_338, %broadcast_in_dim3A_294 : vector<16xf32>
          %swap3A_340 = arith.index_cast %add3A_283 : i32 to index
          %swap3A_341 = arith.constant 64 : index
          %swap3A_342 = tpu.vector_load %arg15[%swap3A_340, %swap3A_341] {strides = array<i32>} : memref<128x128xf32, #tpu.memory_space<vmem>>, vector<1x16xf32>,
          %swap3A_343 = vector.shape_cast %swap3A_342 : vector<1x16xf32> to vector<16xf32>
          %swap3A_344 = vector.shape_cast %mul3A_339 : vector<16xf32> to vector<1x16xf32>
          tpu.vector_store %arg15[%swap3A_340, %swap3A_341], %swap3A_344 {strides = array<i32>} : memref<128x128xf32, #tpu.memory_space<vmem>>, vector<1x16xf32>,
          %get3A_345 = arith.index_cast %add3A_283 : i32 to index
          %get3A_346 = arith.constant 80 : index
          %get3A_347 = tpu.vector_load %arg15[%get3A_345, %get3A_346] {strides = array<i32>} : memref<128x128xf32, #tpu.memory_space<vmem>>, vector<1x16xf32>,
          %get3A_348 = vector.shape_cast %get3A_347 : vector<1x16xf32> to vector<16xf32>
          %mul3A_349 = arith.mulf %get3A_348, %broadcast_in_dim3A_294 : vector<16xf32>
          %swap3A_350 = arith.index_cast %add3A_283 : i32 to index
          %swap3A_351 = arith.constant 80 : index
          %swap3A_352 = tpu.vector_load %arg15[%swap3A_350, %swap3A_351] {strides = array<i32>} : memref<128x128xf32, #tpu.memory_space<vmem>>, vector<1x16xf32>,
          %swap3A_353 = vector.shape_cast %swap3A_352 : vector<1x16xf32> to vector<16xf32>
          %swap3A_354 = vector.shape_cast %mul3A_349 : vector<16xf32> to vector<1x16xf32>
          tpu.vector_store %arg15[%swap3A_350, %swap3A_351], %swap3A_354 {strides = array<i32>} : memref<128x128xf32, #tpu.memory_space<vmem>>, vector<1x16xf32>,
          %get3A_355 = arith.index_cast %add3A_283 : i32 to index
          %get3A_356 = arith.constant 96 : index
          %get3A_357 = tpu.vector_load %arg15[%get3A_355, %get3A_356] {strides = array<i32>} : memref<128x128xf32, #tpu.memory_space<vmem>>, vector<1x16xf32>,
          %get3A_358 = vector.shape_cast %get3A_357 : vector<1x16xf32> to vector<16xf32>
          %mul3A_359 = arith.mulf %get3A_358, %broadcast_in_dim3A_294 : vector<16xf32>
          %swap3A_360 = arith.index_cast %add3A_283 : i32 to index
          %swap3A_361 = arith.constant 96 : index
          %swap3A_362 = tpu.vector_load %arg15[%swap3A_360, %swap3A_361] {strides = array<i32>} : memref<128x128xf32, #tpu.memory_space<vmem>>, vector<1x16xf32>,
          %swap3A_363 = vector.shape_cast %swap3A_362 : vector<1x16xf32> to vector<16xf32>
          %swap3A_364 = vector.shape_cast %mul3A_359 : vector<16xf32> to vector<1x16xf32>
          tpu.vector_store %arg15[%swap3A_360, %swap3A_361], %swap3A_364 {strides = array<i32>} : memref<128x128xf32, #tpu.memory_space<vmem>>, vector<1x16xf32>,
          %get3A_365 = arith.index_cast %add3A_283 : i32 to index
          %get3A_366 = arith.constant 112 : index
          %get3A_367 = tpu.vector_load %arg15[%get3A_365, %get3A_366] {strides = array<i32>} : memref<128x128xf32, #tpu.memory_space<vmem>>, vector<1x16xf32>,
          %get3A_368 = vector.shape_cast %get3A_367 : vector<1x16xf32> to vector<16xf32>
          %mul3A_369 = arith.mulf %get3A_368, %broadcast_in_dim3A_294 : vector<16xf32>
          %swap3A_370 = arith.index_cast %add3A_283 : i32 to index
          %swap3A_371 = arith.constant 112 : index
          %swap3A_372 = tpu.vector_load %arg15[%swap3A_370, %swap3A_371] {strides = array<i32>} : memref<128x128xf32, #tpu.memory_space<vmem>>, vector<1x16xf32>,
          %swap3A_373 = vector.shape_cast %swap3A_372 : vector<1x16xf32> to vector<16xf32>
          %swap3A_374 = vector.shape_cast %mul3A_369 : vector<16xf32> to vector<1x16xf32>
          tpu.vector_store %arg15[%swap3A_370, %swap3A_371], %swap3A_374 {strides = array<i32>} : memref<128x128xf32, #tpu.memory_space<vmem>>, vector<1x16xf32>,
          %mul3A_375 = arith.constant 16 : i32
          %mul3A_376 = arith.muli %scan3A_153, %mul3A_375 : i32
          %add3A_377 = arith.constant 2 : i32
          %add3A_378 = arith.addi %mul3A_376, %add3A_377 : i32
          %slice3A_379 = vector.extract_strided_slice %select_n3A_177 {offsets = [2], sizes = [1], strides = [1]} : vector<16xf32> to vector<1xf32>
          %squeeze3A_380 = vector.extract %slice3A_379[0] : f32 from vector<1xf32>
          %broadcast_in_dim3A_381 = vector.broadcast %squeeze3A_380 : f32 to vector<16xf32>
          %swap3A_382 = arith.index_cast %add3A_378 : i32 to index
          %swap3A_383 = arith.constant 0 : index
          %swap3A_384 = tpu.vector_load %arg9[%swap3A_382, %swap3A_383] {strides = array<i32>} : memref<128x16xf32, #tpu.memory_space<vmem>>, vector<1x16xf32>,
          %swap3A_385 = vector.shape_cast %swap3A_384 : vector<1x16xf32> to vector<16xf32>
          %swap3A_386 = vector.shape_cast %broadcast_in_dim3A_381 : vector<16xf32> to vector<1x16xf32>
          tpu.vector_store %arg9[%swap3A_382, %swap3A_383], %swap3A_386 {strides = array<i32>} : memref<128x16xf32, #tpu.memory_space<vmem>>, vector<1x16xf32>,
          %slice3A_387 = vector.extract_strided_slice %select_n3A {offsets = [2], sizes = [1], strides = [1]} : vector<16xf32> to vector<1xf32>
          %squeeze3A_388 = vector.extract %slice3A_387[0] : f32 from vector<1xf32>
          %broadcast_in_dim3A_389 = vector.broadcast %squeeze3A_388 : f32 to vector<16xf32>
          %get3A_390 = arith.index_cast %add3A_378 : i32 to index
          %get3A_391 = arith.constant 0 : index
          %get3A_392 = tpu.vector_load %arg15[%get3A_390, %get3A_391] {strides = array<i32>} : memref<128x128xf32, #tpu.memory_space<vmem>>, vector<1x16xf32>,
          %get3A_393 = vector.shape_cast %get3A_392 : vector<1x16xf32> to vector<16xf32>
          %mul3A_394 = arith.mulf %get3A_393, %broadcast_in_dim3A_389 : vector<16xf32>
          %swap3A_395 = arith.index_cast %add3A_378 : i32 to index
          %swap3A_396 = arith.constant 0 : index
          %swap3A_397 = tpu.vector_load %arg15[%swap3A_395, %swap3A_396] {strides = array<i32>} : memref<128x128xf32, #tpu.memory_space<vmem>>, vector<1x16xf32>,
          %swap3A_398 = vector.shape_cast %swap3A_397 : vector<1x16xf32> to vector<16xf32>
          %swap3A_399 = vector.shape_cast %mul3A_394 : vector<16xf32> to vector<1x16xf32>
          tpu.vector_store %arg15[%swap3A_395, %swap3A_396], %swap3A_399 {strides = array<i32>} : memref<128x128xf32, #tpu.memory_space<vmem>>, vector<1x16xf32>,
          %get3A_400 = arith.index_cast %add3A_378 : i32 to index
          %get3A_401 = arith.constant 16 : index
          %get3A_402 = tpu.vector_load %arg15[%get3A_400, %get3A_401] {strides = array<i32>} : memref<128x128xf32, #tpu.memory_space<vmem>>, vector<1x16xf32>,
          %get3A_403 = vector.shape_cast %get3A_402 : vector<1x16xf32> to vector<16xf32>
          %mul3A_404 = arith.mulf %get3A_403, %broadcast_in_dim3A_389 : vector<16xf32>
          %swap3A_405 = arith.index_cast %add3A_378 : i32 to index
          %swap3A_406 = arith.constant 16 : index
          %swap3A_407 = tpu.vector_load %arg15[%swap3A_405, %swap3A_406] {strides = array<i32>} : memref<128x128xf32, #tpu.memory_space<vmem>>, vector<1x16xf32>,
          %swap3A_408 = vector.shape_cast %swap3A_407 : vector<1x16xf32> to vector<16xf32>
          %swap3A_409 = vector.shape_cast %mul3A_404 : vector<16xf32> to vector<1x16xf32>
          tpu.vector_store %arg15[%swap3A_405, %swap3A_406], %swap3A_409 {strides = array<i32>} : memref<128x128xf32, #tpu.memory_space<vmem>>, vector<1x16xf32>,
          %get3A_410 = arith.index_cast %add3A_378 : i32 to index
          %get3A_411 = arith.constant 32 : index
          %get3A_412 = tpu.vector_load %arg15[%get3A_410, %get3A_411] {strides = array<i32>} : memref<128x128xf32, #tpu.memory_space<vmem>>, vector<1x16xf32>,
          %get3A_413 = vector.shape_cast %get3A_412 : vector<1x16xf32> to vector<16xf32>
          %mul3A_414 = arith.mulf %get3A_413, %broadcast_in_dim3A_389 : vector<16xf32>
          %swap3A_415 = arith.index_cast %add3A_378 : i32 to index
          %swap3A_416 = arith.constant 32 : index
          %swap3A_417 = tpu.vector_load %arg15[%swap3A_415, %swap3A_416] {strides = array<i32>} : memref<128x128xf32, #tpu.memory_space<vmem>>, vector<1x16xf32>,
          %swap3A_418 = vector.shape_cast %swap3A_417 : vector<1x16xf32> to vector<16xf32>
          %swap3A_419 = vector.shape_cast %mul3A_414 : vector<16xf32> to vector<1x16xf32>
          tpu.vector_store %arg15[%swap3A_415, %swap3A_416], %swap3A_419 {strides = array<i32>} : memref<128x128xf32, #tpu.memory_space<vmem>>, vector<1x16xf32>,
          %get3A_420 = arith.index_cast %add3A_378 : i32 to index
          %get3A_421 = arith.constant 48 : index
          %get3A_422 = tpu.vector_load %arg15[%get3A_420, %get3A_421] {strides = array<i32>} : memref<128x128xf32, #tpu.memory_space<vmem>>, vector<1x16xf32>,
          %get3A_423 = vector.shape_cast %get3A_422 : vector<1x16xf32> to vector<16xf32>
          %mul3A_424 = arith.mulf %get3A_423, %broadcast_in_dim3A_389 : vector<16xf32>
          %swap3A_425 = arith.index_cast %add3A_378 : i32 to index
          %swap3A_426 = arith.constant 48 : index
          %swap3A_427 = tpu.vector_load %arg15[%swap3A_425, %swap3A_426] {strides = array<i32>} : memref<128x128xf32, #tpu.memory_space<vmem>>, vector<1x16xf32>,
          %swap3A_428 = vector.shape_cast %swap3A_427 : vector<1x16xf32> to vector<16xf32>
          %swap3A_429 = vector.shape_cast %mul3A_424 : vector<16xf32> to vector<1x16xf32>
          tpu.vector_store %arg15[%swap3A_425, %swap3A_426], %swap3A_429 {strides = array<i32>} : memref<128x128xf32, #tpu.memory_space<vmem>>, vector<1x16xf32>,
          %get3A_430 = arith.index_cast %add3A_378 : i32 to index
          %get3A_431 = arith.constant 64 : index
          %get3A_432 = tpu.vector_load %arg15[%get3A_430, %get3A_431] {strides = array<i32>} : memref<128x128xf32, #tpu.memory_space<vmem>>, vector<1x16xf32>,
          %get3A_433 = vector.shape_cast %get3A_432 : vector<1x16xf32> to vector<16xf32>
          %mul3A_434 = arith.mulf %get3A_433, %broadcast_in_dim3A_389 : vector<16xf32>
          %swap3A_435 = arith.index_cast %add3A_378 : i32 to index
          %swap3A_436 = arith.constant 64 : index
          %swap3A_437 = tpu.vector_load %arg15[%swap3A_435, %swap3A_436] {strides = array<i32>} : memref<128x128xf32, #tpu.memory_space<vmem>>, vector<1x16xf32>,
          %swap3A_438 = vector.shape_cast %swap3A_437 : vector<1x16xf32> to vector<16xf32>
          %swap3A_439 = vector.shape_cast %mul3A_434 : vector<16xf32> to vector<1x16xf32>
          tpu.vector_store %arg15[%swap3A_435, %swap3A_436], %swap3A_439 {strides = array<i32>} : memref<128x128xf32, #tpu.memory_space<vmem>>, vector<1x16xf32>,
          %get3A_440 = arith.index_cast %add3A_378 : i32 to index
          %get3A_441 = arith.constant 80 : index
          %get3A_442 = tpu.vector_load %arg15[%get3A_440, %get3A_441] {strides = array<i32>} : memref<128x128xf32, #tpu.memory_space<vmem>>, vector<1x16xf32>,
          %get3A_443 = vector.shape_cast %get3A_442 : vector<1x16xf32> to vector<16xf32>
          %mul3A_444 = arith.mulf %get3A_443, %broadcast_in_dim3A_389 : vector<16xf32>
          %swap3A_445 = arith.index_cast %add3A_378 : i32 to index
          %swap3A_446 = arith.constant 80 : index
          %swap3A_447 = tpu.vector_load %arg15[%swap3A_445, %swap3A_446] {strides = array<i32>} : memref<128x128xf32, #tpu.memory_space<vmem>>, vector<1x16xf32>,
          %swap3A_448 = vector.shape_cast %swap3A_447 : vector<1x16xf32> to vector<16xf32>
          %swap3A_449 = vector.shape_cast %mul3A_444 : vector<16xf32> to vector<1x16xf32>
          tpu.vector_store %arg15[%swap3A_445, %swap3A_446], %swap3A_449 {strides = array<i32>} : memref<128x128xf32, #tpu.memory_space<vmem>>, vector<1x16xf32>,
          %get3A_450 = arith.index_cast %add3A_378 : i32 to index
          %get3A_451 = arith.constant 96 : index
          %get3A_452 = tpu.vector_load %arg15[%get3A_450, %get3A_451] {strides = array<i32>} : memref<128x128xf32, #tpu.memory_space<vmem>>, vector<1x16xf32>,
          %get3A_453 = vector.shape_cast %get3A_452 : vector<1x16xf32> to vector<16xf32>
          %mul3A_454 = arith.mulf %get3A_453, %broadcast_in_dim3A_389 : vector<16xf32>
          %swap3A_455 = arith.index_cast %add3A_378 : i32 to index
          %swap3A_456 = arith.constant 96 : index
          %swap3A_457 = tpu.vector_load %arg15[%swap3A_455, %swap3A_456] {strides = array<i32>} : memref<128x128xf32, #tpu.memory_space<vmem>>, vector<1x16xf32>,
          %swap3A_458 = vector.shape_cast %swap3A_457 : vector<1x16xf32> to vector<16xf32>
          %swap3A_459 = vector.shape_cast %mul3A_454 : vector<16xf32> to vector<1x16xf32>
          tpu.vector_store %arg15[%swap3A_455, %swap3A_456], %swap3A_459 {strides = array<i32>} : memref<128x128xf32, #tpu.memory_space<vmem>>, vector<1x16xf32>,
          %get3A_460 = arith.index_cast %add3A_378 : i32 to index
          %get3A_461 = arith.constant 112 : index
          %get3A_462 = tpu.vector_load %arg15[%get3A_460, %get3A_461] {strides = array<i32>} : memref<128x128xf32, #tpu.memory_space<vmem>>, vector<1x16xf32>,
          %get3A_463 = vector.shape_cast %get3A_462 : vector<1x16xf32> to vector<16xf32>
          %mul3A_464 = arith.mulf %get3A_463, %broadcast_in_dim3A_389 : vector<16xf32>
          %swap3A_465 = arith.index_cast %add3A_378 : i32 to index
          %swap3A_466 = arith.constant 112 : index
          %swap3A_467 = tpu.vector_load %arg15[%swap3A_465, %swap3A_466] {strides = array<i32>} : memref<128x128xf32, #tpu.memory_space<vmem>>, vector<1x16xf32>,
          %swap3A_468 = vector.shape_cast %swap3A_467 : vector<1x16xf32> to vector<16xf32>
          %swap3A_469 = vector.shape_cast %mul3A_464 : vector<16xf32> to vector<1x16xf32>
          tpu.vector_store %arg15[%swap3A_465, %swap3A_466], %swap3A_469 {strides = array<i32>} : memref<128x128xf32, #tpu.memory_space<vmem>>, vector<1x16xf32>,
          %mul3A_470 = arith.constant 16 : i32
          %mul3A_471 = arith.muli %scan3A_153, %mul3A_470 : i32
          %add3A_472 = arith.constant 3 : i32
          %add3A_473 = arith.addi %mul3A_471, %add3A_472 : i32
          %slice3A_474 = vector.extract_strided_slice %select_n3A_177 {offsets = [3], sizes = [1], strides = [1]} : vector<16xf32> to vector<1xf32>
          %squeeze3A_475 = vector.extract %slice3A_474[0] : f32 from vector<1xf32>
          %broadcast_in_dim3A_476 = vector.broadcast %squeeze3A_475 : f32 to vector<16xf32>
          %swap3A_477 = arith.index_cast %add3A_473 : i32 to index
          %swap3A_478 = arith.constant 0 : index
          %swap3A_479 = tpu.vector_load %arg9[%swap3A_477, %swap3A_478] {strides = array<i32>} : memref<128x16xf32, #tpu.memory_space<vmem>>, vector<1x16xf32>,
          %swap3A_480 = vector.shape_cast %swap3A_479 : vector<1x16xf32> to vector<16xf32>
          %swap3A_481 = vector.shape_cast %broadcast_in_dim3A_476 : vector<16xf32> to vector<1x16xf32>
          tpu.vector_store %arg9[%swap3A_477, %swap3A_478], %swap3A_481 {strides = array<i32>} : memref<128x16xf32, #tpu.memory_space<vmem>>, vector<1x16xf32>,
          %slice3A_482 = vector.extract_strided_slice %select_n3A {offsets = [3], sizes = [1], strides = [1]} : vector<16xf32> to vector<1xf32>
          %squeeze3A_483 = vector.extract %slice3A_482[0] : f32 from vector<1xf32>
          %broadcast_in_dim3A_484 = vector.broadcast %squeeze3A_483 : f32 to vector<16xf32>
          %get3A_485 = arith.index_cast %add3A_473 : i32 to index
          %get3A_486 = arith.constant 0 : index
          %get3A_487 = tpu.vector_load %arg15[%get3A_485, %get3A_486] {strides = array<i32>} : memref<128x128xf32, #tpu.memory_space<vmem>>, vector<1x16xf32>,
          %get3A_488 = vector.shape_cast %get3A_487 : vector<1x16xf32> to vector<16xf32>
          %mul3A_489 = arith.mulf %get3A_488, %broadcast_in_dim3A_484 : vector<16xf32>
          %swap3A_490 = arith.index_cast %add3A_473 : i32 to index
          %swap3A_491 = arith.constant 0 : index
          %swap3A_492 = tpu.vector_load %arg15[%swap3A_490, %swap3A_491] {strides = array<i32>} : memref<128x128xf32, #tpu.memory_space<vmem>>, vector<1x16xf32>,
          %swap3A_493 = vector.shape_cast %swap3A_492 : vector<1x16xf32> to vector<16xf32>
          %swap3A_494 = vector.shape_cast %mul3A_489 : vector<16xf32> to vector<1x16xf32>
          tpu.vector_store %arg15[%swap3A_490, %swap3A_491], %swap3A_494 {strides = array<i32>} : memref<128x128xf32, #tpu.memory_space<vmem>>, vector<1x16xf32>,
          %get3A_495 = arith.index_cast %add3A_473 : i32 to index
          %get3A_496 = arith.constant 16 : index
          %get3A_497 = tpu.vector_load %arg15[%get3A_495, %get3A_496] {strides = array<i32>} : memref<128x128xf32, #tpu.memory_space<vmem>>, vector<1x16xf32>,
          %get3A_498 = vector.shape_cast %get3A_497 : vector<1x16xf32> to vector<16xf32>
          %mul3A_499 = arith.mulf %get3A_498, %broadcast_in_dim3A_484 : vector<16xf32>
          %swap3A_500 = arith.index_cast %add3A_473 : i32 to index
          %swap3A_501 = arith.constant 16 : index
          %swap3A_502 = tpu.vector_load %arg15[%swap3A_500, %swap3A_501] {strides = array<i32>} : memref<128x128xf32, #tpu.memory_space<vmem>>, vector<1x16xf32>,
          %swap3A_503 = vector.shape_cast %swap3A_502 : vector<1x16xf32> to vector<16xf32>
          %swap3A_504 = vector.shape_cast %mul3A_499 : vector<16xf32> to vector<1x16xf32>
          tpu.vector_store %arg15[%swap3A_500, %swap3A_501], %swap3A_504 {strides = array<i32>} : memref<128x128xf32, #tpu.memory_space<vmem>>, vector<1x16xf32>,
          %get3A_505 = arith.index_cast %add3A_473 : i32 to index
          %get3A_506 = arith.constant 32 : index
          %get3A_507 = tpu.vector_load %arg15[%get3A_505, %get3A_506] {strides = array<i32>} : memref<128x128xf32, #tpu.memory_space<vmem>>, vector<1x16xf32>,
          %get3A_508 = vector.shape_cast %get3A_507 : vector<1x16xf32> to vector<16xf32>
          %mul3A_509 = arith.mulf %get3A_508, %broadcast_in_dim3A_484 : vector<16xf32>
          %swap3A_510 = arith.index_cast %add3A_473 : i32 to index
          %swap3A_511 = arith.constant 32 : index
          %swap3A_512 = tpu.vector_load %arg15[%swap3A_510, %swap3A_511] {strides = array<i32>} : memref<128x128xf32, #tpu.memory_space<vmem>>, vector<1x16xf32>,
          %swap3A_513 = vector.shape_cast %swap3A_512 : vector<1x16xf32> to vector<16xf32>
          %swap3A_514 = vector.shape_cast %mul3A_509 : vector<16xf32> to vector<1x16xf32>
          tpu.vector_store %arg15[%swap3A_510, %swap3A_511], %swap3A_514 {strides = array<i32>} : memref<128x128xf32, #tpu.memory_space<vmem>>, vector<1x16xf32>,
          %get3A_515 = arith.index_cast %add3A_473 : i32 to index
          %get3A_516 = arith.constant 48 : index
          %get3A_517 = tpu.vector_load %arg15[%get3A_515, %get3A_516] {strides = array<i32>} : memref<128x128xf32, #tpu.memory_space<vmem>>, vector<1x16xf32>,
          %get3A_518 = vector.shape_cast %get3A_517 : vector<1x16xf32> to vector<16xf32>
          %mul3A_519 = arith.mulf %get3A_518, %broadcast_in_dim3A_484 : vector<16xf32>
          %swap3A_520 = arith.index_cast %add3A_473 : i32 to index
          %swap3A_521 = arith.constant 48 : index
          %swap3A_522 = tpu.vector_load %arg15[%swap3A_520, %swap3A_521] {strides = array<i32>} : memref<128x128xf32, #tpu.memory_space<vmem>>, vector<1x16xf32>,
          %swap3A_523 = vector.shape_cast %swap3A_522 : vector<1x16xf32> to vector<16xf32>
          %swap3A_524 = vector.shape_cast %mul3A_519 : vector<16xf32> to vector<1x16xf32>
          tpu.vector_store %arg15[%swap3A_520, %swap3A_521], %swap3A_524 {strides = array<i32>} : memref<128x128xf32, #tpu.memory_space<vmem>>, vector<1x16xf32>,
          %get3A_525 = arith.index_cast %add3A_473 : i32 to index
          %get3A_526 = arith.constant 64 : index
          %get3A_527 = tpu.vector_load %arg15[%get3A_525, %get3A_526] {strides = array<i32>} : memref<128x128xf32, #tpu.memory_space<vmem>>, vector<1x16xf32>,
          %get3A_528 = vector.shape_cast %get3A_527 : vector<1x16xf32> to vector<16xf32>
          %mul3A_529 = arith.mulf %get3A_528, %broadcast_in_dim3A_484 : vector<16xf32>
          %swap3A_530 = arith.index_cast %add3A_473 : i32 to index
          %swap3A_531 = arith.constant 64 : index
          %swap3A_532 = tpu.vector_load %arg15[%swap3A_530, %swap3A_531] {strides = array<i32>} : memref<128x128xf32, #tpu.memory_space<vmem>>, vector<1x16xf32>,
          %swap3A_533 = vector.shape_cast %swap3A_532 : vector<1x16xf32> to vector<16xf32>
          %swap3A_534 = vector.shape_cast %mul3A_529 : vector<16xf32> to vector<1x16xf32>
          tpu.vector_store %arg15[%swap3A_530, %swap3A_531], %swap3A_534 {strides = array<i32>} : memref<128x128xf32, #tpu.memory_space<vmem>>, vector<1x16xf32>,
          %get3A_535 = arith.index_cast %add3A_473 : i32 to index
          %get3A_536 = arith.constant 80 : index
          %get3A_537 = tpu.vector_load %arg15[%get3A_535, %get3A_536] {strides = array<i32>} : memref<128x128xf32, #tpu.memory_space<vmem>>, vector<1x16xf32>,
          %get3A_538 = vector.shape_cast %get3A_537 : vector<1x16xf32> to vector<16xf32>
          %mul3A_539 = arith.mulf %get3A_538, %broadcast_in_dim3A_484 : vector<16xf32>
          %swap3A_540 = arith.index_cast %add3A_473 : i32 to index
          %swap3A_541 = arith.constant 80 : index
          %swap3A_542 = tpu.vector_load %arg15[%swap3A_540, %swap3A_541] {strides = array<i32>} : memref<128x128xf32, #tpu.memory_space<vmem>>, vector<1x16xf32>,
          %swap3A_543 = vector.shape_cast %swap3A_542 : vector<1x16xf32> to vector<16xf32>
          %swap3A_544 = vector.shape_cast %mul3A_539 : vector<16xf32> to vector<1x16xf32>
          tpu.vector_store %arg15[%swap3A_540, %swap3A_541], %swap3A_544 {strides = array<i32>} : memref<128x128xf32, #tpu.memory_space<vmem>>, vector<1x16xf32>,
          %get3A_545 = arith.index_cast %add3A_473 : i32 to index
          %get3A_546 = arith.constant 96 : index
          %get3A_547 = tpu.vector_load %arg15[%get3A_545, %get3A_546] {strides = array<i32>} : memref<128x128xf32, #tpu.memory_space<vmem>>, vector<1x16xf32>,
          %get3A_548 = vector.shape_cast %get3A_547 : vector<1x16xf32> to vector<16xf32>
          %mul3A_549 = arith.mulf %get3A_548, %broadcast_in_dim3A_484 : vector<16xf32>
          %swap3A_550 = arith.index_cast %add3A_473 : i32 to index
          %swap3A_551 = arith.constant 96 : index
          %swap3A_552 = tpu.vector_load %arg15[%swap3A_550, %swap3A_551] {strides = array<i32>} : memref<128x128xf32, #tpu.memory_space<vmem>>, vector<1x16xf32>,
          %swap3A_553 = vector.shape_cast %swap3A_552 : vector<1x16xf32> to vector<16xf32>
          %swap3A_554 = vector.shape_cast %mul3A_549 : vector<16xf32> to vector<1x16xf32>
          tpu.vector_store %arg15[%swap3A_550, %swap3A_551], %swap3A_554 {strides = array<i32>} : memref<128x128xf32, #tpu.memory_space<vmem>>, vector<1x16xf32>,
          %get3A_555 = arith.index_cast %add3A_473 : i32 to index
          %get3A_556 = arith.constant 112 : index
          %get3A_557 = tpu.vector_load %arg15[%get3A_555, %get3A_556] {strides = array<i32>} : memref<128x128xf32, #tpu.memory_space<vmem>>, vector<1x16xf32>,
          %get3A_558 = vector.shape_cast %get3A_557 : vector<1x16xf32> to vector<16xf32>
          %mul3A_559 = arith.mulf %get3A_558, %broadcast_in_dim3A_484 : vector<16xf32>
          %swap3A_560 = arith.index_cast %add3A_473 : i32 to index
          %swap3A_561 = arith.constant 112 : index
          %swap3A_562 = tpu.vector_load %arg15[%swap3A_560, %swap3A_561] {strides = array<i32>} : memref<128x128xf32, #tpu.memory_space<vmem>>, vector<1x16xf32>,
          %swap3A_563 = vector.shape_cast %swap3A_562 : vector<1x16xf32> to vector<16xf32>
          %swap3A_564 = vector.shape_cast %mul3A_559 : vector<16xf32> to vector<1x16xf32>
          tpu.vector_store %arg15[%swap3A_560, %swap3A_561], %swap3A_564 {strides = array<i32>} : memref<128x128xf32, #tpu.memory_space<vmem>>, vector<1x16xf32>,
          %mul3A_565 = arith.constant 16 : i32
          %mul3A_566 = arith.muli %scan3A_153, %mul3A_565 : i32
          %add3A_567 = arith.constant 4 : i32
          %add3A_568 = arith.addi %mul3A_566, %add3A_567 : i32
          %slice3A_569 = vector.extract_strided_slice %select_n3A_177 {offsets = [4], sizes = [1], strides = [1]} : vector<16xf32> to vector<1xf32>
          %squeeze3A_570 = vector.extract %slice3A_569[0] : f32 from vector<1xf32>
          %broadcast_in_dim3A_571 = vector.broadcast %squeeze3A_570 : f32 to vector<16xf32>
          %swap3A_572 = arith.index_cast %add3A_568 : i32 to index
          %swap3A_573 = arith.constant 0 : index
          %swap3A_574 = tpu.vector_load %arg9[%swap3A_572, %swap3A_573] {strides = array<i32>} : memref<128x16xf32, #tpu.memory_space<vmem>>, vector<1x16xf32>,
          %swap3A_575 = vector.shape_cast %swap3A_574 : vector<1x16xf32> to vector<16xf32>
          %swap3A_576 = vector.shape_cast %broadcast_in_dim3A_571 : vector<16xf32> to vector<1x16xf32>
          tpu.vector_store %arg9[%swap3A_572, %swap3A_573], %swap3A_576 {strides = array<i32>} : memref<128x16xf32, #tpu.memory_space<vmem>>, vector<1x16xf32>,
          %slice3A_577 = vector.extract_strided_slice %select_n3A {offsets = [4], sizes = [1], strides = [1]} : vector<16xf32> to vector<1xf32>
          %squeeze3A_578 = vector.extract %slice3A_577[0] : f32 from vector<1xf32>
          %broadcast_in_dim3A_579 = vector.broadcast %squeeze3A_578 : f32 to vector<16xf32>
          %get3A_580 = arith.index_cast %add3A_568 : i32 to index
          %get3A_581 = arith.constant 0 : index
          %get3A_582 = tpu.vector_load %arg15[%get3A_580, %get3A_581] {strides = array<i32>} : memref<128x128xf32, #tpu.memory_space<vmem>>, vector<1x16xf32>,
          %get3A_583 = vector.shape_cast %get3A_582 : vector<1x16xf32> to vector<16xf32>
          %mul3A_584 = arith.mulf %get3A_583, %broadcast_in_dim3A_579 : vector<16xf32>
          %swap3A_585 = arith.index_cast %add3A_568 : i32 to index
          %swap3A_586 = arith.constant 0 : index
          %swap3A_587 = tpu.vector_load %arg15[%swap3A_585, %swap3A_586] {strides = array<i32>} : memref<128x128xf32, #tpu.memory_space<vmem>>, vector<1x16xf32>,
          %swap3A_588 = vector.shape_cast %swap3A_587 : vector<1x16xf32> to vector<16xf32>
          %swap3A_589 = vector.shape_cast %mul3A_584 : vector<16xf32> to vector<1x16xf32>
          tpu.vector_store %arg15[%swap3A_585, %swap3A_586], %swap3A_589 {strides = array<i32>} : memref<128x128xf32, #tpu.memory_space<vmem>>, vector<1x16xf32>,
          %get3A_590 = arith.index_cast %add3A_568 : i32 to index
          %get3A_591 = arith.constant 16 : index
          %get3A_592 = tpu.vector_load %arg15[%get3A_590, %get3A_591] {strides = array<i32>} : memref<128x128xf32, #tpu.memory_space<vmem>>, vector<1x16xf32>,
          %get3A_593 = vector.shape_cast %get3A_592 : vector<1x16xf32> to vector<16xf32>
          %mul3A_594 = arith.mulf %get3A_593, %broadcast_in_dim3A_579 : vector<16xf32>
          %swap3A_595 = arith.index_cast %add3A_568 : i32 to index
          %swap3A_596 = arith.constant 16 : index
          %swap3A_597 = tpu.vector_load %arg15[%swap3A_595, %swap3A_596] {strides = array<i32>} : memref<128x128xf32, #tpu.memory_space<vmem>>, vector<1x16xf32>,
          %swap3A_598 = vector.shape_cast %swap3A_597 : vector<1x16xf32> to vector<16xf32>
          %swap3A_599 = vector.shape_cast %mul3A_594 : vector<16xf32> to vector<1x16xf32>
          tpu.vector_store %arg15[%swap3A_595, %swap3A_596], %swap3A_599 {strides = array<i32>} : memref<128x128xf32, #tpu.memory_space<vmem>>, vector<1x16xf32>,
          %get3A_600 = arith.index_cast %add3A_568 : i32 to index
          %get3A_601 = arith.constant 32 : index
          %get3A_602 = tpu.vector_load %arg15[%get3A_600, %get3A_601] {strides = array<i32>} : memref<128x128xf32, #tpu.memory_space<vmem>>, vector<1x16xf32>,
          %get3A_603 = vector.shape_cast %get3A_602 : vector<1x16xf32> to vector<16xf32>
          %mul3A_604 = arith.mulf %get3A_603, %broadcast_in_dim3A_579 : vector<16xf32>
          %swap3A_605 = arith.index_cast %add3A_568 : i32 to index
          %swap3A_606 = arith.constant 32 : index
          %swap3A_607 = tpu.vector_load %arg15[%swap3A_605, %swap3A_606] {strides = array<i32>} : memref<128x128xf32, #tpu.memory_space<vmem>>, vector<1x16xf32>,
          %swap3A_608 = vector.shape_cast %swap3A_607 : vector<1x16xf32> to vector<16xf32>
          %swap3A_609 = vector.shape_cast %mul3A_604 : vector<16xf32> to vector<1x16xf32>
          tpu.vector_store %arg15[%swap3A_605, %swap3A_606], %swap3A_609 {strides = array<i32>} : memref<128x128xf32, #tpu.memory_space<vmem>>, vector<1x16xf32>,
          %get3A_610 = arith.index_cast %add3A_568 : i32 to index
          %get3A_611 = arith.constant 48 : index
          %get3A_612 = tpu.vector_load %arg15[%get3A_610, %get3A_611] {strides = array<i32>} : memref<128x128xf32, #tpu.memory_space<vmem>>, vector<1x16xf32>,
          %get3A_613 = vector.shape_cast %get3A_612 : vector<1x16xf32> to vector<16xf32>
          %mul3A_614 = arith.mulf %get3A_613, %broadcast_in_dim3A_579 : vector<16xf32>
          %swap3A_615 = arith.index_cast %add3A_568 : i32 to index
          %swap3A_616 = arith.constant 48 : index
          %swap3A_617 = tpu.vector_load %arg15[%swap3A_615, %swap3A_616] {strides = array<i32>} : memref<128x128xf32, #tpu.memory_space<vmem>>, vector<1x16xf32>,
          %swap3A_618 = vector.shape_cast %swap3A_617 : vector<1x16xf32> to vector<16xf32>
          %swap3A_619 = vector.shape_cast %mul3A_614 : vector<16xf32> to vector<1x16xf32>
          tpu.vector_store %arg15[%swap3A_615, %swap3A_616], %swap3A_619 {strides = array<i32>} : memref<128x128xf32, #tpu.memory_space<vmem>>, vector<1x16xf32>,
          %get3A_620 = arith.index_cast %add3A_568 : i32 to index
          %get3A_621 = arith.constant 64 : index
          %get3A_622 = tpu.vector_load %arg15[%get3A_620, %get3A_621] {strides = array<i32>} : memref<128x128xf32, #tpu.memory_space<vmem>>, vector<1x16xf32>,
          %get3A_623 = vector.shape_cast %get3A_622 : vector<1x16xf32> to vector<16xf32>
          %mul3A_624 = arith.mulf %get3A_623, %broadcast_in_dim3A_579 : vector<16xf32>
          %swap3A_625 = arith.index_cast %add3A_568 : i32 to index
          %swap3A_626 = arith.constant 64 : index
          %swap3A_627 = tpu.vector_load %arg15[%swap3A_625, %swap3A_626] {strides = array<i32>} : memref<128x128xf32, #tpu.memory_space<vmem>>, vector<1x16xf32>,
          %swap3A_628 = vector.shape_cast %swap3A_627 : vector<1x16xf32> to vector<16xf32>
          %swap3A_629 = vector.shape_cast %mul3A_624 : vector<16xf32> to vector<1x16xf32>
          tpu.vector_store %arg15[%swap3A_625, %swap3A_626], %swap3A_629 {strides = array<i32>} : memref<128x128xf32, #tpu.memory_space<vmem>>, vector<1x16xf32>,
          %get3A_630 = arith.index_cast %add3A_568 : i32 to index
          %get3A_631 = arith.constant 80 : index
          %get3A_632 = tpu.vector_load %arg15[%get3A_630, %get3A_631] {strides = array<i32>} : memref<128x128xf32, #tpu.memory_space<vmem>>, vector<1x16xf32>,
          %get3A_633 = vector.shape_cast %get3A_632 : vector<1x16xf32> to vector<16xf32>
          %mul3A_634 = arith.mulf %get3A_633, %broadcast_in_dim3A_579 : vector<16xf32>
          %swap3A_635 = arith.index_cast %add3A_568 : i32 to index
          %swap3A_636 = arith.constant 80 : index
          %swap3A_637 = tpu.vector_load %arg15[%swap3A_635, %swap3A_636] {strides = array<i32>} : memref<128x128xf32, #tpu.memory_space<vmem>>, vector<1x16xf32>,
          %swap3A_638 = vector.shape_cast %swap3A_637 : vector<1x16xf32> to vector<16xf32>
          %swap3A_639 = vector.shape_cast %mul3A_634 : vector<16xf32> to vector<1x16xf32>
          tpu.vector_store %arg15[%swap3A_635, %swap3A_636], %swap3A_639 {strides = array<i32>} : memref<128x128xf32, #tpu.memory_space<vmem>>, vector<1x16xf32>,
          %get3A_640 = arith.index_cast %add3A_568 : i32 to index
          %get3A_641 = arith.constant 96 : index
          %get3A_642 = tpu.vector_load %arg15[%get3A_640, %get3A_641] {strides = array<i32>} : memref<128x128xf32, #tpu.memory_space<vmem>>, vector<1x16xf32>,
          %get3A_643 = vector.shape_cast %get3A_642 : vector<1x16xf32> to vector<16xf32>
          %mul3A_644 = arith.mulf %get3A_643, %broadcast_in_dim3A_579 : vector<16xf32>
          %swap3A_645 = arith.index_cast %add3A_568 : i32 to index
          %swap3A_646 = arith.constant 96 : index
          %swap3A_647 = tpu.vector_load %arg15[%swap3A_645, %swap3A_646] {strides = array<i32>} : memref<128x128xf32, #tpu.memory_space<vmem>>, vector<1x16xf32>,
          %swap3A_648 = vector.shape_cast %swap3A_647 : vector<1x16xf32> to vector<16xf32>
          %swap3A_649 = vector.shape_cast %mul3A_644 : vector<16xf32> to vector<1x16xf32>
          tpu.vector_store %arg15[%swap3A_645, %swap3A_646], %swap3A_649 {strides = array<i32>} : memref<128x128xf32, #tpu.memory_space<vmem>>, vector<1x16xf32>,
          %get3A_650 = arith.index_cast %add3A_568 : i32 to index
          %get3A_651 = arith.constant 112 : index
          %get3A_652 = tpu.vector_load %arg15[%get3A_650, %get3A_651] {strides = array<i32>} : memref<128x128xf32, #tpu.memory_space<vmem>>, vector<1x16xf32>,
          %get3A_653 = vector.shape_cast %get3A_652 : vector<1x16xf32> to vector<16xf32>
          %mul3A_654 = arith.mulf %get3A_653, %broadcast_in_dim3A_579 : vector<16xf32>
          %swap3A_655 = arith.index_cast %add3A_568 : i32 to index
          %swap3A_656 = arith.constant 112 : index
          %swap3A_657 = tpu.vector_load %arg15[%swap3A_655, %swap3A_656] {strides = array<i32>} : memref<128x128xf32, #tpu.memory_space<vmem>>, vector<1x16xf32>,
          %swap3A_658 = vector.shape_cast %swap3A_657 : vector<1x16xf32> to vector<16xf32>
          %swap3A_659 = vector.shape_cast %mul3A_654 : vector<16xf32> to vector<1x16xf32>
          tpu.vector_store %arg15[%swap3A_655, %swap3A_656], %swap3A_659 {strides = array<i32>} : memref<128x128xf32, #tpu.memory_space<vmem>>, vector<1x16xf32>,
          %mul3A_660 = arith.constant 16 : i32
          %mul3A_661 = arith.muli %scan3A_153, %mul3A_660 : i32
          %add3A_662 = arith.constant 5 : i32
          %add3A_663 = arith.addi %mul3A_661, %add3A_662 : i32
          %slice3A_664 = vector.extract_strided_slice %select_n3A_177 {offsets = [5], sizes = [1], strides = [1]} : vector<16xf32> to vector<1xf32>
          %squeeze3A_665 = vector.extract %slice3A_664[0] : f32 from vector<1xf32>
          %broadcast_in_dim3A_666 = vector.broadcast %squeeze3A_665 : f32 to vector<16xf32>
          %swap3A_667 = arith.index_cast %add3A_663 : i32 to index
          %swap3A_668 = arith.constant 0 : index
          %swap3A_669 = tpu.vector_load %arg9[%swap3A_667, %swap3A_668] {strides = array<i32>} : memref<128x16xf32, #tpu.memory_space<vmem>>, vector<1x16xf32>,
          %swap3A_670 = vector.shape_cast %swap3A_669 : vector<1x16xf32> to vector<16xf32>
          %swap3A_671 = vector.shape_cast %broadcast_in_dim3A_666 : vector<16xf32> to vector<1x16xf32>
          tpu.vector_store %arg9[%swap3A_667, %swap3A_668], %swap3A_671 {strides = array<i32>} : memref<128x16xf32, #tpu.memory_space<vmem>>, vector<1x16xf32>,
          %slice3A_672 = vector.extract_strided_slice %select_n3A {offsets = [5], sizes = [1], strides = [1]} : vector<16xf32> to vector<1xf32>
          %squeeze3A_673 = vector.extract %slice3A_672[0] : f32 from vector<1xf32>
          %broadcast_in_dim3A_674 = vector.broadcast %squeeze3A_673 : f32 to vector<16xf32>
          %get3A_675 = arith.index_cast %add3A_663 : i32 to index
          %get3A_676 = arith.constant 0 : index
          %get3A_677 = tpu.vector_load %arg15[%get3A_675, %get3A_676] {strides = array<i32>} : memref<128x128xf32, #tpu.memory_space<vmem>>, vector<1x16xf32>,
          %get3A_678 = vector.shape_cast %get3A_677 : vector<1x16xf32> to vector<16xf32>
          %mul3A_679 = arith.mulf %get3A_678, %broadcast_in_dim3A_674 : vector<16xf32>
          %swap3A_680 = arith.index_cast %add3A_663 : i32 to index
          %swap3A_681 = arith.constant 0 : index
          %swap3A_682 = tpu.vector_load %arg15[%swap3A_680, %swap3A_681] {strides = array<i32>} : memref<128x128xf32, #tpu.memory_space<vmem>>, vector<1x16xf32>,
          %swap3A_683 = vector.shape_cast %swap3A_682 : vector<1x16xf32> to vector<16xf32>
          %swap3A_684 = vector.shape_cast %mul3A_679 : vector<16xf32> to vector<1x16xf32>
          tpu.vector_store %arg15[%swap3A_680, %swap3A_681], %swap3A_684 {strides = array<i32>} : memref<128x128xf32, #tpu.memory_space<vmem>>, vector<1x16xf32>,
          %get3A_685 = arith.index_cast %add3A_663 : i32 to index
          %get3A_686 = arith.constant 16 : index
          %get3A_687 = tpu.vector_load %arg15[%get3A_685, %get3A_686] {strides = array<i32>} : memref<128x128xf32, #tpu.memory_space<vmem>>, vector<1x16xf32>,
          %get3A_688 = vector.shape_cast %get3A_687 : vector<1x16xf32> to vector<16xf32>
          %mul3A_689 = arith.mulf %get3A_688, %broadcast_in_dim3A_674 : vector<16xf32>
          %swap3A_690 = arith.index_cast %add3A_663 : i32 to index
          %swap3A_691 = arith.constant 16 : index
          %swap3A_692 = tpu.vector_load %arg15[%swap3A_690, %swap3A_691] {strides = array<i32>} : memref<128x128xf32, #tpu.memory_space<vmem>>, vector<1x16xf32>,
          %swap3A_693 = vector.shape_cast %swap3A_692 : vector<1x16xf32> to vector<16xf32>
          %swap3A_694 = vector.shape_cast %mul3A_689 : vector<16xf32> to vector<1x16xf32>
          tpu.vector_store %arg15[%swap3A_690, %swap3A_691], %swap3A_694 {strides = array<i32>} : memref<128x128xf32, #tpu.memory_space<vmem>>, vector<1x16xf32>,
          %get3A_695 = arith.index_cast %add3A_663 : i32 to index
          %get3A_696 = arith.constant 32 : index
          %get3A_697 = tpu.vector_load %arg15[%get3A_695, %get3A_696] {strides = array<i32>} : memref<128x128xf32, #tpu.memory_space<vmem>>, vector<1x16xf32>,
          %get3A_698 = vector.shape_cast %get3A_697 : vector<1x16xf32> to vector<16xf32>
          %mul3A_699 = arith.mulf %get3A_698, %broadcast_in_dim3A_674 : vector<16xf32>
          %swap3A_700 = arith.index_cast %add3A_663 : i32 to index
          %swap3A_701 = arith.constant 32 : index
          %swap3A_702 = tpu.vector_load %arg15[%swap3A_700, %swap3A_701] {strides = array<i32>} : memref<128x128xf32, #tpu.memory_space<vmem>>, vector<1x16xf32>,
          %swap3A_703 = vector.shape_cast %swap3A_702 : vector<1x16xf32> to vector<16xf32>
          %swap3A_704 = vector.shape_cast %mul3A_699 : vector<16xf32> to vector<1x16xf32>
          tpu.vector_store %arg15[%swap3A_700, %swap3A_701], %swap3A_704 {strides = array<i32>} : memref<128x128xf32, #tpu.memory_space<vmem>>, vector<1x16xf32>,
          %get3A_705 = arith.index_cast %add3A_663 : i32 to index
          %get3A_706 = arith.constant 48 : index
          %get3A_707 = tpu.vector_load %arg15[%get3A_705, %get3A_706] {strides = array<i32>} : memref<128x128xf32, #tpu.memory_space<vmem>>, vector<1x16xf32>,
          %get3A_708 = vector.shape_cast %get3A_707 : vector<1x16xf32> to vector<16xf32>
          %mul3A_709 = arith.mulf %get3A_708, %broadcast_in_dim3A_674 : vector<16xf32>
          %swap3A_710 = arith.index_cast %add3A_663 : i32 to index
          %swap3A_711 = arith.constant 48 : index
          %swap3A_712 = tpu.vector_load %arg15[%swap3A_710, %swap3A_711] {strides = array<i32>} : memref<128x128xf32, #tpu.memory_space<vmem>>, vector<1x16xf32>,
          %swap3A_713 = vector.shape_cast %swap3A_712 : vector<1x16xf32> to vector<16xf32>
          %swap3A_714 = vector.shape_cast %mul3A_709 : vector<16xf32> to vector<1x16xf32>
          tpu.vector_store %arg15[%swap3A_710, %swap3A_711], %swap3A_714 {strides = array<i32>} : memref<128x128xf32, #tpu.memory_space<vmem>>, vector<1x16xf32>,
          %get3A_715 = arith.index_cast %add3A_663 : i32 to index
          %get3A_716 = arith.constant 64 : index
          %get3A_717 = tpu.vector_load %arg15[%get3A_715, %get3A_716] {strides = array<i32>} : memref<128x128xf32, #tpu.memory_space<vmem>>, vector<1x16xf32>,
          %get3A_718 = vector.shape_cast %get3A_717 : vector<1x16xf32> to vector<16xf32>
          %mul3A_719 = arith.mulf %get3A_718, %broadcast_in_dim3A_674 : vector<16xf32>
          %swap3A_720 = arith.index_cast %add3A_663 : i32 to index
          %swap3A_721 = arith.constant 64 : index
          %swap3A_722 = tpu.vector_load %arg15[%swap3A_720, %swap3A_721] {strides = array<i32>} : memref<128x128xf32, #tpu.memory_space<vmem>>, vector<1x16xf32>,
          %swap3A_723 = vector.shape_cast %swap3A_722 : vector<1x16xf32> to vector<16xf32>
          %swap3A_724 = vector.shape_cast %mul3A_719 : vector<16xf32> to vector<1x16xf32>
          tpu.vector_store %arg15[%swap3A_720, %swap3A_721], %swap3A_724 {strides = array<i32>} : memref<128x128xf32, #tpu.memory_space<vmem>>, vector<1x16xf32>,
          %get3A_725 = arith.index_cast %add3A_663 : i32 to index
          %get3A_726 = arith.constant 80 : index
          %get3A_727 = tpu.vector_load %arg15[%get3A_725, %get3A_726] {strides = array<i32>} : memref<128x128xf32, #tpu.memory_space<vmem>>, vector<1x16xf32>,
          %get3A_728 = vector.shape_cast %get3A_727 : vector<1x16xf32> to vector<16xf32>
          %mul3A_729 = arith.mulf %get3A_728, %broadcast_in_dim3A_674 : vector<16xf32>
          %swap3A_730 = arith.index_cast %add3A_663 : i32 to index
          %swap3A_731 = arith.constant 80 : index
          %swap3A_732 = tpu.vector_load %arg15[%swap3A_730, %swap3A_731] {strides = array<i32>} : memref<128x128xf32, #tpu.memory_space<vmem>>, vector<1x16xf32>,
          %swap3A_733 = vector.shape_cast %swap3A_732 : vector<1x16xf32> to vector<16xf32>
          %swap3A_734 = vector.shape_cast %mul3A_729 : vector<16xf32> to vector<1x16xf32>
          tpu.vector_store %arg15[%swap3A_730, %swap3A_731], %swap3A_734 {strides = array<i32>} : memref<128x128xf32, #tpu.memory_space<vmem>>, vector<1x16xf32>,
          %get3A_735 = arith.index_cast %add3A_663 : i32 to index
          %get3A_736 = arith.constant 96 : index
          %get3A_737 = tpu.vector_load %arg15[%get3A_735, %get3A_736] {strides = array<i32>} : memref<128x128xf32, #tpu.memory_space<vmem>>, vector<1x16xf32>,
          %get3A_738 = vector.shape_cast %get3A_737 : vector<1x16xf32> to vector<16xf32>
          %mul3A_739 = arith.mulf %get3A_738, %broadcast_in_dim3A_674 : vector<16xf32>
          %swap3A_740 = arith.index_cast %add3A_663 : i32 to index
          %swap3A_741 = arith.constant 96 : index
          %swap3A_742 = tpu.vector_load %arg15[%swap3A_740, %swap3A_741] {strides = array<i32>} : memref<128x128xf32, #tpu.memory_space<vmem>>, vector<1x16xf32>,
          %swap3A_743 = vector.shape_cast %swap3A_742 : vector<1x16xf32> to vector<16xf32>
          %swap3A_744 = vector.shape_cast %mul3A_739 : vector<16xf32> to vector<1x16xf32>
          tpu.vector_store %arg15[%swap3A_740, %swap3A_741], %swap3A_744 {strides = array<i32>} : memref<128x128xf32, #tpu.memory_space<vmem>>, vector<1x16xf32>,
          %get3A_745 = arith.index_cast %add3A_663 : i32 to index
          %get3A_746 = arith.constant 112 : index
          %get3A_747 = tpu.vector_load %arg15[%get3A_745, %get3A_746] {strides = array<i32>} : memref<128x128xf32, #tpu.memory_space<vmem>>, vector<1x16xf32>,
          %get3A_748 = vector.shape_cast %get3A_747 : vector<1x16xf32> to vector<16xf32>
          %mul3A_749 = arith.mulf %get3A_748, %broadcast_in_dim3A_674 : vector<16xf32>
          %swap3A_750 = arith.index_cast %add3A_663 : i32 to index
          %swap3A_751 = arith.constant 112 : index
          %swap3A_752 = tpu.vector_load %arg15[%swap3A_750, %swap3A_751] {strides = array<i32>} : memref<128x128xf32, #tpu.memory_space<vmem>>, vector<1x16xf32>,
          %swap3A_753 = vector.shape_cast %swap3A_752 : vector<1x16xf32> to vector<16xf32>
          %swap3A_754 = vector.shape_cast %mul3A_749 : vector<16xf32> to vector<1x16xf32>
          tpu.vector_store %arg15[%swap3A_750, %swap3A_751], %swap3A_754 {strides = array<i32>} : memref<128x128xf32, #tpu.memory_space<vmem>>, vector<1x16xf32>,
          %mul3A_755 = arith.constant 16 : i32
          %mul3A_756 = arith.muli %scan3A_153, %mul3A_755 : i32
          %add3A_757 = arith.constant 6 : i32
          %add3A_758 = arith.addi %mul3A_756, %add3A_757 : i32
          %slice3A_759 = vector.extract_strided_slice %select_n3A_177 {offsets = [6], sizes = [1], strides = [1]} : vector<16xf32> to vector<1xf32>
          %squeeze3A_760 = vector.extract %slice3A_759[0] : f32 from vector<1xf32>
          %broadcast_in_dim3A_761 = vector.broadcast %squeeze3A_760 : f32 to vector<16xf32>
          %swap3A_762 = arith.index_cast %add3A_758 : i32 to index
          %swap3A_763 = arith.constant 0 : index
          %swap3A_764 = tpu.vector_load %arg9[%swap3A_762, %swap3A_763] {strides = array<i32>} : memref<128x16xf32, #tpu.memory_space<vmem>>, vector<1x16xf32>,
          %swap3A_765 = vector.shape_cast %swap3A_764 : vector<1x16xf32> to vector<16xf32>
          %swap3A_766 = vector.shape_cast %broadcast_in_dim3A_761 : vector<16xf32> to vector<1x16xf32>
          tpu.vector_store %arg9[%swap3A_762, %swap3A_763], %swap3A_766 {strides = array<i32>} : memref<128x16xf32, #tpu.memory_space<vmem>>, vector<1x16xf32>,
          %slice3A_767 = vector.extract_strided_slice %select_n3A {offsets = [6], sizes = [1], strides = [1]} : vector<16xf32> to vector<1xf32>
          %squeeze3A_768 = vector.extract %slice3A_767[0] : f32 from vector<1xf32>
          %broadcast_in_dim3A_769 = vector.broadcast %squeeze3A_768 : f32 to vector<16xf32>
          %get3A_770 = arith.index_cast %add3A_758 : i32 to index
          %get3A_771 = arith.constant 0 : index
          %get3A_772 = tpu.vector_load %arg15[%get3A_770, %get3A_771] {strides = array<i32>} : memref<128x128xf32, #tpu.memory_space<vmem>>, vector<1x16xf32>,
          %get3A_773 = vector.shape_cast %get3A_772 : vector<1x16xf32> to vector<16xf32>
          %mul3A_774 = arith.mulf %get3A_773, %broadcast_in_dim3A_769 : vector<16xf32>
          %swap3A_775 = arith.index_cast %add3A_758 : i32 to index
          %swap3A_776 = arith.constant 0 : index
          %swap3A_777 = tpu.vector_load %arg15[%swap3A_775, %swap3A_776] {strides = array<i32>} : memref<128x128xf32, #tpu.memory_space<vmem>>, vector<1x16xf32>,
          %swap3A_778 = vector.shape_cast %swap3A_777 : vector<1x16xf32> to vector<16xf32>
          %swap3A_779 = vector.shape_cast %mul3A_774 : vector<16xf32> to vector<1x16xf32>
          tpu.vector_store %arg15[%swap3A_775, %swap3A_776], %swap3A_779 {strides = array<i32>} : memref<128x128xf32, #tpu.memory_space<vmem>>, vector<1x16xf32>,
          %get3A_780 = arith.index_cast %add3A_758 : i32 to index
          %get3A_781 = arith.constant 16 : index
          %get3A_782 = tpu.vector_load %arg15[%get3A_780, %get3A_781] {strides = array<i32>} : memref<128x128xf32, #tpu.memory_space<vmem>>, vector<1x16xf32>,
          %get3A_783 = vector.shape_cast %get3A_782 : vector<1x16xf32> to vector<16xf32>
          %mul3A_784 = arith.mulf %get3A_783, %broadcast_in_dim3A_769 : vector<16xf32>
          %swap3A_785 = arith.index_cast %add3A_758 : i32 to index
          %swap3A_786 = arith.constant 16 : index
          %swap3A_787 = tpu.vector_load %arg15[%swap3A_785, %swap3A_786] {strides = array<i32>} : memref<128x128xf32, #tpu.memory_space<vmem>>, vector<1x16xf32>,
          %swap3A_788 = vector.shape_cast %swap3A_787 : vector<1x16xf32> to vector<16xf32>
          %swap3A_789 = vector.shape_cast %mul3A_784 : vector<16xf32> to vector<1x16xf32>
          tpu.vector_store %arg15[%swap3A_785, %swap3A_786], %swap3A_789 {strides = array<i32>} : memref<128x128xf32, #tpu.memory_space<vmem>>, vector<1x16xf32>,
          %get3A_790 = arith.index_cast %add3A_758 : i32 to index
          %get3A_791 = arith.constant 32 : index
          %get3A_792 = tpu.vector_load %arg15[%get3A_790, %get3A_791] {strides = array<i32>} : memref<128x128xf32, #tpu.memory_space<vmem>>, vector<1x16xf32>,
          %get3A_793 = vector.shape_cast %get3A_792 : vector<1x16xf32> to vector<16xf32>
          %mul3A_794 = arith.mulf %get3A_793, %broadcast_in_dim3A_769 : vector<16xf32>
          %swap3A_795 = arith.index_cast %add3A_758 : i32 to index
          %swap3A_796 = arith.constant 32 : index
          %swap3A_797 = tpu.vector_load %arg15[%swap3A_795, %swap3A_796] {strides = array<i32>} : memref<128x128xf32, #tpu.memory_space<vmem>>, vector<1x16xf32>,
          %swap3A_798 = vector.shape_cast %swap3A_797 : vector<1x16xf32> to vector<16xf32>
          %swap3A_799 = vector.shape_cast %mul3A_794 : vector<16xf32> to vector<1x16xf32>
          tpu.vector_store %arg15[%swap3A_795, %swap3A_796], %swap3A_799 {strides = array<i32>} : memref<128x128xf32, #tpu.memory_space<vmem>>, vector<1x16xf32>,
          %get3A_800 = arith.index_cast %add3A_758 : i32 to index
          %get3A_801 = arith.constant 48 : index
          %get3A_802 = tpu.vector_load %arg15[%get3A_800, %get3A_801] {strides = array<i32>} : memref<128x128xf32, #tpu.memory_space<vmem>>, vector<1x16xf32>,
          %get3A_803 = vector.shape_cast %get3A_802 : vector<1x16xf32> to vector<16xf32>
          %mul3A_804 = arith.mulf %get3A_803, %broadcast_in_dim3A_769 : vector<16xf32>
          %swap3A_805 = arith.index_cast %add3A_758 : i32 to index
          %swap3A_806 = arith.constant 48 : index
          %swap3A_807 = tpu.vector_load %arg15[%swap3A_805, %swap3A_806] {strides = array<i32>} : memref<128x128xf32, #tpu.memory_space<vmem>>, vector<1x16xf32>,
          %swap3A_808 = vector.shape_cast %swap3A_807 : vector<1x16xf32> to vector<16xf32>
          %swap3A_809 = vector.shape_cast %mul3A_804 : vector<16xf32> to vector<1x16xf32>
          tpu.vector_store %arg15[%swap3A_805, %swap3A_806], %swap3A_809 {strides = array<i32>} : memref<128x128xf32, #tpu.memory_space<vmem>>, vector<1x16xf32>,
          %get3A_810 = arith.index_cast %add3A_758 : i32 to index
          %get3A_811 = arith.constant 64 : index
          %get3A_812 = tpu.vector_load %arg15[%get3A_810, %get3A_811] {strides = array<i32>} : memref<128x128xf32, #tpu.memory_space<vmem>>, vector<1x16xf32>,
          %get3A_813 = vector.shape_cast %get3A_812 : vector<1x16xf32> to vector<16xf32>
          %mul3A_814 = arith.mulf %get3A_813, %broadcast_in_dim3A_769 : vector<16xf32>
          %swap3A_815 = arith.index_cast %add3A_758 : i32 to index
          %swap3A_816 = arith.constant 64 : index
          %swap3A_817 = tpu.vector_load %arg15[%swap3A_815, %swap3A_816] {strides = array<i32>} : memref<128x128xf32, #tpu.memory_space<vmem>>, vector<1x16xf32>,
          %swap3A_818 = vector.shape_cast %swap3A_817 : vector<1x16xf32> to vector<16xf32>
          %swap3A_819 = vector.shape_cast %mul3A_814 : vector<16xf32> to vector<1x16xf32>
          tpu.vector_store %arg15[%swap3A_815, %swap3A_816], %swap3A_819 {strides = array<i32>} : memref<128x128xf32, #tpu.memory_space<vmem>>, vector<1x16xf32>,
          %get3A_820 = arith.index_cast %add3A_758 : i32 to index
          %get3A_821 = arith.constant 80 : index
          %get3A_822 = tpu.vector_load %arg15[%get3A_820, %get3A_821] {strides = array<i32>} : memref<128x128xf32, #tpu.memory_space<vmem>>, vector<1x16xf32>,
          %get3A_823 = vector.shape_cast %get3A_822 : vector<1x16xf32> to vector<16xf32>
          %mul3A_824 = arith.mulf %get3A_823, %broadcast_in_dim3A_769 : vector<16xf32>
          %swap3A_825 = arith.index_cast %add3A_758 : i32 to index
          %swap3A_826 = arith.constant 80 : index
          %swap3A_827 = tpu.vector_load %arg15[%swap3A_825, %swap3A_826] {strides = array<i32>} : memref<128x128xf32, #tpu.memory_space<vmem>>, vector<1x16xf32>,
          %swap3A_828 = vector.shape_cast %swap3A_827 : vector<1x16xf32> to vector<16xf32>
          %swap3A_829 = vector.shape_cast %mul3A_824 : vector<16xf32> to vector<1x16xf32>
          tpu.vector_store %arg15[%swap3A_825, %swap3A_826], %swap3A_829 {strides = array<i32>} : memref<128x128xf32, #tpu.memory_space<vmem>>, vector<1x16xf32>,
          %get3A_830 = arith.index_cast %add3A_758 : i32 to index
          %get3A_831 = arith.constant 96 : index
          %get3A_832 = tpu.vector_load %arg15[%get3A_830, %get3A_831] {strides = array<i32>} : memref<128x128xf32, #tpu.memory_space<vmem>>, vector<1x16xf32>,
          %get3A_833 = vector.shape_cast %get3A_832 : vector<1x16xf32> to vector<16xf32>
          %mul3A_834 = arith.mulf %get3A_833, %broadcast_in_dim3A_769 : vector<16xf32>
          %swap3A_835 = arith.index_cast %add3A_758 : i32 to index
          %swap3A_836 = arith.constant 96 : index
          %swap3A_837 = tpu.vector_load %arg15[%swap3A_835, %swap3A_836] {strides = array<i32>} : memref<128x128xf32, #tpu.memory_space<vmem>>, vector<1x16xf32>,
          %swap3A_838 = vector.shape_cast %swap3A_837 : vector<1x16xf32> to vector<16xf32>
          %swap3A_839 = vector.shape_cast %mul3A_834 : vector<16xf32> to vector<1x16xf32>
          tpu.vector_store %arg15[%swap3A_835, %swap3A_836], %swap3A_839 {strides = array<i32>} : memref<128x128xf32, #tpu.memory_space<vmem>>, vector<1x16xf32>,
          %get3A_840 = arith.index_cast %add3A_758 : i32 to index
          %get3A_841 = arith.constant 112 : index
          %get3A_842 = tpu.vector_load %arg15[%get3A_840, %get3A_841] {strides = array<i32>} : memref<128x128xf32, #tpu.memory_space<vmem>>, vector<1x16xf32>,
          %get3A_843 = vector.shape_cast %get3A_842 : vector<1x16xf32> to vector<16xf32>
          %mul3A_844 = arith.mulf %get3A_843, %broadcast_in_dim3A_769 : vector<16xf32>
          %swap3A_845 = arith.index_cast %add3A_758 : i32 to index
          %swap3A_846 = arith.constant 112 : index
          %swap3A_847 = tpu.vector_load %arg15[%swap3A_845, %swap3A_846] {strides = array<i32>} : memref<128x128xf32, #tpu.memory_space<vmem>>, vector<1x16xf32>,
          %swap3A_848 = vector.shape_cast %swap3A_847 : vector<1x16xf32> to vector<16xf32>
          %swap3A_849 = vector.shape_cast %mul3A_844 : vector<16xf32> to vector<1x16xf32>
          tpu.vector_store %arg15[%swap3A_845, %swap3A_846], %swap3A_849 {strides = array<i32>} : memref<128x128xf32, #tpu.memory_space<vmem>>, vector<1x16xf32>,
          %mul3A_850 = arith.constant 16 : i32
          %mul3A_851 = arith.muli %scan3A_153, %mul3A_850 : i32
          %add3A_852 = arith.constant 7 : i32
          %add3A_853 = arith.addi %mul3A_851, %add3A_852 : i32
          %slice3A_854 = vector.extract_strided_slice %select_n3A_177 {offsets = [7], sizes = [1], strides = [1]} : vector<16xf32> to vector<1xf32>
          %squeeze3A_855 = vector.extract %slice3A_854[0] : f32 from vector<1xf32>
          %broadcast_in_dim3A_856 = vector.broadcast %squeeze3A_855 : f32 to vector<16xf32>
          %swap3A_857 = arith.index_cast %add3A_853 : i32 to index
          %swap3A_858 = arith.constant 0 : index
          %swap3A_859 = tpu.vector_load %arg9[%swap3A_857, %swap3A_858] {strides = array<i32>} : memref<128x16xf32, #tpu.memory_space<vmem>>, vector<1x16xf32>,
          %swap3A_860 = vector.shape_cast %swap3A_859 : vector<1x16xf32> to vector<16xf32>
          %swap3A_861 = vector.shape_cast %broadcast_in_dim3A_856 : vector<16xf32> to vector<1x16xf32>
          tpu.vector_store %arg9[%swap3A_857, %swap3A_858], %swap3A_861 {strides = array<i32>} : memref<128x16xf32, #tpu.memory_space<vmem>>, vector<1x16xf32>,
          %slice3A_862 = vector.extract_strided_slice %select_n3A {offsets = [7], sizes = [1], strides = [1]} : vector<16xf32> to vector<1xf32>
          %squeeze3A_863 = vector.extract %slice3A_862[0] : f32 from vector<1xf32>
          %broadcast_in_dim3A_864 = vector.broadcast %squeeze3A_863 : f32 to vector<16xf32>
          %get3A_865 = arith.index_cast %add3A_853 : i32 to index
          %get3A_866 = arith.constant 0 : index
          %get3A_867 = tpu.vector_load %arg15[%get3A_865, %get3A_866] {strides = array<i32>} : memref<128x128xf32, #tpu.memory_space<vmem>>, vector<1x16xf32>,
          %get3A_868 = vector.shape_cast %get3A_867 : vector<1x16xf32> to vector<16xf32>
          %mul3A_869 = arith.mulf %get3A_868, %broadcast_in_dim3A_864 : vector<16xf32>
          %swap3A_870 = arith.index_cast %add3A_853 : i32 to index
          %swap3A_871 = arith.constant 0 : index
          %swap3A_872 = tpu.vector_load %arg15[%swap3A_870, %swap3A_871] {strides = array<i32>} : memref<128x128xf32, #tpu.memory_space<vmem>>, vector<1x16xf32>,
          %swap3A_873 = vector.shape_cast %swap3A_872 : vector<1x16xf32> to vector<16xf32>
          %swap3A_874 = vector.shape_cast %mul3A_869 : vector<16xf32> to vector<1x16xf32>
          tpu.vector_store %arg15[%swap3A_870, %swap3A_871], %swap3A_874 {strides = array<i32>} : memref<128x128xf32, #tpu.memory_space<vmem>>, vector<1x16xf32>,
          %get3A_875 = arith.index_cast %add3A_853 : i32 to index
          %get3A_876 = arith.constant 16 : index
          %get3A_877 = tpu.vector_load %arg15[%get3A_875, %get3A_876] {strides = array<i32>} : memref<128x128xf32, #tpu.memory_space<vmem>>, vector<1x16xf32>,
          %get3A_878 = vector.shape_cast %get3A_877 : vector<1x16xf32> to vector<16xf32>
          %mul3A_879 = arith.mulf %get3A_878, %broadcast_in_dim3A_864 : vector<16xf32>
          %swap3A_880 = arith.index_cast %add3A_853 : i32 to index
          %swap3A_881 = arith.constant 16 : index
          %swap3A_882 = tpu.vector_load %arg15[%swap3A_880, %swap3A_881] {strides = array<i32>} : memref<128x128xf32, #tpu.memory_space<vmem>>, vector<1x16xf32>,
          %swap3A_883 = vector.shape_cast %swap3A_882 : vector<1x16xf32> to vector<16xf32>
          %swap3A_884 = vector.shape_cast %mul3A_879 : vector<16xf32> to vector<1x16xf32>
          tpu.vector_store %arg15[%swap3A_880, %swap3A_881], %swap3A_884 {strides = array<i32>} : memref<128x128xf32, #tpu.memory_space<vmem>>, vector<1x16xf32>,
          %get3A_885 = arith.index_cast %add3A_853 : i32 to index
          %get3A_886 = arith.constant 32 : index
          %get3A_887 = tpu.vector_load %arg15[%get3A_885, %get3A_886] {strides = array<i32>} : memref<128x128xf32, #tpu.memory_space<vmem>>, vector<1x16xf32>,
          %get3A_888 = vector.shape_cast %get3A_887 : vector<1x16xf32> to vector<16xf32>
          %mul3A_889 = arith.mulf %get3A_888, %broadcast_in_dim3A_864 : vector<16xf32>
          %swap3A_890 = arith.index_cast %add3A_853 : i32 to index
          %swap3A_891 = arith.constant 32 : index
          %swap3A_892 = tpu.vector_load %arg15[%swap3A_890, %swap3A_891] {strides = array<i32>} : memref<128x128xf32, #tpu.memory_space<vmem>>, vector<1x16xf32>,
          %swap3A_893 = vector.shape_cast %swap3A_892 : vector<1x16xf32> to vector<16xf32>
          %swap3A_894 = vector.shape_cast %mul3A_889 : vector<16xf32> to vector<1x16xf32>
          tpu.vector_store %arg15[%swap3A_890, %swap3A_891], %swap3A_894 {strides = array<i32>} : memref<128x128xf32, #tpu.memory_space<vmem>>, vector<1x16xf32>,
          %get3A_895 = arith.index_cast %add3A_853 : i32 to index
          %get3A_896 = arith.constant 48 : index
          %get3A_897 = tpu.vector_load %arg15[%get3A_895, %get3A_896] {strides = array<i32>} : memref<128x128xf32, #tpu.memory_space<vmem>>, vector<1x16xf32>,
          %get3A_898 = vector.shape_cast %get3A_897 : vector<1x16xf32> to vector<16xf32>
          %mul3A_899 = arith.mulf %get3A_898, %broadcast_in_dim3A_864 : vector<16xf32>
          %swap3A_900 = arith.index_cast %add3A_853 : i32 to index
          %swap3A_901 = arith.constant 48 : index
          %swap3A_902 = tpu.vector_load %arg15[%swap3A_900, %swap3A_901] {strides = array<i32>} : memref<128x128xf32, #tpu.memory_space<vmem>>, vector<1x16xf32>,
          %swap3A_903 = vector.shape_cast %swap3A_902 : vector<1x16xf32> to vector<16xf32>
          %swap3A_904 = vector.shape_cast %mul3A_899 : vector<16xf32> to vector<1x16xf32>
          tpu.vector_store %arg15[%swap3A_900, %swap3A_901], %swap3A_904 {strides = array<i32>} : memref<128x128xf32, #tpu.memory_space<vmem>>, vector<1x16xf32>,
          %get3A_905 = arith.index_cast %add3A_853 : i32 to index
          %get3A_906 = arith.constant 64 : index
          %get3A_907 = tpu.vector_load %arg15[%get3A_905, %get3A_906] {strides = array<i32>} : memref<128x128xf32, #tpu.memory_space<vmem>>, vector<1x16xf32>,
          %get3A_908 = vector.shape_cast %get3A_907 : vector<1x16xf32> to vector<16xf32>
          %mul3A_909 = arith.mulf %get3A_908, %broadcast_in_dim3A_864 : vector<16xf32>
          %swap3A_910 = arith.index_cast %add3A_853 : i32 to index
          %swap3A_911 = arith.constant 64 : index
          %swap3A_912 = tpu.vector_load %arg15[%swap3A_910, %swap3A_911] {strides = array<i32>} : memref<128x128xf32, #tpu.memory_space<vmem>>, vector<1x16xf32>,
          %swap3A_913 = vector.shape_cast %swap3A_912 : vector<1x16xf32> to vector<16xf32>
          %swap3A_914 = vector.shape_cast %mul3A_909 : vector<16xf32> to vector<1x16xf32>
          tpu.vector_store %arg15[%swap3A_910, %swap3A_911], %swap3A_914 {strides = array<i32>} : memref<128x128xf32, #tpu.memory_space<vmem>>, vector<1x16xf32>,
          %get3A_915 = arith.index_cast %add3A_853 : i32 to index
          %get3A_916 = arith.constant 80 : index
          %get3A_917 = tpu.vector_load %arg15[%get3A_915, %get3A_916] {strides = array<i32>} : memref<128x128xf32, #tpu.memory_space<vmem>>, vector<1x16xf32>,
          %get3A_918 = vector.shape_cast %get3A_917 : vector<1x16xf32> to vector<16xf32>
          %mul3A_919 = arith.mulf %get3A_918, %broadcast_in_dim3A_864 : vector<16xf32>
          %swap3A_920 = arith.index_cast %add3A_853 : i32 to index
          %swap3A_921 = arith.constant 80 : index
          %swap3A_922 = tpu.vector_load %arg15[%swap3A_920, %swap3A_921] {strides = array<i32>} : memref<128x128xf32, #tpu.memory_space<vmem>>, vector<1x16xf32>,
          %swap3A_923 = vector.shape_cast %swap3A_922 : vector<1x16xf32> to vector<16xf32>
          %swap3A_924 = vector.shape_cast %mul3A_919 : vector<16xf32> to vector<1x16xf32>
          tpu.vector_store %arg15[%swap3A_920, %swap3A_921], %swap3A_924 {strides = array<i32>} : memref<128x128xf32, #tpu.memory_space<vmem>>, vector<1x16xf32>,
          %get3A_925 = arith.index_cast %add3A_853 : i32 to index
          %get3A_926 = arith.constant 96 : index
          %get3A_927 = tpu.vector_load %arg15[%get3A_925, %get3A_926] {strides = array<i32>} : memref<128x128xf32, #tpu.memory_space<vmem>>, vector<1x16xf32>,
          %get3A_928 = vector.shape_cast %get3A_927 : vector<1x16xf32> to vector<16xf32>
          %mul3A_929 = arith.mulf %get3A_928, %broadcast_in_dim3A_864 : vector<16xf32>
          %swap3A_930 = arith.index_cast %add3A_853 : i32 to index
          %swap3A_931 = arith.constant 96 : index
          %swap3A_932 = tpu.vector_load %arg15[%swap3A_930, %swap3A_931] {strides = array<i32>} : memref<128x128xf32, #tpu.memory_space<vmem>>, vector<1x16xf32>,
          %swap3A_933 = vector.shape_cast %swap3A_932 : vector<1x16xf32> to vector<16xf32>
          %swap3A_934 = vector.shape_cast %mul3A_929 : vector<16xf32> to vector<1x16xf32>
          tpu.vector_store %arg15[%swap3A_930, %swap3A_931], %swap3A_934 {strides = array<i32>} : memref<128x128xf32, #tpu.memory_space<vmem>>, vector<1x16xf32>,
          %get3A_935 = arith.index_cast %add3A_853 : i32 to index
          %get3A_936 = arith.constant 112 : index
          %get3A_937 = tpu.vector_load %arg15[%get3A_935, %get3A_936] {strides = array<i32>} : memref<128x128xf32, #tpu.memory_space<vmem>>, vector<1x16xf32>,
          %get3A_938 = vector.shape_cast %get3A_937 : vector<1x16xf32> to vector<16xf32>
          %mul3A_939 = arith.mulf %get3A_938, %broadcast_in_dim3A_864 : vector<16xf32>
          %swap3A_940 = arith.index_cast %add3A_853 : i32 to index
          %swap3A_941 = arith.constant 112 : index
          %swap3A_942 = tpu.vector_load %arg15[%swap3A_940, %swap3A_941] {strides = array<i32>} : memref<128x128xf32, #tpu.memory_space<vmem>>, vector<1x16xf32>,
          %swap3A_943 = vector.shape_cast %swap3A_942 : vector<1x16xf32> to vector<16xf32>
          %swap3A_944 = vector.shape_cast %mul3A_939 : vector<16xf32> to vector<1x16xf32>
          tpu.vector_store %arg15[%swap3A_940, %swap3A_941], %swap3A_944 {strides = array<i32>} : memref<128x128xf32, #tpu.memory_space<vmem>>, vector<1x16xf32>,
          %mul3A_945 = arith.constant 16 : i32
          %mul3A_946 = arith.muli %scan3A_153, %mul3A_945 : i32
          %add3A_947 = arith.constant 8 : i32
          %add3A_948 = arith.addi %mul3A_946, %add3A_947 : i32
          %slice3A_949 = vector.extract_strided_slice %select_n3A_177 {offsets = [8], sizes = [1], strides = [1]} : vector<16xf32> to vector<1xf32>
          %squeeze3A_950 = vector.extract %slice3A_949[0] : f32 from vector<1xf32>
          %broadcast_in_dim3A_951 = vector.broadcast %squeeze3A_950 : f32 to vector<16xf32>
          %swap3A_952 = arith.index_cast %add3A_948 : i32 to index
          %swap3A_953 = arith.constant 0 : index
          %swap3A_954 = tpu.vector_load %arg9[%swap3A_952, %swap3A_953] {strides = array<i32>} : memref<128x16xf32, #tpu.memory_space<vmem>>, vector<1x16xf32>,
          %swap3A_955 = vector.shape_cast %swap3A_954 : vector<1x16xf32> to vector<16xf32>
          %swap3A_956 = vector.shape_cast %broadcast_in_dim3A_951 : vector<16xf32> to vector<1x16xf32>
          tpu.vector_store %arg9[%swap3A_952, %swap3A_953], %swap3A_956 {strides = array<i32>} : memref<128x16xf32, #tpu.memory_space<vmem>>, vector<1x16xf32>,
          %slice3A_957 = vector.extract_strided_slice %select_n3A {offsets = [8], sizes = [1], strides = [1]} : vector<16xf32> to vector<1xf32>
          %squeeze3A_958 = vector.extract %slice3A_957[0] : f32 from vector<1xf32>
          %broadcast_in_dim3A_959 = vector.broadcast %squeeze3A_958 : f32 to vector<16xf32>
          %get3A_960 = arith.index_cast %add3A_948 : i32 to index
          %get3A_961 = arith.constant 0 : index
          %get3A_962 = tpu.vector_load %arg15[%get3A_960, %get3A_961] {strides = array<i32>} : memref<128x128xf32, #tpu.memory_space<vmem>>, vector<1x16xf32>,
          %get3A_963 = vector.shape_cast %get3A_962 : vector<1x16xf32> to vector<16xf32>
          %mul3A_964 = arith.mulf %get3A_963, %broadcast_in_dim3A_959 : vector<16xf32>
          %swap3A_965 = arith.index_cast %add3A_948 : i32 to index
          %swap3A_966 = arith.constant 0 : index
          %swap3A_967 = tpu.vector_load %arg15[%swap3A_965, %swap3A_966] {strides = array<i32>} : memref<128x128xf32, #tpu.memory_space<vmem>>, vector<1x16xf32>,
          %swap3A_968 = vector.shape_cast %swap3A_967 : vector<1x16xf32> to vector<16xf32>
          %swap3A_969 = vector.shape_cast %mul3A_964 : vector<16xf32> to vector<1x16xf32>
          tpu.vector_store %arg15[%swap3A_965, %swap3A_966], %swap3A_969 {strides = array<i32>} : memref<128x128xf32, #tpu.memory_space<vmem>>, vector<1x16xf32>,
          %get3A_970 = arith.index_cast %add3A_948 : i32 to index
          %get3A_971 = arith.constant 16 : index
          %get3A_972 = tpu.vector_load %arg15[%get3A_970, %get3A_971] {strides = array<i32>} : memref<128x128xf32, #tpu.memory_space<vmem>>, vector<1x16xf32>,
          %get3A_973 = vector.shape_cast %get3A_972 : vector<1x16xf32> to vector<16xf32>
          %mul3A_974 = arith.mulf %get3A_973, %broadcast_in_dim3A_959 : vector<16xf32>
          %swap3A_975 = arith.index_cast %add3A_948 : i32 to index
          %swap3A_976 = arith.constant 16 : index
          %swap3A_977 = tpu.vector_load %arg15[%swap3A_975, %swap3A_976] {strides = array<i32>} : memref<128x128xf32, #tpu.memory_space<vmem>>, vector<1x16xf32>,
          %swap3A_978 = vector.shape_cast %swap3A_977 : vector<1x16xf32> to vector<16xf32>
          %swap3A_979 = vector.shape_cast %mul3A_974 : vector<16xf32> to vector<1x16xf32>
          tpu.vector_store %arg15[%swap3A_975, %swap3A_976], %swap3A_979 {strides = array<i32>} : memref<128x128xf32, #tpu.memory_space<vmem>>, vector<1x16xf32>,
          %get3A_980 = arith.index_cast %add3A_948 : i32 to index
          %get3A_981 = arith.constant 32 : index
          %get3A_982 = tpu.vector_load %arg15[%get3A_980, %get3A_981] {strides = array<i32>} : memref<128x128xf32, #tpu.memory_space<vmem>>, vector<1x16xf32>,
          %get3A_983 = vector.shape_cast %get3A_982 : vector<1x16xf32> to vector<16xf32>
          %mul3A_984 = arith.mulf %get3A_983, %broadcast_in_dim3A_959 : vector<16xf32>
          %swap3A_985 = arith.index_cast %add3A_948 : i32 to index
          %swap3A_986 = arith.constant 32 : index
          %swap3A_987 = tpu.vector_load %arg15[%swap3A_985, %swap3A_986] {strides = array<i32>} : memref<128x128xf32, #tpu.memory_space<vmem>>, vector<1x16xf32>,
          %swap3A_988 = vector.shape_cast %swap3A_987 : vector<1x16xf32> to vector<16xf32>
          %swap3A_989 = vector.shape_cast %mul3A_984 : vector<16xf32> to vector<1x16xf32>
          tpu.vector_store %arg15[%swap3A_985, %swap3A_986], %swap3A_989 {strides = array<i32>} : memref<128x128xf32, #tpu.memory_space<vmem>>, vector<1x16xf32>,
          %get3A_990 = arith.index_cast %add3A_948 : i32 to index
          %get3A_991 = arith.constant 48 : index
          %get3A_992 = tpu.vector_load %arg15[%get3A_990, %get3A_991] {strides = array<i32>} : memref<128x128xf32, #tpu.memory_space<vmem>>, vector<1x16xf32>,
          %get3A_993 = vector.shape_cast %get3A_992 : vector<1x16xf32> to vector<16xf32>
          %mul3A_994 = arith.mulf %get3A_993, %broadcast_in_dim3A_959 : vector<16xf32>
          %swap3A_995 = arith.index_cast %add3A_948 : i32 to index
          %swap3A_996 = arith.constant 48 : index
          %swap3A_997 = tpu.vector_load %arg15[%swap3A_995, %swap3A_996] {strides = array<i32>} : memref<128x128xf32, #tpu.memory_space<vmem>>, vector<1x16xf32>,
          %swap3A_998 = vector.shape_cast %swap3A_997 : vector<1x16xf32> to vector<16xf32>
          %swap3A_999 = vector.shape_cast %mul3A_994 : vector<16xf32> to vector<1x16xf32>
          tpu.vector_store %arg15[%swap3A_995, %swap3A_996], %swap3A_999 {strides = array<i32>} : memref<128x128xf32, #tpu.memory_space<vmem>>, vector<1x16xf32>,
          %get3A_1000 = arith.index_cast %add3A_948 : i32 to index
          %get3A_1001 = arith.constant 64 : index
          %get3A_1002 = tpu.vector_load %arg15[%get3A_1000, %get3A_1001] {strides = array<i32>} : memref<128x128xf32, #tpu.memory_space<vmem>>, vector<1x16xf32>,
          %get3A_1003 = vector.shape_cast %get3A_1002 : vector<1x16xf32> to vector<16xf32>
          %mul3A_1004 = arith.mulf %get3A_1003, %broadcast_in_dim3A_959 : vector<16xf32>
          %swap3A_1005 = arith.index_cast %add3A_948 : i32 to index
          %swap3A_1006 = arith.constant 64 : index
          %swap3A_1007 = tpu.vector_load %arg15[%swap3A_1005, %swap3A_1006] {strides = array<i32>} : memref<128x128xf32, #tpu.memory_space<vmem>>, vector<1x16xf32>,
          %swap3A_1008 = vector.shape_cast %swap3A_1007 : vector<1x16xf32> to vector<16xf32>
          %swap3A_1009 = vector.shape_cast %mul3A_1004 : vector<16xf32> to vector<1x16xf32>
          tpu.vector_store %arg15[%swap3A_1005, %swap3A_1006], %swap3A_1009 {strides = array<i32>} : memref<128x128xf32, #tpu.memory_space<vmem>>, vector<1x16xf32>,
          %get3A_1010 = arith.index_cast %add3A_948 : i32 to index
          %get3A_1011 = arith.constant 80 : index
          %get3A_1012 = tpu.vector_load %arg15[%get3A_1010, %get3A_1011] {strides = array<i32>} : memref<128x128xf32, #tpu.memory_space<vmem>>, vector<1x16xf32>,
          %get3A_1013 = vector.shape_cast %get3A_1012 : vector<1x16xf32> to vector<16xf32>
          %mul3A_1014 = arith.mulf %get3A_1013, %broadcast_in_dim3A_959 : vector<16xf32>
          %swap3A_1015 = arith.index_cast %add3A_948 : i32 to index
          %swap3A_1016 = arith.constant 80 : index
          %swap3A_1017 = tpu.vector_load %arg15[%swap3A_1015, %swap3A_1016] {strides = array<i32>} : memref<128x128xf32, #tpu.memory_space<vmem>>, vector<1x16xf32>,
          %swap3A_1018 = vector.shape_cast %swap3A_1017 : vector<1x16xf32> to vector<16xf32>
          %swap3A_1019 = vector.shape_cast %mul3A_1014 : vector<16xf32> to vector<1x16xf32>
          tpu.vector_store %arg15[%swap3A_1015, %swap3A_1016], %swap3A_1019 {strides = array<i32>} : memref<128x128xf32, #tpu.memory_space<vmem>>, vector<1x16xf32>,
          %get3A_1020 = arith.index_cast %add3A_948 : i32 to index
          %get3A_1021 = arith.constant 96 : index
          %get3A_1022 = tpu.vector_load %arg15[%get3A_1020, %get3A_1021] {strides = array<i32>} : memref<128x128xf32, #tpu.memory_space<vmem>>, vector<1x16xf32>,
          %get3A_1023 = vector.shape_cast %get3A_1022 : vector<1x16xf32> to vector<16xf32>
          %mul3A_1024 = arith.mulf %get3A_1023, %broadcast_in_dim3A_959 : vector<16xf32>
          %swap3A_1025 = arith.index_cast %add3A_948 : i32 to index
          %swap3A_1026 = arith.constant 96 : index
          %swap3A_1027 = tpu.vector_load %arg15[%swap3A_1025, %swap3A_1026] {strides = array<i32>} : memref<128x128xf32, #tpu.memory_space<vmem>>, vector<1x16xf32>,
          %swap3A_1028 = vector.shape_cast %swap3A_1027 : vector<1x16xf32> to vector<16xf32>
          %swap3A_1029 = vector.shape_cast %mul3A_1024 : vector<16xf32> to vector<1x16xf32>
          tpu.vector_store %arg15[%swap3A_1025, %swap3A_1026], %swap3A_1029 {strides = array<i32>} : memref<128x128xf32, #tpu.memory_space<vmem>>, vector<1x16xf32>,
          %get3A_1030 = arith.index_cast %add3A_948 : i32 to index
          %get3A_1031 = arith.constant 112 : index
          %get3A_1032 = tpu.vector_load %arg15[%get3A_1030, %get3A_1031] {strides = array<i32>} : memref<128x128xf32, #tpu.memory_space<vmem>>, vector<1x16xf32>,
          %get3A_1033 = vector.shape_cast %get3A_1032 : vector<1x16xf32> to vector<16xf32>
          %mul3A_1034 = arith.mulf %get3A_1033, %broadcast_in_dim3A_959 : vector<16xf32>
          %swap3A_1035 = arith.index_cast %add3A_948 : i32 to index
          %swap3A_1036 = arith.constant 112 : index
          %swap3A_1037 = tpu.vector_load %arg15[%swap3A_1035, %swap3A_1036] {strides = array<i32>} : memref<128x128xf32, #tpu.memory_space<vmem>>, vector<1x16xf32>,
          %swap3A_1038 = vector.shape_cast %swap3A_1037 : vector<1x16xf32> to vector<16xf32>
          %swap3A_1039 = vector.shape_cast %mul3A_1034 : vector<16xf32> to vector<1x16xf32>
          tpu.vector_store %arg15[%swap3A_1035, %swap3A_1036], %swap3A_1039 {strides = array<i32>} : memref<128x128xf32, #tpu.memory_space<vmem>>, vector<1x16xf32>,
          %mul3A_1040 = arith.constant 16 : i32
          %mul3A_1041 = arith.muli %scan3A_153, %mul3A_1040 : i32
          %add3A_1042 = arith.constant 9 : i32
          %add3A_1043 = arith.addi %mul3A_1041, %add3A_1042 : i32
          %slice3A_1044 = vector.extract_strided_slice %select_n3A_177 {offsets = [9], sizes = [1], strides = [1]} : vector<16xf32> to vector<1xf32>
          %squeeze3A_1045 = vector.extract %slice3A_1044[0] : f32 from vector<1xf32>
          %broadcast_in_dim3A_1046 = vector.broadcast %squeeze3A_1045 : f32 to vector<16xf32>
          %swap3A_1047 = arith.index_cast %add3A_1043 : i32 to index
          %swap3A_1048 = arith.constant 0 : index
          %swap3A_1049 = tpu.vector_load %arg9[%swap3A_1047, %swap3A_1048] {strides = array<i32>} : memref<128x16xf32, #tpu.memory_space<vmem>>, vector<1x16xf32>,
          %swap3A_1050 = vector.shape_cast %swap3A_1049 : vector<1x16xf32> to vector<16xf32>
          %swap3A_1051 = vector.shape_cast %broadcast_in_dim3A_1046 : vector<16xf32> to vector<1x16xf32>
          tpu.vector_store %arg9[%swap3A_1047, %swap3A_1048], %swap3A_1051 {strides = array<i32>} : memref<128x16xf32, #tpu.memory_space<vmem>>, vector<1x16xf32>,
          %slice3A_1052 = vector.extract_strided_slice %select_n3A {offsets = [9], sizes = [1], strides = [1]} : vector<16xf32> to vector<1xf32>
          %squeeze3A_1053 = vector.extract %slice3A_1052[0] : f32 from vector<1xf32>
          %broadcast_in_dim3A_1054 = vector.broadcast %squeeze3A_1053 : f32 to vector<16xf32>
          %get3A_1055 = arith.index_cast %add3A_1043 : i32 to index
          %get3A_1056 = arith.constant 0 : index
          %get3A_1057 = tpu.vector_load %arg15[%get3A_1055, %get3A_1056] {strides = array<i32>} : memref<128x128xf32, #tpu.memory_space<vmem>>, vector<1x16xf32>,
          %get3A_1058 = vector.shape_cast %get3A_1057 : vector<1x16xf32> to vector<16xf32>
          %mul3A_1059 = arith.mulf %get3A_1058, %broadcast_in_dim3A_1054 : vector<16xf32>
          %swap3A_1060 = arith.index_cast %add3A_1043 : i32 to index
          %swap3A_1061 = arith.constant 0 : index
          %swap3A_1062 = tpu.vector_load %arg15[%swap3A_1060, %swap3A_1061] {strides = array<i32>} : memref<128x128xf32, #tpu.memory_space<vmem>>, vector<1x16xf32>,
          %swap3A_1063 = vector.shape_cast %swap3A_1062 : vector<1x16xf32> to vector<16xf32>
          %swap3A_1064 = vector.shape_cast %mul3A_1059 : vector<16xf32> to vector<1x16xf32>
          tpu.vector_store %arg15[%swap3A_1060, %swap3A_1061], %swap3A_1064 {strides = array<i32>} : memref<128x128xf32, #tpu.memory_space<vmem>>, vector<1x16xf32>,
          %get3A_1065 = arith.index_cast %add3A_1043 : i32 to index
          %get3A_1066 = arith.constant 16 : index
          %get3A_1067 = tpu.vector_load %arg15[%get3A_1065, %get3A_1066] {strides = array<i32>} : memref<128x128xf32, #tpu.memory_space<vmem>>, vector<1x16xf32>,
          %get3A_1068 = vector.shape_cast %get3A_1067 : vector<1x16xf32> to vector<16xf32>
          %mul3A_1069 = arith.mulf %get3A_1068, %broadcast_in_dim3A_1054 : vector<16xf32>
          %swap3A_1070 = arith.index_cast %add3A_1043 : i32 to index
          %swap3A_1071 = arith.constant 16 : index
          %swap3A_1072 = tpu.vector_load %arg15[%swap3A_1070, %swap3A_1071] {strides = array<i32>} : memref<128x128xf32, #tpu.memory_space<vmem>>, vector<1x16xf32>,
          %swap3A_1073 = vector.shape_cast %swap3A_1072 : vector<1x16xf32> to vector<16xf32>
          %swap3A_1074 = vector.shape_cast %mul3A_1069 : vector<16xf32> to vector<1x16xf32>
          tpu.vector_store %arg15[%swap3A_1070, %swap3A_1071], %swap3A_1074 {strides = array<i32>} : memref<128x128xf32, #tpu.memory_space<vmem>>, vector<1x16xf32>,
          %get3A_1075 = arith.index_cast %add3A_1043 : i32 to index
          %get3A_1076 = arith.constant 32 : index
          %get3A_1077 = tpu.vector_load %arg15[%get3A_1075, %get3A_1076] {strides = array<i32>} : memref<128x128xf32, #tpu.memory_space<vmem>>, vector<1x16xf32>,
          %get3A_1078 = vector.shape_cast %get3A_1077 : vector<1x16xf32> to vector<16xf32>
          %mul3A_1079 = arith.mulf %get3A_1078, %broadcast_in_dim3A_1054 : vector<16xf32>
          %swap3A_1080 = arith.index_cast %add3A_1043 : i32 to index
          %swap3A_1081 = arith.constant 32 : index
          %swap3A_1082 = tpu.vector_load %arg15[%swap3A_1080, %swap3A_1081] {strides = array<i32>} : memref<128x128xf32, #tpu.memory_space<vmem>>, vector<1x16xf32>,
          %swap3A_1083 = vector.shape_cast %swap3A_1082 : vector<1x16xf32> to vector<16xf32>
          %swap3A_1084 = vector.shape_cast %mul3A_1079 : vector<16xf32> to vector<1x16xf32>
          tpu.vector_store %arg15[%swap3A_1080, %swap3A_1081], %swap3A_1084 {strides = array<i32>} : memref<128x128xf32, #tpu.memory_space<vmem>>, vector<1x16xf32>,
          %get3A_1085 = arith.index_cast %add3A_1043 : i32 to index
          %get3A_1086 = arith.constant 48 : index
          %get3A_1087 = tpu.vector_load %arg15[%get3A_1085, %get3A_1086] {strides = array<i32>} : memref<128x128xf32, #tpu.memory_space<vmem>>, vector<1x16xf32>,
          %get3A_1088 = vector.shape_cast %get3A_1087 : vector<1x16xf32> to vector<16xf32>
          %mul3A_1089 = arith.mulf %get3A_1088, %broadcast_in_dim3A_1054 : vector<16xf32>
          %swap3A_1090 = arith.index_cast %add3A_1043 : i32 to index
          %swap3A_1091 = arith.constant 48 : index
          %swap3A_1092 = tpu.vector_load %arg15[%swap3A_1090, %swap3A_1091] {strides = array<i32>} : memref<128x128xf32, #tpu.memory_space<vmem>>, vector<1x16xf32>,
          %swap3A_1093 = vector.shape_cast %swap3A_1092 : vector<1x16xf32> to vector<16xf32>
          %swap3A_1094 = vector.shape_cast %mul3A_1089 : vector<16xf32> to vector<1x16xf32>
          tpu.vector_store %arg15[%swap3A_1090, %swap3A_1091], %swap3A_1094 {strides = array<i32>} : memref<128x128xf32, #tpu.memory_space<vmem>>, vector<1x16xf32>,
          %get3A_1095 = arith.index_cast %add3A_1043 : i32 to index
          %get3A_1096 = arith.constant 64 : index
          %get3A_1097 = tpu.vector_load %arg15[%get3A_1095, %get3A_1096] {strides = array<i32>} : memref<128x128xf32, #tpu.memory_space<vmem>>, vector<1x16xf32>,
          %get3A_1098 = vector.shape_cast %get3A_1097 : vector<1x16xf32> to vector<16xf32>
          %mul3A_1099 = arith.mulf %get3A_1098, %broadcast_in_dim3A_1054 : vector<16xf32>
          %swap3A_1100 = arith.index_cast %add3A_1043 : i32 to index
          %swap3A_1101 = arith.constant 64 : index
          %swap3A_1102 = tpu.vector_load %arg15[%swap3A_1100, %swap3A_1101] {strides = array<i32>} : memref<128x128xf32, #tpu.memory_space<vmem>>, vector<1x16xf32>,
          %swap3A_1103 = vector.shape_cast %swap3A_1102 : vector<1x16xf32> to vector<16xf32>
          %swap3A_1104 = vector.shape_cast %mul3A_1099 : vector<16xf32> to vector<1x16xf32>
          tpu.vector_store %arg15[%swap3A_1100, %swap3A_1101], %swap3A_1104 {strides = array<i32>} : memref<128x128xf32, #tpu.memory_space<vmem>>, vector<1x16xf32>,
          %get3A_1105 = arith.index_cast %add3A_1043 : i32 to index
          %get3A_1106 = arith.constant 80 : index
          %get3A_1107 = tpu.vector_load %arg15[%get3A_1105, %get3A_1106] {strides = array<i32>} : memref<128x128xf32, #tpu.memory_space<vmem>>, vector<1x16xf32>,
          %get3A_1108 = vector.shape_cast %get3A_1107 : vector<1x16xf32> to vector<16xf32>
          %mul3A_1109 = arith.mulf %get3A_1108, %broadcast_in_dim3A_1054 : vector<16xf32>
          %swap3A_1110 = arith.index_cast %add3A_1043 : i32 to index
          %swap3A_1111 = arith.constant 80 : index
          %swap3A_1112 = tpu.vector_load %arg15[%swap3A_1110, %swap3A_1111] {strides = array<i32>} : memref<128x128xf32, #tpu.memory_space<vmem>>, vector<1x16xf32>,
          %swap3A_1113 = vector.shape_cast %swap3A_1112 : vector<1x16xf32> to vector<16xf32>
          %swap3A_1114 = vector.shape_cast %mul3A_1109 : vector<16xf32> to vector<1x16xf32>
          tpu.vector_store %arg15[%swap3A_1110, %swap3A_1111], %swap3A_1114 {strides = array<i32>} : memref<128x128xf32, #tpu.memory_space<vmem>>, vector<1x16xf32>,
          %get3A_1115 = arith.index_cast %add3A_1043 : i32 to index
          %get3A_1116 = arith.constant 96 : index
          %get3A_1117 = tpu.vector_load %arg15[%get3A_1115, %get3A_1116] {strides = array<i32>} : memref<128x128xf32, #tpu.memory_space<vmem>>, vector<1x16xf32>,
          %get3A_1118 = vector.shape_cast %get3A_1117 : vector<1x16xf32> to vector<16xf32>
          %mul3A_1119 = arith.mulf %get3A_1118, %broadcast_in_dim3A_1054 : vector<16xf32>
          %swap3A_1120 = arith.index_cast %add3A_1043 : i32 to index
          %swap3A_1121 = arith.constant 96 : index
          %swap3A_1122 = tpu.vector_load %arg15[%swap3A_1120, %swap3A_1121] {strides = array<i32>} : memref<128x128xf32, #tpu.memory_space<vmem>>, vector<1x16xf32>,
          %swap3A_1123 = vector.shape_cast %swap3A_1122 : vector<1x16xf32> to vector<16xf32>
          %swap3A_1124 = vector.shape_cast %mul3A_1119 : vector<16xf32> to vector<1x16xf32>
          tpu.vector_store %arg15[%swap3A_1120, %swap3A_1121], %swap3A_1124 {strides = array<i32>} : memref<128x128xf32, #tpu.memory_space<vmem>>, vector<1x16xf32>,
          %get3A_1125 = arith.index_cast %add3A_1043 : i32 to index
          %get3A_1126 = arith.constant 112 : index
          %get3A_1127 = tpu.vector_load %arg15[%get3A_1125, %get3A_1126] {strides = array<i32>} : memref<128x128xf32, #tpu.memory_space<vmem>>, vector<1x16xf32>,
          %get3A_1128 = vector.shape_cast %get3A_1127 : vector<1x16xf32> to vector<16xf32>
          %mul3A_1129 = arith.mulf %get3A_1128, %broadcast_in_dim3A_1054 : vector<16xf32>
          %swap3A_1130 = arith.index_cast %add3A_1043 : i32 to index
          %swap3A_1131 = arith.constant 112 : index
          %swap3A_1132 = tpu.vector_load %arg15[%swap3A_1130, %swap3A_1131] {strides = array<i32>} : memref<128x128xf32, #tpu.memory_space<vmem>>, vector<1x16xf32>,
          %swap3A_1133 = vector.shape_cast %swap3A_1132 : vector<1x16xf32> to vector<16xf32>
          %swap3A_1134 = vector.shape_cast %mul3A_1129 : vector<16xf32> to vector<1x16xf32>
          tpu.vector_store %arg15[%swap3A_1130, %swap3A_1131], %swap3A_1134 {strides = array<i32>} : memref<128x128xf32, #tpu.memory_space<vmem>>, vector<1x16xf32>,
          %mul3A_1135 = arith.constant 16 : i32
          %mul3A_1136 = arith.muli %scan3A_153, %mul3A_1135 : i32
          %add3A_1137 = arith.constant 10 : i32
          %add3A_1138 = arith.addi %mul3A_1136, %add3A_1137 : i32
          %slice3A_1139 = vector.extract_strided_slice %select_n3A_177 {offsets = [10], sizes = [1], strides = [1]} : vector<16xf32> to vector<1xf32>
          %squeeze3A_1140 = vector.extract %slice3A_1139[0] : f32 from vector<1xf32>
          %broadcast_in_dim3A_1141 = vector.broadcast %squeeze3A_1140 : f32 to vector<16xf32>
          %swap3A_1142 = arith.index_cast %add3A_1138 : i32 to index
          %swap3A_1143 = arith.constant 0 : index
          %swap3A_1144 = tpu.vector_load %arg9[%swap3A_1142, %swap3A_1143] {strides = array<i32>} : memref<128x16xf32, #tpu.memory_space<vmem>>, vector<1x16xf32>,
          %swap3A_1145 = vector.shape_cast %swap3A_1144 : vector<1x16xf32> to vector<16xf32>
          %swap3A_1146 = vector.shape_cast %broadcast_in_dim3A_1141 : vector<16xf32> to vector<1x16xf32>
          tpu.vector_store %arg9[%swap3A_1142, %swap3A_1143], %swap3A_1146 {strides = array<i32>} : memref<128x16xf32, #tpu.memory_space<vmem>>, vector<1x16xf32>,
          %slice3A_1147 = vector.extract_strided_slice %select_n3A {offsets = [10], sizes = [1], strides = [1]} : vector<16xf32> to vector<1xf32>
          %squeeze3A_1148 = vector.extract %slice3A_1147[0] : f32 from vector<1xf32>
          %broadcast_in_dim3A_1149 = vector.broadcast %squeeze3A_1148 : f32 to vector<16xf32>
          %get3A_1150 = arith.index_cast %add3A_1138 : i32 to index
          %get3A_1151 = arith.constant 0 : index
          %get3A_1152 = tpu.vector_load %arg15[%get3A_1150, %get3A_1151] {strides = array<i32>} : memref<128x128xf32, #tpu.memory_space<vmem>>, vector<1x16xf32>,
          %get3A_1153 = vector.shape_cast %get3A_1152 : vector<1x16xf32> to vector<16xf32>
          %mul3A_1154 = arith.mulf %get3A_1153, %broadcast_in_dim3A_1149 : vector<16xf32>
          %swap3A_1155 = arith.index_cast %add3A_1138 : i32 to index
          %swap3A_1156 = arith.constant 0 : index
          %swap3A_1157 = tpu.vector_load %arg15[%swap3A_1155, %swap3A_1156] {strides = array<i32>} : memref<128x128xf32, #tpu.memory_space<vmem>>, vector<1x16xf32>,
          %swap3A_1158 = vector.shape_cast %swap3A_1157 : vector<1x16xf32> to vector<16xf32>
          %swap3A_1159 = vector.shape_cast %mul3A_1154 : vector<16xf32> to vector<1x16xf32>
          tpu.vector_store %arg15[%swap3A_1155, %swap3A_1156], %swap3A_1159 {strides = array<i32>} : memref<128x128xf32, #tpu.memory_space<vmem>>, vector<1x16xf32>,
          %get3A_1160 = arith.index_cast %add3A_1138 : i32 to index
          %get3A_1161 = arith.constant 16 : index
          %get3A_1162 = tpu.vector_load %arg15[%get3A_1160, %get3A_1161] {strides = array<i32>} : memref<128x128xf32, #tpu.memory_space<vmem>>, vector<1x16xf32>,
          %get3A_1163 = vector.shape_cast %get3A_1162 : vector<1x16xf32> to vector<16xf32>
          %mul3A_1164 = arith.mulf %get3A_1163, %broadcast_in_dim3A_1149 : vector<16xf32>
          %swap3A_1165 = arith.index_cast %add3A_1138 : i32 to index
          %swap3A_1166 = arith.constant 16 : index
          %swap3A_1167 = tpu.vector_load %arg15[%swap3A_1165, %swap3A_1166] {strides = array<i32>} : memref<128x128xf32, #tpu.memory_space<vmem>>, vector<1x16xf32>,
          %swap3A_1168 = vector.shape_cast %swap3A_1167 : vector<1x16xf32> to vector<16xf32>
          %swap3A_1169 = vector.shape_cast %mul3A_1164 : vector<16xf32> to vector<1x16xf32>
          tpu.vector_store %arg15[%swap3A_1165, %swap3A_1166], %swap3A_1169 {strides = array<i32>} : memref<128x128xf32, #tpu.memory_space<vmem>>, vector<1x16xf32>,
          %get3A_1170 = arith.index_cast %add3A_1138 : i32 to index
          %get3A_1171 = arith.constant 32 : index
          %get3A_1172 = tpu.vector_load %arg15[%get3A_1170, %get3A_1171] {strides = array<i32>} : memref<128x128xf32, #tpu.memory_space<vmem>>, vector<1x16xf32>,
          %get3A_1173 = vector.shape_cast %get3A_1172 : vector<1x16xf32> to vector<16xf32>
          %mul3A_1174 = arith.mulf %get3A_1173, %broadcast_in_dim3A_1149 : vector<16xf32>
          %swap3A_1175 = arith.index_cast %add3A_1138 : i32 to index
          %swap3A_1176 = arith.constant 32 : index
          %swap3A_1177 = tpu.vector_load %arg15[%swap3A_1175, %swap3A_1176] {strides = array<i32>} : memref<128x128xf32, #tpu.memory_space<vmem>>, vector<1x16xf32>,
          %swap3A_1178 = vector.shape_cast %swap3A_1177 : vector<1x16xf32> to vector<16xf32>
          %swap3A_1179 = vector.shape_cast %mul3A_1174 : vector<16xf32> to vector<1x16xf32>
          tpu.vector_store %arg15[%swap3A_1175, %swap3A_1176], %swap3A_1179 {strides = array<i32>} : memref<128x128xf32, #tpu.memory_space<vmem>>, vector<1x16xf32>,
          %get3A_1180 = arith.index_cast %add3A_1138 : i32 to index
          %get3A_1181 = arith.constant 48 : index
          %get3A_1182 = tpu.vector_load %arg15[%get3A_1180, %get3A_1181] {strides = array<i32>} : memref<128x128xf32, #tpu.memory_space<vmem>>, vector<1x16xf32>,
          %get3A_1183 = vector.shape_cast %get3A_1182 : vector<1x16xf32> to vector<16xf32>
          %mul3A_1184 = arith.mulf %get3A_1183, %broadcast_in_dim3A_1149 : vector<16xf32>
          %swap3A_1185 = arith.index_cast %add3A_1138 : i32 to index
          %swap3A_1186 = arith.constant 48 : index
          %swap3A_1187 = tpu.vector_load %arg15[%swap3A_1185, %swap3A_1186] {strides = array<i32>} : memref<128x128xf32, #tpu.memory_space<vmem>>, vector<1x16xf32>,
          %swap3A_1188 = vector.shape_cast %swap3A_1187 : vector<1x16xf32> to vector<16xf32>
          %swap3A_1189 = vector.shape_cast %mul3A_1184 : vector<16xf32> to vector<1x16xf32>
          tpu.vector_store %arg15[%swap3A_1185, %swap3A_1186], %swap3A_1189 {strides = array<i32>} : memref<128x128xf32, #tpu.memory_space<vmem>>, vector<1x16xf32>,
          %get3A_1190 = arith.index_cast %add3A_1138 : i32 to index
          %get3A_1191 = arith.constant 64 : index
          %get3A_1192 = tpu.vector_load %arg15[%get3A_1190, %get3A_1191] {strides = array<i32>} : memref<128x128xf32, #tpu.memory_space<vmem>>, vector<1x16xf32>,
          %get3A_1193 = vector.shape_cast %get3A_1192 : vector<1x16xf32> to vector<16xf32>
          %mul3A_1194 = arith.mulf %get3A_1193, %broadcast_in_dim3A_1149 : vector<16xf32>
          %swap3A_1195 = arith.index_cast %add3A_1138 : i32 to index
          %swap3A_1196 = arith.constant 64 : index
          %swap3A_1197 = tpu.vector_load %arg15[%swap3A_1195, %swap3A_1196] {strides = array<i32>} : memref<128x128xf32, #tpu.memory_space<vmem>>, vector<1x16xf32>,
          %swap3A_1198 = vector.shape_cast %swap3A_1197 : vector<1x16xf32> to vector<16xf32>
          %swap3A_1199 = vector.shape_cast %mul3A_1194 : vector<16xf32> to vector<1x16xf32>
          tpu.vector_store %arg15[%swap3A_1195, %swap3A_1196], %swap3A_1199 {strides = array<i32>} : memref<128x128xf32, #tpu.memory_space<vmem>>, vector<1x16xf32>,
          %get3A_1200 = arith.index_cast %add3A_1138 : i32 to index
          %get3A_1201 = arith.constant 80 : index
          %get3A_1202 = tpu.vector_load %arg15[%get3A_1200, %get3A_1201] {strides = array<i32>} : memref<128x128xf32, #tpu.memory_space<vmem>>, vector<1x16xf32>,
          %get3A_1203 = vector.shape_cast %get3A_1202 : vector<1x16xf32> to vector<16xf32>
          %mul3A_1204 = arith.mulf %get3A_1203, %broadcast_in_dim3A_1149 : vector<16xf32>
          %swap3A_1205 = arith.index_cast %add3A_1138 : i32 to index
          %swap3A_1206 = arith.constant 80 : index
          %swap3A_1207 = tpu.vector_load %arg15[%swap3A_1205, %swap3A_1206] {strides = array<i32>} : memref<128x128xf32, #tpu.memory_space<vmem>>, vector<1x16xf32>,
          %swap3A_1208 = vector.shape_cast %swap3A_1207 : vector<1x16xf32> to vector<16xf32>
          %swap3A_1209 = vector.shape_cast %mul3A_1204 : vector<16xf32> to vector<1x16xf32>
          tpu.vector_store %arg15[%swap3A_1205, %swap3A_1206], %swap3A_1209 {strides = array<i32>} : memref<128x128xf32, #tpu.memory_space<vmem>>, vector<1x16xf32>,
          %get3A_1210 = arith.index_cast %add3A_1138 : i32 to index
          %get3A_1211 = arith.constant 96 : index
          %get3A_1212 = tpu.vector_load %arg15[%get3A_1210, %get3A_1211] {strides = array<i32>} : memref<128x128xf32, #tpu.memory_space<vmem>>, vector<1x16xf32>,
          %get3A_1213 = vector.shape_cast %get3A_1212 : vector<1x16xf32> to vector<16xf32>
          %mul3A_1214 = arith.mulf %get3A_1213, %broadcast_in_dim3A_1149 : vector<16xf32>
          %swap3A_1215 = arith.index_cast %add3A_1138 : i32 to index
          %swap3A_1216 = arith.constant 96 : index
          %swap3A_1217 = tpu.vector_load %arg15[%swap3A_1215, %swap3A_1216] {strides = array<i32>} : memref<128x128xf32, #tpu.memory_space<vmem>>, vector<1x16xf32>,
          %swap3A_1218 = vector.shape_cast %swap3A_1217 : vector<1x16xf32> to vector<16xf32>
          %swap3A_1219 = vector.shape_cast %mul3A_1214 : vector<16xf32> to vector<1x16xf32>
          tpu.vector_store %arg15[%swap3A_1215, %swap3A_1216], %swap3A_1219 {strides = array<i32>} : memref<128x128xf32, #tpu.memory_space<vmem>>, vector<1x16xf32>,
          %get3A_1220 = arith.index_cast %add3A_1138 : i32 to index
          %get3A_1221 = arith.constant 112 : index
          %get3A_1222 = tpu.vector_load %arg15[%get3A_1220, %get3A_1221] {strides = array<i32>} : memref<128x128xf32, #tpu.memory_space<vmem>>, vector<1x16xf32>,
          %get3A_1223 = vector.shape_cast %get3A_1222 : vector<1x16xf32> to vector<16xf32>
          %mul3A_1224 = arith.mulf %get3A_1223, %broadcast_in_dim3A_1149 : vector<16xf32>
          %swap3A_1225 = arith.index_cast %add3A_1138 : i32 to index
          %swap3A_1226 = arith.constant 112 : index
          %swap3A_1227 = tpu.vector_load %arg15[%swap3A_1225, %swap3A_1226] {strides = array<i32>} : memref<128x128xf32, #tpu.memory_space<vmem>>, vector<1x16xf32>,
          %swap3A_1228 = vector.shape_cast %swap3A_1227 : vector<1x16xf32> to vector<16xf32>
          %swap3A_1229 = vector.shape_cast %mul3A_1224 : vector<16xf32> to vector<1x16xf32>
          tpu.vector_store %arg15[%swap3A_1225, %swap3A_1226], %swap3A_1229 {strides = array<i32>} : memref<128x128xf32, #tpu.memory_space<vmem>>, vector<1x16xf32>,
          %mul3A_1230 = arith.constant 16 : i32
          %mul3A_1231 = arith.muli %scan3A_153, %mul3A_1230 : i32
          %add3A_1232 = arith.constant 11 : i32
          %add3A_1233 = arith.addi %mul3A_1231, %add3A_1232 : i32
          %slice3A_1234 = vector.extract_strided_slice %select_n3A_177 {offsets = [11], sizes = [1], strides = [1]} : vector<16xf32> to vector<1xf32>
          %squeeze3A_1235 = vector.extract %slice3A_1234[0] : f32 from vector<1xf32>
          %broadcast_in_dim3A_1236 = vector.broadcast %squeeze3A_1235 : f32 to vector<16xf32>
          %swap3A_1237 = arith.index_cast %add3A_1233 : i32 to index
          %swap3A_1238 = arith.constant 0 : index
          %swap3A_1239 = tpu.vector_load %arg9[%swap3A_1237, %swap3A_1238] {strides = array<i32>} : memref<128x16xf32, #tpu.memory_space<vmem>>, vector<1x16xf32>,
          %swap3A_1240 = vector.shape_cast %swap3A_1239 : vector<1x16xf32> to vector<16xf32>
          %swap3A_1241 = vector.shape_cast %broadcast_in_dim3A_1236 : vector<16xf32> to vector<1x16xf32>
          tpu.vector_store %arg9[%swap3A_1237, %swap3A_1238], %swap3A_1241 {strides = array<i32>} : memref<128x16xf32, #tpu.memory_space<vmem>>, vector<1x16xf32>,
          %slice3A_1242 = vector.extract_strided_slice %select_n3A {offsets = [11], sizes = [1], strides = [1]} : vector<16xf32> to vector<1xf32>
          %squeeze3A_1243 = vector.extract %slice3A_1242[0] : f32 from vector<1xf32>
          %broadcast_in_dim3A_1244 = vector.broadcast %squeeze3A_1243 : f32 to vector<16xf32>
          %get3A_1245 = arith.index_cast %add3A_1233 : i32 to index
          %get3A_1246 = arith.constant 0 : index
          %get3A_1247 = tpu.vector_load %arg15[%get3A_1245, %get3A_1246] {strides = array<i32>} : memref<128x128xf32, #tpu.memory_space<vmem>>, vector<1x16xf32>,
          %get3A_1248 = vector.shape_cast %get3A_1247 : vector<1x16xf32> to vector<16xf32>
          %mul3A_1249 = arith.mulf %get3A_1248, %broadcast_in_dim3A_1244 : vector<16xf32>
          %swap3A_1250 = arith.index_cast %add3A_1233 : i32 to index
          %swap3A_1251 = arith.constant 0 : index
          %swap3A_1252 = tpu.vector_load %arg15[%swap3A_1250, %swap3A_1251] {strides = array<i32>} : memref<128x128xf32, #tpu.memory_space<vmem>>, vector<1x16xf32>,
          %swap3A_1253 = vector.shape_cast %swap3A_1252 : vector<1x16xf32> to vector<16xf32>
          %swap3A_1254 = vector.shape_cast %mul3A_1249 : vector<16xf32> to vector<1x16xf32>
          tpu.vector_store %arg15[%swap3A_1250, %swap3A_1251], %swap3A_1254 {strides = array<i32>} : memref<128x128xf32, #tpu.memory_space<vmem>>, vector<1x16xf32>,
          %get3A_1255 = arith.index_cast %add3A_1233 : i32 to index
          %get3A_1256 = arith.constant 16 : index
          %get3A_1257 = tpu.vector_load %arg15[%get3A_1255, %get3A_1256] {strides = array<i32>} : memref<128x128xf32, #tpu.memory_space<vmem>>, vector<1x16xf32>,
          %get3A_1258 = vector.shape_cast %get3A_1257 : vector<1x16xf32> to vector<16xf32>
          %mul3A_1259 = arith.mulf %get3A_1258, %broadcast_in_dim3A_1244 : vector<16xf32>
          %swap3A_1260 = arith.index_cast %add3A_1233 : i32 to index
          %swap3A_1261 = arith.constant 16 : index
          %swap3A_1262 = tpu.vector_load %arg15[%swap3A_1260, %swap3A_1261] {strides = array<i32>} : memref<128x128xf32, #tpu.memory_space<vmem>>, vector<1x16xf32>,
          %swap3A_1263 = vector.shape_cast %swap3A_1262 : vector<1x16xf32> to vector<16xf32>
          %swap3A_1264 = vector.shape_cast %mul3A_1259 : vector<16xf32> to vector<1x16xf32>
          tpu.vector_store %arg15[%swap3A_1260, %swap3A_1261], %swap3A_1264 {strides = array<i32>} : memref<128x128xf32, #tpu.memory_space<vmem>>, vector<1x16xf32>,
          %get3A_1265 = arith.index_cast %add3A_1233 : i32 to index
          %get3A_1266 = arith.constant 32 : index
          %get3A_1267 = tpu.vector_load %arg15[%get3A_1265, %get3A_1266] {strides = array<i32>} : memref<128x128xf32, #tpu.memory_space<vmem>>, vector<1x16xf32>,
          %get3A_1268 = vector.shape_cast %get3A_1267 : vector<1x16xf32> to vector<16xf32>
          %mul3A_1269 = arith.mulf %get3A_1268, %broadcast_in_dim3A_1244 : vector<16xf32>
          %swap3A_1270 = arith.index_cast %add3A_1233 : i32 to index
          %swap3A_1271 = arith.constant 32 : index
          %swap3A_1272 = tpu.vector_load %arg15[%swap3A_1270, %swap3A_1271] {strides = array<i32>} : memref<128x128xf32, #tpu.memory_space<vmem>>, vector<1x16xf32>,
          %swap3A_1273 = vector.shape_cast %swap3A_1272 : vector<1x16xf32> to vector<16xf32>
          %swap3A_1274 = vector.shape_cast %mul3A_1269 : vector<16xf32> to vector<1x16xf32>
          tpu.vector_store %arg15[%swap3A_1270, %swap3A_1271], %swap3A_1274 {strides = array<i32>} : memref<128x128xf32, #tpu.memory_space<vmem>>, vector<1x16xf32>,
          %get3A_1275 = arith.index_cast %add3A_1233 : i32 to index
          %get3A_1276 = arith.constant 48 : index
          %get3A_1277 = tpu.vector_load %arg15[%get3A_1275, %get3A_1276] {strides = array<i32>} : memref<128x128xf32, #tpu.memory_space<vmem>>, vector<1x16xf32>,
          %get3A_1278 = vector.shape_cast %get3A_1277 : vector<1x16xf32> to vector<16xf32>
          %mul3A_1279 = arith.mulf %get3A_1278, %broadcast_in_dim3A_1244 : vector<16xf32>
          %swap3A_1280 = arith.index_cast %add3A_1233 : i32 to index
          %swap3A_1281 = arith.constant 48 : index
          %swap3A_1282 = tpu.vector_load %arg15[%swap3A_1280, %swap3A_1281] {strides = array<i32>} : memref<128x128xf32, #tpu.memory_space<vmem>>, vector<1x16xf32>,
          %swap3A_1283 = vector.shape_cast %swap3A_1282 : vector<1x16xf32> to vector<16xf32>
          %swap3A_1284 = vector.shape_cast %mul3A_1279 : vector<16xf32> to vector<1x16xf32>
          tpu.vector_store %arg15[%swap3A_1280, %swap3A_1281], %swap3A_1284 {strides = array<i32>} : memref<128x128xf32, #tpu.memory_space<vmem>>, vector<1x16xf32>,
          %get3A_1285 = arith.index_cast %add3A_1233 : i32 to index
          %get3A_1286 = arith.constant 64 : index
          %get3A_1287 = tpu.vector_load %arg15[%get3A_1285, %get3A_1286] {strides = array<i32>} : memref<128x128xf32, #tpu.memory_space<vmem>>, vector<1x16xf32>,
          %get3A_1288 = vector.shape_cast %get3A_1287 : vector<1x16xf32> to vector<16xf32>
          %mul3A_1289 = arith.mulf %get3A_1288, %broadcast_in_dim3A_1244 : vector<16xf32>
          %swap3A_1290 = arith.index_cast %add3A_1233 : i32 to index
          %swap3A_1291 = arith.constant 64 : index
          %swap3A_1292 = tpu.vector_load %arg15[%swap3A_1290, %swap3A_1291] {strides = array<i32>} : memref<128x128xf32, #tpu.memory_space<vmem>>, vector<1x16xf32>,
          %swap3A_1293 = vector.shape_cast %swap3A_1292 : vector<1x16xf32> to vector<16xf32>
          %swap3A_1294 = vector.shape_cast %mul3A_1289 : vector<16xf32> to vector<1x16xf32>
          tpu.vector_store %arg15[%swap3A_1290, %swap3A_1291], %swap3A_1294 {strides = array<i32>} : memref<128x128xf32, #tpu.memory_space<vmem>>, vector<1x16xf32>,
          %get3A_1295 = arith.index_cast %add3A_1233 : i32 to index
          %get3A_1296 = arith.constant 80 : index
          %get3A_1297 = tpu.vector_load %arg15[%get3A_1295, %get3A_1296] {strides = array<i32>} : memref<128x128xf32, #tpu.memory_space<vmem>>, vector<1x16xf32>,
          %get3A_1298 = vector.shape_cast %get3A_1297 : vector<1x16xf32> to vector<16xf32>
          %mul3A_1299 = arith.mulf %get3A_1298, %broadcast_in_dim3A_1244 : vector<16xf32>
          %swap3A_1300 = arith.index_cast %add3A_1233 : i32 to index
          %swap3A_1301 = arith.constant 80 : index
          %swap3A_1302 = tpu.vector_load %arg15[%swap3A_1300, %swap3A_1301] {strides = array<i32>} : memref<128x128xf32, #tpu.memory_space<vmem>>, vector<1x16xf32>,
          %swap3A_1303 = vector.shape_cast %swap3A_1302 : vector<1x16xf32> to vector<16xf32>
          %swap3A_1304 = vector.shape_cast %mul3A_1299 : vector<16xf32> to vector<1x16xf32>
          tpu.vector_store %arg15[%swap3A_1300, %swap3A_1301], %swap3A_1304 {strides = array<i32>} : memref<128x128xf32, #tpu.memory_space<vmem>>, vector<1x16xf32>,
          %get3A_1305 = arith.index_cast %add3A_1233 : i32 to index
          %get3A_1306 = arith.constant 96 : index
          %get3A_1307 = tpu.vector_load %arg15[%get3A_1305, %get3A_1306] {strides = array<i32>} : memref<128x128xf32, #tpu.memory_space<vmem>>, vector<1x16xf32>,
          %get3A_1308 = vector.shape_cast %get3A_1307 : vector<1x16xf32> to vector<16xf32>
          %mul3A_1309 = arith.mulf %get3A_1308, %broadcast_in_dim3A_1244 : vector<16xf32>
          %swap3A_1310 = arith.index_cast %add3A_1233 : i32 to index
          %swap3A_1311 = arith.constant 96 : index
          %swap3A_1312 = tpu.vector_load %arg15[%swap3A_1310, %swap3A_1311] {strides = array<i32>} : memref<128x128xf32, #tpu.memory_space<vmem>>, vector<1x16xf32>,
          %swap3A_1313 = vector.shape_cast %swap3A_1312 : vector<1x16xf32> to vector<16xf32>
          %swap3A_1314 = vector.shape_cast %mul3A_1309 : vector<16xf32> to vector<1x16xf32>
          tpu.vector_store %arg15[%swap3A_1310, %swap3A_1311], %swap3A_1314 {strides = array<i32>} : memref<128x128xf32, #tpu.memory_space<vmem>>, vector<1x16xf32>,
          %get3A_1315 = arith.index_cast %add3A_1233 : i32 to index
          %get3A_1316 = arith.constant 112 : index
          %get3A_1317 = tpu.vector_load %arg15[%get3A_1315, %get3A_1316] {strides = array<i32>} : memref<128x128xf32, #tpu.memory_space<vmem>>, vector<1x16xf32>,
          %get3A_1318 = vector.shape_cast %get3A_1317 : vector<1x16xf32> to vector<16xf32>
          %mul3A_1319 = arith.mulf %get3A_1318, %broadcast_in_dim3A_1244 : vector<16xf32>
          %swap3A_1320 = arith.index_cast %add3A_1233 : i32 to index
          %swap3A_1321 = arith.constant 112 : index
          %swap3A_1322 = tpu.vector_load %arg15[%swap3A_1320, %swap3A_1321] {strides = array<i32>} : memref<128x128xf32, #tpu.memory_space<vmem>>, vector<1x16xf32>,
          %swap3A_1323 = vector.shape_cast %swap3A_1322 : vector<1x16xf32> to vector<16xf32>
          %swap3A_1324 = vector.shape_cast %mul3A_1319 : vector<16xf32> to vector<1x16xf32>
          tpu.vector_store %arg15[%swap3A_1320, %swap3A_1321], %swap3A_1324 {strides = array<i32>} : memref<128x128xf32, #tpu.memory_space<vmem>>, vector<1x16xf32>,
          %mul3A_1325 = arith.constant 16 : i32
          %mul3A_1326 = arith.muli %scan3A_153, %mul3A_1325 : i32
          %add3A_1327 = arith.constant 12 : i32
          %add3A_1328 = arith.addi %mul3A_1326, %add3A_1327 : i32
          %slice3A_1329 = vector.extract_strided_slice %select_n3A_177 {offsets = [12], sizes = [1], strides = [1]} : vector<16xf32> to vector<1xf32>
          %squeeze3A_1330 = vector.extract %slice3A_1329[0] : f32 from vector<1xf32>
          %broadcast_in_dim3A_1331 = vector.broadcast %squeeze3A_1330 : f32 to vector<16xf32>
          %swap3A_1332 = arith.index_cast %add3A_1328 : i32 to index
          %swap3A_1333 = arith.constant 0 : index
          %swap3A_1334 = tpu.vector_load %arg9[%swap3A_1332, %swap3A_1333] {strides = array<i32>} : memref<128x16xf32, #tpu.memory_space<vmem>>, vector<1x16xf32>,
          %swap3A_1335 = vector.shape_cast %swap3A_1334 : vector<1x16xf32> to vector<16xf32>
          %swap3A_1336 = vector.shape_cast %broadcast_in_dim3A_1331 : vector<16xf32> to vector<1x16xf32>
          tpu.vector_store %arg9[%swap3A_1332, %swap3A_1333], %swap3A_1336 {strides = array<i32>} : memref<128x16xf32, #tpu.memory_space<vmem>>, vector<1x16xf32>,
          %slice3A_1337 = vector.extract_strided_slice %select_n3A {offsets = [12], sizes = [1], strides = [1]} : vector<16xf32> to vector<1xf32>
          %squeeze3A_1338 = vector.extract %slice3A_1337[0] : f32 from vector<1xf32>
          %broadcast_in_dim3A_1339 = vector.broadcast %squeeze3A_1338 : f32 to vector<16xf32>
          %get3A_1340 = arith.index_cast %add3A_1328 : i32 to index
          %get3A_1341 = arith.constant 0 : index
          %get3A_1342 = tpu.vector_load %arg15[%get3A_1340, %get3A_1341] {strides = array<i32>} : memref<128x128xf32, #tpu.memory_space<vmem>>, vector<1x16xf32>,
          %get3A_1343 = vector.shape_cast %get3A_1342 : vector<1x16xf32> to vector<16xf32>
          %mul3A_1344 = arith.mulf %get3A_1343, %broadcast_in_dim3A_1339 : vector<16xf32>
          %swap3A_1345 = arith.index_cast %add3A_1328 : i32 to index
          %swap3A_1346 = arith.constant 0 : index
          %swap3A_1347 = tpu.vector_load %arg15[%swap3A_1345, %swap3A_1346] {strides = array<i32>} : memref<128x128xf32, #tpu.memory_space<vmem>>, vector<1x16xf32>,
          %swap3A_1348 = vector.shape_cast %swap3A_1347 : vector<1x16xf32> to vector<16xf32>
          %swap3A_1349 = vector.shape_cast %mul3A_1344 : vector<16xf32> to vector<1x16xf32>
          tpu.vector_store %arg15[%swap3A_1345, %swap3A_1346], %swap3A_1349 {strides = array<i32>} : memref<128x128xf32, #tpu.memory_space<vmem>>, vector<1x16xf32>,
          %get3A_1350 = arith.index_cast %add3A_1328 : i32 to index
          %get3A_1351 = arith.constant 16 : index
          %get3A_1352 = tpu.vector_load %arg15[%get3A_1350, %get3A_1351] {strides = array<i32>} : memref<128x128xf32, #tpu.memory_space<vmem>>, vector<1x16xf32>,
          %get3A_1353 = vector.shape_cast %get3A_1352 : vector<1x16xf32> to vector<16xf32>
          %mul3A_1354 = arith.mulf %get3A_1353, %broadcast_in_dim3A_1339 : vector<16xf32>
          %swap3A_1355 = arith.index_cast %add3A_1328 : i32 to index
          %swap3A_1356 = arith.constant 16 : index
          %swap3A_1357 = tpu.vector_load %arg15[%swap3A_1355, %swap3A_1356] {strides = array<i32>} : memref<128x128xf32, #tpu.memory_space<vmem>>, vector<1x16xf32>,
          %swap3A_1358 = vector.shape_cast %swap3A_1357 : vector<1x16xf32> to vector<16xf32>
          %swap3A_1359 = vector.shape_cast %mul3A_1354 : vector<16xf32> to vector<1x16xf32>
          tpu.vector_store %arg15[%swap3A_1355, %swap3A_1356], %swap3A_1359 {strides = array<i32>} : memref<128x128xf32, #tpu.memory_space<vmem>>, vector<1x16xf32>,
          %get3A_1360 = arith.index_cast %add3A_1328 : i32 to index
          %get3A_1361 = arith.constant 32 : index
          %get3A_1362 = tpu.vector_load %arg15[%get3A_1360, %get3A_1361] {strides = array<i32>} : memref<128x128xf32, #tpu.memory_space<vmem>>, vector<1x16xf32>,
          %get3A_1363 = vector.shape_cast %get3A_1362 : vector<1x16xf32> to vector<16xf32>
          %mul3A_1364 = arith.mulf %get3A_1363, %broadcast_in_dim3A_1339 : vector<16xf32>
          %swap3A_1365 = arith.index_cast %add3A_1328 : i32 to index
          %swap3A_1366 = arith.constant 32 : index
          %swap3A_1367 = tpu.vector_load %arg15[%swap3A_1365, %swap3A_1366] {strides = array<i32>} : memref<128x128xf32, #tpu.memory_space<vmem>>, vector<1x16xf32>,
          %swap3A_1368 = vector.shape_cast %swap3A_1367 : vector<1x16xf32> to vector<16xf32>
          %swap3A_1369 = vector.shape_cast %mul3A_1364 : vector<16xf32> to vector<1x16xf32>
          tpu.vector_store %arg15[%swap3A_1365, %swap3A_1366], %swap3A_1369 {strides = array<i32>} : memref<128x128xf32, #tpu.memory_space<vmem>>, vector<1x16xf32>,
          %get3A_1370 = arith.index_cast %add3A_1328 : i32 to index
          %get3A_1371 = arith.constant 48 : index
          %get3A_1372 = tpu.vector_load %arg15[%get3A_1370, %get3A_1371] {strides = array<i32>} : memref<128x128xf32, #tpu.memory_space<vmem>>, vector<1x16xf32>,
          %get3A_1373 = vector.shape_cast %get3A_1372 : vector<1x16xf32> to vector<16xf32>
          %mul3A_1374 = arith.mulf %get3A_1373, %broadcast_in_dim3A_1339 : vector<16xf32>
          %swap3A_1375 = arith.index_cast %add3A_1328 : i32 to index
          %swap3A_1376 = arith.constant 48 : index
          %swap3A_1377 = tpu.vector_load %arg15[%swap3A_1375, %swap3A_1376] {strides = array<i32>} : memref<128x128xf32, #tpu.memory_space<vmem>>, vector<1x16xf32>,
          %swap3A_1378 = vector.shape_cast %swap3A_1377 : vector<1x16xf32> to vector<16xf32>
          %swap3A_1379 = vector.shape_cast %mul3A_1374 : vector<16xf32> to vector<1x16xf32>
          tpu.vector_store %arg15[%swap3A_1375, %swap3A_1376], %swap3A_1379 {strides = array<i32>} : memref<128x128xf32, #tpu.memory_space<vmem>>, vector<1x16xf32>,
          %get3A_1380 = arith.index_cast %add3A_1328 : i32 to index
          %get3A_1381 = arith.constant 64 : index
          %get3A_1382 = tpu.vector_load %arg15[%get3A_1380, %get3A_1381] {strides = array<i32>} : memref<128x128xf32, #tpu.memory_space<vmem>>, vector<1x16xf32>,
          %get3A_1383 = vector.shape_cast %get3A_1382 : vector<1x16xf32> to vector<16xf32>
          %mul3A_1384 = arith.mulf %get3A_1383, %broadcast_in_dim3A_1339 : vector<16xf32>
          %swap3A_1385 = arith.index_cast %add3A_1328 : i32 to index
          %swap3A_1386 = arith.constant 64 : index
          %swap3A_1387 = tpu.vector_load %arg15[%swap3A_1385, %swap3A_1386] {strides = array<i32>} : memref<128x128xf32, #tpu.memory_space<vmem>>, vector<1x16xf32>,
          %swap3A_1388 = vector.shape_cast %swap3A_1387 : vector<1x16xf32> to vector<16xf32>
          %swap3A_1389 = vector.shape_cast %mul3A_1384 : vector<16xf32> to vector<1x16xf32>
          tpu.vector_store %arg15[%swap3A_1385, %swap3A_1386], %swap3A_1389 {strides = array<i32>} : memref<128x128xf32, #tpu.memory_space<vmem>>, vector<1x16xf32>,
          %get3A_1390 = arith.index_cast %add3A_1328 : i32 to index
          %get3A_1391 = arith.constant 80 : index
          %get3A_1392 = tpu.vector_load %arg15[%get3A_1390, %get3A_1391] {strides = array<i32>} : memref<128x128xf32, #tpu.memory_space<vmem>>, vector<1x16xf32>,
          %get3A_1393 = vector.shape_cast %get3A_1392 : vector<1x16xf32> to vector<16xf32>
          %mul3A_1394 = arith.mulf %get3A_1393, %broadcast_in_dim3A_1339 : vector<16xf32>
          %swap3A_1395 = arith.index_cast %add3A_1328 : i32 to index
          %swap3A_1396 = arith.constant 80 : index
          %swap3A_1397 = tpu.vector_load %arg15[%swap3A_1395, %swap3A_1396] {strides = array<i32>} : memref<128x128xf32, #tpu.memory_space<vmem>>, vector<1x16xf32>,
          %swap3A_1398 = vector.shape_cast %swap3A_1397 : vector<1x16xf32> to vector<16xf32>
          %swap3A_1399 = vector.shape_cast %mul3A_1394 : vector<16xf32> to vector<1x16xf32>
          tpu.vector_store %arg15[%swap3A_1395, %swap3A_1396], %swap3A_1399 {strides = array<i32>} : memref<128x128xf32, #tpu.memory_space<vmem>>, vector<1x16xf32>,
          %get3A_1400 = arith.index_cast %add3A_1328 : i32 to index
          %get3A_1401 = arith.constant 96 : index
          %get3A_1402 = tpu.vector_load %arg15[%get3A_1400, %get3A_1401] {strides = array<i32>} : memref<128x128xf32, #tpu.memory_space<vmem>>, vector<1x16xf32>,
          %get3A_1403 = vector.shape_cast %get3A_1402 : vector<1x16xf32> to vector<16xf32>
          %mul3A_1404 = arith.mulf %get3A_1403, %broadcast_in_dim3A_1339 : vector<16xf32>
          %swap3A_1405 = arith.index_cast %add3A_1328 : i32 to index
          %swap3A_1406 = arith.constant 96 : index
          %swap3A_1407 = tpu.vector_load %arg15[%swap3A_1405, %swap3A_1406] {strides = array<i32>} : memref<128x128xf32, #tpu.memory_space<vmem>>, vector<1x16xf32>,
          %swap3A_1408 = vector.shape_cast %swap3A_1407 : vector<1x16xf32> to vector<16xf32>
          %swap3A_1409 = vector.shape_cast %mul3A_1404 : vector<16xf32> to vector<1x16xf32>
          tpu.vector_store %arg15[%swap3A_1405, %swap3A_1406], %swap3A_1409 {strides = array<i32>} : memref<128x128xf32, #tpu.memory_space<vmem>>, vector<1x16xf32>,
          %get3A_1410 = arith.index_cast %add3A_1328 : i32 to index
          %get3A_1411 = arith.constant 112 : index
          %get3A_1412 = tpu.vector_load %arg15[%get3A_1410, %get3A_1411] {strides = array<i32>} : memref<128x128xf32, #tpu.memory_space<vmem>>, vector<1x16xf32>,
          %get3A_1413 = vector.shape_cast %get3A_1412 : vector<1x16xf32> to vector<16xf32>
          %mul3A_1414 = arith.mulf %get3A_1413, %broadcast_in_dim3A_1339 : vector<16xf32>
          %swap3A_1415 = arith.index_cast %add3A_1328 : i32 to index
          %swap3A_1416 = arith.constant 112 : index
          %swap3A_1417 = tpu.vector_load %arg15[%swap3A_1415, %swap3A_1416] {strides = array<i32>} : memref<128x128xf32, #tpu.memory_space<vmem>>, vector<1x16xf32>,
          %swap3A_1418 = vector.shape_cast %swap3A_1417 : vector<1x16xf32> to vector<16xf32>
          %swap3A_1419 = vector.shape_cast %mul3A_1414 : vector<16xf32> to vector<1x16xf32>
          tpu.vector_store %arg15[%swap3A_1415, %swap3A_1416], %swap3A_1419 {strides = array<i32>} : memref<128x128xf32, #tpu.memory_space<vmem>>, vector<1x16xf32>,
          %mul3A_1420 = arith.constant 16 : i32
          %mul3A_1421 = arith.muli %scan3A_153, %mul3A_1420 : i32
          %add3A_1422 = arith.constant 13 : i32
          %add3A_1423 = arith.addi %mul3A_1421, %add3A_1422 : i32
          %slice3A_1424 = vector.extract_strided_slice %select_n3A_177 {offsets = [13], sizes = [1], strides = [1]} : vector<16xf32> to vector<1xf32>
          %squeeze3A_1425 = vector.extract %slice3A_1424[0] : f32 from vector<1xf32>
          %broadcast_in_dim3A_1426 = vector.broadcast %squeeze3A_1425 : f32 to vector<16xf32>
          %swap3A_1427 = arith.index_cast %add3A_1423 : i32 to index
          %swap3A_1428 = arith.constant 0 : index
          %swap3A_1429 = tpu.vector_load %arg9[%swap3A_1427, %swap3A_1428] {strides = array<i32>} : memref<128x16xf32, #tpu.memory_space<vmem>>, vector<1x16xf32>,
          %swap3A_1430 = vector.shape_cast %swap3A_1429 : vector<1x16xf32> to vector<16xf32>
          %swap3A_1431 = vector.shape_cast %broadcast_in_dim3A_1426 : vector<16xf32> to vector<1x16xf32>
          tpu.vector_store %arg9[%swap3A_1427, %swap3A_1428], %swap3A_1431 {strides = array<i32>} : memref<128x16xf32, #tpu.memory_space<vmem>>, vector<1x16xf32>,
          %slice3A_1432 = vector.extract_strided_slice %select_n3A {offsets = [13], sizes = [1], strides = [1]} : vector<16xf32> to vector<1xf32>
          %squeeze3A_1433 = vector.extract %slice3A_1432[0] : f32 from vector<1xf32>
          %broadcast_in_dim3A_1434 = vector.broadcast %squeeze3A_1433 : f32 to vector<16xf32>
          %get3A_1435 = arith.index_cast %add3A_1423 : i32 to index
          %get3A_1436 = arith.constant 0 : index
          %get3A_1437 = tpu.vector_load %arg15[%get3A_1435, %get3A_1436] {strides = array<i32>} : memref<128x128xf32, #tpu.memory_space<vmem>>, vector<1x16xf32>,
          %get3A_1438 = vector.shape_cast %get3A_1437 : vector<1x16xf32> to vector<16xf32>
          %mul3A_1439 = arith.mulf %get3A_1438, %broadcast_in_dim3A_1434 : vector<16xf32>
          %swap3A_1440 = arith.index_cast %add3A_1423 : i32 to index
          %swap3A_1441 = arith.constant 0 : index
          %swap3A_1442 = tpu.vector_load %arg15[%swap3A_1440, %swap3A_1441] {strides = array<i32>} : memref<128x128xf32, #tpu.memory_space<vmem>>, vector<1x16xf32>,
          %swap3A_1443 = vector.shape_cast %swap3A_1442 : vector<1x16xf32> to vector<16xf32>
          %swap3A_1444 = vector.shape_cast %mul3A_1439 : vector<16xf32> to vector<1x16xf32>
          tpu.vector_store %arg15[%swap3A_1440, %swap3A_1441], %swap3A_1444 {strides = array<i32>} : memref<128x128xf32, #tpu.memory_space<vmem>>, vector<1x16xf32>,
          %get3A_1445 = arith.index_cast %add3A_1423 : i32 to index
          %get3A_1446 = arith.constant 16 : index
          %get3A_1447 = tpu.vector_load %arg15[%get3A_1445, %get3A_1446] {strides = array<i32>} : memref<128x128xf32, #tpu.memory_space<vmem>>, vector<1x16xf32>,
          %get3A_1448 = vector.shape_cast %get3A_1447 : vector<1x16xf32> to vector<16xf32>
          %mul3A_1449 = arith.mulf %get3A_1448, %broadcast_in_dim3A_1434 : vector<16xf32>
          %swap3A_1450 = arith.index_cast %add3A_1423 : i32 to index
          %swap3A_1451 = arith.constant 16 : index
          %swap3A_1452 = tpu.vector_load %arg15[%swap3A_1450, %swap3A_1451] {strides = array<i32>} : memref<128x128xf32, #tpu.memory_space<vmem>>, vector<1x16xf32>,
          %swap3A_1453 = vector.shape_cast %swap3A_1452 : vector<1x16xf32> to vector<16xf32>
          %swap3A_1454 = vector.shape_cast %mul3A_1449 : vector<16xf32> to vector<1x16xf32>
          tpu.vector_store %arg15[%swap3A_1450, %swap3A_1451], %swap3A_1454 {strides = array<i32>} : memref<128x128xf32, #tpu.memory_space<vmem>>, vector<1x16xf32>,
          %get3A_1455 = arith.index_cast %add3A_1423 : i32 to index
          %get3A_1456 = arith.constant 32 : index
          %get3A_1457 = tpu.vector_load %arg15[%get3A_1455, %get3A_1456] {strides = array<i32>} : memref<128x128xf32, #tpu.memory_space<vmem>>, vector<1x16xf32>,
          %get3A_1458 = vector.shape_cast %get3A_1457 : vector<1x16xf32> to vector<16xf32>
          %mul3A_1459 = arith.mulf %get3A_1458, %broadcast_in_dim3A_1434 : vector<16xf32>
          %swap3A_1460 = arith.index_cast %add3A_1423 : i32 to index
          %swap3A_1461 = arith.constant 32 : index
          %swap3A_1462 = tpu.vector_load %arg15[%swap3A_1460, %swap3A_1461] {strides = array<i32>} : memref<128x128xf32, #tpu.memory_space<vmem>>, vector<1x16xf32>,
          %swap3A_1463 = vector.shape_cast %swap3A_1462 : vector<1x16xf32> to vector<16xf32>
          %swap3A_1464 = vector.shape_cast %mul3A_1459 : vector<16xf32> to vector<1x16xf32>
          tpu.vector_store %arg15[%swap3A_1460, %swap3A_1461], %swap3A_1464 {strides = array<i32>} : memref<128x128xf32, #tpu.memory_space<vmem>>, vector<1x16xf32>,
          %get3A_1465 = arith.index_cast %add3A_1423 : i32 to index
          %get3A_1466 = arith.constant 48 : index
          %get3A_1467 = tpu.vector_load %arg15[%get3A_1465, %get3A_1466] {strides = array<i32>} : memref<128x128xf32, #tpu.memory_space<vmem>>, vector<1x16xf32>,
          %get3A_1468 = vector.shape_cast %get3A_1467 : vector<1x16xf32> to vector<16xf32>
          %mul3A_1469 = arith.mulf %get3A_1468, %broadcast_in_dim3A_1434 : vector<16xf32>
          %swap3A_1470 = arith.index_cast %add3A_1423 : i32 to index
          %swap3A_1471 = arith.constant 48 : index
          %swap3A_1472 = tpu.vector_load %arg15[%swap3A_1470, %swap3A_1471] {strides = array<i32>} : memref<128x128xf32, #tpu.memory_space<vmem>>, vector<1x16xf32>,
          %swap3A_1473 = vector.shape_cast %swap3A_1472 : vector<1x16xf32> to vector<16xf32>
          %swap3A_1474 = vector.shape_cast %mul3A_1469 : vector<16xf32> to vector<1x16xf32>
          tpu.vector_store %arg15[%swap3A_1470, %swap3A_1471], %swap3A_1474 {strides = array<i32>} : memref<128x128xf32, #tpu.memory_space<vmem>>, vector<1x16xf32>,
          %get3A_1475 = arith.index_cast %add3A_1423 : i32 to index
          %get3A_1476 = arith.constant 64 : index
          %get3A_1477 = tpu.vector_load %arg15[%get3A_1475, %get3A_1476] {strides = array<i32>} : memref<128x128xf32, #tpu.memory_space<vmem>>, vector<1x16xf32>,
          %get3A_1478 = vector.shape_cast %get3A_1477 : vector<1x16xf32> to vector<16xf32>
          %mul3A_1479 = arith.mulf %get3A_1478, %broadcast_in_dim3A_1434 : vector<16xf32>
          %swap3A_1480 = arith.index_cast %add3A_1423 : i32 to index
          %swap3A_1481 = arith.constant 64 : index
          %swap3A_1482 = tpu.vector_load %arg15[%swap3A_1480, %swap3A_1481] {strides = array<i32>} : memref<128x128xf32, #tpu.memory_space<vmem>>, vector<1x16xf32>,
          %swap3A_1483 = vector.shape_cast %swap3A_1482 : vector<1x16xf32> to vector<16xf32>
          %swap3A_1484 = vector.shape_cast %mul3A_1479 : vector<16xf32> to vector<1x16xf32>
          tpu.vector_store %arg15[%swap3A_1480, %swap3A_1481], %swap3A_1484 {strides = array<i32>} : memref<128x128xf32, #tpu.memory_space<vmem>>, vector<1x16xf32>,
          %get3A_1485 = arith.index_cast %add3A_1423 : i32 to index
          %get3A_1486 = arith.constant 80 : index
          %get3A_1487 = tpu.vector_load %arg15[%get3A_1485, %get3A_1486] {strides = array<i32>} : memref<128x128xf32, #tpu.memory_space<vmem>>, vector<1x16xf32>,
          %get3A_1488 = vector.shape_cast %get3A_1487 : vector<1x16xf32> to vector<16xf32>
          %mul3A_1489 = arith.mulf %get3A_1488, %broadcast_in_dim3A_1434 : vector<16xf32>
          %swap3A_1490 = arith.index_cast %add3A_1423 : i32 to index
          %swap3A_1491 = arith.constant 80 : index
          %swap3A_1492 = tpu.vector_load %arg15[%swap3A_1490, %swap3A_1491] {strides = array<i32>} : memref<128x128xf32, #tpu.memory_space<vmem>>, vector<1x16xf32>,
          %swap3A_1493 = vector.shape_cast %swap3A_1492 : vector<1x16xf32> to vector<16xf32>
          %swap3A_1494 = vector.shape_cast %mul3A_1489 : vector<16xf32> to vector<1x16xf32>
          tpu.vector_store %arg15[%swap3A_1490, %swap3A_1491], %swap3A_1494 {strides = array<i32>} : memref<128x128xf32, #tpu.memory_space<vmem>>, vector<1x16xf32>,
          %get3A_1495 = arith.index_cast %add3A_1423 : i32 to index
          %get3A_1496 = arith.constant 96 : index
          %get3A_1497 = tpu.vector_load %arg15[%get3A_1495, %get3A_1496] {strides = array<i32>} : memref<128x128xf32, #tpu.memory_space<vmem>>, vector<1x16xf32>,
          %get3A_1498 = vector.shape_cast %get3A_1497 : vector<1x16xf32> to vector<16xf32>
          %mul3A_1499 = arith.mulf %get3A_1498, %broadcast_in_dim3A_1434 : vector<16xf32>
          %swap3A_1500 = arith.index_cast %add3A_1423 : i32 to index
          %swap3A_1501 = arith.constant 96 : index
          %swap3A_1502 = tpu.vector_load %arg15[%swap3A_1500, %swap3A_1501] {strides = array<i32>} : memref<128x128xf32, #tpu.memory_space<vmem>>, vector<1x16xf32>,
          %swap3A_1503 = vector.shape_cast %swap3A_1502 : vector<1x16xf32> to vector<16xf32>
          %swap3A_1504 = vector.shape_cast %mul3A_1499 : vector<16xf32> to vector<1x16xf32>
          tpu.vector_store %arg15[%swap3A_1500, %swap3A_1501], %swap3A_1504 {strides = array<i32>} : memref<128x128xf32, #tpu.memory_space<vmem>>, vector<1x16xf32>,
          %get3A_1505 = arith.index_cast %add3A_1423 : i32 to index
          %get3A_1506 = arith.constant 112 : index
          %get3A_1507 = tpu.vector_load %arg15[%get3A_1505, %get3A_1506] {strides = array<i32>} : memref<128x128xf32, #tpu.memory_space<vmem>>, vector<1x16xf32>,
          %get3A_1508 = vector.shape_cast %get3A_1507 : vector<1x16xf32> to vector<16xf32>
          %mul3A_1509 = arith.mulf %get3A_1508, %broadcast_in_dim3A_1434 : vector<16xf32>
          %swap3A_1510 = arith.index_cast %add3A_1423 : i32 to index
          %swap3A_1511 = arith.constant 112 : index
          %swap3A_1512 = tpu.vector_load %arg15[%swap3A_1510, %swap3A_1511] {strides = array<i32>} : memref<128x128xf32, #tpu.memory_space<vmem>>, vector<1x16xf32>,
          %swap3A_1513 = vector.shape_cast %swap3A_1512 : vector<1x16xf32> to vector<16xf32>
          %swap3A_1514 = vector.shape_cast %mul3A_1509 : vector<16xf32> to vector<1x16xf32>
          tpu.vector_store %arg15[%swap3A_1510, %swap3A_1511], %swap3A_1514 {strides = array<i32>} : memref<128x128xf32, #tpu.memory_space<vmem>>, vector<1x16xf32>,
          %mul3A_1515 = arith.constant 16 : i32
          %mul3A_1516 = arith.muli %scan3A_153, %mul3A_1515 : i32
          %add3A_1517 = arith.constant 14 : i32
          %add3A_1518 = arith.addi %mul3A_1516, %add3A_1517 : i32
          %slice3A_1519 = vector.extract_strided_slice %select_n3A_177 {offsets = [14], sizes = [1], strides = [1]} : vector<16xf32> to vector<1xf32>
          %squeeze3A_1520 = vector.extract %slice3A_1519[0] : f32 from vector<1xf32>
          %broadcast_in_dim3A_1521 = vector.broadcast %squeeze3A_1520 : f32 to vector<16xf32>
          %swap3A_1522 = arith.index_cast %add3A_1518 : i32 to index
          %swap3A_1523 = arith.constant 0 : index
          %swap3A_1524 = tpu.vector_load %arg9[%swap3A_1522, %swap3A_1523] {strides = array<i32>} : memref<128x16xf32, #tpu.memory_space<vmem>>, vector<1x16xf32>,
          %swap3A_1525 = vector.shape_cast %swap3A_1524 : vector<1x16xf32> to vector<16xf32>
          %swap3A_1526 = vector.shape_cast %broadcast_in_dim3A_1521 : vector<16xf32> to vector<1x16xf32>
          tpu.vector_store %arg9[%swap3A_1522, %swap3A_1523], %swap3A_1526 {strides = array<i32>} : memref<128x16xf32, #tpu.memory_space<vmem>>, vector<1x16xf32>,
          %slice3A_1527 = vector.extract_strided_slice %select_n3A {offsets = [14], sizes = [1], strides = [1]} : vector<16xf32> to vector<1xf32>
          %squeeze3A_1528 = vector.extract %slice3A_1527[0] : f32 from vector<1xf32>
          %broadcast_in_dim3A_1529 = vector.broadcast %squeeze3A_1528 : f32 to vector<16xf32>
          %get3A_1530 = arith.index_cast %add3A_1518 : i32 to index
          %get3A_1531 = arith.constant 0 : index
          %get3A_1532 = tpu.vector_load %arg15[%get3A_1530, %get3A_1531] {strides = array<i32>} : memref<128x128xf32, #tpu.memory_space<vmem>>, vector<1x16xf32>,
          %get3A_1533 = vector.shape_cast %get3A_1532 : vector<1x16xf32> to vector<16xf32>
          %mul3A_1534 = arith.mulf %get3A_1533, %broadcast_in_dim3A_1529 : vector<16xf32>
          %swap3A_1535 = arith.index_cast %add3A_1518 : i32 to index
          %swap3A_1536 = arith.constant 0 : index
          %swap3A_1537 = tpu.vector_load %arg15[%swap3A_1535, %swap3A_1536] {strides = array<i32>} : memref<128x128xf32, #tpu.memory_space<vmem>>, vector<1x16xf32>,
          %swap3A_1538 = vector.shape_cast %swap3A_1537 : vector<1x16xf32> to vector<16xf32>
          %swap3A_1539 = vector.shape_cast %mul3A_1534 : vector<16xf32> to vector<1x16xf32>
          tpu.vector_store %arg15[%swap3A_1535, %swap3A_1536], %swap3A_1539 {strides = array<i32>} : memref<128x128xf32, #tpu.memory_space<vmem>>, vector<1x16xf32>,
          %get3A_1540 = arith.index_cast %add3A_1518 : i32 to index
          %get3A_1541 = arith.constant 16 : index
          %get3A_1542 = tpu.vector_load %arg15[%get3A_1540, %get3A_1541] {strides = array<i32>} : memref<128x128xf32, #tpu.memory_space<vmem>>, vector<1x16xf32>,
          %get3A_1543 = vector.shape_cast %get3A_1542 : vector<1x16xf32> to vector<16xf32>
          %mul3A_1544 = arith.mulf %get3A_1543, %broadcast_in_dim3A_1529 : vector<16xf32>
          %swap3A_1545 = arith.index_cast %add3A_1518 : i32 to index
          %swap3A_1546 = arith.constant 16 : index
          %swap3A_1547 = tpu.vector_load %arg15[%swap3A_1545, %swap3A_1546] {strides = array<i32>} : memref<128x128xf32, #tpu.memory_space<vmem>>, vector<1x16xf32>,
          %swap3A_1548 = vector.shape_cast %swap3A_1547 : vector<1x16xf32> to vector<16xf32>
          %swap3A_1549 = vector.shape_cast %mul3A_1544 : vector<16xf32> to vector<1x16xf32>
          tpu.vector_store %arg15[%swap3A_1545, %swap3A_1546], %swap3A_1549 {strides = array<i32>} : memref<128x128xf32, #tpu.memory_space<vmem>>, vector<1x16xf32>,
          %get3A_1550 = arith.index_cast %add3A_1518 : i32 to index
          %get3A_1551 = arith.constant 32 : index
          %get3A_1552 = tpu.vector_load %arg15[%get3A_1550, %get3A_1551] {strides = array<i32>} : memref<128x128xf32, #tpu.memory_space<vmem>>, vector<1x16xf32>,
          %get3A_1553 = vector.shape_cast %get3A_1552 : vector<1x16xf32> to vector<16xf32>
          %mul3A_1554 = arith.mulf %get3A_1553, %broadcast_in_dim3A_1529 : vector<16xf32>
          %swap3A_1555 = arith.index_cast %add3A_1518 : i32 to index
          %swap3A_1556 = arith.constant 32 : index
          %swap3A_1557 = tpu.vector_load %arg15[%swap3A_1555, %swap3A_1556] {strides = array<i32>} : memref<128x128xf32, #tpu.memory_space<vmem>>, vector<1x16xf32>,
          %swap3A_1558 = vector.shape_cast %swap3A_1557 : vector<1x16xf32> to vector<16xf32>
          %swap3A_1559 = vector.shape_cast %mul3A_1554 : vector<16xf32> to vector<1x16xf32>
          tpu.vector_store %arg15[%swap3A_1555, %swap3A_1556], %swap3A_1559 {strides = array<i32>} : memref<128x128xf32, #tpu.memory_space<vmem>>, vector<1x16xf32>,
          %get3A_1560 = arith.index_cast %add3A_1518 : i32 to index
          %get3A_1561 = arith.constant 48 : index
          %get3A_1562 = tpu.vector_load %arg15[%get3A_1560, %get3A_1561] {strides = array<i32>} : memref<128x128xf32, #tpu.memory_space<vmem>>, vector<1x16xf32>,
          %get3A_1563 = vector.shape_cast %get3A_1562 : vector<1x16xf32> to vector<16xf32>
          %mul3A_1564 = arith.mulf %get3A_1563, %broadcast_in_dim3A_1529 : vector<16xf32>
          %swap3A_1565 = arith.index_cast %add3A_1518 : i32 to index
          %swap3A_1566 = arith.constant 48 : index
          %swap3A_1567 = tpu.vector_load %arg15[%swap3A_1565, %swap3A_1566] {strides = array<i32>} : memref<128x128xf32, #tpu.memory_space<vmem>>, vector<1x16xf32>,
          %swap3A_1568 = vector.shape_cast %swap3A_1567 : vector<1x16xf32> to vector<16xf32>
          %swap3A_1569 = vector.shape_cast %mul3A_1564 : vector<16xf32> to vector<1x16xf32>
          tpu.vector_store %arg15[%swap3A_1565, %swap3A_1566], %swap3A_1569 {strides = array<i32>} : memref<128x128xf32, #tpu.memory_space<vmem>>, vector<1x16xf32>,
          %get3A_1570 = arith.index_cast %add3A_1518 : i32 to index
          %get3A_1571 = arith.constant 64 : index
          %get3A_1572 = tpu.vector_load %arg15[%get3A_1570, %get3A_1571] {strides = array<i32>} : memref<128x128xf32, #tpu.memory_space<vmem>>, vector<1x16xf32>,
          %get3A_1573 = vector.shape_cast %get3A_1572 : vector<1x16xf32> to vector<16xf32>
          %mul3A_1574 = arith.mulf %get3A_1573, %broadcast_in_dim3A_1529 : vector<16xf32>
          %swap3A_1575 = arith.index_cast %add3A_1518 : i32 to index
          %swap3A_1576 = arith.constant 64 : index
          %swap3A_1577 = tpu.vector_load %arg15[%swap3A_1575, %swap3A_1576] {strides = array<i32>} : memref<128x128xf32, #tpu.memory_space<vmem>>, vector<1x16xf32>,
          %swap3A_1578 = vector.shape_cast %swap3A_1577 : vector<1x16xf32> to vector<16xf32>
          %swap3A_1579 = vector.shape_cast %mul3A_1574 : vector<16xf32> to vector<1x16xf32>
          tpu.vector_store %arg15[%swap3A_1575, %swap3A_1576], %swap3A_1579 {strides = array<i32>} : memref<128x128xf32, #tpu.memory_space<vmem>>, vector<1x16xf32>,
          %get3A_1580 = arith.index_cast %add3A_1518 : i32 to index
          %get3A_1581 = arith.constant 80 : index
          %get3A_1582 = tpu.vector_load %arg15[%get3A_1580, %get3A_1581] {strides = array<i32>} : memref<128x128xf32, #tpu.memory_space<vmem>>, vector<1x16xf32>,
          %get3A_1583 = vector.shape_cast %get3A_1582 : vector<1x16xf32> to vector<16xf32>
          %mul3A_1584 = arith.mulf %get3A_1583, %broadcast_in_dim3A_1529 : vector<16xf32>
          %swap3A_1585 = arith.index_cast %add3A_1518 : i32 to index
          %swap3A_1586 = arith.constant 80 : index
          %swap3A_1587 = tpu.vector_load %arg15[%swap3A_1585, %swap3A_1586] {strides = array<i32>} : memref<128x128xf32, #tpu.memory_space<vmem>>, vector<1x16xf32>,
          %swap3A_1588 = vector.shape_cast %swap3A_1587 : vector<1x16xf32> to vector<16xf32>
          %swap3A_1589 = vector.shape_cast %mul3A_1584 : vector<16xf32> to vector<1x16xf32>
          tpu.vector_store %arg15[%swap3A_1585, %swap3A_1586], %swap3A_1589 {strides = array<i32>} : memref<128x128xf32, #tpu.memory_space<vmem>>, vector<1x16xf32>,
          %get3A_1590 = arith.index_cast %add3A_1518 : i32 to index
          %get3A_1591 = arith.constant 96 : index
          %get3A_1592 = tpu.vector_load %arg15[%get3A_1590, %get3A_1591] {strides = array<i32>} : memref<128x128xf32, #tpu.memory_space<vmem>>, vector<1x16xf32>,
          %get3A_1593 = vector.shape_cast %get3A_1592 : vector<1x16xf32> to vector<16xf32>
          %mul3A_1594 = arith.mulf %get3A_1593, %broadcast_in_dim3A_1529 : vector<16xf32>
          %swap3A_1595 = arith.index_cast %add3A_1518 : i32 to index
          %swap3A_1596 = arith.constant 96 : index
          %swap3A_1597 = tpu.vector_load %arg15[%swap3A_1595, %swap3A_1596] {strides = array<i32>} : memref<128x128xf32, #tpu.memory_space<vmem>>, vector<1x16xf32>,
          %swap3A_1598 = vector.shape_cast %swap3A_1597 : vector<1x16xf32> to vector<16xf32>
          %swap3A_1599 = vector.shape_cast %mul3A_1594 : vector<16xf32> to vector<1x16xf32>
          tpu.vector_store %arg15[%swap3A_1595, %swap3A_1596], %swap3A_1599 {strides = array<i32>} : memref<128x128xf32, #tpu.memory_space<vmem>>, vector<1x16xf32>,
          %get3A_1600 = arith.index_cast %add3A_1518 : i32 to index
          %get3A_1601 = arith.constant 112 : index
          %get3A_1602 = tpu.vector_load %arg15[%get3A_1600, %get3A_1601] {strides = array<i32>} : memref<128x128xf32, #tpu.memory_space<vmem>>, vector<1x16xf32>,
          %get3A_1603 = vector.shape_cast %get3A_1602 : vector<1x16xf32> to vector<16xf32>
          %mul3A_1604 = arith.mulf %get3A_1603, %broadcast_in_dim3A_1529 : vector<16xf32>
          %swap3A_1605 = arith.index_cast %add3A_1518 : i32 to index
          %swap3A_1606 = arith.constant 112 : index
          %swap3A_1607 = tpu.vector_load %arg15[%swap3A_1605, %swap3A_1606] {strides = array<i32>} : memref<128x128xf32, #tpu.memory_space<vmem>>, vector<1x16xf32>,
          %swap3A_1608 = vector.shape_cast %swap3A_1607 : vector<1x16xf32> to vector<16xf32>
          %swap3A_1609 = vector.shape_cast %mul3A_1604 : vector<16xf32> to vector<1x16xf32>
          tpu.vector_store %arg15[%swap3A_1605, %swap3A_1606], %swap3A_1609 {strides = array<i32>} : memref<128x128xf32, #tpu.memory_space<vmem>>, vector<1x16xf32>,
          %mul3A_1610 = arith.constant 16 : i32
          %mul3A_1611 = arith.muli %scan3A_153, %mul3A_1610 : i32
          %add3A_1612 = arith.constant 15 : i32
          %add3A_1613 = arith.addi %mul3A_1611, %add3A_1612 : i32
          %slice3A_1614 = vector.extract_strided_slice %select_n3A_177 {offsets = [15], sizes = [1], strides = [1]} : vector<16xf32> to vector<1xf32>
          %squeeze3A_1615 = vector.extract %slice3A_1614[0] : f32 from vector<1xf32>
          %broadcast_in_dim3A_1616 = vector.broadcast %squeeze3A_1615 : f32 to vector<16xf32>
          %swap3A_1617 = arith.index_cast %add3A_1613 : i32 to index
          %swap3A_1618 = arith.constant 0 : index
          %swap3A_1619 = tpu.vector_load %arg9[%swap3A_1617, %swap3A_1618] {strides = array<i32>} : memref<128x16xf32, #tpu.memory_space<vmem>>, vector<1x16xf32>,
          %swap3A_1620 = vector.shape_cast %swap3A_1619 : vector<1x16xf32> to vector<16xf32>
          %swap3A_1621 = vector.shape_cast %broadcast_in_dim3A_1616 : vector<16xf32> to vector<1x16xf32>
          tpu.vector_store %arg9[%swap3A_1617, %swap3A_1618], %swap3A_1621 {strides = array<i32>} : memref<128x16xf32, #tpu.memory_space<vmem>>, vector<1x16xf32>,
          %slice3A_1622 = vector.extract_strided_slice %select_n3A {offsets = [15], sizes = [1], strides = [1]} : vector<16xf32> to vector<1xf32>
          %squeeze3A_1623 = vector.extract %slice3A_1622[0] : f32 from vector<1xf32>
          %broadcast_in_dim3A_1624 = vector.broadcast %squeeze3A_1623 : f32 to vector<16xf32>
          %get3A_1625 = arith.index_cast %add3A_1613 : i32 to index
          %get3A_1626 = arith.constant 0 : index
          %get3A_1627 = tpu.vector_load %arg15[%get3A_1625, %get3A_1626] {strides = array<i32>} : memref<128x128xf32, #tpu.memory_space<vmem>>, vector<1x16xf32>,
          %get3A_1628 = vector.shape_cast %get3A_1627 : vector<1x16xf32> to vector<16xf32>
          %mul3A_1629 = arith.mulf %get3A_1628, %broadcast_in_dim3A_1624 : vector<16xf32>
          %swap3A_1630 = arith.index_cast %add3A_1613 : i32 to index
          %swap3A_1631 = arith.constant 0 : index
          %swap3A_1632 = tpu.vector_load %arg15[%swap3A_1630, %swap3A_1631] {strides = array<i32>} : memref<128x128xf32, #tpu.memory_space<vmem>>, vector<1x16xf32>,
          %swap3A_1633 = vector.shape_cast %swap3A_1632 : vector<1x16xf32> to vector<16xf32>
          %swap3A_1634 = vector.shape_cast %mul3A_1629 : vector<16xf32> to vector<1x16xf32>
          tpu.vector_store %arg15[%swap3A_1630, %swap3A_1631], %swap3A_1634 {strides = array<i32>} : memref<128x128xf32, #tpu.memory_space<vmem>>, vector<1x16xf32>,
          %get3A_1635 = arith.index_cast %add3A_1613 : i32 to index
          %get3A_1636 = arith.constant 16 : index
          %get3A_1637 = tpu.vector_load %arg15[%get3A_1635, %get3A_1636] {strides = array<i32>} : memref<128x128xf32, #tpu.memory_space<vmem>>, vector<1x16xf32>,
          %get3A_1638 = vector.shape_cast %get3A_1637 : vector<1x16xf32> to vector<16xf32>
          %mul3A_1639 = arith.mulf %get3A_1638, %broadcast_in_dim3A_1624 : vector<16xf32>
          %swap3A_1640 = arith.index_cast %add3A_1613 : i32 to index
          %swap3A_1641 = arith.constant 16 : index
          %swap3A_1642 = tpu.vector_load %arg15[%swap3A_1640, %swap3A_1641] {strides = array<i32>} : memref<128x128xf32, #tpu.memory_space<vmem>>, vector<1x16xf32>,
          %swap3A_1643 = vector.shape_cast %swap3A_1642 : vector<1x16xf32> to vector<16xf32>
          %swap3A_1644 = vector.shape_cast %mul3A_1639 : vector<16xf32> to vector<1x16xf32>
          tpu.vector_store %arg15[%swap3A_1640, %swap3A_1641], %swap3A_1644 {strides = array<i32>} : memref<128x128xf32, #tpu.memory_space<vmem>>, vector<1x16xf32>,
          %get3A_1645 = arith.index_cast %add3A_1613 : i32 to index
          %get3A_1646 = arith.constant 32 : index
          %get3A_1647 = tpu.vector_load %arg15[%get3A_1645, %get3A_1646] {strides = array<i32>} : memref<128x128xf32, #tpu.memory_space<vmem>>, vector<1x16xf32>,
          %get3A_1648 = vector.shape_cast %get3A_1647 : vector<1x16xf32> to vector<16xf32>
          %mul3A_1649 = arith.mulf %get3A_1648, %broadcast_in_dim3A_1624 : vector<16xf32>
          %swap3A_1650 = arith.index_cast %add3A_1613 : i32 to index
          %swap3A_1651 = arith.constant 32 : index
          %swap3A_1652 = tpu.vector_load %arg15[%swap3A_1650, %swap3A_1651] {strides = array<i32>} : memref<128x128xf32, #tpu.memory_space<vmem>>, vector<1x16xf32>,
          %swap3A_1653 = vector.shape_cast %swap3A_1652 : vector<1x16xf32> to vector<16xf32>
          %swap3A_1654 = vector.shape_cast %mul3A_1649 : vector<16xf32> to vector<1x16xf32>
          tpu.vector_store %arg15[%swap3A_1650, %swap3A_1651], %swap3A_1654 {strides = array<i32>} : memref<128x128xf32, #tpu.memory_space<vmem>>, vector<1x16xf32>,
          %get3A_1655 = arith.index_cast %add3A_1613 : i32 to index
          %get3A_1656 = arith.constant 48 : index
          %get3A_1657 = tpu.vector_load %arg15[%get3A_1655, %get3A_1656] {strides = array<i32>} : memref<128x128xf32, #tpu.memory_space<vmem>>, vector<1x16xf32>,
          %get3A_1658 = vector.shape_cast %get3A_1657 : vector<1x16xf32> to vector<16xf32>
          %mul3A_1659 = arith.mulf %get3A_1658, %broadcast_in_dim3A_1624 : vector<16xf32>
          %swap3A_1660 = arith.index_cast %add3A_1613 : i32 to index
          %swap3A_1661 = arith.constant 48 : index
          %swap3A_1662 = tpu.vector_load %arg15[%swap3A_1660, %swap3A_1661] {strides = array<i32>} : memref<128x128xf32, #tpu.memory_space<vmem>>, vector<1x16xf32>,
          %swap3A_1663 = vector.shape_cast %swap3A_1662 : vector<1x16xf32> to vector<16xf32>
          %swap3A_1664 = vector.shape_cast %mul3A_1659 : vector<16xf32> to vector<1x16xf32>
          tpu.vector_store %arg15[%swap3A_1660, %swap3A_1661], %swap3A_1664 {strides = array<i32>} : memref<128x128xf32, #tpu.memory_space<vmem>>, vector<1x16xf32>,
          %get3A_1665 = arith.index_cast %add3A_1613 : i32 to index
          %get3A_1666 = arith.constant 64 : index
          %get3A_1667 = tpu.vector_load %arg15[%get3A_1665, %get3A_1666] {strides = array<i32>} : memref<128x128xf32, #tpu.memory_space<vmem>>, vector<1x16xf32>,
          %get3A_1668 = vector.shape_cast %get3A_1667 : vector<1x16xf32> to vector<16xf32>
          %mul3A_1669 = arith.mulf %get3A_1668, %broadcast_in_dim3A_1624 : vector<16xf32>
          %swap3A_1670 = arith.index_cast %add3A_1613 : i32 to index
          %swap3A_1671 = arith.constant 64 : index
          %swap3A_1672 = tpu.vector_load %arg15[%swap3A_1670, %swap3A_1671] {strides = array<i32>} : memref<128x128xf32, #tpu.memory_space<vmem>>, vector<1x16xf32>,
          %swap3A_1673 = vector.shape_cast %swap3A_1672 : vector<1x16xf32> to vector<16xf32>
          %swap3A_1674 = vector.shape_cast %mul3A_1669 : vector<16xf32> to vector<1x16xf32>
          tpu.vector_store %arg15[%swap3A_1670, %swap3A_1671], %swap3A_1674 {strides = array<i32>} : memref<128x128xf32, #tpu.memory_space<vmem>>, vector<1x16xf32>,
          %get3A_1675 = arith.index_cast %add3A_1613 : i32 to index
          %get3A_1676 = arith.constant 80 : index
          %get3A_1677 = tpu.vector_load %arg15[%get3A_1675, %get3A_1676] {strides = array<i32>} : memref<128x128xf32, #tpu.memory_space<vmem>>, vector<1x16xf32>,
          %get3A_1678 = vector.shape_cast %get3A_1677 : vector<1x16xf32> to vector<16xf32>
          %mul3A_1679 = arith.mulf %get3A_1678, %broadcast_in_dim3A_1624 : vector<16xf32>
          %swap3A_1680 = arith.index_cast %add3A_1613 : i32 to index
          %swap3A_1681 = arith.constant 80 : index
          %swap3A_1682 = tpu.vector_load %arg15[%swap3A_1680, %swap3A_1681] {strides = array<i32>} : memref<128x128xf32, #tpu.memory_space<vmem>>, vector<1x16xf32>,
          %swap3A_1683 = vector.shape_cast %swap3A_1682 : vector<1x16xf32> to vector<16xf32>
          %swap3A_1684 = vector.shape_cast %mul3A_1679 : vector<16xf32> to vector<1x16xf32>
          tpu.vector_store %arg15[%swap3A_1680, %swap3A_1681], %swap3A_1684 {strides = array<i32>} : memref<128x128xf32, #tpu.memory_space<vmem>>, vector<1x16xf32>,
          %get3A_1685 = arith.index_cast %add3A_1613 : i32 to index
          %get3A_1686 = arith.constant 96 : index
          %get3A_1687 = tpu.vector_load %arg15[%get3A_1685, %get3A_1686] {strides = array<i32>} : memref<128x128xf32, #tpu.memory_space<vmem>>, vector<1x16xf32>,
          %get3A_1688 = vector.shape_cast %get3A_1687 : vector<1x16xf32> to vector<16xf32>
          %mul3A_1689 = arith.mulf %get3A_1688, %broadcast_in_dim3A_1624 : vector<16xf32>
          %swap3A_1690 = arith.index_cast %add3A_1613 : i32 to index
          %swap3A_1691 = arith.constant 96 : index
          %swap3A_1692 = tpu.vector_load %arg15[%swap3A_1690, %swap3A_1691] {strides = array<i32>} : memref<128x128xf32, #tpu.memory_space<vmem>>, vector<1x16xf32>,
          %swap3A_1693 = vector.shape_cast %swap3A_1692 : vector<1x16xf32> to vector<16xf32>
          %swap3A_1694 = vector.shape_cast %mul3A_1689 : vector<16xf32> to vector<1x16xf32>
          tpu.vector_store %arg15[%swap3A_1690, %swap3A_1691], %swap3A_1694 {strides = array<i32>} : memref<128x128xf32, #tpu.memory_space<vmem>>, vector<1x16xf32>,
          %get3A_1695 = arith.index_cast %add3A_1613 : i32 to index
          %get3A_1696 = arith.constant 112 : index
          %get3A_1697 = tpu.vector_load %arg15[%get3A_1695, %get3A_1696] {strides = array<i32>} : memref<128x128xf32, #tpu.memory_space<vmem>>, vector<1x16xf32>,
          %get3A_1698 = vector.shape_cast %get3A_1697 : vector<1x16xf32> to vector<16xf32>
          %mul3A_1699 = arith.mulf %get3A_1698, %broadcast_in_dim3A_1624 : vector<16xf32>
          %swap3A_1700 = arith.index_cast %add3A_1613 : i32 to index
          %swap3A_1701 = arith.constant 112 : index
          %swap3A_1702 = tpu.vector_load %arg15[%swap3A_1700, %swap3A_1701] {strides = array<i32>} : memref<128x128xf32, #tpu.memory_space<vmem>>, vector<1x16xf32>,
          %swap3A_1703 = vector.shape_cast %swap3A_1702 : vector<1x16xf32> to vector<16xf32>
          %swap3A_1704 = vector.shape_cast %mul3A_1699 : vector<16xf32> to vector<1x16xf32>
          tpu.vector_store %arg15[%swap3A_1700, %swap3A_1701], %swap3A_1704 {strides = array<i32>} : memref<128x128xf32, #tpu.memory_space<vmem>>, vector<1x16xf32>,
          %scan3A_1705 = arith.constant 0 : i32
          scf.yield %scan3A_1705 : i32
        }
        %scan3A_150 = arith.constant 8 : i32
        %run_scoped3A = arith.constant 0 : i32
        "tpu.region"() ({
          %run_scoped3A_153 = tpu.sem_alloc : memref<!tpu.dma_semaphore, #tpu.memory_space<semaphore_mem>>
          %dma_start3A = arith.constant 0 : i32
          %dma_start3A_154 = tpu.memref_slice %arg13[%run_scoped3A, %dma_start3A] : memref<1x128xi32, #tpu.memory_space<vmem>> -> memref<1x128xi32, #tpu.memory_space<vmem>>
          %dma_start3A_155 = tpu.memref_squeeze %dma_start3A_154 : memref<1x128xi32, #tpu.memory_space<vmem>> -> memref<128xi32, #tpu.memory_space<vmem>>
          %dma_start3A_156 = arith.constant 0 : i32
          %dma_start3A_157 = arith.constant 0 : i32
          %dma_start3A_158 = tpu.memref_slice %arg17[%dma_start3A_156, %dma_start3A_157] : memref<5000x128xf32, #tpu.memory_space<vmem_shared>> -> memref<5000x128xf32, #tpu.memory_space<vmem_shared>>
          tpu.enqueue_indirect_dma source(%arg15 : memref<128x128xf32, #tpu.memory_space<vmem>>) target(%dma_start3A_158 : memref<5000x128xf32, #tpu.memory_space<vmem_shared>>) offsets(%dma_start3A_155 : memref<128xi32, #tpu.memory_space<vmem>>) semaphore(%run_scoped3A_153 : memref<!tpu.dma_semaphore, #tpu.memory_space<semaphore_mem>>) {add = true}
          %dma_wait3A = arith.constant 0 : i32
          %dma_wait3A_159 = tpu.memref_slice %arg13[%run_scoped3A, %dma_wait3A] : memref<1x128xi32, #tpu.memory_space<vmem>> -> memref<1x128xi32, #tpu.memory_space<vmem>>
          %dma_wait3A_160 = tpu.memref_squeeze %dma_wait3A_159 : memref<1x128xi32, #tpu.memory_space<vmem>> -> memref<128xi32, #tpu.memory_space<vmem>>
          %dma_wait3A_161 = arith.constant 0 : i32
          %dma_wait3A_162 = arith.constant 0 : i32
          %dma_wait3A_163 = tpu.memref_slice %arg17[%dma_wait3A_161, %dma_wait3A_162] : memref<5000x128xf32, #tpu.memory_space<vmem_shared>> -> memref<5000x128xf32, #tpu.memory_space<vmem_shared>>
          tpu.wait_indirect_dma semaphore(%run_scoped3A_153 : memref<!tpu.dma_semaphore, #tpu.memory_space<semaphore_mem>>) src(%arg15 : memref<128x128xf32, #tpu.memory_space<vmem>>) dst(%dma_wait3A_163 : memref<5000x128xf32, #tpu.memory_space<vmem_shared>>)
          tpu.yield
        }) : () -> ()
        %run_scoped3A_151 = arith.constant 0 : i32
        "tpu.region"() ({
          %run_scoped3A_153 = tpu.sem_alloc : memref<!tpu.dma_semaphore, #tpu.memory_space<semaphore_mem>>
          %dma_start3A = arith.constant 0 : i32
          %dma_start3A_154 = tpu.memref_slice %arg13[%run_scoped3A_151, %dma_start3A] : memref<1x128xi32, #tpu.memory_space<vmem>> -> memref<1x128xi32, #tpu.memory_space<vmem>>
          %dma_start3A_155 = tpu.memref_squeeze %dma_start3A_154 : memref<1x128xi32, #tpu.memory_space<vmem>> -> memref<128xi32, #tpu.memory_space<vmem>>
          %dma_start3A_156 = arith.constant 0 : i32
          %dma_start3A_157 = arith.constant 0 : i32
          %dma_start3A_158 = tpu.memref_slice %arg11[%dma_start3A_156, %dma_start3A_157] : memref<5000x16xf32, #tpu.memory_space<vmem_shared>> -> memref<5000x16xf32, #tpu.memory_space<vmem_shared>>
          tpu.enqueue_indirect_dma source(%arg9 : memref<128x16xf32, #tpu.memory_space<vmem>>) target(%dma_start3A_158 : memref<5000x16xf32, #tpu.memory_space<vmem_shared>>) offsets(%dma_start3A_155 : memref<128xi32, #tpu.memory_space<vmem>>) semaphore(%run_scoped3A_153 : memref<!tpu.dma_semaphore, #tpu.memory_space<semaphore_mem>>) {add = true}
          %dma_wait3A = arith.constant 0 : i32
          %dma_wait3A_159 = tpu.memref_slice %arg13[%run_scoped3A_151, %dma_wait3A] : memref<1x128xi32, #tpu.memory_space<vmem>> -> memref<1x128xi32, #tpu.memory_space<vmem>>
          %dma_wait3A_160 = tpu.memref_squeeze %dma_wait3A_159 : memref<1x128xi32, #tpu.memory_space<vmem>> -> memref<128xi32, #tpu.memory_space<vmem>>
          %dma_wait3A_161 = arith.constant 0 : i32
          %dma_wait3A_162 = arith.constant 0 : i32
          %dma_wait3A_163 = tpu.memref_slice %arg11[%dma_wait3A_161, %dma_wait3A_162] : memref<5000x16xf32, #tpu.memory_space<vmem_shared>> -> memref<5000x16xf32, #tpu.memory_space<vmem_shared>>
          tpu.wait_indirect_dma semaphore(%run_scoped3A_153 : memref<!tpu.dma_semaphore, #tpu.memory_space<semaphore_mem>>) src(%arg9 : memref<128x16xf32, #tpu.memory_space<vmem>>) dst(%dma_wait3A_163 : memref<5000x16xf32, #tpu.memory_space<vmem_shared>>)
          tpu.yield
        }) : () -> ()
        %scan3A_152 = arith.constant 0 : i32
        scf.yield %scan3A_152 : i32
      }
      %scan3A_140 = arith.constant 32 : i32
      %scan3A_141 = arith.constant 0 : i32
      scf.yield %scan3A_141 : i32
    }
    %scan3A_125 = arith.constant 5 : i32
    %barrier3A_126 = arith.constant 0 : index
    tpu.barrier barrier_id(%barrier3A_126)
    %add3A_127 = arith.addi %mul3A_0, %multiple_of3A : i32
    %multiple_of3A_128 = tpu.assume_multiple %add3A_127, 8 : i32
    "tpu.region"() ({
      %run_scoped3A = tpu.sem_alloc : memref<!tpu.dma_semaphore, #tpu.memory_space<semaphore_mem>>
      %dma_start3A = arith.constant 0 : i32
      %dma_start3A_129 = tpu.memref_slice %arg6[%multiple_of3A_128, %dma_start3A] : memref<10000x128xf32, #tpu.memory_space<hbm>> -> memref<320x128xf32, #tpu.memory_space<hbm>>
      %dma_start3A_130 = arith.constant 0 : i32
      %dma_start3A_131 = tpu.memref_slice %arg17[%multiple_of3A, %dma_start3A_130] : memref<5000x128xf32, #tpu.memory_space<vmem_shared>> -> memref<320x128xf32, #tpu.memory_space<vmem_shared>>
      tpu.enqueue_dma source(%dma_start3A_131 : memref<320x128xf32, #tpu.memory_space<vmem_shared>>) target(%dma_start3A_129 : memref<320x128xf32, #tpu.memory_space<hbm>>) target_semaphore(%run_scoped3A : memref<!tpu.dma_semaphore, #tpu.memory_space<semaphore_mem>>)
      %dma_wait3A = arith.constant 0 : i32
      %dma_wait3A_132 = tpu.memref_slice %arg6[%multiple_of3A_128, %dma_wait3A] : memref<10000x128xf32, #tpu.memory_space<hbm>> -> memref<320x128xf32, #tpu.memory_space<hbm>>
      %dma_wait3A_133 = arith.constant 0 : i32
      %dma_wait3A_134 = tpu.memref_slice %arg17[%multiple_of3A, %dma_wait3A_133] : memref<5000x128xf32, #tpu.memory_space<vmem_shared>> -> memref<320x128xf32, #tpu.memory_space<vmem_shared>>
      tpu.wait_dma2 semaphore(%run_scoped3A : memref<!tpu.dma_semaphore, #tpu.memory_space<semaphore_mem>>) src(%dma_wait3A_134 : memref<320x128xf32, #tpu.memory_space<vmem_shared>>) dst(%dma_wait3A_132 : memref<320x128xf32, #tpu.memory_space<hbm>>)
      tpu.yield
    }) : () -> ()
    "tpu.region"() ({
      %run_scoped3A = tpu.sem_alloc : memref<!tpu.dma_semaphore, #tpu.memory_space<semaphore_mem>>
      %dma_start3A = arith.constant 0 : i32
      %dma_start3A_129 = tpu.memref_slice %arg7[%multiple_of3A_128, %dma_start3A] : memref<10000x16xf32, #tpu.memory_space<hbm>> -> memref<320x16xf32, #tpu.memory_space<hbm>>
      %dma_start3A_130 = arith.constant 0 : i32
      %dma_start3A_131 = tpu.memref_slice %arg11[%multiple_of3A, %dma_start3A_130] : memref<5000x16xf32, #tpu.memory_space<vmem_shared>> -> memref<320x16xf32, #tpu.memory_space<vmem_shared>>
      tpu.enqueue_dma source(%dma_start3A_131 : memref<320x16xf32, #tpu.memory_space<vmem_shared>>) target(%dma_start3A_129 : memref<320x16xf32, #tpu.memory_space<hbm>>) target_semaphore(%run_scoped3A : memref<!tpu.dma_semaphore, #tpu.memory_space<semaphore_mem>>)
      %dma_wait3A = arith.constant 0 : i32
      %dma_wait3A_132 = tpu.memref_slice %arg7[%multiple_of3A_128, %dma_wait3A] : memref<10000x16xf32, #tpu.memory_space<hbm>> -> memref<320x16xf32, #tpu.memory_space<hbm>>
      %dma_wait3A_133 = arith.constant 0 : i32
      %dma_wait3A_134 = tpu.memref_slice %arg11[%multiple_of3A, %dma_wait3A_133] : memref<5000x16xf32, #tpu.memory_space<vmem_shared>> -> memref<320x16xf32, #tpu.memory_space<vmem_shared>>
      tpu.wait_dma2 semaphore(%run_scoped3A : memref<!tpu.dma_semaphore, #tpu.memory_space<semaphore_mem>>) src(%dma_wait3A_134 : memref<320x16xf32, #tpu.memory_space<vmem_shared>>) dst(%dma_wait3A_132 : memref<320x16xf32, #tpu.memory_space<hbm>>)
      tpu.yield
    }) : () -> ()
    return
  }
}

module attributes {stable_mosaic.version = 14 : i64} {
  func.func @body(%arg0: i32, %arg1: memref<1000x128xf32, #tpu.memory_space<vmem>>, %arg2: memref<1000x128xf32, #tpu.memory_space<vmem>>, %arg3: memref<1000x1xf32, #tpu.memory_space<vmem>>, %arg4: memref<128x256xf32, #tpu.memory_space<vmem>>, %arg5: memref<1x256xf32, #tpu.memory_space<vmem>>, %arg6: memref<256x128xf32, #tpu.memory_space<vmem>>, %arg7: memref<1000x128xf32, #tpu.memory_space<vmem>>) attributes {dimension_semantics = [#tpu.dimension_semantics<arbitrary>], iteration_bounds = array<i64: 10>, scalar_prefetch = 0 : i64, scratch_operands = 0 : i64, tpu.core_type = #tpu.core_type<tc>, window_params = [{transform_indices = @transform_0, window_bounds = array<i64: 1000, 128>}, {transform_indices = @transform_1, window_bounds = array<i64: 1000, 128>}, {transform_indices = @transform_2, window_bounds = array<i64: 1000, 1>}, {pipeline_mode = #tpu.pipeline_mode<synchronous>, transform_indices = @transform_3, window_bounds = array<i64: 128, 256>}, {pipeline_mode = #tpu.pipeline_mode<synchronous>, transform_indices = @transform_4, window_bounds = array<i64: 1, 256>}, {pipeline_mode = #tpu.pipeline_mode<synchronous>, transform_indices = @transform_5, window_bounds = array<i64: 256, 128>}, {transform_indices = @transform_6, window_bounds = array<i64: 1000, 128>}]} {
    %get3A = arith.constant 0 : index
    %get3A_0 = arith.constant 0 : index
    %get3A_1 = vector.load %arg3[%get3A, %get3A_0] : memref<1000x1xf32, #tpu.memory_space<vmem>>, vector<1000x1xf32>
    %neg3A = arith.constant 0.000000e+00 : f32
    %neg3A_2 = vector.broadcast %neg3A : f32 to vector<1000x1xf32>
    %neg3A_3 = arith.subf %neg3A_2, %get3A_1 : vector<1000x1xf32>
    %exp3A = math.exp %neg3A_3 : vector<1000x1xf32>
    %get3A_4 = arith.constant 0 : index
    %get3A_5 = arith.constant 0 : index
    %get3A_6 = vector.load %arg1[%get3A_4, %get3A_5] : memref<1000x128xf32, #tpu.memory_space<vmem>>, vector<1000x128xf32>
    %get3A_7 = arith.constant 0 : index
    %get3A_8 = arith.constant 0 : index
    %get3A_9 = vector.load %arg2[%get3A_7, %get3A_8] : memref<1000x128xf32, #tpu.memory_space<vmem>>, vector<1000x128xf32>
    %add3A = arith.addf %get3A_6, %get3A_9 : vector<1000x128xf32>
    %mul3A = vector.broadcast %exp3A : vector<1000x1xf32> to vector<1000x128xf32>
    %mul3A_10 = arith.mulf %add3A, %mul3A : vector<1000x128xf32>
    %get3A_11 = arith.constant 0 : index
    %get3A_12 = arith.constant 0 : index
    %get3A_13 = vector.load %arg4[%get3A_11, %get3A_12] : memref<128x256xf32, #tpu.memory_space<vmem>>, vector<128x256xf32>
    %dot_general3A = arith.constant dense<0.000000e+00> : vector<1000x256xf32>
    %dot_general3A_14 = tpu.matmul %mul3A_10, %get3A_13, %dot_general3A {dimension_numbers = #tpu.dot_dimension_numbers<[1], [0], [0], [1], [0, 0, 1, 1], [], []>, transpose_lhs_hint = false} : vector<1000x128xf32>, vector<128x256xf32>, vector<1000x256xf32> -> vector<1000x256xf32>
    %get3A_15 = arith.constant 0 : index
    %get3A_16 = arith.constant 0 : index
    %get3A_17 = vector.load %arg5[%get3A_15, %get3A_16] : memref<1x256xf32, #tpu.memory_space<vmem>>, vector<1x256xf32>
    %add3A_18 = vector.broadcast %get3A_17 : vector<1x256xf32> to vector<1000x256xf32>
    %add3A_19 = arith.addf %dot_general3A_14, %add3A_18 : vector<1000x256xf32>
    %max3A = arith.constant 0.000000e+00 : f32
    %max3A_20 = vector.broadcast %max3A : f32 to vector<1000x256xf32>
    %max3A_21 = arith.maximumf %add3A_19, %max3A_20 : vector<1000x256xf32>
    %get3A_22 = arith.constant 0 : index
    %get3A_23 = arith.constant 0 : index
    %get3A_24 = vector.load %arg6[%get3A_22, %get3A_23] : memref<256x128xf32, #tpu.memory_space<vmem>>, vector<256x128xf32>
    %dot_general3A_25 = arith.constant dense<0.000000e+00> : vector<1000x128xf32>
    %dot_general3A_26 = tpu.matmul %max3A_21, %get3A_24, %dot_general3A_25 {dimension_numbers = #tpu.dot_dimension_numbers<[1], [0], [0], [1], [0, 0, 1, 1], [], []>, transpose_lhs_hint = false} : vector<1000x256xf32>, vector<256x128xf32>, vector<1000x128xf32> -> vector<1000x128xf32>
    %swap3A = arith.constant 0 : index
    %swap3A_27 = arith.constant 0 : index
    %swap3A_28 = vector.load %arg7[%swap3A, %swap3A_27] : memref<1000x128xf32, #tpu.memory_space<vmem>>, vector<1000x128xf32>
    tpu.vector_store %arg7[%swap3A, %swap3A_27], %dot_general3A_26 {strides = array<i32>} : memref<1000x128xf32, #tpu.memory_space<vmem>>, vector<1000x128xf32>,
    return
  }
  func.func @transform_0(%arg0: i32) -> (i32, i32) {
    %c0_i32 = arith.constant 0 : i32
    %c0_i32_0 = arith.constant 0 : i32
    return %arg0, %c0_i32 : i32, i32
  }
  func.func @transform_1(%arg0: i32) -> (i32, i32) {
    %c0_i32 = arith.constant 0 : i32
    %c0_i32_0 = arith.constant 0 : i32
    return %arg0, %c0_i32 : i32, i32
  }
  func.func @transform_2(%arg0: i32) -> (i32, i32) {
    %c0_i32 = arith.constant 0 : i32
    %c0_i32_0 = arith.constant 0 : i32
    return %arg0, %c0_i32 : i32, i32
  }
  func.func @transform_3(%arg0: i32) -> (i32, i32) {
    %c0_i32 = arith.constant 0 : i32
    %c0_i32_0 = arith.constant 0 : i32
    %c0_i32_1 = arith.constant 0 : i32
    return %c0_i32, %c0_i32_0 : i32, i32
  }
  func.func @transform_4(%arg0: i32) -> (i32, i32) {
    %c0_i32 = arith.constant 0 : i32
    %c0_i32_0 = arith.constant 0 : i32
    %c0_i32_1 = arith.constant 0 : i32
    return %c0_i32, %c0_i32_0 : i32, i32
  }
  func.func @transform_5(%arg0: i32) -> (i32, i32) {
    %c0_i32 = arith.constant 0 : i32
    %c0_i32_0 = arith.constant 0 : i32
    %c0_i32_1 = arith.constant 0 : i32
    return %c0_i32, %c0_i32_0 : i32, i32
  }
  func.func @transform_6(%arg0: i32) -> (i32, i32) {
    %c0_i32 = arith.constant 0 : i32
    %c0_i32_0 = arith.constant 0 : i32
    return %arg0, %c0_i32 : i32, i32
  }
}

module attributes {stable_mosaic.version = 14 : i64} {
  func.func @body(%arg0: i32, %arg1: memref<1000x128xf32, #tpu.memory_space<vmem>>, %arg2: memref<1000x128xf32, #tpu.memory_space<vmem>>, %arg3: memref<1000x1xf32, #tpu.memory_space<vmem>>, %arg4: memref<1x128xf32, #tpu.memory_space<vmem>>, %arg5: memref<1000x128xf32, #tpu.memory_space<vmem>>) attributes {dimension_semantics = [#tpu.dimension_semantics<arbitrary>], iteration_bounds = array<i64: 10>, scalar_prefetch = 0 : i64, scratch_operands = 0 : i64, tpu.core_type = #tpu.core_type<tc>, window_params = [{transform_indices = @transform_0, window_bounds = array<i64: 1000, 128>}, {transform_indices = @transform_1, window_bounds = array<i64: 1000, 128>}, {transform_indices = @transform_2, window_bounds = array<i64: 1000, 1>}, {pipeline_mode = #tpu.pipeline_mode<synchronous>, transform_indices = @transform_3, window_bounds = array<i64: 1, 128>}, {transform_indices = @transform_4, window_bounds = array<i64: 1000, 128>}]} {
    %get3A = arith.constant 0 : index
    %get3A_0 = arith.constant 0 : index
    %get3A_1 = vector.load %arg3[%get3A, %get3A_0] : memref<1000x1xf32, #tpu.memory_space<vmem>>, vector<1000x1xf32>
    %neg3A = arith.constant 0.000000e+00 : f32
    %neg3A_2 = vector.broadcast %neg3A : f32 to vector<1000x1xf32>
    %neg3A_3 = arith.subf %neg3A_2, %get3A_1 : vector<1000x1xf32>
    %exp3A = math.exp %neg3A_3 : vector<1000x1xf32>
    %get3A_4 = arith.constant 0 : index
    %get3A_5 = arith.constant 0 : index
    %get3A_6 = vector.load %arg1[%get3A_4, %get3A_5] : memref<1000x128xf32, #tpu.memory_space<vmem>>, vector<1000x128xf32>
    %get3A_7 = arith.constant 0 : index
    %get3A_8 = arith.constant 0 : index
    %get3A_9 = vector.load %arg2[%get3A_7, %get3A_8] : memref<1000x128xf32, #tpu.memory_space<vmem>>, vector<1000x128xf32>
    %add3A = arith.addf %get3A_6, %get3A_9 : vector<1000x128xf32>
    %mul3A = vector.broadcast %exp3A : vector<1000x1xf32> to vector<1000x128xf32>
    %mul3A_10 = arith.mulf %add3A, %mul3A : vector<1000x128xf32>
    %get3A_11 = arith.constant 0 : index
    %get3A_12 = arith.constant 0 : index
    %get3A_13 = vector.load %arg4[%get3A_11, %get3A_12] : memref<1x128xf32, #tpu.memory_space<vmem>>, vector<1x128xf32>
    %add3A_14 = vector.broadcast %get3A_13 : vector<1x128xf32> to vector<1000x128xf32>
    %add3A_15 = arith.addf %mul3A_10, %add3A_14 : vector<1000x128xf32>
    %swap3A = arith.constant 0 : index
    %swap3A_16 = arith.constant 0 : index
    %swap3A_17 = vector.load %arg5[%swap3A, %swap3A_16] : memref<1000x128xf32, #tpu.memory_space<vmem>>, vector<1000x128xf32>
    tpu.vector_store %arg5[%swap3A, %swap3A_16], %add3A_15 {strides = array<i32>} : memref<1000x128xf32, #tpu.memory_space<vmem>>, vector<1000x128xf32>,
    return
  }
  func.func @transform_0(%arg0: i32) -> (i32, i32) {
    %c0_i32 = arith.constant 0 : i32
    %c0_i32_0 = arith.constant 0 : i32
    return %arg0, %c0_i32 : i32, i32
  }
  func.func @transform_1(%arg0: i32) -> (i32, i32) {
    %c0_i32 = arith.constant 0 : i32
    %c0_i32_0 = arith.constant 0 : i32
    return %arg0, %c0_i32 : i32, i32
  }
  func.func @transform_2(%arg0: i32) -> (i32, i32) {
    %c0_i32 = arith.constant 0 : i32
    %c0_i32_0 = arith.constant 0 : i32
    return %arg0, %c0_i32 : i32, i32
  }
  func.func @transform_3(%arg0: i32) -> (i32, i32) {
    %c0_i32 = arith.constant 0 : i32
    %c0_i32_0 = arith.constant 0 : i32
    %c0_i32_1 = arith.constant 0 : i32
    return %c0_i32, %c0_i32_0 : i32, i32
  }
  func.func @transform_4(%arg0: i32) -> (i32, i32) {
    %c0_i32 = arith.constant 0 : i32
    %c0_i32_0 = arith.constant 0 : i32
    return %arg0, %c0_i32 : i32, i32
  }
}

</mosaic_0001>

<sc_bundles>
// kernel: kernel.6.cloned.1.call-start
scs
__scs_entry_jumppad:
0x0: {  	(pc) =	sbr.rel $0x88, $3  }
0x1: {  	(tag) =	ssettag $0x0;
	lr =	simm.s32 $0x1  }
0x2: {  	[smem:$0x3F9A] =	sst lr;
	_ =	strace $0xD0000000  }
0x3: {  	_ = 	snop  }
0x4: {  	_ = 	snop  }
0x5: {  	_ = 	snop  }
0x6: {  	_ = 	snop  }
0x7: {  	_ = 	snop  }
__scs_overlays_trampoline_lowered:
0x8: {  	[smem:$0x3FA9] =	sst s0  }
0x9: {  	[smem:$0x3FAA] =	sst s1  }
0xa: {  	[smem:$0x3FAB] =	sst s2  }
0xb: {  	[smem:$0x3FAC] =	sst s3  }
0xc: {  	[smem:$0x3FAD] =	sst s4  }
0xd: {  	[smem:$0x3FAE] =	sst s5  }
0xe: {  	[smem:$0x3FAF] =	sst s6  }
0xf: {  	[smem:$0x3FB0] =	sst s7  }
0x10: {  	[smem:$0x3FB1] =	sst s8  }
0x11: {  	[smem:$0x3FB2] =	sst s9;
	s0 =	simm.s32 @!p0 $0x0  }
0x12: {  	s1 =	sld [smem:$0x3F98];
	s0 =	simm.s32 @p0 $0x1  }
0x13: {  	[smem:$0x3FB3] =	sst s0;
	s0 =	simm.s32 @!p1 $0x0  }
0x14: {  	s2 =	sld [smem:$0x3F97];
	s0 =	simm.s32 @p1 $0x1  }
0x15: {  	[smem:$0x3FB4] =	sst s0;
	s0 =	simm.s32 @!p2 $0x0  }
0x16: {  	s3 =	sld [smem:$0x3FDB];
	s0 =	simm.s32 @p2 $0x1  }
0x17: {  	s4 =	simm.s32 $0x1BF5;
	[smem:$0x3FB6] =	sst s0  }
0x18: {  	s0 =	sld [smem:$0x3F99];
	_ =	swait.ge [sflag:s4], $0x0  }
0x19: {  	s7 =	sld [smem:$0x3F9A]  }
0x1a: {  	s8 =	sadd.s32 $0xFFFFE003, lr  }
0x1b: {  	s9 =	sadd.s32 $0xFFFFFEF7, lr;
	s5 =	simm.s32 $0xFFFFFFFF;
	p2 =	slt.u32 s8, $0xFFFFF086  }
0x1c: {  	p1 =	slt.u32 s9, $0xF7A;
	s5 =	simm.s32 @!p2 $0x0  }
0x1d: {  	s5 =	simm.s32 @p1 $0x1;
	p0 =	seq.s32 s7, s2  }
0x1e: {  	s7 =	smul.u32 @!p0 $0xF7A, s2;
	p2 =	seq.s32 @!p0 s5, $0x0  }
0x1f: {  	s9 =	smul.u32 $0xF7A, s1;
	s8 =	simm.s32 @!p0 $0x1BF5;
	p2 =	por !p2, p0  }
0x20: {  	[sflag:s8] =	ssyncset.s32 @!p0 $0xFFFFF086;
	s6 =	sadd.s32 @!p0 s3, s7;
	s7 =	simm.s32 @!p0 $0x108  }
0x21: {  	s3 =	sadd.s32 s3, s9;
	s6 =	sadd.s32 @!p0 $0x88, s6;
	s7 =	simm.s32 @p2 $0x1082  }
0x22: {  	[simem:s7], [sflag:s8] =	dma.local @!p0 [hbm:s6], $0xF7A  }
0x23: {  	s9 =	sor.u32 $0xD0000000, s2;
	s6 =	simm.s32 $0x108;
	_ =	swait.ge @!p0 [sflag:s8], $0x0  }
0x24: {  	s3 =	sadd.s32 $0x88, s3;
	s6 =	simm.s32 @!p1 $0x1082;
	[sflag:s4] =	ssyncset.s32 $0xFFFFF086  }
0x25: {  	[simem:s6], [sflag:s4] =	dma.local [hbm:s3], $0xF7A  }
0x26: {  	[smem:$0x3F9A] =	sst s1;
	(tag) =	ssettag s2;
	_ =	strace s9  }
0x27: {  	s1 =	sld [smem:$0x3FAA]  }
0x28: {  	s2 =	sld [smem:$0x3FAB]  }
0x29: {  	s4 =	sld [smem:$0x3FAD]  }
0x2a: {  	p0 =	seq.s32 s5, $0x0;
	s5 =	sld [smem:$0x3FAE]  }
0x2b: {  	s6 =	sld [smem:$0x3FAF]  }
0x2c: {  	s7 =	sld [smem:$0x3FB0]  }
0x2d: {  	s3 =	simm.s32 $0x108;
	s8 =	sld [smem:$0x3FB1]  }
0x2e: {  	s3 =	simm.s32 @!p0 $0x1082;
	s9 =	sld [smem:$0x3FB2]  }
0x2f: {  	lr =	sadd.s32 s0, s3;
	s0 =	sld [smem:$0x3FA9]  }
0x30: {  	s3 =	sld [smem:$0x3FAC]  }
0x31: {  	[smem:$0x3FB5] =	sst s10  }
0x32: {  	s10 =	sld [smem:$0x3FB3];
	_ =	sdelay $0x3  }
0x33: {  	p0 =	seq.s32 s10, $0x1;
	s10 =	sld [smem:$0x3FB5];
	_ =	sdelay $0x3  }
0x34: {  	[smem:$0x3FB5] =	sst s10  }
0x35: {  	s10 =	sld [smem:$0x3FB4];
	_ =	sdelay $0x3  }
0x36: {  	p1 =	seq.s32 s10, $0x1;
	s10 =	sld [smem:$0x3FB5];
	_ =	sdelay $0x3  }
0x37: {  	[smem:$0x3FB5] =	sst s10  }
0x38: {  	s10 =	sld [smem:$0x3FB6]  }
0x39: {  	_ = 	snop;
	(pc) =	sbr.ind lr, $3  }
0x3a: {  	_ = 	snop  }
0x3b: {  	_ = 	snop  }
0x3c: {  	p2 =	seq.s32 s10, $0x1;
	s10 =	sld [smem:$0x3FB5]  }
0x3d: {  	_ =	shalt  }
0x3e: {  	_ =	shalt  }
0x3f: {  	_ =	shalt  }
0x40: {  	_ =	shalt  }
0x41: {  	_ =	shalt  }
0x42: {  	_ =	shalt  }
0x43: {  	_ =	shalt  }
0x44: {  	_ =	shalt  }
0x45: {  	_ =	shalt  }
0x46: {  	_ =	shalt  }
0x47: {  	_ =	shalt  }
0x48: {  	_ =	shalt  }
0x49: {  	_ =	shalt  }
0x4a: {  	_ =	shalt  }
0x4b: {  	_ =	shalt  }
0x4c: {  	_ =	shalt  }
0x4d: {  	_ =	shalt  }
0x4e: {  	_ =	shalt  }
0x4f: {  	_ =	shalt  }
0x50: {  	_ =	shalt  }
0x51: {  	_ =	shalt  }
0x52: {  	_ =	shalt  }
0x53: {  	_ =	shalt  }
0x54: {  	_ =	shalt  }
0x55: {  	_ =	shalt  }
0x56: {  	_ =	shalt  }
0x57: {  	_ =	shalt  }
0x58: {  	_ =	shalt  }
0x59: {  	_ =	shalt  }
0x5a: {  	_ =	shalt  }
0x5b: {  	_ =	shalt  }
0x5c: {  	_ =	shalt  }
0x5d: {  	_ =	shalt  }
0x5e: {  	_ =	shalt  }
0x5f: {  	_ =	shalt  }
0x60: {  	_ =	shalt  }
0x61: {  	_ =	shalt  }
0x62: {  	_ =	shalt  }
0x63: {  	_ =	shalt  }
0x64: {  	_ =	shalt  }
0x65: {  	_ =	shalt  }
0x66: {  	_ =	shalt  }
0x67: {  	_ =	shalt  }
0x68: {  	_ =	shalt  }
0x69: {  	_ =	shalt  }
0x6a: {  	_ =	shalt  }
0x6b: {  	_ =	shalt  }
0x6c: {  	_ =	shalt  }
0x6d: {  	_ =	shalt  }
0x6e: {  	_ =	shalt  }
0x6f: {  	_ =	shalt  }
0x70: {  	_ =	shalt  }
0x71: {  	_ =	shalt  }
0x72: {  	_ =	shalt  }
0x73: {  	_ =	shalt  }
0x74: {  	_ =	shalt  }
0x75: {  	_ =	shalt  }
0x76: {  	_ =	shalt  }
0x77: {  	_ =	shalt  }
0x78: {  	_ =	shalt  }
0x79: {  	_ =	shalt  }
0x7a: {  	_ =	shalt  }
0x7b: {  	_ =	shalt  }
0x7c: {  	_ =	shalt  }
0x7d: {  	_ =	shalt  }
0x7e: {  	_ =	shalt  }
0x7f: {  	_ =	shalt  }
0x80: {  	_ =	shalt  }
0x81: {  	_ =	shalt  }
0x82: {  	_ =	shalt  }
0x83: {  	_ =	shalt  }
0x84: {  	_ =	shalt  }
0x85: {  	_ =	shalt  }
0x86: {  	_ =	shalt  }
0x87: {  	_ =	shalt  }
.Lfunc_end0:
.L_simem_size_0:
called_computation_lowered:
.L_overlay_start_0:
0x88: {  	s2 =	sld [smem:$0x3FD9]  }
0x89: {  	s3 =	sld [smem:$0x3FFE];
	_ =	sdelay $0x1  }
0x8a: {  	s1 =	srdreg.scid  }
0x8b: {  	s0 =	sand.u32 $0x1, s1  }
0x8c: {  	s17 =	sshll.u32 s0, $0xA;
	s2 =	sadd.s32 s3, s2  }
0x8d: {  	s2 =	sadd.s32 s2, s17  }
0x8e: {  	[smem:$0x3FC1] =	sst s2  }
0x8f: {  	_ = 	snop  }
0x90: {  	s2 =	sld [smem:$0x3FC9]  }
0x91: {  	s18 =	sld [smem:$0x3FD0];
	(tm) =	ssettm $0x1  }
0x92: {  	s4 =	sld [smem:$0x3FFB];
	_ =	sdelay $0x3  }
0x93: {  	_ =	strace s4  }
0x94: {  	s4 =	sld [smem:$0x3FFC];
	_ =	sdelay $0x3  }
0x95: {  	_ =	strace s4  }
0x96: {  	s4 =	sld [smem:$0x3FFD];
	_ =	sdelay $0x3  }
0x97: {  	_ =	strace s4  }
0x98: {  	_ =	strace $0x8FFFFFFF  }
0x99: {  	s19 =	sld [smem:$0x3FDB];
	_ =	sdelay $0x1  }
0x9a: {  	s5 =	simm.s32 $_scs_section_size  }
0x9b: {  	s6 =	simm.s32 $_size__tile_overlayer_lowered;
	s7 =	simm.s32 $_tile_overlayer_lowered  }
0x9c: {  	s22 =	simm.s32 $0x1BFF;
	s21 =	sshll.u32 s7, $0x1;
	s4 =	sadd.s32 s5, s19  }
0x9d: {  	s8 =	simm.s32 $0x0;
	s20 =	sshll.u32 s6, $0x1;
	s6 =	sadd.s32 s21, s4  }
0x9e: {  	[timem:s8], [sflag:s22] =	dma.local [hbm:s6], s20  }
0x9f: {  	_ =	swait.ge [sflag:s22], s20  }
0xa0: {  	s5 =	ssub.s32 $0x0, s20;
	[sflag:s22] =	ssyncset.done $0x0  }
0xa1: {  	[sflag:s22] =	ssyncadd.s32 s5;
	_ =	sdelay $0x1  }
0xa2: {  	s23 =	simm.s32 $0x1B8B  }
0xa3: {  	_ =	swait.ge [sflag:s23], $0x1  }
0xa4: {  	[sflag:s23] =	ssyncset.done $0x0  }
0xa5: {  	s25 =	simm.s32 $0x1B8E;
	s24 =	sld [smem:$0x3FFE];
	[sflag:s23] =	ssyncadd.s32 $0xFFFFFFFF  }
0xa6: {  	s26 =	simm.s32 $execute0_lowered;
	[smem:$0x3FD2] =	sst s25  }
0xa7: {  	s6 =	sshll.u32 s26, $0x1;
	_ =	strace $0x80000046;
	[dreg:$0x1] =	wrdreg $0xFFFFFFFF  }
0xa8: {  	s28 =	simm.s32 $_size_execute0_lowered;
	s4 =	sadd.s32 s4, s6;
	[dreg:$0x0] =	wrdreg $0x0  }
0xa9: {  	s6 =	sshll.u32 s28, $0x1;
	[dreg:$0x2] =	wrdreg s4  }
0xaa: {  	[dreg:$0x3] =	wrdreg s6  }
0xab: {  	[dreg:$0x4] =	wrdreg $0xC0  }
0xac: {  	_ =	task [dreg:s8], $0x5FFFF  }
0xad: {  	[dreg:$0x1] =	wrdreg $0xFFFFFFFF  }
0xae: {  	[dreg:$0x0] =	wrdreg $0x60  }
0xaf: {  	[dreg:$0x2] =	wrdreg s2  }
0xb0: {  	[dreg:$0x3] =	wrdreg s24  }
0xb1: {  	[dreg:$0x4] =	wrdreg s18  }
0xb2: {  	[dreg:$0x5] =	wrdreg $0x90000  }
0xb3: {  	[dreg:$0x6] =	wrdreg $0x134880  }
0xb4: {  	[dreg:$0x7] =	wrdreg $0x9  }
0xb5: {  	_ =	task.clear_ibuf [dreg:s8], $0x8FFFF;
	_ =	strace $0x90000046  }
0xb6: {  	s29 =	simm.s32 $0x9;
	_ =	strace $0x80000048  }
0xb7: {  	_ =	swait.ge [sflag:s29], $0x1  }
0xb8: {  	[sflag:s29] =	ssyncadd.s32 $0xFFFFFFFF  }
0xb9: {  	_ =	strace $0x90000048  }
0xba: {  	_ =	sfence  }
0xbb: {  	s30 =	sld [smem:$0x0];
	_ =	sdelay $0x2  }
0xbc: {  	s31 =	sshll.u32 s1, $0xD;
	s1 =	sshrl.u32 s1, $0x2  }
0xbd: {  	s3 =	sand.u32 $0x4000, s31;
	s1 =	sadd.s32 s1, s30  }
0xbe: {  	s0 =	sor.u32 s3, s0;
	s1 =	sshll.u32 s1, $0x11  }
0xbf: {  	s0 =	sor.u32 s1, s0  }
0xc0: {  	s0 =	sadd.s32 $0x8F2B, s0  }
0xc1: {  	[sflag:s0] =	ssyncadd.remote.s32 $0x1  }
0xc2: {  	_ =	sfence.sel $0xFFFF  }
0xc3: {  	[dreg:$0x0] =	wrdreg $0xFFFFFFFF;
	(pc) =	sbr.abs _section_cstart, $3  }
0xc4: {  	[dreg:$0x1] =	wrdreg $0xFFFFFFFF  }
0xc5: {  	_ =	task.clear_ibuf [dreg:s8], $0x2FFFF;
	_ =	strace $0x9FFFFFFF  }
0xc6: {  	(tm) =	ssettm $0x7FFFFFFF  }
0xc7: {  	_ =	shalt  }
tec
execute0_lowered:
.L_overlay_start_1:
0x0: {  	(tag) =	ssettag $0x1  }
0x1: {  	s1 =	rddreg [dreg:$0x0]  }
0x2: {  	s0 =	rddreg [dreg:$0x1]  }
0x3: {  	s16 =	rddreg [dreg:$0x2]  }
0x4: {  	s2 =	rddreg [dreg:$0x3]  }
0x5: {  	s4 =	rddreg [dreg:$0x4];
	s5 =	simm.s32 $0x0;
	s6 =	srdreg.scid  }
0x6: {  	s3 =	stileid.u32;
	s19 =	simm.s32 $0xB488;
	s20 =	simm.s32 $0x1  }
0x7: {  	s21 =	simm.s32 $0x1000;
	s22 =	simm.s32 $0x1D0C8;
	s24 =	simm.s32 $0x80  }
0x8: {  	s25 =	simm.s32 $0xB388;
	[smem:$0x7FF] =	sst s5;
	s8 =	smul.u32 $0x140, s3  }
0x9: {  	s9 =	sand.u32 $0x1, s6;
	s6 =	sadd.s32 $0x16C00, s0;
	s15 =	smul.u32 $0x5000, s3  }
0xa: {  	s7 =	sadd.s32 $0xCC00, s0;
	_ =	strace $0x80000047;
	s23 =	smul.u32 $0x1388, s9  }
0xb: {  	s9 =	ssub.s32 $0x2, s9;
	s10 =	smin.u32 s8, $0x1248;
	s8 =	sadd.s32 $0x2C00, s0  }
0xc: {  	s31 =	sshrl.u32 s9, $0x1;
	s11 =	sadd.s32 s23, s10;
	s12 =	sshll.u32 s10, $0x7  }
0xd: {  	s18 =	ssub.s32 s9, s31;
	v0 =	vmov s23;
	s23 =	simm.s32 $0xA388;
	s17 =	sshll.u32 s11, $0x4  }
0xe: {  	s9 =	sadd.s32 s12, s4;
	s10 =	sadd.s32 s12, s2;
	s13 =	sadd.s32 $0x4000, s12  }
0xf: {  	s14 =	sadd.s32 $0x8000, s12;
	s18 =	smax.u32 s18, $0x1;
	s0 =	sadd.s32 s17, s0  }
0x10: {  	s11 =	sadd.s32 s13, s4;
	s12 =	sadd.s32 s13, s2;
	s13 =	sadd.s32 s14, s4  }
0x11: {  	v1 =	vimm.f32 $0.0e+00;
	v2 =	vimm.s32 $0x0;
	s14 =	sadd.s32 s14, s2;
	s16 =	sadd.s32 s16, s17;
	s17 =	sadd.s32 $0x20C00, s0  }
.LBB2_1:
0x12: {  	s0 =	simm.s32 $0x0;
	s26 =	simm.s32 $0x200  }
.LBB2_2:
0x13: {  	p0 =	sne.s32 s26, $0xFE00;
	[tilespmem:s0+$0x5000] =	vst v1  }
0x14: {  	[tilespmem:s0+$0xB488] =	vst v1  }
0x15: {  	[tilespmem:s0+$0xB498] =	vst v1  }
0x16: {  	[tilespmem:s0+$0xB4A8] =	vst v1  }
0x17: {  	[tilespmem:s0+$0xB4B8] =	vst v1  }
0x18: {  	[tilespmem:s0+$0xB4C8] =	vst v1  }
0x19: {  	[tilespmem:s0+$0xB4D8] =	vst v1  }
0x1a: {  	[tilespmem:s0+$0xB4E8] =	vst v1  }
0x1b: {  	[tilespmem:s0+$0xB4F8] =	vst v1  }
0x1c: {  	[tilespmem:s0+$0x1000] =	vst v1  }
0x1d: {  	[tilespmem:s0+$0xF488] =	vst v1  }
0x1e: {  	[tilespmem:s0+$0xF498] =	vst v1  }
0x1f: {  	[tilespmem:s0+$0xF4A8] =	vst v1  }
.Ltmp0:
0x20: {  	[tilespmem:s0+$0xF4B8] =	vst v1;
	(pc) =	sbr.rel @p0 .LBB2_2-.Ltmp0, $4  }
0x21: {  	[tilespmem:s0+$0xF4C8] =	vst v1  }
0x22: {  	[tilespmem:s0+$0xF4D8] =	vst v1  }
0x23: {  	[tilespmem:s0+$0xF4E8] =	vst v1  }
0x24: {  	[tilespmem:s0+$0xF4F8] =	vst v1;
	s0 =	sshra.s32 s26, $0x2;
	s26 =	sadd.s32 $0x200, s26  }
0x25: {  	[tilespmem:s0+$0x5000] =	vst v1  }
0x26: {  	[tilespmem:s0+$0xB488] =	vst v1  }
0x27: {  	[tilespmem:s0+$0xB498] =	vst v1  }
0x28: {  	[tilespmem:s0+$0xB4A8] =	vst v1  }
0x29: {  	[tilespmem:s0+$0xB4B8] =	vst v1  }
0x2a: {  	[tilespmem:s0+$0xB4C8] =	vst v1  }
0x2b: {  	[tilespmem:s0+$0xB4D8] =	vst v1  }
0x2c: {  	[tilespmem:s0+$0xB4E8] =	vst v1  }
0x2d: {  	[tilespmem:s0+$0xB4F8] =	vst v1  }
0x2e: {  	[tilespmem:s0+$0x1000] =	vst v1  }
0x2f: {  	[tilespmem:s0+$0xF488] =	vst v1  }
0x30: {  	[tilespmem:s0+$0xF498] =	vst v1  }
0x31: {  	[tilespmem:s0+$0xF4A8] =	vst v1  }
0x32: {  	[tilespmem:s0+$0xF4B8] =	vst v1  }
0x33: {  	[tilespmem:s0+$0xF4C8] =	vst v1  }
0x34: {  	[tilespmem:s0+$0xF4D8] =	vst v1  }
0x35: {  	[tilespmem:s0+$0xF4E8] =	vst v1  }
0x36: {  	[tilespmem:s0+$0xF4F8] =	vst v1  }
0x37: {  	[tilespmem:$0xB388] =	vst v2  }
0x38: {  	[tilespmem:$0xB398] =	vst v2  }
0x39: {  	[tilespmem:$0xB3A8] =	vst v2  }
0x3a: {  	[tilespmem:$0xB3B8] =	vst v2  }
0x3b: {  	[tilespmem:$0xB3C8] =	vst v2  }
0x3c: {  	[tilespmem:$0xB3D8] =	vst v2  }
0x3d: {  	[tilespmem:$0xB3E8] =	vst v2  }
0x3e: {  	[tilespmem:$0xB3F8] =	vst v2  }
0x3f: {  	[tilespmem:$0xB408] =	vst v2  }
0x40: {  	[tilespmem:$0xB418] =	vst v2  }
0x41: {  	[tilespmem:$0xB428] =	vst v2  }
0x42: {  	[tilespmem:$0xB438] =	vst v2  }
0x43: {  	[tilespmem:$0xB448] =	vst v2  }
0x44: {  	[tilespmem:$0xB458] =	vst v2  }
0x45: {  	[tilespmem:$0xB468] =	vst v2  }
0x46: {  	[tilespmem:$0xB478] =	vst v2  }
0x47: {  	[spmem:s9] =	stream.linear.scatter [tilespmem:s19], [sflag:$0x1], $0x4000, $0x38;
	[tilespmem:$0x1E0C8] =	vst v63  }
0x48: {  	_ =	swait.ge [sflag:s20], $0x4000  }
0x49: {  	[sflag:s20] =	ssyncset.done $0x0  }
0x4a: {  	[sflag:s20] =	ssyncadd.s32 $0xFFFFC000  }
0x4b: {  	[spmem:s10] =	stream.linear.scatter [tilespmem:s21], [sflag:$0x1], $0x4000, $0x38;
	[tilespmem:$0x1E0C8] =	vst v63  }
0x4c: {  	_ =	swait.ge [sflag:s20], $0x4000  }
0x4d: {  	[sflag:s20] =	ssyncset.done $0x0  }
0x4e: {  	[sflag:s20] =	ssyncadd.s32 $0xFFFFC000  }
0x4f: {  	[spmem:s11] =	stream.linear.scatter [tilespmem:s19], [sflag:$0x1], $0x4000, $0x38;
	[tilespmem:$0x1E0C8] =	vst v63  }
0x50: {  	_ =	swait.ge [sflag:s20], $0x4000  }
0x51: {  	[sflag:s20] =	ssyncset.done $0x0  }
0x52: {  	[sflag:s20] =	ssyncadd.s32 $0xFFFFC000  }
0x53: {  	[spmem:s12] =	stream.linear.scatter [tilespmem:s21], [sflag:$0x1], $0x4000, $0x38;
	[tilespmem:$0x1E0C8] =	vst v63  }
0x54: {  	_ =	swait.ge [sflag:s20], $0x4000  }
0x55: {  	[sflag:s20] =	ssyncset.done $0x0  }
0x56: {  	[sflag:s20] =	ssyncadd.s32 $0xFFFFC000  }
0x57: {  	[spmem:s13] =	stream.linear.scatter [tilespmem:s19], [sflag:$0x1], $0x2000, $0x38;
	[tilespmem:$0x1E0C8] =	vst v63  }
0x58: {  	_ =	swait.ge [sflag:s20], $0x2000  }
0x59: {  	[sflag:s20] =	ssyncset.done $0x0  }
0x5a: {  	[sflag:s20] =	ssyncadd.s32 $0xFFFFE000  }
0x5b: {  	[spmem:s14] =	stream.linear.scatter [tilespmem:s21], [sflag:$0x1], $0x2000, $0x38;
	[tilespmem:$0x1E0C8] =	vst v63  }
0x5c: {  	_ =	swait.ge [sflag:s20], $0x2000  }
0x5d: {  	[sflag:s20] =	ssyncset.done $0x0  }
0x5e: {  	[sflag:s20] =	ssyncadd.s32 $0xFFFFE000  }
0x5f: {  	s26 =	simm.s32 $0x0;
	s28 =	simm.s32 $0x0;
	[bflag:$0x0] =	sbarrier.arrive $0xFFFF  }
.LBB2_4:
0x60: {  	s0 =	sshll.u32 s28, $0xC  }
0x61: {  	s0 =	sadd.s32 s15, s0  }
0x62: {  	s0 =	sshrl.u32 s0, $0x3  }
0x63: {  	s29 =	sadd.s32 s6, s0  }
0x64: {  	[tilespmem:s22], [sflag:$0x1] =	stream.linear.gather [hbm4b:s29+s26], $0x1000, $0x38;
	[tilespmem:$0x1E0C8] =	vst v63  }
0x65: {  	_ =	swait.ge [sflag:s20], $0x1000  }
0x66: {  	[sflag:s20] =	ssyncset.done $0x0  }
0x67: {  	s29 =	sadd.s32 s7, s0;
	[sflag:s20] =	ssyncadd.s32 $0xFFFFF000  }
0x68: {  	[tilespmem:s23], [sflag:$0x1] =	stream.linear.gather [hbm4b:s29+s26], $0x1000, $0x38;
	[tilespmem:$0x1E0C8] =	vst v63  }
0x69: {  	_ =	swait.ge [sflag:s20], $0x1000  }
0x6a: {  	[sflag:s20] =	ssyncset.done $0x0  }
0x6b: {  	s0 =	sadd.s32 s8, s0;
	[sflag:s20] =	ssyncadd.s32 $0xFFFFF000  }
0x6c: {  	[tilespmem:s26], [sflag:$0x1] =	stream.linear.gather [hbm4b:s0+s26], $0x1000, $0x38;
	[tilespmem:$0x1E0C8] =	vst v63  }
0x6d: {  	_ =	swait.ge [sflag:s20], $0x1000  }
0x6e: {  	[sflag:s20] =	ssyncset.done $0x0  }
0x6f: {  	s29 =	simm.s32 $0x0;
	[sflag:s20] =	ssyncadd.s32 $0xFFFFF000  }
.LBB2_5:
0x70: {  	s30 =	sshll.u32 s29, $0x7  }
0x71: {  	s0 =	sadd.s32 $0x1D0C8, s30  }
0x72: {  	[tilespmem:s19], [sflag:$0x1] =	stream.indirect.gather [hbm4b:s1+s24], $0x80, s0, s24, $0xb8;
	[tilespmem:$0x1E0C8] =	vst v63  }
0x73: {  	_ =	swait.ge [sflag:s20], $0x4000  }
0x74: {  	[sflag:s20] =	ssyncset.done $0x0  }
0x75: {  	s31 =	simm.s32 $0x0;
	[sflag:s20] =	ssyncadd.s32 $0xFFFFC000  }
.LBB2_6:
0x76: {  	s0 =	sshll.u32 s31, $0x4  }
0x77: {  	s3 =	sor.u32 s30, s0  }
0x78: {  	v3 =	vld [tilespmem:s3+$0x0];
	_ =	sdelay $0x4  }
0x79: {  	v4 =	vmul.f32 $1.442695020e+00, v3  }
0x7a: {  	v5 =	vld [tilespmem:s3+$0xA388]  }
0x7b: {  	(erf) = vpow2.f32 v4;
	_ =	sdelay $0x2  }
0x7c: {  	v37 =	vld [tilespmem:s3+$0x1D0C8]  }
0x7d: {  	v6 =	vsub.s32 v5, v0  }
0x7e: {  	vm0 =	vlt.u32 v6, $0x1388  }
0x7f: {  	v6 =	vnsel vm0, $0x0, v6  }
0x80: {  	s3 =	sshll.u32 s31, $0xB;
	[tilespmem:s0+$0xB388] =	vst v6  }
0x81: {  	vm1 =	vne.s32 v37, v5;
	v38 =	vld [tilespmem:s3+$0xB488]  }
0x82: {  	vm1 =	vmand vm1, vm0;
	v3 =	vnsel vm0, $0x0, v3;
	v6 =	vld [tilespmem:s3+$0xB498];
	v39 =	vpop (erf)  }
0x83: {  	v10 =	vbroadcast v3, $0x0;
	v7 =	vld [tilespmem:s3+$0xB4A8];
	v4 =	vnsel vm1, $0x0, v39  }
0x84: {  	v53 =	vbroadcast v3, $0x1;
	v9 =	vld [tilespmem:s3+$0xB4B8];
	v8 =	vbroadcast v4, $0x0  }
0x85: {  	v23 =	vbroadcast v3, $0x2;
	v11 =	vld [tilespmem:s3+$0xB4C8];
	[tilespmem:s3+$0x1000] =	vst v10  }
0x86: {  	v12 =	vld [tilespmem:s3+$0xB4D8];
	[tilespmem:s3+$0x1080] =	vst v53;
	v5 =	vmul.f32 v8, v38  }
0x87: {  	v40 =	vld [tilespmem:s3+$0xB4E8];
	[tilespmem:s3+$0x1100] =	vst v23;
	v6 =	vmul.f32 v8, v6  }
0x88: {  	v42 =	vld [tilespmem:s3+$0xB4F8];
	v41 =	vmul.f32 v7, v8;
	[tilespmem:s3+$0xB488] =	vst v5  }
0x89: {  	v45 =	vld [tilespmem:s3+$0xB508];
	v43 =	vmul.f32 v9, v8;
	[tilespmem:s3+$0xB498] =	vst v6  }
0x8a: {  	v47 =	vld [tilespmem:s3+$0xB518];
	v44 =	vmul.f32 v11, v8;
	[tilespmem:s3+$0xB4A8] =	vst v41  }
0x8b: {  	v49 =	vld [tilespmem:s3+$0xB528];
	v46 =	vmul.f32 v12, v8;
	[tilespmem:s3+$0xB4B8] =	vst v43  }
0x8c: {  	v52 =	vld [tilespmem:s3+$0xB538];
	v51 =	vbroadcast v4, $0x1;
	v48 =	vmul.f32 v40, v8;
	[tilespmem:s3+$0xB4C8] =	vst v44  }
0x8d: {  	v54 =	vld [tilespmem:s3+$0xB548];
	v50 =	vmul.f32 v42, v8;
	[tilespmem:s3+$0xB4D8] =	vst v46  }
0x8e: {  	v56 =	vld [tilespmem:s3+$0xB558];
	v55 =	vmul.f32 v45, v51;
	[tilespmem:s3+$0xB4E8] =	vst v48  }
0x8f: {  	v58 =	vld [tilespmem:s3+$0xB568];
	v57 =	vmul.f32 v47, v51;
	[tilespmem:s3+$0xB4F8] =	vst v50  }
0x90: {  	v60 =	vld [tilespmem:s3+$0xB578];
	v59 =	vmul.f32 v49, v51;
	[tilespmem:s3+$0xB508] =	vst v55  }
0x91: {  	v63 =	vld [tilespmem:s3+$0xB588];
	v61 =	vmul.f32 v52, v51;
	[tilespmem:s3+$0xB518] =	vst v57  }
0x92: {  	v17 =	vld [tilespmem:s3+$0xB598];
	v62 =	vmul.f32 v54, v51;
	[tilespmem:s3+$0xB528] =	vst v59  }
0x93: {  	v19 =	vld [tilespmem:s3+$0xB5A8];
	v16 =	vmul.f32 v56, v51;
	[tilespmem:s3+$0xB538] =	vst v61  }
0x94: {  	v22 =	vld [tilespmem:s3+$0xB5B8];
	v21 =	vbroadcast v4, $0x2;
	v18 =	vmul.f32 v58, v51;
	[tilespmem:s3+$0xB548] =	vst v62  }
0x95: {  	v24 =	vld [tilespmem:s3+$0xB5C8];
	v20 =	vmul.f32 v60, v51;
	[tilespmem:s3+$0xB558] =	vst v16  }
0x96: {  	v26 =	vld [tilespmem:s3+$0xB5D8];
	v25 =	vmul.f32 v63, v21;
	[tilespmem:s3+$0xB568] =	vst v18  }
0x97: {  	v28 =	vld [tilespmem:s3+$0xB5E8];
	v27 =	vmul.f32 v17, v21;
	[tilespmem:s3+$0xB578] =	vst v20  }
0x98: {  	v30 =	vld [tilespmem:s3+$0xB5F8];
	v29 =	vmul.f32 v19, v21;
	[tilespmem:s3+$0xB588] =	vst v25  }
0x99: {  	v35 =	vld [tilespmem:s3+$0xB618];
	v31 =	vmul.f32 v22, v21;
	[tilespmem:s3+$0xB598] =	vst v27  }
0x9a: {  	v37 =	vld [tilespmem:s3+$0xB628];
	v32 =	vmul.f32 v24, v21;
	[tilespmem:s3+$0xB5A8] =	vst v29  }
0x9b: {  	v34 =	vmul.f32 v26, v21;
	[tilespmem:s3+$0xB5B8] =	vst v31  }
0x9c: {  	v39 =	vbroadcast v4, $0x3;
	v36 =	vmul.f32 v28, v21;
	[tilespmem:s3+$0xB5C8] =	vst v32  }
0x9d: {  	v33 =	vld [tilespmem:s3+$0xB608];
	v38 =	vmul.f32 v30, v21;
	[tilespmem:s3+$0xB5D8] =	vst v34  }
0x9e: {  	v45 =	vmul.f32 v35, v39;
	[tilespmem:s3+$0xB5E8] =	vst v36  }
0x9f: {  	v53 =	vld [tilespmem:s3+$0xB698];
	v47 =	vmul.f32 v37, v39;
	[tilespmem:s3+$0xB5F8] =	vst v38  }
0xa0: {  	v13 =	vld [tilespmem:s3+$0xB6E8];
	v26 =	vbroadcast v3, $0x5;
	[tilespmem:s3+$0xB618] =	vst v45  }
0xa1: {  	v15 =	vld [tilespmem:s3+$0xB6F8];
	v41 =	vbroadcast v3, $0x3;
	[tilespmem:s3+$0xB628] =	vst v47  }
0xa2: {  	v40 =	vld [tilespmem:s3+$0xB638];
	v43 =	vmul.f32 v33, v39;
	v57 =	vbroadcast v4, $0x4;
	[tilespmem:s3+$0x1280] =	vst v26  }
0xa3: {  	v42 =	vld [tilespmem:s3+$0xB648];
	v59 =	vbroadcast v3, $0x4;
	[tilespmem:s3+$0x1180] =	vst v41  }
0xa4: {  	v51 =	vld [tilespmem:s3+$0xB688];
	[tilespmem:s3+$0xB608] =	vst v43;
	v63 =	vmul.f32 v53, v57  }
0xa5: {  	v58 =	vld [tilespmem:s3+$0xB6B8];
	[tilespmem:s3+$0x1200] =	vst v59;
	v21 =	vmul.f32 v13, v57  }
0xa6: {  	v60 =	vld [tilespmem:s3+$0xB6C8];
	v23 =	vmul.f32 v15, v57;
	[tilespmem:s3+$0xB698] =	vst v63  }
0xa7: {  	v22 =	vld [tilespmem:s3+$0xB728];
	v49 =	vmul.f32 v40, v39;
	[tilespmem:s3+$0xB6E8] =	vst v21  }
0xa8: {  	v44 =	vld [tilespmem:s3+$0xB658];
	v50 =	vmul.f32 v42, v39;
	[tilespmem:s3+$0xB6F8] =	vst v23  }
0xa9: {  	v46 =	vld [tilespmem:s3+$0xB668];
	v61 =	vmul.f32 v51, v57;
	[tilespmem:s3+$0xB638] =	vst v49  }
0xaa: {  	v24 =	vbroadcast v4, $0x5;
	v48 =	vld [tilespmem:s3+$0xB678];
	v16 =	vmul.f32 v58, v57;
	[tilespmem:s3+$0xB648] =	vst v50  }
0xab: {  	v55 =	vld [tilespmem:s3+$0xB6A8];
	v17 =	vmul.f32 v60, v57;
	[tilespmem:s3+$0xB688] =	vst v61  }
0xac: {  	v62 =	vld [tilespmem:s3+$0xB6D8];
	v32 =	vmul.f32 v22, v24;
	[tilespmem:s3+$0xB6B8] =	vst v16  }
0xad: {  	v18 =	vld [tilespmem:s3+$0xB708];
	v52 =	vmul.f32 v44, v39;
	[tilespmem:s3+$0xB6C8] =	vst v17  }
0xae: {  	v20 =	vld [tilespmem:s3+$0xB718];
	v54 =	vmul.f32 v46, v39;
	[tilespmem:s3+$0xB728] =	vst v32  }
0xaf: {  	v25 =	vld [tilespmem:s3+$0xB738];
	v56 =	vmul.f32 v48, v39;
	[tilespmem:s3+$0xB658] =	vst v52  }
0xb0: {  	v27 =	vld [tilespmem:s3+$0xB748];
	v14 =	vmul.f32 v55, v57;
	[tilespmem:s3+$0xB668] =	vst v54  }
0xb1: {  	v29 =	vld [tilespmem:s3+$0xB758];
	v19 =	vmul.f32 v62, v57;
	[tilespmem:s3+$0xB678] =	vst v56  }
0xb2: {  	v31 =	vld [tilespmem:s3+$0xB768];
	v28 =	vmul.f32 v18, v24;
	[tilespmem:s3+$0xB6A8] =	vst v14  }
0xb3: {  	v33 =	vld [tilespmem:s3+$0xB778];
	v30 =	vmul.f32 v20, v24;
	[tilespmem:s3+$0xB6D8] =	vst v19  }
0xb4: {  	v34 =	vmul.f32 v25, v24;
	[tilespmem:s3+$0xB708] =	vst v28  }
0xb5: {  	v36 =	vld [tilespmem:s3+$0xB788];
	v35 =	vmul.f32 v27, v24;
	[tilespmem:s3+$0xB718] =	vst v30  }
0xb6: {  	v38 =	vld [tilespmem:s3+$0xB798];
	v37 =	vmul.f32 v29, v24;
	[tilespmem:s3+$0xB738] =	vst v34  }
0xb7: {  	v45 =	vld [tilespmem:s3+$0xB7C8];
	v39 =	vmul.f32 v31, v24;
	[tilespmem:s3+$0xB748] =	vst v35  }
0xb8: {  	v47 =	vld [tilespmem:s3+$0xB7D8];
	v42 =	vbroadcast v4, $0x6;
	v41 =	vmul.f32 v33, v24;
	[tilespmem:s3+$0xB758] =	vst v37  }
0xb9: {  	v44 =	vbroadcast v3, $0x6;
	[tilespmem:s3+$0xB768] =	vst v39  }
0xba: {  	v46 =	vmul.f32 v36, v42;
	[tilespmem:s3+$0xB778] =	vst v41  }
0xbb: {  	v48 =	vmul.f32 v38, v42;
	[tilespmem:s3+$0x1300] =	vst v44  }
0xbc: {  	v43 =	vld [tilespmem:s3+$0xB7B8];
	v53 =	vmul.f32 v45, v42;
	[tilespmem:s3+$0xB788] =	vst v46  }
0xbd: {  	v40 =	vld [tilespmem:s3+$0xB7A8];
	v55 =	vmul.f32 v47, v42;
	[tilespmem:s3+$0xB798] =	vst v48  }
0xbe: {  	v51 =	vld [tilespmem:s3+$0xB7F8];
	v62 =	vbroadcast v3, $0x7;
	[tilespmem:s3+$0xB7C8] =	vst v53  }
0xbf: {  	v58 =	vld [tilespmem:s3+$0xB828];
	v29 =	vbroadcast v3, $0x8;
	[tilespmem:s3+$0xB7D8] =	vst v55  }
0xc0: {  	v63 =	vld [tilespmem:s3+$0xB848];
	v47 =	vbroadcast v3, $0x9;
	[tilespmem:s3+$0x1380] =	vst v62  }
0xc1: {  	v21 =	vld [tilespmem:s3+$0xB888];
	v52 =	vmul.f32 v43, v42;
	[tilespmem:s3+$0x1400] =	vst v29  }
0xc2: {  	v60 =	vbroadcast v4, $0x7;
	v23 =	vld [tilespmem:s3+$0xB898];
	[tilespmem:s3+$0x1480] =	vst v47;
	v50 =	vmul.f32 v40, v42  }
0xc3: {  	v49 =	vld [tilespmem:s3+$0xB7E8];
	v59 =	vmul.f32 v51, v42;
	[tilespmem:s3+$0xB7B8] =	vst v52  }
0xc4: {  	v61 =	vld [tilespmem:s3+$0xB838];
	v27 =	vbroadcast v4, $0x8;
	v17 =	vmul.f32 v58, v60;
	[tilespmem:s3+$0xB7A8] =	vst v50  }
0xc5: {  	v16 =	vld [tilespmem:s3+$0xB868];
	v20 =	vmul.f32 v63, v60;
	[tilespmem:s3+$0xB7F8] =	vst v59  }
0xc6: {  	v18 =	vld [tilespmem:s3+$0xB878];
	v31 =	vmul.f32 v21, v27;
	[tilespmem:s3+$0xB828] =	vst v17  }
0xc7: {  	v25 =	vld [tilespmem:s3+$0xB8A8];
	v33 =	vmul.f32 v23, v27;
	[tilespmem:s3+$0xB848] =	vst v20  }
0xc8: {  	v32 =	vld [tilespmem:s3+$0xB8D8];
	v57 =	vmul.f32 v49, v42;
	[tilespmem:s3+$0xB888] =	vst v31  }
0xc9: {  	v36 =	vld [tilespmem:s3+$0xB8F8];
	v19 =	vmul.f32 v61, v60;
	[tilespmem:s3+$0xB898] =	vst v33  }
0xca: {  	v24 =	vmul.f32 v16, v60;
	[tilespmem:s3+$0xB7E8] =	vst v57  }
0xcb: {  	v54 =	vld [tilespmem:s3+$0xB808];
	v26 =	vmul.f32 v18, v60;
	[tilespmem:s3+$0xB838] =	vst v19  }
0xcc: {  	v56 =	vld [tilespmem:s3+$0xB818];
	v35 =	vmul.f32 v25, v27;
	[tilespmem:s3+$0xB868] =	vst v24  }
0xcd: {  	v14 =	vld [tilespmem:s3+$0xB858];
	v40 =	vmul.f32 v32, v27;
	[tilespmem:s3+$0xB878] =	vst v26  }
0xce: {  	v28 =	vld [tilespmem:s3+$0xB8B8];
	v44 =	vmul.f32 v36, v27;
	[tilespmem:s3+$0xB8A8] =	vst v35  }
0xcf: {  	v30 =	vld [tilespmem:s3+$0xB8C8];
	v17 =	vbroadcast v3, $0xA;
	[tilespmem:s3+$0xB8D8] =	vst v40  }
0xd0: {  	v34 =	vld [tilespmem:s3+$0xB8E8];
	v13 =	vmul.f32 v54, v60;
	[tilespmem:s3+$0xB8F8] =	vst v44  }
0xd1: {  	v39 =	vld [tilespmem:s3+$0xB908];
	v15 =	vmul.f32 v56, v60;
	[tilespmem:s3+$0x1500] =	vst v17  }
0xd2: {  	v41 =	vld [tilespmem:s3+$0xB918];
	v22 =	vmul.f32 v14, v60;
	[tilespmem:s3+$0xB808] =	vst v13  }
0xd3: {  	v43 =	vld [tilespmem:s3+$0xB928];
	v37 =	vmul.f32 v28, v27;
	[tilespmem:s3+$0xB818] =	vst v15  }
0xd4: {  	v45 =	vbroadcast v4, $0x9;
	v46 =	vld [tilespmem:s3+$0xB938];
	v38 =	vmul.f32 v30, v27;
	[tilespmem:s3+$0xB858] =	vst v22  }
0xd5: {  	v48 =	vld [tilespmem:s3+$0xB948];
	v42 =	vmul.f32 v34, v27;
	[tilespmem:s3+$0xB8B8] =	vst v37  }
0xd6: {  	v49 =	vmul.f32 v39, v45;
	[tilespmem:s3+$0xB8C8] =	vst v38  }
0xd7: {  	v29 =	vld [tilespmem:s3+$0xBA18];
	v51 =	vmul.f32 v41, v45;
	[tilespmem:s3+$0xB8E8] =	vst v42  }
0xd8: {  	v52 =	vld [tilespmem:s3+$0xB968];
	v53 =	vmul.f32 v43, v45;
	[tilespmem:s3+$0xB908] =	vst v49  }
0xd9: {  	v55 =	vmul.f32 v46, v45;
	[tilespmem:s3+$0xB918] =	vst v51  }
0xda: {  	v50 =	vld [tilespmem:s3+$0xB958];
	v33 =	vbroadcast v4, $0xB;
	v56 =	vmul.f32 v48, v45;
	[tilespmem:s3+$0xB928] =	vst v53  }
0xdb: {  	v59 =	vld [tilespmem:s3+$0xB998];
	v35 =	vbroadcast v3, $0xB;
	[tilespmem:s3+$0xB938] =	vst v55  }
0xdc: {  	v61 =	vld [tilespmem:s3+$0xB9A8];
	v39 =	vmul.f32 v29, v33;
	[tilespmem:s3+$0xB948] =	vst v56  }
0xdd: {  	v16 =	vld [tilespmem:s3+$0xB9B8];
	v60 =	vmul.f32 v52, v45;
	[tilespmem:s3+$0x1580] =	vst v35  }
0xde: {  	v63 =	vbroadcast v4, $0xA;
	v18 =	vld [tilespmem:s3+$0xB9C8];
	v53 =	vbroadcast v3, $0xC;
	[tilespmem:s3+$0xBA18] =	vst v39  }
0xdf: {  	v36 =	vld [tilespmem:s3+$0xBA48];
	v58 =	vmul.f32 v50, v45;
	[tilespmem:s3+$0xB968] =	vst v60  }
0xe0: {  	v20 =	vld [tilespmem:s3+$0xB9D8];
	v21 =	vmul.f32 v59, v63;
	[tilespmem:s3+$0x1600] =	vst v53  }
0xe1: {  	v31 =	vld [tilespmem:s3+$0xBA28];
	v23 =	vmul.f32 v61, v63;
	[tilespmem:s3+$0xB958] =	vst v58  }
0xe2: {  	v54 =	vld [tilespmem:s3+$0xB978];
	v25 =	vmul.f32 v16, v63;
	[tilespmem:s3+$0xB998] =	vst v21  }
0xe3: {  	v57 =	vld [tilespmem:s3+$0xB988];
	v26 =	vmul.f32 v18, v63;
	[tilespmem:s3+$0xB9A8] =	vst v23  }
0xe4: {  	v24 =	vld [tilespmem:s3+$0xB9F8];
	v44 =	vmul.f32 v36, v33;
	[tilespmem:s3+$0xB9B8] =	vst v25  }
0xe5: {  	v27 =	vld [tilespmem:s3+$0xBA08];
	v28 =	vmul.f32 v20, v63;
	[tilespmem:s3+$0xB9C8] =	vst v26  }
0xe6: {  	v34 =	vld [tilespmem:s3+$0xBA38];
	v41 =	vmul.f32 v31, v33;
	[tilespmem:s3+$0xBA48] =	vst v44  }
0xe7: {  	v40 =	vld [tilespmem:s3+$0xBA68];
	v62 =	vmul.f32 v54, v45;
	[tilespmem:s3+$0xB9D8] =	vst v28  }
0xe8: {  	v47 =	vld [tilespmem:s3+$0xBA98];
	v19 =	vmul.f32 v57, v63;
	[tilespmem:s3+$0xBA28] =	vst v41  }
0xe9: {  	v32 =	vmul.f32 v24, v63;
	[tilespmem:s3+$0xB978] =	vst v62  }
0xea: {  	v22 =	vld [tilespmem:s3+$0xB9E8];
	v37 =	vmul.f32 v27, v33;
	[tilespmem:s3+$0xB988] =	vst v19  }
0xeb: {  	v38 =	vld [tilespmem:s3+$0xBA58];
	v51 =	vbroadcast v4, $0xC;
	v43 =	vmul.f32 v34, v33;
	[tilespmem:s3+$0xB9F8] =	vst v32  }
0xec: {  	v42 =	vld [tilespmem:s3+$0xBA78];
	v48 =	vmul.f32 v40, v33;
	[tilespmem:s3+$0xBA08] =	vst v37  }
0xed: {  	v49 =	vld [tilespmem:s3+$0xBAA8];
	v57 =	vmul.f32 v47, v51;
	[tilespmem:s3+$0xBA38] =	vst v43  }
0xee: {  	v52 =	vld [tilespmem:s3+$0xBAB8];
	v40 =	vbroadcast v3, $0xE;
	[tilespmem:s3+$0xBA68] =	vst v48  }
0xef: {  	v56 =	vld [tilespmem:s3+$0xBAD8];
	v30 =	vmul.f32 v22, v63;
	[tilespmem:s3+$0xBA98] =	vst v57  }
0xf0: {  	v46 =	vmul.f32 v38, v33;
	[tilespmem:s3+$0x1700] =	vst v40  }
0xf1: {  	v29 =	vld [tilespmem:s3+$0xBB78];
	v50 =	vmul.f32 v42, v33;
	[tilespmem:s3+$0xB9E8] =	vst v30  }
0xf2: {  	v59 =	vmul.f32 v49, v51;
	[tilespmem:s3+$0xBA58] =	vst v46  }
0xf3: {  	v16 =	vld [tilespmem:s3+$0xBB18];
	v61 =	vmul.f32 v52, v51;
	[tilespmem:s3+$0xBA78] =	vst v50  }
0xf4: {  	v18 =	vld [tilespmem:s3+$0xBB28];
	v20 =	vbroadcast v4, $0xD;
	v15 =	vmul.f32 v56, v51;
	[tilespmem:s3+$0xBAA8] =	vst v59  }
0xf5: {  	v60 =	vld [tilespmem:s3+$0xBAF8];
	v22 =	vbroadcast v3, $0xD;
	[tilespmem:s3+$0xBAB8] =	vst v61  }
0xf6: {  	v36 =	vld [tilespmem:s3+$0xBBA8];
	v37 =	vmul.f32 v29, v20;
	[tilespmem:s3+$0xBAD8] =	vst v15  }
0xf7: {  	v39 =	vld [tilespmem:s3+$0xBBB8];
	v3 =	vbroadcast v3, $0xF;
	[tilespmem:s3+$0x1680] =	vst v22  }
0xf8: {  	v45 =	vld [tilespmem:s3+$0xBA88];
	v26 =	vmul.f32 v16, v20;
	[tilespmem:s3+$0xBB78] =	vst v37  }
0xf9: {  	v54 =	vld [tilespmem:s3+$0xBAC8];
	v38 =	vbroadcast v4, $0xE;
	v28 =	vmul.f32 v18, v20;
	[tilespmem:s3+$0x1780] =	vst v3  }
0xfa: {  	v58 =	vld [tilespmem:s3+$0xBAE8];
	v19 =	vmul.f32 v60, v51;
	[tilespmem:s3+$0xBB18] =	vst v26  }
0xfb: {  	v21 =	vld [tilespmem:s3+$0xBB38];
	v46 =	vmul.f32 v36, v38;
	[tilespmem:s3+$0xBB28] =	vst v28  }
0xfc: {  	v23 =	vld [tilespmem:s3+$0xBB48];
	v48 =	vmul.f32 v39, v38;
	[tilespmem:s3+$0xBAF8] =	vst v19  }
0xfd: {  	v25 =	vld [tilespmem:s3+$0xBB58];
	v55 =	vmul.f32 v45, v51;
	[tilespmem:s3+$0xBBA8] =	vst v46  }
0xfe: {  	v27 =	vld [tilespmem:s3+$0xBB68];
	v62 =	vmul.f32 v54, v51;
	[tilespmem:s3+$0xBBB8] =	vst v48  }
0xff: {  	v34 =	vld [tilespmem:s3+$0xBB98];
	v17 =	vmul.f32 v58, v51;
	[tilespmem:s3+$0xBA88] =	vst v55  }
0x100: {  	v41 =	vld [tilespmem:s3+$0xBBC8];
	v30 =	vmul.f32 v21, v20;
	[tilespmem:s3+$0xBAC8] =	vst v62  }
0x101: {  	v63 =	vld [tilespmem:s3+$0xBB08];
	v31 =	vmul.f32 v23, v20;
	[tilespmem:s3+$0xBAE8] =	vst v17  }
0x102: {  	v32 =	vld [tilespmem:s3+$0xBB88];
	v33 =	vmul.f32 v25, v20;
	[tilespmem:s3+$0xBB38] =	vst v30  }
0x103: {  	v43 =	vld [tilespmem:s3+$0xBBD8];
	v35 =	vmul.f32 v27, v20;
	[tilespmem:s3+$0xBB48] =	vst v31  }
0x104: {  	v47 =	vld [tilespmem:s3+$0xBBF8];
	v44 =	vmul.f32 v34, v38;
	[tilespmem:s3+$0xBB58] =	vst v33  }
0x105: {  	v52 =	vld [tilespmem:s3+$0xBC18];
	v49 =	vmul.f32 v41, v38;
	[tilespmem:s3+$0xBB68] =	vst v35  }
0x106: {  	v57 =	vld [tilespmem:s3+$0xBC48];
	v24 =	vmul.f32 v63, v20;
	[tilespmem:s3+$0xBB98] =	vst v44  }
0x107: {  	v50 =	vld [tilespmem:s3+$0xBC08];
	v42 =	vmul.f32 v32, v38;
	[tilespmem:s3+$0xBBC8] =	vst v49  }
0x108: {  	v4 =	vbroadcast v4, $0xF;
	v56 =	vld [tilespmem:s3+$0xBC38];
	v51 =	vmul.f32 v43, v38;
	[tilespmem:s3+$0xBB08] =	vst v24  }
0x109: {  	v60 =	vld [tilespmem:s3+$0xBC68];
	v55 =	vmul.f32 v47, v38;
	[tilespmem:s3+$0xBB88] =	vst v42  }
0x10a: {  	v45 =	vld [tilespmem:s3+$0xBBE8];
	v3 =	vmul.f32 v52, v4;
	[tilespmem:s3+$0xBBD8] =	vst v51  }
0x10b: {  	v59 =	vld [tilespmem:s3+$0xBC58];
	v5 =	vmul.f32 v57, v4;
	[tilespmem:s3+$0xBBF8] =	vst v55  }
0x10c: {  	v54 =	vld [tilespmem:s3+$0xBC28];
	v58 =	vmul.f32 v50, v4;
	[tilespmem:s3+$0xBC18] =	vst v3  }
0x10d: {  	v62 =	vld [tilespmem:s3+$0xBC78];
	v3 =	vmul.f32 v56, v4;
	[tilespmem:s3+$0xBC48] =	vst v5  }
0x10e: {  	v63 =	vmul.f32 v60, v4;
	[tilespmem:s3+$0xBC08] =	vst v58  }
0x10f: {  	p0 =	sne.s32 s31, $0x7;
	v53 =	vmul.f32 v45, v38;
	[tilespmem:s3+$0xBC38] =	vst v3  }
.Ltmp1:
0x110: {  	v3 =	vmul.f32 v59, v4;
	[tilespmem:s3+$0xBC68] =	vst v63;
	(pc) =	sbr.rel @p0 .LBB2_6-.Ltmp1, $4  }
0x111: {  	v61 =	vmul.f32 v54, v4;
	[tilespmem:s3+$0xBBE8] =	vst v53  }
0x112: {  	[tilespmem:s3+$0xBC58] =	vst v3;
	v3 =	vmul.f32 v62, v4  }
0x113: {  	[tilespmem:s3+$0xBC28] =	vst v61  }
0x114: {  	s31 =	sadd.s32 $0x1, s31;
	[tilespmem:s3+$0xBC78] =	vst v3  }
0x115: {  	[spmem:s4] =	stream.indirect.scatter.add.f32 [tilespmem:s19], [sflag:$0x1], $0x80, s25, s24, $0xb8;
	[tilespmem:$0x1E0C8] =	vst v63  }
0x116: {  	s29 =	sadd.s32 $0x1, s29;
	_ =	swait.ge [sflag:s20], $0x4000  }
0x117: {  	p0 =	sne.s32 s29, $0x20;
	[sflag:s20] =	ssyncset.done $0x0  }
.Ltmp2:
0x118: {  	[sflag:s20] =	ssyncadd.s32 $0xFFFFC000;
	(pc) =	sbr.rel @p0 .LBB2_5-.Ltmp2, $4  }
0x119: {  	[spmem:s2] =	stream.indirect.scatter.add.f32 [tilespmem:s21], [sflag:$0x1], $0x10, s25, s24, $0xb8;
	[tilespmem:$0x1E0C8] =	vst v63  }
0x11a: {  	_ =	swait.ge [sflag:s20], $0x800  }
0x11b: {  	[sflag:s20] =	ssyncset.done $0x0  }
0x11c: {  	[sflag:s20] =	ssyncadd.s32 $0xFFFFF800  }
0x11d: {  	s28 =	sadd.s32 $0x1, s28  }
0x11e: {  	p0 =	sne.s32 s28, $0x5  }
.Ltmp3:
0x11f: {  	_ = 	snop;
	(pc) =	sbr.rel @p0 .LBB2_4-.Ltmp3, $1  }
0x120: {  	_ =	sdelay $0x3  }
0x121: {  	s0 =	stileid.u32  }
0x122: {  	s0 =	sshll.u32 s0, $0x6  }
0x123: {  	[bflag:$0x0] =	sbarrier.arrive $0xFFFF;
	s3 =	sshrl.u32 s9, $0x3;
	s0 =	sor.u32 $0x1C01, s0  }
0x124: {  	[hbm:s16], [sflag:s0] =	dma.local [spmem:s3], $0x1400  }
0x125: {  	s5 =	sadd.s32 $0x1, s5;
	_ =	swait.ge [sflag:s20], $0x1400  }
0x126: {  	p0 =	sne.s32 s5, s18;
	[sflag:s20] =	ssyncset.done $0x0  }
.Ltmp4:
0x127: {  	s31 =	sshrl.u32 s10, $0x3;
	[sflag:s20] =	ssyncadd.s32 $0xFFFFEC00;
	(pc) =	sbr.rel @p0 .LBB2_1-.Ltmp4, $4  }
0x128: {  	[hbm:s17], [sflag:s0] =	dma.local [spmem:s31], $0x1400  }
0x129: {  	_ =	swait.ge [sflag:s20], $0x1400  }
0x12a: {  	[sflag:s20] =	ssyncset.done $0x0  }
0x12b: {  	[sflag:s20] =	ssyncadd.s32 $0xFFFFEC00  }
0x12c: {  	_ =	sfence.sel $0x180000  }
0x12d: {  	[bflag:$0x0] =	sbarrier.arrive $0xFFFF  }
0x12e: {  	_ =	strace $0x90000047  }
0x12f: {  	s0 =	stileid.u32;
	[bflag:$0x2] =	sbarrier.arrive $0xFFFF  }
0x130: {  	p0 =	sne.s32 s0, $0x0;
	s0 =	rddreg [dreg:$0x5]  }
0x131: {  	s0 =	sadd.s32 @!p0 $0x100000, s0  }
0x132: {  	[sflag:s0] =	ssyncadd.tile.s32 @!p0 $0x1;
	_ =	shalt  }
.Lfunc_end2:
_tile_overlayer_lowered:
.L_overlay_start_2:
0x133: {  	(tag) =	ssettag $0x2  }
0x134: {  	s0 =	rddreg [dreg:$0x0];
	s2 =	stileid.u32  }
0x135: {  	s1 =	rddreg [dreg:$0x1];
	p0 =	sne.s32 s2, $0x0  }
0x136: {  	s3 =	rddreg [dreg:$0x2];
	[bflag:$0x3] =	sbarrier.arrive $0xFFFF;
	s2 =	simm.s32 @!p0 $0x1C01  }
0x137: {  	[timem:s3], [sflag:s2] =	dma.local @!p0 [hbm:s0], s1  }
0x138: {  	s0 =	simm.s32 @!p0 $0x1  }
0x139: {  	_ =	swait.ge @!p0 [sflag:s0], s1  }
0x13a: {  	s1 =	ssub.s32 @!p0 $0x0, s1;
	[sflag:s0] =	ssyncset.done @!p0 $0x0  }
0x13b: {  	[sflag:s0] =	ssyncadd.s32 @!p0 s1  }
0x13c: {  	[bflag:$0x3] =	sbarrier.arrive $0xFFFF  }
0x13d: {  	_ =	shalt  }

// kernel: kernel.9.cloned.1.call-start
scs
__scs_entry_jumppad:
0x0: {  	(pc) =	sbr.rel $0x88, $3  }
0x1: {  	(tag) =	ssettag $0x0;
	lr =	simm.s32 $0x1  }
0x2: {  	[smem:$0x3F9A] =	sst lr;
	_ =	strace $0xD0000000  }
0x3: {  	_ = 	snop  }
0x4: {  	_ = 	snop  }
0x5: {  	_ = 	snop  }
0x6: {  	_ = 	snop  }
0x7: {  	_ = 	snop  }
__scs_overlays_trampoline_lowered:
0x8: {  	[smem:$0x3FA9] =	sst s0  }
0x9: {  	[smem:$0x3FAA] =	sst s1  }
0xa: {  	[smem:$0x3FAB] =	sst s2  }
0xb: {  	[smem:$0x3FAC] =	sst s3  }
0xc: {  	[smem:$0x3FAD] =	sst s4  }
0xd: {  	[smem:$0x3FAE] =	sst s5  }
0xe: {  	[smem:$0x3FAF] =	sst s6  }
0xf: {  	[smem:$0x3FB0] =	sst s7  }
0x10: {  	[smem:$0x3FB1] =	sst s8  }
0x11: {  	[smem:$0x3FB2] =	sst s9;
	s0 =	simm.s32 @!p0 $0x0  }
0x12: {  	s1 =	sld [smem:$0x3F98];
	s0 =	simm.s32 @p0 $0x1  }
0x13: {  	[smem:$0x3FB3] =	sst s0;
	s0 =	simm.s32 @!p1 $0x0  }
0x14: {  	s2 =	sld [smem:$0x3F97];
	s0 =	simm.s32 @p1 $0x1  }
0x15: {  	[smem:$0x3FB4] =	sst s0;
	s0 =	simm.s32 @!p2 $0x0  }
0x16: {  	s3 =	sld [smem:$0x3FDB];
	s0 =	simm.s32 @p2 $0x1  }
0x17: {  	s4 =	simm.s32 $0x1BF5;
	[smem:$0x3FB6] =	sst s0  }
0x18: {  	s0 =	sld [smem:$0x3F99];
	_ =	swait.ge [sflag:s4], $0x0  }
0x19: {  	s7 =	sld [smem:$0x3F9A]  }
0x1a: {  	s8 =	sadd.s32 $0xFFFFE003, lr  }
0x1b: {  	s9 =	sadd.s32 $0xFFFFFEF7, lr;
	s5 =	simm.s32 $0xFFFFFFFF;
	p2 =	slt.u32 s8, $0xFFFFF086  }
0x1c: {  	p1 =	slt.u32 s9, $0xF7A;
	s5 =	simm.s32 @!p2 $0x0  }
0x1d: {  	s5 =	simm.s32 @p1 $0x1;
	p0 =	seq.s32 s7, s2  }
0x1e: {  	s7 =	smul.u32 @!p0 $0xF7A, s2;
	p2 =	seq.s32 @!p0 s5, $0x0  }
0x1f: {  	s9 =	smul.u32 $0xF7A, s1;
	s8 =	simm.s32 @!p0 $0x1BF5;
	p2 =	por !p2, p0  }
0x20: {  	[sflag:s8] =	ssyncset.s32 @!p0 $0xFFFFF086;
	s6 =	sadd.s32 @!p0 s3, s7;
	s7 =	simm.s32 @!p0 $0x108  }
0x21: {  	s3 =	sadd.s32 s3, s9;
	s6 =	sadd.s32 @!p0 $0x88, s6;
	s7 =	simm.s32 @p2 $0x1082  }
0x22: {  	[simem:s7], [sflag:s8] =	dma.local @!p0 [hbm:s6], $0xF7A  }
0x23: {  	s9 =	sor.u32 $0xD0000000, s2;
	s6 =	simm.s32 $0x108;
	_ =	swait.ge @!p0 [sflag:s8], $0x0  }
0x24: {  	s3 =	sadd.s32 $0x88, s3;
	s6 =	simm.s32 @!p1 $0x1082;
	[sflag:s4] =	ssyncset.s32 $0xFFFFF086  }
0x25: {  	[simem:s6], [sflag:s4] =	dma.local [hbm:s3], $0xF7A  }
0x26: {  	[smem:$0x3F9A] =	sst s1;
	(tag) =	ssettag s2;
	_ =	strace s9  }
0x27: {  	s1 =	sld [smem:$0x3FAA]  }
0x28: {  	s2 =	sld [smem:$0x3FAB]  }
0x29: {  	s4 =	sld [smem:$0x3FAD]  }
0x2a: {  	p0 =	seq.s32 s5, $0x0;
	s5 =	sld [smem:$0x3FAE]  }
0x2b: {  	s6 =	sld [smem:$0x3FAF]  }
0x2c: {  	s7 =	sld [smem:$0x3FB0]  }
0x2d: {  	s3 =	simm.s32 $0x108;
	s8 =	sld [smem:$0x3FB1]  }
0x2e: {  	s3 =	simm.s32 @!p0 $0x1082;
	s9 =	sld [smem:$0x3FB2]  }
0x2f: {  	lr =	sadd.s32 s0, s3;
	s0 =	sld [smem:$0x3FA9]  }
0x30: {  	s3 =	sld [smem:$0x3FAC]  }
0x31: {  	[smem:$0x3FB5] =	sst s10  }
0x32: {  	s10 =	sld [smem:$0x3FB3];
	_ =	sdelay $0x3  }
0x33: {  	p0 =	seq.s32 s10, $0x1;
	s10 =	sld [smem:$0x3FB5];
	_ =	sdelay $0x3  }
0x34: {  	[smem:$0x3FB5] =	sst s10  }
0x35: {  	s10 =	sld [smem:$0x3FB4];
	_ =	sdelay $0x3  }
0x36: {  	p1 =	seq.s32 s10, $0x1;
	s10 =	sld [smem:$0x3FB5];
	_ =	sdelay $0x3  }
0x37: {  	[smem:$0x3FB5] =	sst s10  }
0x38: {  	s10 =	sld [smem:$0x3FB6]  }
0x39: {  	_ = 	snop;
	(pc) =	sbr.ind lr, $3  }
0x3a: {  	_ = 	snop  }
0x3b: {  	_ = 	snop  }
0x3c: {  	p2 =	seq.s32 s10, $0x1;
	s10 =	sld [smem:$0x3FB5]  }
0x3d: {  	_ =	shalt  }
0x3e: {  	_ =	shalt  }
0x3f: {  	_ =	shalt  }
0x40: {  	_ =	shalt  }
0x41: {  	_ =	shalt  }
0x42: {  	_ =	shalt  }
0x43: {  	_ =	shalt  }
0x44: {  	_ =	shalt  }
0x45: {  	_ =	shalt  }
0x46: {  	_ =	shalt  }
0x47: {  	_ =	shalt  }
0x48: {  	_ =	shalt  }
0x49: {  	_ =	shalt  }
0x4a: {  	_ =	shalt  }
0x4b: {  	_ =	shalt  }
0x4c: {  	_ =	shalt  }
0x4d: {  	_ =	shalt  }
0x4e: {  	_ =	shalt  }
0x4f: {  	_ =	shalt  }
0x50: {  	_ =	shalt  }
0x51: {  	_ =	shalt  }
0x52: {  	_ =	shalt  }
0x53: {  	_ =	shalt  }
0x54: {  	_ =	shalt  }
0x55: {  	_ =	shalt  }
0x56: {  	_ =	shalt  }
0x57: {  	_ =	shalt  }
0x58: {  	_ =	shalt  }
0x59: {  	_ =	shalt  }
0x5a: {  	_ =	shalt  }
0x5b: {  	_ =	shalt  }
0x5c: {  	_ =	shalt  }
0x5d: {  	_ =	shalt  }
0x5e: {  	_ =	shalt  }
0x5f: {  	_ =	shalt  }
0x60: {  	_ =	shalt  }
0x61: {  	_ =	shalt  }
0x62: {  	_ =	shalt  }
0x63: {  	_ =	shalt  }
0x64: {  	_ =	shalt  }
0x65: {  	_ =	shalt  }
0x66: {  	_ =	shalt  }
0x67: {  	_ =	shalt  }
0x68: {  	_ =	shalt  }
0x69: {  	_ =	shalt  }
0x6a: {  	_ =	shalt  }
0x6b: {  	_ =	shalt  }
0x6c: {  	_ =	shalt  }
0x6d: {  	_ =	shalt  }
0x6e: {  	_ =	shalt  }
0x6f: {  	_ =	shalt  }
0x70: {  	_ =	shalt  }
0x71: {  	_ =	shalt  }
0x72: {  	_ =	shalt  }
0x73: {  	_ =	shalt  }
0x74: {  	_ =	shalt  }
0x75: {  	_ =	shalt  }
0x76: {  	_ =	shalt  }
0x77: {  	_ =	shalt  }
0x78: {  	_ =	shalt  }
0x79: {  	_ =	shalt  }
0x7a: {  	_ =	shalt  }
0x7b: {  	_ =	shalt  }
0x7c: {  	_ =	shalt  }
0x7d: {  	_ =	shalt  }
0x7e: {  	_ =	shalt  }
0x7f: {  	_ =	shalt  }
0x80: {  	_ =	shalt  }
0x81: {  	_ =	shalt  }
0x82: {  	_ =	shalt  }
0x83: {  	_ =	shalt  }
0x84: {  	_ =	shalt  }
0x85: {  	_ =	shalt  }
0x86: {  	_ =	shalt  }
0x87: {  	_ =	shalt  }
.Lfunc_end0:
.L_simem_size_0:
called_computation.1_lowered:
.L_overlay_start_0:
0x88: {  	s2 =	sld [smem:$0x3FD9]  }
0x89: {  	s3 =	sld [smem:$0x3FFE];
	_ =	sdelay $0x1  }
0x8a: {  	s1 =	srdreg.scid  }
0x8b: {  	s0 =	sand.u32 $0x1, s1  }
0x8c: {  	s17 =	sshll.u32 s0, $0xA;
	s2 =	sadd.s32 s3, s2  }
0x8d: {  	s2 =	sadd.s32 s2, s17  }
0x8e: {  	[smem:$0x3FC1] =	sst s2  }
0x8f: {  	_ = 	snop  }
0x90: {  	s2 =	sld [smem:$0x3FD0];
	(tm) =	ssettm $0x1  }
0x91: {  	s18 =	sld [smem:$0x3FFB];
	_ =	sdelay $0x3  }
0x92: {  	_ =	strace s18  }
0x93: {  	s3 =	sld [smem:$0x3FFC];
	_ =	sdelay $0x3  }
0x94: {  	_ =	strace s3  }
0x95: {  	s3 =	sld [smem:$0x3FFD];
	_ =	sdelay $0x3  }
0x96: {  	_ =	strace s3  }
0x97: {  	_ =	strace $0x8FFFFFFF  }
0x98: {  	s19 =	sld [smem:$0x3FDB];
	_ =	sdelay $0x1  }
0x99: {  	s4 =	simm.s32 $_scs_section_size  }
0x9a: {  	s5 =	simm.s32 $_size__tile_overlayer_lowered;
	s6 =	simm.s32 $_tile_overlayer_lowered  }
0x9b: {  	s22 =	simm.s32 $0x1BFF;
	s21 =	sshll.u32 s6, $0x1;
	s3 =	sadd.s32 s4, s19  }
0x9c: {  	s7 =	simm.s32 $0x0;
	s20 =	sshll.u32 s5, $0x1;
	s5 =	sadd.s32 s21, s3  }
0x9d: {  	[timem:s7], [sflag:s22] =	dma.local [hbm:s5], s20  }
0x9e: {  	_ =	swait.ge [sflag:s22], s20  }
0x9f: {  	s4 =	ssub.s32 $0x0, s20;
	[sflag:s22] =	ssyncset.done $0x0  }
0xa0: {  	[sflag:s22] =	ssyncadd.s32 s4;
	_ =	sdelay $0x1  }
0xa1: {  	s23 =	simm.s32 $0x1B8B  }
0xa2: {  	_ =	swait.ge [sflag:s23], $0x1  }
0xa3: {  	[sflag:s23] =	ssyncset.done $0x0  }
0xa4: {  	s25 =	simm.s32 $0x1B8E;
	s24 =	sld [smem:$0x3FFE];
	[sflag:s23] =	ssyncadd.s32 $0xFFFFFFFF  }
0xa5: {  	s26 =	simm.s32 $execute0_lowered;
	[smem:$0x3FD2] =	sst s25  }
0xa6: {  	s5 =	sshll.u32 s26, $0x1;
	_ =	strace $0x80000049;
	[dreg:$0x1] =	wrdreg $0xFFFFFFFF  }
0xa7: {  	s28 =	simm.s32 $_size_execute0_lowered;
	s3 =	sadd.s32 s3, s5;
	[dreg:$0x0] =	wrdreg $0x0  }
0xa8: {  	s5 =	sshll.u32 s28, $0x1;
	[dreg:$0x2] =	wrdreg s3  }
0xa9: {  	[dreg:$0x3] =	wrdreg s5  }
0xaa: {  	[dreg:$0x4] =	wrdreg $0xC0  }
0xab: {  	_ =	task [dreg:s7], $0x5FFFF  }
0xac: {  	[dreg:$0x1] =	wrdreg $0xFFFFFFFF  }
0xad: {  	[dreg:$0x0] =	wrdreg $0x60  }
0xae: {  	[dreg:$0x2] =	wrdreg s2  }
0xaf: {  	[dreg:$0x3] =	wrdreg s24  }
0xb0: {  	[dreg:$0x4] =	wrdreg $0x90000  }
0xb1: {  	[dreg:$0x5] =	wrdreg $0x134880  }
0xb2: {  	[dreg:$0x6] =	wrdreg $0x9  }
0xb3: {  	_ =	task.clear_ibuf [dreg:s7], $0x7FFFF;
	_ =	strace $0x90000049  }
0xb4: {  	s29 =	simm.s32 $0x9;
	_ =	strace $0x8000004B  }
0xb5: {  	_ =	swait.ge [sflag:s29], $0x1  }
0xb6: {  	[sflag:s29] =	ssyncadd.s32 $0xFFFFFFFF  }
0xb7: {  	_ =	strace $0x9000004B  }
0xb8: {  	_ =	sfence  }
0xb9: {  	s30 =	sld [smem:$0x0];
	_ =	sdelay $0x2  }
0xba: {  	s31 =	sshll.u32 s1, $0xD;
	s1 =	sshrl.u32 s1, $0x2  }
0xbb: {  	s3 =	sand.u32 $0x4000, s31;
	s1 =	sadd.s32 s1, s30  }
0xbc: {  	s0 =	sor.u32 s3, s0;
	s1 =	sshll.u32 s1, $0x11  }
0xbd: {  	s0 =	sor.u32 s1, s0  }
0xbe: {  	s0 =	sadd.s32 $0x8F2B, s0  }
0xbf: {  	[sflag:s0] =	ssyncadd.remote.s32 $0x1  }
0xc0: {  	_ =	sfence.sel $0xFFFF  }
0xc1: {  	[dreg:$0x0] =	wrdreg $0xFFFFFFFF;
	(pc) =	sbr.abs _section_cstart, $3  }
0xc2: {  	[dreg:$0x1] =	wrdreg $0xFFFFFFFF  }
0xc3: {  	_ =	task.clear_ibuf [dreg:s7], $0x2FFFF;
	_ =	strace $0x9FFFFFFF  }
0xc4: {  	(tm) =	ssettm $0x7FFFFFFF  }
0xc5: {  	_ =	shalt  }
tec
execute0_lowered:
.L_overlay_start_1:
0x0: {  	(tag) =	ssettag $0x1  }
0x1: {  	s1 =	rddreg [dreg:$0x0]  }
0x2: {  	s0 =	rddreg [dreg:$0x1]  }
0x3: {  	s2 =	rddreg [dreg:$0x2]  }
0x4: {  	s4 =	rddreg [dreg:$0x3];
	s5 =	simm.s32 $0x0;
	s6 =	srdreg.scid  }
0x5: {  	s3 =	stileid.u32;
	s19 =	simm.s32 $0xB488;
	s20 =	simm.s32 $0x1  }
0x6: {  	s21 =	simm.s32 $0x1000;
	s22 =	simm.s32 $0x1D0C8;
	s24 =	simm.s32 $0x80  }
0x7: {  	s25 =	simm.s32 $0xB388;
	[smem:$0x7FF] =	sst s5;
	s8 =	smul.u32 $0x140, s3  }
0x8: {  	s9 =	sand.u32 $0x1, s6;
	s6 =	sadd.s32 $0x16C00, s0;
	s15 =	smul.u32 $0x5000, s3  }
0x9: {  	s7 =	sadd.s32 $0xCC00, s0;
	_ =	strace $0x8000004A;
	s23 =	smul.u32 $0x1388, s9  }
0xa: {  	s9 =	ssub.s32 $0x2, s9;
	s10 =	smin.u32 s8, $0x1248;
	s8 =	sadd.s32 $0x2C00, s0  }
0xb: {  	s12 =	sshrl.u32 s9, $0x1;
	s11 =	sadd.s32 s23, s10;
	s13 =	sshll.u32 s10, $0x7  }
0xc: {  	s18 =	ssub.s32 s9, s12;
	v0 =	vmov s23;
	s23 =	simm.s32 $0xA388;
	s11 =	sshll.u32 s11, $0x4  }
0xd: {  	s9 =	sadd.s32 s13, s4;
	s10 =	sadd.s32 s13, s2;
	s31 =	sadd.s32 $0x4000, s13  }
0xe: {  	s14 =	sadd.s32 $0x8000, s13;
	s18 =	smax.u32 s18, $0x1;
	s0 =	sadd.s32 s11, s0  }
0xf: {  	s11 =	sadd.s32 s31, s4;
	s12 =	sadd.s32 s31, s2;
	s13 =	sadd.s32 s14, s4  }
0x10: {  	v1 =	vimm.f32 $0.0e+00;
	v2 =	vimm.s32 $0x0;
	s14 =	sadd.s32 s14, s2;
	s16 =	sadd.s32 $0x6F000, s0;
	s17 =	sadd.s32 $0x47E00, s0  }
.LBB2_1:
0x11: {  	s0 =	simm.s32 $0x0;
	s26 =	simm.s32 $0x200  }
.LBB2_2:
0x12: {  	p0 =	sne.s32 s26, $0xFE00;
	[tilespmem:s0+$0x5000] =	vst v1  }
0x13: {  	[tilespmem:s0+$0xB488] =	vst v1  }
0x14: {  	[tilespmem:s0+$0xB498] =	vst v1  }
0x15: {  	[tilespmem:s0+$0xB4A8] =	vst v1  }
0x16: {  	[tilespmem:s0+$0xB4B8] =	vst v1  }
0x17: {  	[tilespmem:s0+$0xB4C8] =	vst v1  }
0x18: {  	[tilespmem:s0+$0xB4D8] =	vst v1  }
0x19: {  	[tilespmem:s0+$0xB4E8] =	vst v1  }
0x1a: {  	[tilespmem:s0+$0xB4F8] =	vst v1  }
0x1b: {  	[tilespmem:s0+$0x1000] =	vst v1  }
0x1c: {  	[tilespmem:s0+$0xF488] =	vst v1  }
0x1d: {  	[tilespmem:s0+$0xF498] =	vst v1  }
0x1e: {  	[tilespmem:s0+$0xF4A8] =	vst v1  }
.Ltmp0:
0x1f: {  	[tilespmem:s0+$0xF4B8] =	vst v1;
	(pc) =	sbr.rel @p0 .LBB2_2-.Ltmp0, $4  }
0x20: {  	[tilespmem:s0+$0xF4C8] =	vst v1  }
0x21: {  	[tilespmem:s0+$0xF4D8] =	vst v1  }
0x22: {  	[tilespmem:s0+$0xF4E8] =	vst v1  }
0x23: {  	[tilespmem:s0+$0xF4F8] =	vst v1;
	s0 =	sshra.s32 s26, $0x2;
	s26 =	sadd.s32 $0x200, s26  }
0x24: {  	[tilespmem:s0+$0x5000] =	vst v1  }
0x25: {  	[tilespmem:s0+$0xB488] =	vst v1  }
0x26: {  	[tilespmem:s0+$0xB498] =	vst v1  }
0x27: {  	[tilespmem:s0+$0xB4A8] =	vst v1  }
0x28: {  	[tilespmem:s0+$0xB4B8] =	vst v1  }
0x29: {  	[tilespmem:s0+$0xB4C8] =	vst v1  }
0x2a: {  	[tilespmem:s0+$0xB4D8] =	vst v1  }
0x2b: {  	[tilespmem:s0+$0xB4E8] =	vst v1  }
0x2c: {  	[tilespmem:s0+$0xB4F8] =	vst v1  }
0x2d: {  	[tilespmem:s0+$0x1000] =	vst v1  }
0x2e: {  	[tilespmem:s0+$0xF488] =	vst v1  }
0x2f: {  	[tilespmem:s0+$0xF498] =	vst v1  }
0x30: {  	[tilespmem:s0+$0xF4A8] =	vst v1  }
0x31: {  	[tilespmem:s0+$0xF4B8] =	vst v1  }
0x32: {  	[tilespmem:s0+$0xF4C8] =	vst v1  }
0x33: {  	[tilespmem:s0+$0xF4D8] =	vst v1  }
0x34: {  	[tilespmem:s0+$0xF4E8] =	vst v1  }
0x35: {  	[tilespmem:s0+$0xF4F8] =	vst v1  }
0x36: {  	[tilespmem:$0xB388] =	vst v2  }
0x37: {  	[tilespmem:$0xB398] =	vst v2  }
0x38: {  	[tilespmem:$0xB3A8] =	vst v2  }
0x39: {  	[tilespmem:$0xB3B8] =	vst v2  }
0x3a: {  	[tilespmem:$0xB3C8] =	vst v2  }
0x3b: {  	[tilespmem:$0xB3D8] =	vst v2  }
0x3c: {  	[tilespmem:$0xB3E8] =	vst v2  }
0x3d: {  	[tilespmem:$0xB3F8] =	vst v2  }
0x3e: {  	[tilespmem:$0xB408] =	vst v2  }
0x3f: {  	[tilespmem:$0xB418] =	vst v2  }
0x40: {  	[tilespmem:$0xB428] =	vst v2  }
0x41: {  	[tilespmem:$0xB438] =	vst v2  }
0x42: {  	[tilespmem:$0xB448] =	vst v2  }
0x43: {  	[tilespmem:$0xB458] =	vst v2  }
0x44: {  	[tilespmem:$0xB468] =	vst v2  }
0x45: {  	[tilespmem:$0xB478] =	vst v2  }
0x46: {  	[spmem:s9] =	stream.linear.scatter [tilespmem:s19], [sflag:$0x1], $0x4000, $0x38;
	[tilespmem:$0x1E0C8] =	vst v63  }
0x47: {  	_ =	swait.ge [sflag:s20], $0x4000  }
0x48: {  	[sflag:s20] =	ssyncset.done $0x0  }
0x49: {  	[sflag:s20] =	ssyncadd.s32 $0xFFFFC000  }
0x4a: {  	[spmem:s10] =	stream.linear.scatter [tilespmem:s21], [sflag:$0x1], $0x4000, $0x38;
	[tilespmem:$0x1E0C8] =	vst v63  }
0x4b: {  	_ =	swait.ge [sflag:s20], $0x4000  }
0x4c: {  	[sflag:s20] =	ssyncset.done $0x0  }
0x4d: {  	[sflag:s20] =	ssyncadd.s32 $0xFFFFC000  }
0x4e: {  	[spmem:s11] =	stream.linear.scatter [tilespmem:s19], [sflag:$0x1], $0x4000, $0x38;
	[tilespmem:$0x1E0C8] =	vst v63  }
0x4f: {  	_ =	swait.ge [sflag:s20], $0x4000  }
0x50: {  	[sflag:s20] =	ssyncset.done $0x0  }
0x51: {  	[sflag:s20] =	ssyncadd.s32 $0xFFFFC000  }
0x52: {  	[spmem:s12] =	stream.linear.scatter [tilespmem:s21], [sflag:$0x1], $0x4000, $0x38;
	[tilespmem:$0x1E0C8] =	vst v63  }
0x53: {  	_ =	swait.ge [sflag:s20], $0x4000  }
0x54: {  	[sflag:s20] =	ssyncset.done $0x0  }
0x55: {  	[sflag:s20] =	ssyncadd.s32 $0xFFFFC000  }
0x56: {  	[spmem:s13] =	stream.linear.scatter [tilespmem:s19], [sflag:$0x1], $0x2000, $0x38;
	[tilespmem:$0x1E0C8] =	vst v63  }
0x57: {  	_ =	swait.ge [sflag:s20], $0x2000  }
0x58: {  	[sflag:s20] =	ssyncset.done $0x0  }
0x59: {  	[sflag:s20] =	ssyncadd.s32 $0xFFFFE000  }
0x5a: {  	[spmem:s14] =	stream.linear.scatter [tilespmem:s21], [sflag:$0x1], $0x2000, $0x38;
	[tilespmem:$0x1E0C8] =	vst v63  }
0x5b: {  	_ =	swait.ge [sflag:s20], $0x2000  }
0x5c: {  	[sflag:s20] =	ssyncset.done $0x0  }
0x5d: {  	[sflag:s20] =	ssyncadd.s32 $0xFFFFE000  }
0x5e: {  	s26 =	simm.s32 $0x0;
	s28 =	simm.s32 $0x0;
	[bflag:$0x0] =	sbarrier.arrive $0xFFFF  }
.LBB2_4:
0x5f: {  	s0 =	sshll.u32 s28, $0xC  }
0x60: {  	s0 =	sadd.s32 s15, s0  }
0x61: {  	s0 =	sshrl.u32 s0, $0x3  }
0x62: {  	s29 =	sadd.s32 s6, s0  }
0x63: {  	[tilespmem:s22], [sflag:$0x1] =	stream.linear.gather [hbm4b:s29+s26], $0x1000, $0x38;
	[tilespmem:$0x1E0C8] =	vst v63  }
0x64: {  	_ =	swait.ge [sflag:s20], $0x1000  }
0x65: {  	[sflag:s20] =	ssyncset.done $0x0  }
0x66: {  	s29 =	sadd.s32 s7, s0;
	[sflag:s20] =	ssyncadd.s32 $0xFFFFF000  }
0x67: {  	[tilespmem:s23], [sflag:$0x1] =	stream.linear.gather [hbm4b:s29+s26], $0x1000, $0x38;
	[tilespmem:$0x1E0C8] =	vst v63  }
0x68: {  	_ =	swait.ge [sflag:s20], $0x1000  }
0x69: {  	[sflag:s20] =	ssyncset.done $0x0  }
0x6a: {  	s0 =	sadd.s32 s8, s0;
	[sflag:s20] =	ssyncadd.s32 $0xFFFFF000  }
0x6b: {  	[tilespmem:s26], [sflag:$0x1] =	stream.linear.gather [hbm4b:s0+s26], $0x1000, $0x38;
	[tilespmem:$0x1E0C8] =	vst v63  }
0x6c: {  	_ =	swait.ge [sflag:s20], $0x1000  }
0x6d: {  	[sflag:s20] =	ssyncset.done $0x0  }
0x6e: {  	s29 =	simm.s32 $0x0;
	[sflag:s20] =	ssyncadd.s32 $0xFFFFF000  }
.LBB2_5:
0x6f: {  	s30 =	sshll.u32 s29, $0x7  }
0x70: {  	s0 =	sadd.s32 $0x1D0C8, s30  }
0x71: {  	[tilespmem:s19], [sflag:$0x1] =	stream.indirect.gather [hbm4b:s1+s24], $0x80, s0, s24, $0xb8;
	[tilespmem:$0x1E0C8] =	vst v63  }
0x72: {  	_ =	swait.ge [sflag:s20], $0x4000  }
0x73: {  	[sflag:s20] =	ssyncset.done $0x0  }
0x74: {  	s31 =	simm.s32 $0x0;
	[sflag:s20] =	ssyncadd.s32 $0xFFFFC000  }
.LBB2_6:
0x75: {  	s0 =	sshll.u32 s31, $0x4  }
0x76: {  	s3 =	sor.u32 s30, s0  }
0x77: {  	v3 =	vld [tilespmem:s3+$0x0];
	_ =	sdelay $0x4  }
0x78: {  	v4 =	vmul.f32 $1.442695020e+00, v3  }
0x79: {  	v5 =	vld [tilespmem:s3+$0xA388]  }
0x7a: {  	(erf) = vpow2.f32 v4;
	_ =	sdelay $0x2  }
0x7b: {  	v37 =	vld [tilespmem:s3+$0x1D0C8]  }
0x7c: {  	v6 =	vsub.s32 v5, v0  }
0x7d: {  	vm0 =	vlt.u32 v6, $0x1388  }
0x7e: {  	v6 =	vnsel vm0, $0x0, v6  }
0x7f: {  	s3 =	sshll.u32 s31, $0xB;
	[tilespmem:s0+$0xB388] =	vst v6  }
0x80: {  	vm1 =	vne.s32 v37, v5;
	v38 =	vld [tilespmem:s3+$0xB488]  }
0x81: {  	vm1 =	vmand vm1, vm0;
	v3 =	vnsel vm0, $0x0, v3;
	v6 =	vld [tilespmem:s3+$0xB498];
	v39 =	vpop (erf)  }
0x82: {  	v10 =	vbroadcast v3, $0x0;
	v7 =	vld [tilespmem:s3+$0xB4A8];
	v4 =	vnsel vm1, $0x0, v39  }
0x83: {  	v53 =	vbroadcast v3, $0x1;
	v9 =	vld [tilespmem:s3+$0xB4B8];
	v8 =	vbroadcast v4, $0x0  }
0x84: {  	v23 =	vbroadcast v3, $0x2;
	v11 =	vld [tilespmem:s3+$0xB4C8];
	[tilespmem:s3+$0x1000] =	vst v10  }
0x85: {  	v12 =	vld [tilespmem:s3+$0xB4D8];
	[tilespmem:s3+$0x1080] =	vst v53;
	v5 =	vmul.f32 v8, v38  }
0x86: {  	v40 =	vld [tilespmem:s3+$0xB4E8];
	[tilespmem:s3+$0x1100] =	vst v23;
	v6 =	vmul.f32 v8, v6  }
0x87: {  	v42 =	vld [tilespmem:s3+$0xB4F8];
	v41 =	vmul.f32 v7, v8;
	[tilespmem:s3+$0xB488] =	vst v5  }
0x88: {  	v45 =	vld [tilespmem:s3+$0xB508];
	v43 =	vmul.f32 v9, v8;
	[tilespmem:s3+$0xB498] =	vst v6  }
0x89: {  	v47 =	vld [tilespmem:s3+$0xB518];
	v44 =	vmul.f32 v11, v8;
	[tilespmem:s3+$0xB4A8] =	vst v41  }
0x8a: {  	v49 =	vld [tilespmem:s3+$0xB528];
	v46 =	vmul.f32 v12, v8;
	[tilespmem:s3+$0xB4B8] =	vst v43  }
0x8b: {  	v52 =	vld [tilespmem:s3+$0xB538];
	v51 =	vbroadcast v4, $0x1;
	v48 =	vmul.f32 v40, v8;
	[tilespmem:s3+$0xB4C8] =	vst v44  }
0x8c: {  	v54 =	vld [tilespmem:s3+$0xB548];
	v50 =	vmul.f32 v42, v8;
	[tilespmem:s3+$0xB4D8] =	vst v46  }
0x8d: {  	v56 =	vld [tilespmem:s3+$0xB558];
	v55 =	vmul.f32 v45, v51;
	[tilespmem:s3+$0xB4E8] =	vst v48  }
0x8e: {  	v58 =	vld [tilespmem:s3+$0xB568];
	v57 =	vmul.f32 v47, v51;
	[tilespmem:s3+$0xB4F8] =	vst v50  }
0x8f: {  	v60 =	vld [tilespmem:s3+$0xB578];
	v59 =	vmul.f32 v49, v51;
	[tilespmem:s3+$0xB508] =	vst v55  }
0x90: {  	v63 =	vld [tilespmem:s3+$0xB588];
	v61 =	vmul.f32 v52, v51;
	[tilespmem:s3+$0xB518] =	vst v57  }
0x91: {  	v17 =	vld [tilespmem:s3+$0xB598];
	v62 =	vmul.f32 v54, v51;
	[tilespmem:s3+$0xB528] =	vst v59  }
0x92: {  	v19 =	vld [tilespmem:s3+$0xB5A8];
	v16 =	vmul.f32 v56, v51;
	[tilespmem:s3+$0xB538] =	vst v61  }
0x93: {  	v22 =	vld [tilespmem:s3+$0xB5B8];
	v21 =	vbroadcast v4, $0x2;
	v18 =	vmul.f32 v58, v51;
	[tilespmem:s3+$0xB548] =	vst v62  }
0x94: {  	v24 =	vld [tilespmem:s3+$0xB5C8];
	v20 =	vmul.f32 v60, v51;
	[tilespmem:s3+$0xB558] =	vst v16  }
0x95: {  	v26 =	vld [tilespmem:s3+$0xB5D8];
	v25 =	vmul.f32 v63, v21;
	[tilespmem:s3+$0xB568] =	vst v18  }
0x96: {  	v28 =	vld [tilespmem:s3+$0xB5E8];
	v27 =	vmul.f32 v17, v21;
	[tilespmem:s3+$0xB578] =	vst v20  }
0x97: {  	v30 =	vld [tilespmem:s3+$0xB5F8];
	v29 =	vmul.f32 v19, v21;
	[tilespmem:s3+$0xB588] =	vst v25  }
0x98: {  	v35 =	vld [tilespmem:s3+$0xB618];
	v31 =	vmul.f32 v22, v21;
	[tilespmem:s3+$0xB598] =	vst v27  }
0x99: {  	v37 =	vld [tilespmem:s3+$0xB628];
	v32 =	vmul.f32 v24, v21;
	[tilespmem:s3+$0xB5A8] =	vst v29  }
0x9a: {  	v34 =	vmul.f32 v26, v21;
	[tilespmem:s3+$0xB5B8] =	vst v31  }
0x9b: {  	v39 =	vbroadcast v4, $0x3;
	v36 =	vmul.f32 v28, v21;
	[tilespmem:s3+$0xB5C8] =	vst v32  }
0x9c: {  	v33 =	vld [tilespmem:s3+$0xB608];
	v38 =	vmul.f32 v30, v21;
	[tilespmem:s3+$0xB5D8] =	vst v34  }
0x9d: {  	v45 =	vmul.f32 v35, v39;
	[tilespmem:s3+$0xB5E8] =	vst v36  }
0x9e: {  	v53 =	vld [tilespmem:s3+$0xB698];
	v47 =	vmul.f32 v37, v39;
	[tilespmem:s3+$0xB5F8] =	vst v38  }
0x9f: {  	v13 =	vld [tilespmem:s3+$0xB6E8];
	v26 =	vbroadcast v3, $0x5;
	[tilespmem:s3+$0xB618] =	vst v45  }
0xa0: {  	v15 =	vld [tilespmem:s3+$0xB6F8];
	v41 =	vbroadcast v3, $0x3;
	[tilespmem:s3+$0xB628] =	vst v47  }
0xa1: {  	v40 =	vld [tilespmem:s3+$0xB638];
	v43 =	vmul.f32 v33, v39;
	v57 =	vbroadcast v4, $0x4;
	[tilespmem:s3+$0x1280] =	vst v26  }
0xa2: {  	v42 =	vld [tilespmem:s3+$0xB648];
	v59 =	vbroadcast v3, $0x4;
	[tilespmem:s3+$0x1180] =	vst v41  }
0xa3: {  	v51 =	vld [tilespmem:s3+$0xB688];
	[tilespmem:s3+$0xB608] =	vst v43;
	v63 =	vmul.f32 v53, v57  }
0xa4: {  	v58 =	vld [tilespmem:s3+$0xB6B8];
	[tilespmem:s3+$0x1200] =	vst v59;
	v21 =	vmul.f32 v13, v57  }
0xa5: {  	v60 =	vld [tilespmem:s3+$0xB6C8];
	v23 =	vmul.f32 v15, v57;
	[tilespmem:s3+$0xB698] =	vst v63  }
0xa6: {  	v22 =	vld [tilespmem:s3+$0xB728];
	v49 =	vmul.f32 v40, v39;
	[tilespmem:s3+$0xB6E8] =	vst v21  }
0xa7: {  	v44 =	vld [tilespmem:s3+$0xB658];
	v50 =	vmul.f32 v42, v39;
	[tilespmem:s3+$0xB6F8] =	vst v23  }
0xa8: {  	v46 =	vld [tilespmem:s3+$0xB668];
	v61 =	vmul.f32 v51, v57;
	[tilespmem:s3+$0xB638] =	vst v49  }
0xa9: {  	v24 =	vbroadcast v4, $0x5;
	v48 =	vld [tilespmem:s3+$0xB678];
	v16 =	vmul.f32 v58, v57;
	[tilespmem:s3+$0xB648] =	vst v50  }
0xaa: {  	v55 =	vld [tilespmem:s3+$0xB6A8];
	v17 =	vmul.f32 v60, v57;
	[tilespmem:s3+$0xB688] =	vst v61  }
0xab: {  	v62 =	vld [tilespmem:s3+$0xB6D8];
	v32 =	vmul.f32 v22, v24;
	[tilespmem:s3+$0xB6B8] =	vst v16  }
0xac: {  	v18 =	vld [tilespmem:s3+$0xB708];
	v52 =	vmul.f32 v44, v39;
	[tilespmem:s3+$0xB6C8] =	vst v17  }
0xad: {  	v20 =	vld [tilespmem:s3+$0xB718];
	v54 =	vmul.f32 v46, v39;
	[tilespmem:s3+$0xB728] =	vst v32  }
0xae: {  	v25 =	vld [tilespmem:s3+$0xB738];
	v56 =	vmul.f32 v48, v39;
	[tilespmem:s3+$0xB658] =	vst v52  }
0xaf: {  	v27 =	vld [tilespmem:s3+$0xB748];
	v14 =	vmul.f32 v55, v57;
	[tilespmem:s3+$0xB668] =	vst v54  }
0xb0: {  	v29 =	vld [tilespmem:s3+$0xB758];
	v19 =	vmul.f32 v62, v57;
	[tilespmem:s3+$0xB678] =	vst v56  }
0xb1: {  	v31 =	vld [tilespmem:s3+$0xB768];
	v28 =	vmul.f32 v18, v24;
	[tilespmem:s3+$0xB6A8] =	vst v14  }
0xb2: {  	v33 =	vld [tilespmem:s3+$0xB778];
	v30 =	vmul.f32 v20, v24;
	[tilespmem:s3+$0xB6D8] =	vst v19  }
0xb3: {  	v34 =	vmul.f32 v25, v24;
	[tilespmem:s3+$0xB708] =	vst v28  }
0xb4: {  	v36 =	vld [tilespmem:s3+$0xB788];
	v35 =	vmul.f32 v27, v24;
	[tilespmem:s3+$0xB718] =	vst v30  }
0xb5: {  	v38 =	vld [tilespmem:s3+$0xB798];
	v37 =	vmul.f32 v29, v24;
	[tilespmem:s3+$0xB738] =	vst v34  }
0xb6: {  	v45 =	vld [tilespmem:s3+$0xB7C8];
	v39 =	vmul.f32 v31, v24;
	[tilespmem:s3+$0xB748] =	vst v35  }
0xb7: {  	v47 =	vld [tilespmem:s3+$0xB7D8];
	v42 =	vbroadcast v4, $0x6;
	v41 =	vmul.f32 v33, v24;
	[tilespmem:s3+$0xB758] =	vst v37  }
0xb8: {  	v44 =	vbroadcast v3, $0x6;
	[tilespmem:s3+$0xB768] =	vst v39  }
0xb9: {  	v46 =	vmul.f32 v36, v42;
	[tilespmem:s3+$0xB778] =	vst v41  }
0xba: {  	v48 =	vmul.f32 v38, v42;
	[tilespmem:s3+$0x1300] =	vst v44  }
0xbb: {  	v43 =	vld [tilespmem:s3+$0xB7B8];
	v53 =	vmul.f32 v45, v42;
	[tilespmem:s3+$0xB788] =	vst v46  }
0xbc: {  	v40 =	vld [tilespmem:s3+$0xB7A8];
	v55 =	vmul.f32 v47, v42;
	[tilespmem:s3+$0xB798] =	vst v48  }
0xbd: {  	v51 =	vld [tilespmem:s3+$0xB7F8];
	v62 =	vbroadcast v3, $0x7;
	[tilespmem:s3+$0xB7C8] =	vst v53  }
0xbe: {  	v58 =	vld [tilespmem:s3+$0xB828];
	v29 =	vbroadcast v3, $0x8;
	[tilespmem:s3+$0xB7D8] =	vst v55  }
0xbf: {  	v63 =	vld [tilespmem:s3+$0xB848];
	v47 =	vbroadcast v3, $0x9;
	[tilespmem:s3+$0x1380] =	vst v62  }
0xc0: {  	v21 =	vld [tilespmem:s3+$0xB888];
	v52 =	vmul.f32 v43, v42;
	[tilespmem:s3+$0x1400] =	vst v29  }
0xc1: {  	v60 =	vbroadcast v4, $0x7;
	v23 =	vld [tilespmem:s3+$0xB898];
	[tilespmem:s3+$0x1480] =	vst v47;
	v50 =	vmul.f32 v40, v42  }
0xc2: {  	v49 =	vld [tilespmem:s3+$0xB7E8];
	v59 =	vmul.f32 v51, v42;
	[tilespmem:s3+$0xB7B8] =	vst v52  }
0xc3: {  	v61 =	vld [tilespmem:s3+$0xB838];
	v27 =	vbroadcast v4, $0x8;
	v17 =	vmul.f32 v58, v60;
	[tilespmem:s3+$0xB7A8] =	vst v50  }
0xc4: {  	v16 =	vld [tilespmem:s3+$0xB868];
	v20 =	vmul.f32 v63, v60;
	[tilespmem:s3+$0xB7F8] =	vst v59  }
0xc5: {  	v18 =	vld [tilespmem:s3+$0xB878];
	v31 =	vmul.f32 v21, v27;
	[tilespmem:s3+$0xB828] =	vst v17  }
0xc6: {  	v25 =	vld [tilespmem:s3+$0xB8A8];
	v33 =	vmul.f32 v23, v27;
	[tilespmem:s3+$0xB848] =	vst v20  }
0xc7: {  	v32 =	vld [tilespmem:s3+$0xB8D8];
	v57 =	vmul.f32 v49, v42;
	[tilespmem:s3+$0xB888] =	vst v31  }
0xc8: {  	v36 =	vld [tilespmem:s3+$0xB8F8];
	v19 =	vmul.f32 v61, v60;
	[tilespmem:s3+$0xB898] =	vst v33  }
0xc9: {  	v24 =	vmul.f32 v16, v60;
	[tilespmem:s3+$0xB7E8] =	vst v57  }
0xca: {  	v54 =	vld [tilespmem:s3+$0xB808];
	v26 =	vmul.f32 v18, v60;
	[tilespmem:s3+$0xB838] =	vst v19  }
0xcb: {  	v56 =	vld [tilespmem:s3+$0xB818];
	v35 =	vmul.f32 v25, v27;
	[tilespmem:s3+$0xB868] =	vst v24  }
0xcc: {  	v14 =	vld [tilespmem:s3+$0xB858];
	v40 =	vmul.f32 v32, v27;
	[tilespmem:s3+$0xB878] =	vst v26  }
0xcd: {  	v28 =	vld [tilespmem:s3+$0xB8B8];
	v44 =	vmul.f32 v36, v27;
	[tilespmem:s3+$0xB8A8] =	vst v35  }
0xce: {  	v30 =	vld [tilespmem:s3+$0xB8C8];
	v17 =	vbroadcast v3, $0xA;
	[tilespmem:s3+$0xB8D8] =	vst v40  }
0xcf: {  	v34 =	vld [tilespmem:s3+$0xB8E8];
	v13 =	vmul.f32 v54, v60;
	[tilespmem:s3+$0xB8F8] =	vst v44  }
0xd0: {  	v39 =	vld [tilespmem:s3+$0xB908];
	v15 =	vmul.f32 v56, v60;
	[tilespmem:s3+$0x1500] =	vst v17  }
0xd1: {  	v41 =	vld [tilespmem:s3+$0xB918];
	v22 =	vmul.f32 v14, v60;
	[tilespmem:s3+$0xB808] =	vst v13  }
0xd2: {  	v43 =	vld [tilespmem:s3+$0xB928];
	v37 =	vmul.f32 v28, v27;
	[tilespmem:s3+$0xB818] =	vst v15  }
0xd3: {  	v45 =	vbroadcast v4, $0x9;
	v46 =	vld [tilespmem:s3+$0xB938];
	v38 =	vmul.f32 v30, v27;
	[tilespmem:s3+$0xB858] =	vst v22  }
0xd4: {  	v48 =	vld [tilespmem:s3+$0xB948];
	v42 =	vmul.f32 v34, v27;
	[tilespmem:s3+$0xB8B8] =	vst v37  }
0xd5: {  	v49 =	vmul.f32 v39, v45;
	[tilespmem:s3+$0xB8C8] =	vst v38  }
0xd6: {  	v29 =	vld [tilespmem:s3+$0xBA18];
	v51 =	vmul.f32 v41, v45;
	[tilespmem:s3+$0xB8E8] =	vst v42  }
0xd7: {  	v52 =	vld [tilespmem:s3+$0xB968];
	v53 =	vmul.f32 v43, v45;
	[tilespmem:s3+$0xB908] =	vst v49  }
0xd8: {  	v55 =	vmul.f32 v46, v45;
	[tilespmem:s3+$0xB918] =	vst v51  }
0xd9: {  	v50 =	vld [tilespmem:s3+$0xB958];
	v33 =	vbroadcast v4, $0xB;
	v56 =	vmul.f32 v48, v45;
	[tilespmem:s3+$0xB928] =	vst v53  }
0xda: {  	v59 =	vld [tilespmem:s3+$0xB998];
	v35 =	vbroadcast v3, $0xB;
	[tilespmem:s3+$0xB938] =	vst v55  }
0xdb: {  	v61 =	vld [tilespmem:s3+$0xB9A8];
	v39 =	vmul.f32 v29, v33;
	[tilespmem:s3+$0xB948] =	vst v56  }
0xdc: {  	v16 =	vld [tilespmem:s3+$0xB9B8];
	v60 =	vmul.f32 v52, v45;
	[tilespmem:s3+$0x1580] =	vst v35  }
0xdd: {  	v63 =	vbroadcast v4, $0xA;
	v18 =	vld [tilespmem:s3+$0xB9C8];
	v53 =	vbroadcast v3, $0xC;
	[tilespmem:s3+$0xBA18] =	vst v39  }
0xde: {  	v36 =	vld [tilespmem:s3+$0xBA48];
	v58 =	vmul.f32 v50, v45;
	[tilespmem:s3+$0xB968] =	vst v60  }
0xdf: {  	v20 =	vld [tilespmem:s3+$0xB9D8];
	v21 =	vmul.f32 v59, v63;
	[tilespmem:s3+$0x1600] =	vst v53  }
0xe0: {  	v31 =	vld [tilespmem:s3+$0xBA28];
	v23 =	vmul.f32 v61, v63;
	[tilespmem:s3+$0xB958] =	vst v58  }
0xe1: {  	v54 =	vld [tilespmem:s3+$0xB978];
	v25 =	vmul.f32 v16, v63;
	[tilespmem:s3+$0xB998] =	vst v21  }
0xe2: {  	v57 =	vld [tilespmem:s3+$0xB988];
	v26 =	vmul.f32 v18, v63;
	[tilespmem:s3+$0xB9A8] =	vst v23  }
0xe3: {  	v24 =	vld [tilespmem:s3+$0xB9F8];
	v44 =	vmul.f32 v36, v33;
	[tilespmem:s3+$0xB9B8] =	vst v25  }
0xe4: {  	v27 =	vld [tilespmem:s3+$0xBA08];
	v28 =	vmul.f32 v20, v63;
	[tilespmem:s3+$0xB9C8] =	vst v26  }
0xe5: {  	v34 =	vld [tilespmem:s3+$0xBA38];
	v41 =	vmul.f32 v31, v33;
	[tilespmem:s3+$0xBA48] =	vst v44  }
0xe6: {  	v40 =	vld [tilespmem:s3+$0xBA68];
	v62 =	vmul.f32 v54, v45;
	[tilespmem:s3+$0xB9D8] =	vst v28  }
0xe7: {  	v47 =	vld [tilespmem:s3+$0xBA98];
	v19 =	vmul.f32 v57, v63;
	[tilespmem:s3+$0xBA28] =	vst v41  }
0xe8: {  	v32 =	vmul.f32 v24, v63;
	[tilespmem:s3+$0xB978] =	vst v62  }
0xe9: {  	v22 =	vld [tilespmem:s3+$0xB9E8];
	v37 =	vmul.f32 v27, v33;
	[tilespmem:s3+$0xB988] =	vst v19  }
0xea: {  	v38 =	vld [tilespmem:s3+$0xBA58];
	v51 =	vbroadcast v4, $0xC;
	v43 =	vmul.f32 v34, v33;
	[tilespmem:s3+$0xB9F8] =	vst v32  }
0xeb: {  	v42 =	vld [tilespmem:s3+$0xBA78];
	v48 =	vmul.f32 v40, v33;
	[tilespmem:s3+$0xBA08] =	vst v37  }
0xec: {  	v49 =	vld [tilespmem:s3+$0xBAA8];
	v57 =	vmul.f32 v47, v51;
	[tilespmem:s3+$0xBA38] =	vst v43  }
0xed: {  	v52 =	vld [tilespmem:s3+$0xBAB8];
	v40 =	vbroadcast v3, $0xE;
	[tilespmem:s3+$0xBA68] =	vst v48  }
0xee: {  	v56 =	vld [tilespmem:s3+$0xBAD8];
	v30 =	vmul.f32 v22, v63;
	[tilespmem:s3+$0xBA98] =	vst v57  }
0xef: {  	v46 =	vmul.f32 v38, v33;
	[tilespmem:s3+$0x1700] =	vst v40  }
0xf0: {  	v29 =	vld [tilespmem:s3+$0xBB78];
	v50 =	vmul.f32 v42, v33;
	[tilespmem:s3+$0xB9E8] =	vst v30  }
0xf1: {  	v59 =	vmul.f32 v49, v51;
	[tilespmem:s3+$0xBA58] =	vst v46  }
0xf2: {  	v16 =	vld [tilespmem:s3+$0xBB18];
	v61 =	vmul.f32 v52, v51;
	[tilespmem:s3+$0xBA78] =	vst v50  }
0xf3: {  	v18 =	vld [tilespmem:s3+$0xBB28];
	v20 =	vbroadcast v4, $0xD;
	v15 =	vmul.f32 v56, v51;
	[tilespmem:s3+$0xBAA8] =	vst v59  }
0xf4: {  	v60 =	vld [tilespmem:s3+$0xBAF8];
	v22 =	vbroadcast v3, $0xD;
	[tilespmem:s3+$0xBAB8] =	vst v61  }
0xf5: {  	v36 =	vld [tilespmem:s3+$0xBBA8];
	v37 =	vmul.f32 v29, v20;
	[tilespmem:s3+$0xBAD8] =	vst v15  }
0xf6: {  	v39 =	vld [tilespmem:s3+$0xBBB8];
	v3 =	vbroadcast v3, $0xF;
	[tilespmem:s3+$0x1680] =	vst v22  }
0xf7: {  	v45 =	vld [tilespmem:s3+$0xBA88];
	v26 =	vmul.f32 v16, v20;
	[tilespmem:s3+$0xBB78] =	vst v37  }
0xf8: {  	v54 =	vld [tilespmem:s3+$0xBAC8];
	v38 =	vbroadcast v4, $0xE;
	v28 =	vmul.f32 v18, v20;
	[tilespmem:s3+$0x1780] =	vst v3  }
0xf9: {  	v58 =	vld [tilespmem:s3+$0xBAE8];
	v19 =	vmul.f32 v60, v51;
	[tilespmem:s3+$0xBB18] =	vst v26  }
0xfa: {  	v21 =	vld [tilespmem:s3+$0xBB38];
	v46 =	vmul.f32 v36, v38;
	[tilespmem:s3+$0xBB28] =	vst v28  }
0xfb: {  	v23 =	vld [tilespmem:s3+$0xBB48];
	v48 =	vmul.f32 v39, v38;
	[tilespmem:s3+$0xBAF8] =	vst v19  }
0xfc: {  	v25 =	vld [tilespmem:s3+$0xBB58];
	v55 =	vmul.f32 v45, v51;
	[tilespmem:s3+$0xBBA8] =	vst v46  }
0xfd: {  	v27 =	vld [tilespmem:s3+$0xBB68];
	v62 =	vmul.f32 v54, v51;
	[tilespmem:s3+$0xBBB8] =	vst v48  }
0xfe: {  	v34 =	vld [tilespmem:s3+$0xBB98];
	v17 =	vmul.f32 v58, v51;
	[tilespmem:s3+$0xBA88] =	vst v55  }
0xff: {  	v41 =	vld [tilespmem:s3+$0xBBC8];
	v30 =	vmul.f32 v21, v20;
	[tilespmem:s3+$0xBAC8] =	vst v62  }
0x100: {  	v63 =	vld [tilespmem:s3+$0xBB08];
	v31 =	vmul.f32 v23, v20;
	[tilespmem:s3+$0xBAE8] =	vst v17  }
0x101: {  	v32 =	vld [tilespmem:s3+$0xBB88];
	v33 =	vmul.f32 v25, v20;
	[tilespmem:s3+$0xBB38] =	vst v30  }
0x102: {  	v43 =	vld [tilespmem:s3+$0xBBD8];
	v35 =	vmul.f32 v27, v20;
	[tilespmem:s3+$0xBB48] =	vst v31  }
0x103: {  	v47 =	vld [tilespmem:s3+$0xBBF8];
	v44 =	vmul.f32 v34, v38;
	[tilespmem:s3+$0xBB58] =	vst v33  }
0x104: {  	v52 =	vld [tilespmem:s3+$0xBC18];
	v49 =	vmul.f32 v41, v38;
	[tilespmem:s3+$0xBB68] =	vst v35  }
0x105: {  	v57 =	vld [tilespmem:s3+$0xBC48];
	v24 =	vmul.f32 v63, v20;
	[tilespmem:s3+$0xBB98] =	vst v44  }
0x106: {  	v50 =	vld [tilespmem:s3+$0xBC08];
	v42 =	vmul.f32 v32, v38;
	[tilespmem:s3+$0xBBC8] =	vst v49  }
0x107: {  	v4 =	vbroadcast v4, $0xF;
	v56 =	vld [tilespmem:s3+$0xBC38];
	v51 =	vmul.f32 v43, v38;
	[tilespmem:s3+$0xBB08] =	vst v24  }
0x108: {  	v60 =	vld [tilespmem:s3+$0xBC68];
	v55 =	vmul.f32 v47, v38;
	[tilespmem:s3+$0xBB88] =	vst v42  }
0x109: {  	v45 =	vld [tilespmem:s3+$0xBBE8];
	v3 =	vmul.f32 v52, v4;
	[tilespmem:s3+$0xBBD8] =	vst v51  }
0x10a: {  	v59 =	vld [tilespmem:s3+$0xBC58];
	v5 =	vmul.f32 v57, v4;
	[tilespmem:s3+$0xBBF8] =	vst v55  }
0x10b: {  	v54 =	vld [tilespmem:s3+$0xBC28];
	v58 =	vmul.f32 v50, v4;
	[tilespmem:s3+$0xBC18] =	vst v3  }
0x10c: {  	v62 =	vld [tilespmem:s3+$0xBC78];
	v3 =	vmul.f32 v56, v4;
	[tilespmem:s3+$0xBC48] =	vst v5  }
0x10d: {  	v63 =	vmul.f32 v60, v4;
	[tilespmem:s3+$0xBC08] =	vst v58  }
0x10e: {  	p0 =	sne.s32 s31, $0x7;
	v53 =	vmul.f32 v45, v38;
	[tilespmem:s3+$0xBC38] =	vst v3  }
.Ltmp1:
0x10f: {  	v3 =	vmul.f32 v59, v4;
	[tilespmem:s3+$0xBC68] =	vst v63;
	(pc) =	sbr.rel @p0 .LBB2_6-.Ltmp1, $4  }
0x110: {  	v61 =	vmul.f32 v54, v4;
	[tilespmem:s3+$0xBBE8] =	vst v53  }
0x111: {  	[tilespmem:s3+$0xBC58] =	vst v3;
	v3 =	vmul.f32 v62, v4  }
0x112: {  	[tilespmem:s3+$0xBC28] =	vst v61  }
0x113: {  	s31 =	sadd.s32 $0x1, s31;
	[tilespmem:s3+$0xBC78] =	vst v3  }
0x114: {  	[spmem:s4] =	stream.indirect.scatter.add.f32 [tilespmem:s19], [sflag:$0x1], $0x80, s25, s24, $0xb8;
	[tilespmem:$0x1E0C8] =	vst v63  }
0x115: {  	s29 =	sadd.s32 $0x1, s29;
	_ =	swait.ge [sflag:s20], $0x4000  }
0x116: {  	p0 =	sne.s32 s29, $0x20;
	[sflag:s20] =	ssyncset.done $0x0  }
.Ltmp2:
0x117: {  	[sflag:s20] =	ssyncadd.s32 $0xFFFFC000;
	(pc) =	sbr.rel @p0 .LBB2_5-.Ltmp2, $4  }
0x118: {  	[spmem:s2] =	stream.indirect.scatter.add.f32 [tilespmem:s21], [sflag:$0x1], $0x10, s25, s24, $0xb8;
	[tilespmem:$0x1E0C8] =	vst v63  }
0x119: {  	_ =	swait.ge [sflag:s20], $0x800  }
0x11a: {  	[sflag:s20] =	ssyncset.done $0x0  }
0x11b: {  	[sflag:s20] =	ssyncadd.s32 $0xFFFFF800  }
0x11c: {  	s28 =	sadd.s32 $0x1, s28  }
0x11d: {  	p0 =	sne.s32 s28, $0x5  }
.Ltmp3:
0x11e: {  	_ = 	snop;
	(pc) =	sbr.rel @p0 .LBB2_4-.Ltmp3, $1  }
0x11f: {  	_ =	sdelay $0x3  }
0x120: {  	s0 =	stileid.u32  }
0x121: {  	s0 =	sshll.u32 s0, $0x6  }
0x122: {  	[bflag:$0x0] =	sbarrier.arrive $0xFFFF;
	s3 =	sshrl.u32 s9, $0x3;
	s0 =	sor.u32 $0x1C01, s0  }
0x123: {  	[hbm:s16], [sflag:s0] =	dma.local [spmem:s3], $0x1400  }
0x124: {  	s5 =	sadd.s32 $0x1, s5;
	_ =	swait.ge [sflag:s20], $0x1400  }
0x125: {  	p0 =	sne.s32 s5, s18;
	[sflag:s20] =	ssyncset.done $0x0  }
.Ltmp4:
0x126: {  	s31 =	sshrl.u32 s10, $0x3;
	[sflag:s20] =	ssyncadd.s32 $0xFFFFEC00;
	(pc) =	sbr.rel @p0 .LBB2_1-.Ltmp4, $4  }
0x127: {  	[hbm:s17], [sflag:s0] =	dma.local [spmem:s31], $0x1400  }
0x128: {  	_ =	swait.ge [sflag:s20], $0x1400  }
0x129: {  	[sflag:s20] =	ssyncset.done $0x0  }
0x12a: {  	[sflag:s20] =	ssyncadd.s32 $0xFFFFEC00  }
0x12b: {  	_ =	sfence.sel $0x180000  }
0x12c: {  	[bflag:$0x0] =	sbarrier.arrive $0xFFFF  }
0x12d: {  	_ =	strace $0x9000004A  }
0x12e: {  	s0 =	stileid.u32;
	[bflag:$0x2] =	sbarrier.arrive $0xFFFF  }
0x12f: {  	p0 =	sne.s32 s0, $0x0;
	s0 =	rddreg [dreg:$0x4]  }
0x130: {  	s0 =	sadd.s32 @!p0 $0x100000, s0  }
0x131: {  	[sflag:s0] =	ssyncadd.tile.s32 @!p0 $0x1;
	_ =	shalt  }
.Lfunc_end2:
_tile_overlayer_lowered:
.L_overlay_start_2:
0x132: {  	(tag) =	ssettag $0x2  }
0x133: {  	s0 =	rddreg [dreg:$0x0];
	s2 =	stileid.u32  }
0x134: {  	s1 =	rddreg [dreg:$0x1];
	p0 =	sne.s32 s2, $0x0  }
0x135: {  	s3 =	rddreg [dreg:$0x2];
	[bflag:$0x3] =	sbarrier.arrive $0xFFFF;
	s2 =	simm.s32 @!p0 $0x1C01  }
0x136: {  	[timem:s3], [sflag:s2] =	dma.local @!p0 [hbm:s0], s1  }
0x137: {  	s0 =	simm.s32 @!p0 $0x1  }
0x138: {  	_ =	swait.ge @!p0 [sflag:s0], s1  }
0x139: {  	s1 =	ssub.s32 @!p0 $0x0, s1;
	[sflag:s0] =	ssyncset.done @!p0 $0x0  }
0x13a: {  	[sflag:s0] =	ssyncadd.s32 @!p0 s1  }
0x13b: {  	[bflag:$0x3] =	sbarrier.arrive $0xFFFF  }
0x13c: {  	_ =	shalt  }

</sc_bundles>
